<compile_context>
chip_gen: v7x
topology: tpu7x:2x2x1
jax: 0.10.2.dev20260603
libtpu: 0.0.44.dev20260713+nightly
codegen_flags: <defaults>
</compile_context>

<pallas_src>
import functools

import jax
import jax.numpy as jnp
from jax import lax
from jax.experimental import pallas as pl
from jax.experimental.pallas import tpu as pltpu
from jax.experimental.pallas import tpu_sc as plsc

_K = 32
_L = 16
_NACC = 8


def _keys(u32v):
    neg = (u32v >> 31).astype(jnp.bool_)
    return jnp.where(neg, ~u32v, u32v | jnp.uint32(0x80000000))


def _unkey_vec(tkey):
    u = jnp.where(tkey >= jnp.uint32(0x80000000),
                  tkey ^ jnp.uint32(0x80000000), ~tkey)
    return lax.bitcast_convert_type(jnp.full((_L,), u, jnp.uint32),
                                    jnp.float32)


def _popcnt(mask):
    return plsc.all_reduce_population_count(mask)[0]


def _process_row(nv, row_v, cand_v, cm_v, sel_s):
    nch = nv // _NACC
    accs0 = tuple(
        jnp.full((_L,), -jnp.inf, jnp.float32) for _ in range(_NACC)
    )

    @plsc.parallel_loop(0, nch, carry=accs0)
    def accs(j, accs):
        base = j * (_NACC * _L)
        vs = [row_v[pl.ds(base + u * _L, _L)] for u in range(_NACC)]
        accs = tuple(jnp.maximum(accs[u], vs[u]) for u in range(_NACC))
        cm = vs[0]
        for u in range(1, _NACC):
            cm = jnp.maximum(cm, vs[u])
        cm_v[pl.ds(j * _L, _L)] = cm
        return accs

    akeys = [_keys(lax.bitcast_convert_type(a, jnp.uint32)) for a in accs]

    def lbis_body(i, t):
        b = (31 - i).astype(jnp.uint32)
        tc = t | (jnp.uint32(1) << b)
        cnt = _popcnt(akeys[0] >= tc)
        for u in range(1, _NACC):
            cnt = cnt + _popcnt(akeys[u] >= tc)
        return jnp.where(cnt >= _K, tc, t)

    lkey = lax.fori_loop(0, 16, lbis_body, jnp.uint32(0))
    lvec = _unkey_vec(lkey)

    def scr_body(j, soff):
        cm = cm_v[pl.ds(j * _L, _L)]
        hit = _popcnt(cm >= lvec)
        sel_s[soff] = j
        return soff + (hit > 0).astype(jnp.int32)

    nsel = lax.fori_loop(0, nch, scr_body, jnp.int32(0))

    def p2_body(t, off):
        base = sel_s[t] * (_NACC * _L)
        for u in range(_NACC):
            v = row_v[pl.ds(base + u * _L, _L)]
            m = v >= lvec
            plsc.store_compressed(cand_v.at[pl.ds(off, _L)], v, mask=m)
            off = off + _popcnt(m)
        return off

    c = lax.fori_loop(0, nsel, p2_body, jnp.int32(0))

    cand_v[pl.ds(c, _L)] = jnp.full((_L,), -jnp.inf, jnp.float32)
    nvc = (c + _L - 1) >> 4

    def key_body(j, carry):
        v = cand_v[pl.ds(j * _L, _L)]
        k = _keys(lax.bitcast_convert_type(v, jnp.uint32))
        cand_v[pl.ds(j * _L, _L)] = lax.bitcast_convert_type(k, jnp.float32)
        return carry

    lax.fori_loop(0, nvc, key_body, 0)

    def bis_body(i, t):
        b = (31 - i).astype(jnp.uint32)
        tc = t | (jnp.uint32(1) << b)

        def cnt_body(j, acc):
            kv = lax.bitcast_convert_type(
                cand_v[pl.ds(j * _L, _L)], jnp.uint32)
            return acc + _popcnt(kv >= tc)

        cnt = lax.fori_loop(0, nvc, cnt_body, jnp.int32(0))
        return jnp.where(cnt >= _K, tc, t)

    tkey = lax.fori_loop(0, 32, bis_body, jnp.uint32(0))

    def cge_body(j, acc):
        kv = lax.bitcast_convert_type(
            cand_v[pl.ds(j * _L, _L)], jnp.uint32)
        return (acc[0] + _popcnt(kv >= tkey),
                acc[1] + _popcnt(kv > tkey))

    c_ge, c_gt = lax.fori_loop(
        0, nvc, cge_body, (jnp.int32(0), jnp.int32(0)))
    need = _K - c_gt
    tf_vec = _unkey_vec(tkey)

    def out_fast(_):
        @plsc.parallel_loop(0, nv, unroll=8)
        def _loop(j):
            s = pl.ds(j * _L, _L)
            v = row_v[s]
            row_v[s] = jnp.where(v >= tf_vec, v, jnp.float32(0.0))

        return 0

    def out_slow(_):
        def b4s(j, seen):
            s = pl.ds(j * _L, _L)
            v = row_v[s]
            gt = v > tf_vec
            eq = v == tf_vec
            eqi = eq.astype(jnp.int32)
            excl = jnp.cumsum(eqi) - eqi
            keep = gt | (eq & ((excl + seen) < need))
            row_v[s] = jnp.where(keep, v, jnp.float32(0.0))
            return seen + jnp.sum(eqi)

        return lax.fori_loop(0, nv, b4s, jnp.int32(0))

    lax.cond(c_ge > _K, out_slow, out_fast, 0)


def _sc_topk_kernel(rows_per_w, nv, x_hbm, out_hbm,
                    row_a, row_b, cand_v, cm_v, sel_s,
                    sem_ai, sem_bi, sem_ao, sem_bo):
    bsz = x_hbm.shape[0]
    wid = lax.axis_index("s") * 2 + lax.axis_index("c")
    r0 = wid * rows_per_w

    pltpu.async_copy(x_hbm.at[r0], row_a, sem_ai)
    pltpu.async_copy(x_hbm.at[r0 + 1], row_b, sem_bi)
    pltpu.make_async_copy(x_hbm.at[r0], row_a, sem_ai).wait()
    _process_row(nv, row_a, cand_v, cm_v, sel_s)
    pltpu.async_copy(row_a, out_hbm.at[r0], sem_ao)
    pltpu.make_async_copy(x_hbm.at[r0 + 1], row_b, sem_bi).wait()
    _process_row(nv, row_b, cand_v, cm_v, sel_s)
    pltpu.async_copy(row_b, out_hbm.at[r0 + 1], sem_bo)
    pltpu.make_async_copy(row_a, out_hbm.at[r0], sem_ao).wait()
    pltpu.async_copy(x_hbm.at[r0 + 2], row_a, sem_ai)

    def body(ii, carry):
        base = r0 + 2 * ii
        pltpu.make_async_copy(row_b, out_hbm.at[base - 1], sem_bo).wait()
        pltpu.async_copy(x_hbm.at[base + 1], row_b, sem_bi)
        pltpu.make_async_copy(x_hbm.at[base], row_a, sem_ai).wait()
        _process_row(nv, row_a, cand_v, cm_v, sel_s)
        pltpu.async_copy(row_a, out_hbm.at[base], sem_ao)
        pltpu.make_async_copy(x_hbm.at[base + 1], row_b, sem_bi).wait()
        _process_row(nv, row_b, cand_v, cm_v, sel_s)
        pltpu.async_copy(row_b, out_hbm.at[base + 1], sem_bo)
        pltpu.make_async_copy(row_a, out_hbm.at[base], sem_ao).wait()
        nxt = jnp.minimum(base + 2, bsz - 1)
        pltpu.async_copy(x_hbm.at[nxt], row_a, sem_ai)
        return carry

    lax.fori_loop(1, rows_per_w // 2, body, 0)
    pltpu.make_async_copy(row_b, out_hbm.at[r0], sem_bo).wait()
    pltpu.make_async_copy(x_hbm.at[r0], row_a, sem_ai).wait()


def kernel(x):
    bsz, d = x.shape
    nw = 32
    rows_per_w = bsz // nw
    nv = d // _L
    mesh = plsc.VectorSubcoreMesh(core_axis_name="c", subcore_axis_name="s")
    f = pl.kernel(
        functools.partial(_sc_topk_kernel, rows_per_w, nv),
        out_type=jax.ShapeDtypeStruct((bsz, d), jnp.float32),
        mesh=mesh,
        compiler_params=pltpu.CompilerParams(needs_layout_passes=False),
        scratch_types=[
            pltpu.VMEM((d,), jnp.float32),
            pltpu.VMEM((d,), jnp.float32),
            pltpu.VMEM((d + _L,), jnp.float32),
            pltpu.VMEM((nv // _NACC * _L,), jnp.float32),
            pltpu.SMEM((nv // _NACC + 1,), jnp.int32),
            pltpu.SemaphoreType.DMA,
            pltpu.SemaphoreType.DMA,
            pltpu.SemaphoreType.DMA,
            pltpu.SemaphoreType.DMA,
        ],
    )
    return f(x)

# --- scband reference (transcript-rebuilt; emitter-appended) ---
"""Pipeline reference for scband-top-kactivation-27152783245521 (READ-ONLY COPY).

The authoritative reference and input builder live on the scoring server;
editing this copy changes nothing except your own understanding.
"""

import jax, jax.numpy as jnp
import numpy as np

TOP_K = 32

def setup_inputs(seed: int = 0) -> dict:
    key = jax.random.key(seed)
    x = jax.random.normal(key, (1024, 32768), dtype=jnp.float32)
    return {"x": x}

def reference(x):
    bsz, d_sae = x.shape
    k = min(TOP_K, d_sae)
    _, idxs = jax.lax.top_k(x, k)
    rows = jnp.arange(bsz)[:, None]
    mask = jnp.zeros_like(x).at[rows, idxs].set(1.0)
    return jnp.multiply(mask, x)

if __name__ == "__main__":
    import jax
    _d = setup_inputs()
    print(jax.jit(kernel)(*tuple(_d.values())))

</pallas_src>

<mosaic_0001>
#map = affine_map<(d0, d1) -> (0, 0)>
module attributes {stable_mosaic.version = 14 : i64} {
  func.func @_sc_topk_kernel(%arg0: i32, %arg1: i32, %arg2: memref<1024x32768xf32, #tpu.memory_space<hbm>>, %arg3: memref<1024x32768xf32, #tpu.memory_space<hbm>>, %arg4: memref<32768xf32, #tpu.memory_space<vmem>>, %arg5: memref<32768xf32, #tpu.memory_space<vmem>>, %arg6: memref<32784xf32, #tpu.memory_space<vmem>>, %arg7: memref<4096xf32, #tpu.memory_space<vmem>>, %arg8: memref<257xi32, #tpu.memory_space<smem>>, %arg9: memref<!tpu.dma_semaphore, #tpu.memory_space<semaphore_mem>>, %arg10: memref<!tpu.dma_semaphore, #tpu.memory_space<semaphore_mem>>, %arg11: memref<!tpu.dma_semaphore, #tpu.memory_space<semaphore_mem>>, %arg12: memref<!tpu.dma_semaphore, #tpu.memory_space<semaphore_mem>>) attributes {dimension_semantics = [#tpu.dimension_semantics<core_parallel>, #tpu.dimension_semantics<subcore_parallel>], iteration_bounds = array<i64: 2, 16>, scalar_prefetch = 0 : i64, scratch_operands = 9 : i64, tpu.core_type = #tpu.core_type<sc_vector_subcore>, window_params = [{transform_indices = #map}, {transform_indices = #map}]} {
    %mul3A = arith.constant 2 : i32
    %mul3A_0 = arith.muli %arg1, %mul3A : i32
    %add3A = arith.addi %mul3A_0, %arg0 : i32
    %mul3A_1 = arith.constant 32 : i32
    %mul3A_2 = arith.muli %add3A, %mul3A_1 : i32
    %dma_start3A = arith.constant 0 : i32
    %dma_start3A_3 = tpu.memref_slice %arg2[%mul3A_2, %dma_start3A] : memref<1024x32768xf32, #tpu.memory_space<hbm>> -> memref<1x32768xf32, #tpu.memory_space<hbm>>
    %dma_start3A_4 = tpu.memref_squeeze %dma_start3A_3 : memref<1x32768xf32, #tpu.memory_space<hbm>> -> memref<32768xf32, #tpu.memory_space<hbm>>
    %dma_start3A_5 = arith.constant 0 : i32
    %dma_start3A_6 = tpu.memref_slice %arg2[%mul3A_2, %dma_start3A_5] : memref<1024x32768xf32, #tpu.memory_space<hbm>> -> memref<1x32768xf32, #tpu.memory_space<hbm>>
    %dma_start3A_7 = tpu.memref_squeeze %dma_start3A_6 : memref<1x32768xf32, #tpu.memory_space<hbm>> -> memref<32768xf32, #tpu.memory_space<hbm>>
    tpu.enqueue_dma source(%dma_start3A_7 : memref<32768xf32, #tpu.memory_space<hbm>>) target(%arg4 : memref<32768xf32, #tpu.memory_space<vmem>>) target_semaphore(%arg9 : memref<!tpu.dma_semaphore, #tpu.memory_space<semaphore_mem>>)
    %add3A_8 = arith.constant 1 : i32
    %add3A_9 = arith.addi %mul3A_2, %add3A_8 : i32
    %dma_start3A_10 = arith.constant 0 : i32
    %dma_start3A_11 = tpu.memref_slice %arg2[%add3A_9, %dma_start3A_10] : memref<1024x32768xf32, #tpu.memory_space<hbm>> -> memref<1x32768xf32, #tpu.memory_space<hbm>>
    %dma_start3A_12 = tpu.memref_squeeze %dma_start3A_11 : memref<1x32768xf32, #tpu.memory_space<hbm>> -> memref<32768xf32, #tpu.memory_space<hbm>>
    %dma_start3A_13 = arith.constant 0 : i32
    %dma_start3A_14 = tpu.memref_slice %arg2[%add3A_9, %dma_start3A_13] : memref<1024x32768xf32, #tpu.memory_space<hbm>> -> memref<1x32768xf32, #tpu.memory_space<hbm>>
    %dma_start3A_15 = tpu.memref_squeeze %dma_start3A_14 : memref<1x32768xf32, #tpu.memory_space<hbm>> -> memref<32768xf32, #tpu.memory_space<hbm>>
    tpu.enqueue_dma source(%dma_start3A_15 : memref<32768xf32, #tpu.memory_space<hbm>>) target(%arg5 : memref<32768xf32, #tpu.memory_space<vmem>>) target_semaphore(%arg10 : memref<!tpu.dma_semaphore, #tpu.memory_space<semaphore_mem>>)
    %dma_wait3A = arith.constant 0 : i32
    %dma_wait3A_16 = tpu.memref_slice %arg2[%mul3A_2, %dma_wait3A] : memref<1024x32768xf32, #tpu.memory_space<hbm>> -> memref<1x32768xf32, #tpu.memory_space<hbm>>
    %dma_wait3A_17 = tpu.memref_squeeze %dma_wait3A_16 : memref<1x32768xf32, #tpu.memory_space<hbm>> -> memref<32768xf32, #tpu.memory_space<hbm>>
    %dma_wait3A_18 = arith.constant 0 : i32
    %dma_wait3A_19 = tpu.memref_slice %arg2[%mul3A_2, %dma_wait3A_18] : memref<1024x32768xf32, #tpu.memory_space<hbm>> -> memref<1x32768xf32, #tpu.memory_space<hbm>>
    %dma_wait3A_20 = tpu.memref_squeeze %dma_wait3A_19 : memref<1x32768xf32, #tpu.memory_space<hbm>> -> memref<32768xf32, #tpu.memory_space<hbm>>
    tpu.wait_dma2 semaphore(%arg9 : memref<!tpu.dma_semaphore, #tpu.memory_space<semaphore_mem>>) src(%dma_wait3A_20 : memref<32768xf32, #tpu.memory_space<hbm>>) dst(%arg4 : memref<32768xf32, #tpu.memory_space<vmem>>)
    %broadcast_in_dim3A = arith.constant 0xFF800000 : f32
    %broadcast_in_dim3A_21 = vector.broadcast %broadcast_in_dim3A : f32 to vector<16xf32>
    %broadcast_in_dim3A_22 = arith.constant 0xFF800000 : f32
    %broadcast_in_dim3A_23 = vector.broadcast %broadcast_in_dim3A_22 : f32 to vector<16xf32>
    %broadcast_in_dim3A_24 = arith.constant 0xFF800000 : f32
    %broadcast_in_dim3A_25 = vector.broadcast %broadcast_in_dim3A_24 : f32 to vector<16xf32>
    %broadcast_in_dim3A_26 = arith.constant 0xFF800000 : f32
    %broadcast_in_dim3A_27 = vector.broadcast %broadcast_in_dim3A_26 : f32 to vector<16xf32>
    %broadcast_in_dim3A_28 = arith.constant 0xFF800000 : f32
    %broadcast_in_dim3A_29 = vector.broadcast %broadcast_in_dim3A_28 : f32 to vector<16xf32>
    %broadcast_in_dim3A_30 = arith.constant 0xFF800000 : f32
    %broadcast_in_dim3A_31 = vector.broadcast %broadcast_in_dim3A_30 : f32 to vector<16xf32>
    %broadcast_in_dim3A_32 = arith.constant 0xFF800000 : f32
    %broadcast_in_dim3A_33 = vector.broadcast %broadcast_in_dim3A_32 : f32 to vector<16xf32>
    %broadcast_in_dim3A_34 = arith.constant 0xFF800000 : f32
    %broadcast_in_dim3A_35 = vector.broadcast %broadcast_in_dim3A_34 : f32 to vector<16xf32>
    %parallel_loop3A = arith.constant 0 : i32
    %parallel_loop3A_36 = arith.constant 256 : i32
    %parallel_loop3A_37 = arith.constant 1 : i32
    %parallel_loop3A_38:8 = scf.for %parallel_loop3A_492 = %parallel_loop3A to %parallel_loop3A_36 step %parallel_loop3A_37 iter_args(%parallel_loop3A_493 = %broadcast_in_dim3A_21, %parallel_loop3A_494 = %broadcast_in_dim3A_23, %parallel_loop3A_495 = %broadcast_in_dim3A_25, %parallel_loop3A_496 = %broadcast_in_dim3A_27, %parallel_loop3A_497 = %broadcast_in_dim3A_29, %parallel_loop3A_498 = %broadcast_in_dim3A_31, %parallel_loop3A_499 = %broadcast_in_dim3A_33, %parallel_loop3A_500 = %broadcast_in_dim3A_35) -> (vector<16xf32>, vector<16xf32>, vector<16xf32>, vector<16xf32>, vector<16xf32>, vector<16xf32>, vector<16xf32>, vector<16xf32>)  : i32 {
      %parallel_loop3A_501 = arith.constant 128 : i32
      %parallel_loop3A_502 = arith.muli %parallel_loop3A_492, %parallel_loop3A_501 : i32
      %parallel_loop3A_503 = arith.constant 0 : i32
      %parallel_loop3A_504 = arith.addi %parallel_loop3A_502, %parallel_loop3A_503 : i32
      %parallel_loop3A_505 = arith.index_cast %parallel_loop3A_504 : i32 to index
      %parallel_loop3A_506 = tpu.vector_load %arg4[%parallel_loop3A_505] {strides = array<i32>} : memref<32768xf32, #tpu.memory_space<vmem>>, vector<16xf32>,
      %parallel_loop3A_507 = arith.constant 16 : i32
      %parallel_loop3A_508 = arith.addi %parallel_loop3A_502, %parallel_loop3A_507 : i32
      %parallel_loop3A_509 = arith.index_cast %parallel_loop3A_508 : i32 to index
      %parallel_loop3A_510 = tpu.vector_load %arg4[%parallel_loop3A_509] {strides = array<i32>} : memref<32768xf32, #tpu.memory_space<vmem>>, vector<16xf32>,
      %parallel_loop3A_511 = arith.constant 32 : i32
      %parallel_loop3A_512 = arith.addi %parallel_loop3A_502, %parallel_loop3A_511 : i32
      %parallel_loop3A_513 = arith.index_cast %parallel_loop3A_512 : i32 to index
      %parallel_loop3A_514 = tpu.vector_load %arg4[%parallel_loop3A_513] {strides = array<i32>} : memref<32768xf32, #tpu.memory_space<vmem>>, vector<16xf32>,
      %parallel_loop3A_515 = arith.constant 48 : i32
      %parallel_loop3A_516 = arith.addi %parallel_loop3A_502, %parallel_loop3A_515 : i32
      %parallel_loop3A_517 = arith.index_cast %parallel_loop3A_516 : i32 to index
      %parallel_loop3A_518 = tpu.vector_load %arg4[%parallel_loop3A_517] {strides = array<i32>} : memref<32768xf32, #tpu.memory_space<vmem>>, vector<16xf32>,
      %parallel_loop3A_519 = arith.constant 64 : i32
      %parallel_loop3A_520 = arith.addi %parallel_loop3A_502, %parallel_loop3A_519 : i32
      %parallel_loop3A_521 = arith.index_cast %parallel_loop3A_520 : i32 to index
      %parallel_loop3A_522 = tpu.vector_load %arg4[%parallel_loop3A_521] {strides = array<i32>} : memref<32768xf32, #tpu.memory_space<vmem>>, vector<16xf32>,
      %parallel_loop3A_523 = arith.constant 80 : i32
      %parallel_loop3A_524 = arith.addi %parallel_loop3A_502, %parallel_loop3A_523 : i32
      %parallel_loop3A_525 = arith.index_cast %parallel_loop3A_524 : i32 to index
      %parallel_loop3A_526 = tpu.vector_load %arg4[%parallel_loop3A_525] {strides = array<i32>} : memref<32768xf32, #tpu.memory_space<vmem>>, vector<16xf32>,
      %parallel_loop3A_527 = arith.constant 96 : i32
      %parallel_loop3A_528 = arith.addi %parallel_loop3A_502, %parallel_loop3A_527 : i32
      %parallel_loop3A_529 = arith.index_cast %parallel_loop3A_528 : i32 to index
      %parallel_loop3A_530 = tpu.vector_load %arg4[%parallel_loop3A_529] {strides = array<i32>} : memref<32768xf32, #tpu.memory_space<vmem>>, vector<16xf32>,
      %parallel_loop3A_531 = arith.constant 112 : i32
      %parallel_loop3A_532 = arith.addi %parallel_loop3A_502, %parallel_loop3A_531 : i32
      %parallel_loop3A_533 = arith.index_cast %parallel_loop3A_532 : i32 to index
      %parallel_loop3A_534 = tpu.vector_load %arg4[%parallel_loop3A_533] {strides = array<i32>} : memref<32768xf32, #tpu.memory_space<vmem>>, vector<16xf32>,
      %parallel_loop3A_535 = arith.maximumf %parallel_loop3A_493, %parallel_loop3A_506 : vector<16xf32>
      %parallel_loop3A_536 = arith.maximumf %parallel_loop3A_494, %parallel_loop3A_510 : vector<16xf32>
      %parallel_loop3A_537 = arith.maximumf %parallel_loop3A_495, %parallel_loop3A_514 : vector<16xf32>
      %parallel_loop3A_538 = arith.maximumf %parallel_loop3A_496, %parallel_loop3A_518 : vector<16xf32>
      %parallel_loop3A_539 = arith.maximumf %parallel_loop3A_497, %parallel_loop3A_522 : vector<16xf32>
      %parallel_loop3A_540 = arith.maximumf %parallel_loop3A_498, %parallel_loop3A_526 : vector<16xf32>
      %parallel_loop3A_541 = arith.maximumf %parallel_loop3A_499, %parallel_loop3A_530 : vector<16xf32>
      %parallel_loop3A_542 = arith.maximumf %parallel_loop3A_500, %parallel_loop3A_534 : vector<16xf32>
      %parallel_loop3A_543 = arith.maximumf %parallel_loop3A_506, %parallel_loop3A_510 : vector<16xf32>
      %parallel_loop3A_544 = arith.maximumf %parallel_loop3A_543, %parallel_loop3A_514 : vector<16xf32>
      %parallel_loop3A_545 = arith.maximumf %parallel_loop3A_544, %parallel_loop3A_518 : vector<16xf32>
      %parallel_loop3A_546 = arith.maximumf %parallel_loop3A_545, %parallel_loop3A_522 : vector<16xf32>
      %parallel_loop3A_547 = arith.maximumf %parallel_loop3A_546, %parallel_loop3A_526 : vector<16xf32>
      %parallel_loop3A_548 = arith.maximumf %parallel_loop3A_547, %parallel_loop3A_530 : vector<16xf32>
      %parallel_loop3A_549 = arith.maximumf %parallel_loop3A_548, %parallel_loop3A_534 : vector<16xf32>
      %parallel_loop3A_550 = arith.constant 16 : i32
      %parallel_loop3A_551 = arith.muli %parallel_loop3A_492, %parallel_loop3A_550 : i32
      %parallel_loop3A_552 = arith.index_cast %parallel_loop3A_551 : i32 to index
      %parallel_loop3A_553 = tpu.vector_load %arg7[%parallel_loop3A_552] {strides = array<i32>} : memref<4096xf32, #tpu.memory_space<vmem>>, vector<16xf32>,
      tpu.vector_store %arg7[%parallel_loop3A_552], %parallel_loop3A_549 {strides = array<i32>} : memref<4096xf32, #tpu.memory_space<vmem>>, vector<16xf32>,
      scf.yield %parallel_loop3A_535, %parallel_loop3A_536, %parallel_loop3A_537, %parallel_loop3A_538, %parallel_loop3A_539, %parallel_loop3A_540, %parallel_loop3A_541, %parallel_loop3A_542 : vector<16xf32>, vector<16xf32>, vector<16xf32>, vector<16xf32>, vector<16xf32>, vector<16xf32>, vector<16xf32>, vector<16xf32>
    } {sc.loop_unroll_factor = 1 : i64, sc.parallel_access}
    %bitcast_convert_type3A = tpu.bitcast %parallel_loop3A_38#0 : vector<16xf32> -> vector<16xi32>
    %shift_right_logical3A = arith.constant 31 : i32
    %shift_right_logical3A_39 = vector.broadcast %shift_right_logical3A : i32 to vector<16xi32>
    %shift_right_logical3A_40 = arith.shrui %bitcast_convert_type3A, %shift_right_logical3A_39 : vector<16xi32>
    %convert_element_type3A = arith.constant 0 : i32
    %convert_element_type3A_41 = vector.broadcast %convert_element_type3A : i32 to vector<16xi32>
    %convert_element_type3A_42 = arith.cmpi ne, %shift_right_logical3A_40, %convert_element_type3A_41 : vector<16xi32>
    %not3A = arith.constant dense<-1> : vector<16xi32>
    %not3A_43 = arith.xori %bitcast_convert_type3A, %not3A : vector<16xi32>
    %or3A = arith.constant -2147483648 : i32
    %or3A_44 = vector.broadcast %or3A : i32 to vector<16xi32>
    %or3A_45 = arith.ori %bitcast_convert_type3A, %or3A_44 : vector<16xi32>
    %select_n3A = arith.select %convert_element_type3A_42, %not3A_43, %or3A_45 : vector<16xi1>, vector<16xi32>
    %bitcast_convert_type3A_46 = tpu.bitcast %parallel_loop3A_38#1 : vector<16xf32> -> vector<16xi32>
    %shift_right_logical3A_47 = arith.constant 31 : i32
    %shift_right_logical3A_48 = vector.broadcast %shift_right_logical3A_47 : i32 to vector<16xi32>
    %shift_right_logical3A_49 = arith.shrui %bitcast_convert_type3A_46, %shift_right_logical3A_48 : vector<16xi32>
    %convert_element_type3A_50 = arith.constant 0 : i32
    %convert_element_type3A_51 = vector.broadcast %convert_element_type3A_50 : i32 to vector<16xi32>
    %convert_element_type3A_52 = arith.cmpi ne, %shift_right_logical3A_49, %convert_element_type3A_51 : vector<16xi32>
    %not3A_53 = arith.constant dense<-1> : vector<16xi32>
    %not3A_54 = arith.xori %bitcast_convert_type3A_46, %not3A_53 : vector<16xi32>
    %or3A_55 = arith.constant -2147483648 : i32
    %or3A_56 = vector.broadcast %or3A_55 : i32 to vector<16xi32>
    %or3A_57 = arith.ori %bitcast_convert_type3A_46, %or3A_56 : vector<16xi32>
    %select_n3A_58 = arith.select %convert_element_type3A_52, %not3A_54, %or3A_57 : vector<16xi1>, vector<16xi32>
    %bitcast_convert_type3A_59 = tpu.bitcast %parallel_loop3A_38#2 : vector<16xf32> -> vector<16xi32>
    %shift_right_logical3A_60 = arith.constant 31 : i32
    %shift_right_logical3A_61 = vector.broadcast %shift_right_logical3A_60 : i32 to vector<16xi32>
    %shift_right_logical3A_62 = arith.shrui %bitcast_convert_type3A_59, %shift_right_logical3A_61 : vector<16xi32>
    %convert_element_type3A_63 = arith.constant 0 : i32
    %convert_element_type3A_64 = vector.broadcast %convert_element_type3A_63 : i32 to vector<16xi32>
    %convert_element_type3A_65 = arith.cmpi ne, %shift_right_logical3A_62, %convert_element_type3A_64 : vector<16xi32>
    %not3A_66 = arith.constant dense<-1> : vector<16xi32>
    %not3A_67 = arith.xori %bitcast_convert_type3A_59, %not3A_66 : vector<16xi32>
    %or3A_68 = arith.constant -2147483648 : i32
    %or3A_69 = vector.broadcast %or3A_68 : i32 to vector<16xi32>
    %or3A_70 = arith.ori %bitcast_convert_type3A_59, %or3A_69 : vector<16xi32>
    %select_n3A_71 = arith.select %convert_element_type3A_65, %not3A_67, %or3A_70 : vector<16xi1>, vector<16xi32>
    %bitcast_convert_type3A_72 = tpu.bitcast %parallel_loop3A_38#3 : vector<16xf32> -> vector<16xi32>
    %shift_right_logical3A_73 = arith.constant 31 : i32
    %shift_right_logical3A_74 = vector.broadcast %shift_right_logical3A_73 : i32 to vector<16xi32>
    %shift_right_logical3A_75 = arith.shrui %bitcast_convert_type3A_72, %shift_right_logical3A_74 : vector<16xi32>
    %convert_element_type3A_76 = arith.constant 0 : i32
    %convert_element_type3A_77 = vector.broadcast %convert_element_type3A_76 : i32 to vector<16xi32>
    %convert_element_type3A_78 = arith.cmpi ne, %shift_right_logical3A_75, %convert_element_type3A_77 : vector<16xi32>
    %not3A_79 = arith.constant dense<-1> : vector<16xi32>
    %not3A_80 = arith.xori %bitcast_convert_type3A_72, %not3A_79 : vector<16xi32>
    %or3A_81 = arith.constant -2147483648 : i32
    %or3A_82 = vector.broadcast %or3A_81 : i32 to vector<16xi32>
    %or3A_83 = arith.ori %bitcast_convert_type3A_72, %or3A_82 : vector<16xi32>
    %select_n3A_84 = arith.select %convert_element_type3A_78, %not3A_80, %or3A_83 : vector<16xi1>, vector<16xi32>
    %bitcast_convert_type3A_85 = tpu.bitcast %parallel_loop3A_38#4 : vector<16xf32> -> vector<16xi32>
    %shift_right_logical3A_86 = arith.constant 31 : i32
    %shift_right_logical3A_87 = vector.broadcast %shift_right_logical3A_86 : i32 to vector<16xi32>
    %shift_right_logical3A_88 = arith.shrui %bitcast_convert_type3A_85, %shift_right_logical3A_87 : vector<16xi32>
    %convert_element_type3A_89 = arith.constant 0 : i32
    %convert_element_type3A_90 = vector.broadcast %convert_element_type3A_89 : i32 to vector<16xi32>
    %convert_element_type3A_91 = arith.cmpi ne, %shift_right_logical3A_88, %convert_element_type3A_90 : vector<16xi32>
    %not3A_92 = arith.constant dense<-1> : vector<16xi32>
    %not3A_93 = arith.xori %bitcast_convert_type3A_85, %not3A_92 : vector<16xi32>
    %or3A_94 = arith.constant -2147483648 : i32
    %or3A_95 = vector.broadcast %or3A_94 : i32 to vector<16xi32>
    %or3A_96 = arith.ori %bitcast_convert_type3A_85, %or3A_95 : vector<16xi32>
    %select_n3A_97 = arith.select %convert_element_type3A_91, %not3A_93, %or3A_96 : vector<16xi1>, vector<16xi32>
    %bitcast_convert_type3A_98 = tpu.bitcast %parallel_loop3A_38#5 : vector<16xf32> -> vector<16xi32>
    %shift_right_logical3A_99 = arith.constant 31 : i32
    %shift_right_logical3A_100 = vector.broadcast %shift_right_logical3A_99 : i32 to vector<16xi32>
    %shift_right_logical3A_101 = arith.shrui %bitcast_convert_type3A_98, %shift_right_logical3A_100 : vector<16xi32>
    %convert_element_type3A_102 = arith.constant 0 : i32
    %convert_element_type3A_103 = vector.broadcast %convert_element_type3A_102 : i32 to vector<16xi32>
    %convert_element_type3A_104 = arith.cmpi ne, %shift_right_logical3A_101, %convert_element_type3A_103 : vector<16xi32>
    %not3A_105 = arith.constant dense<-1> : vector<16xi32>
    %not3A_106 = arith.xori %bitcast_convert_type3A_98, %not3A_105 : vector<16xi32>
    %or3A_107 = arith.constant -2147483648 : i32
    %or3A_108 = vector.broadcast %or3A_107 : i32 to vector<16xi32>
    %or3A_109 = arith.ori %bitcast_convert_type3A_98, %or3A_108 : vector<16xi32>
    %select_n3A_110 = arith.select %convert_element_type3A_104, %not3A_106, %or3A_109 : vector<16xi1>, vector<16xi32>
    %bitcast_convert_type3A_111 = tpu.bitcast %parallel_loop3A_38#6 : vector<16xf32> -> vector<16xi32>
    %shift_right_logical3A_112 = arith.constant 31 : i32
    %shift_right_logical3A_113 = vector.broadcast %shift_right_logical3A_112 : i32 to vector<16xi32>
    %shift_right_logical3A_114 = arith.shrui %bitcast_convert_type3A_111, %shift_right_logical3A_113 : vector<16xi32>
    %convert_element_type3A_115 = arith.constant 0 : i32
    %convert_element_type3A_116 = vector.broadcast %convert_element_type3A_115 : i32 to vector<16xi32>
    %convert_element_type3A_117 = arith.cmpi ne, %shift_right_logical3A_114, %convert_element_type3A_116 : vector<16xi32>
    %not3A_118 = arith.constant dense<-1> : vector<16xi32>
    %not3A_119 = arith.xori %bitcast_convert_type3A_111, %not3A_118 : vector<16xi32>
    %or3A_120 = arith.constant -2147483648 : i32
    %or3A_121 = vector.broadcast %or3A_120 : i32 to vector<16xi32>
    %or3A_122 = arith.ori %bitcast_convert_type3A_111, %or3A_121 : vector<16xi32>
    %select_n3A_123 = arith.select %convert_element_type3A_117, %not3A_119, %or3A_122 : vector<16xi1>, vector<16xi32>
    %bitcast_convert_type3A_124 = tpu.bitcast %parallel_loop3A_38#7 : vector<16xf32> -> vector<16xi32>
    %shift_right_logical3A_125 = arith.constant 31 : i32
    %shift_right_logical3A_126 = vector.broadcast %shift_right_logical3A_125 : i32 to vector<16xi32>
    %shift_right_logical3A_127 = arith.shrui %bitcast_convert_type3A_124, %shift_right_logical3A_126 : vector<16xi32>
    %convert_element_type3A_128 = arith.constant 0 : i32
    %convert_element_type3A_129 = vector.broadcast %convert_element_type3A_128 : i32 to vector<16xi32>
    %convert_element_type3A_130 = arith.cmpi ne, %shift_right_logical3A_127, %convert_element_type3A_129 : vector<16xi32>
    %not3A_131 = arith.constant dense<-1> : vector<16xi32>
    %not3A_132 = arith.xori %bitcast_convert_type3A_124, %not3A_131 : vector<16xi32>
    %or3A_133 = arith.constant -2147483648 : i32
    %or3A_134 = vector.broadcast %or3A_133 : i32 to vector<16xi32>
    %or3A_135 = arith.ori %bitcast_convert_type3A_124, %or3A_134 : vector<16xi32>
    %select_n3A_136 = arith.select %convert_element_type3A_130, %not3A_132, %or3A_135 : vector<16xi1>, vector<16xi32>
    %scan3A = arith.constant 0 : i32
    %scan3A_137 = arith.constant 0 : i32
    %scan3A_138 = arith.constant 16 : i32
    %scan3A_139 = arith.addi %scan3A_137, %scan3A_138 : i32
    %scan3A_140 = arith.constant 1 : i32
    %scan3A_141 = scf.for %scan3A_492 = %scan3A_137 to %scan3A_139 step %scan3A_140 iter_args(%scan3A_493 = %scan3A) -> (i32)  : i32 {
      %sub3A_494 = arith.constant 31 : i32
      %sub3A_495 = arith.subi %sub3A_494, %scan3A_492 : i32
      %shift_left3A = arith.constant 1 : i32
      %shift_left3A_496 = arith.shli %shift_left3A, %sub3A_495 : i32
      %or3A_497 = arith.ori %scan3A_493, %shift_left3A_496 : i32
      %ge3A_498 = vector.broadcast %or3A_497 : i32 to vector<16xi32>
      %ge3A_499 = arith.cmpi uge, %select_n3A, %ge3A_498 : vector<16xi32>
      %all_reduce_population_count3A = tpu.all_reduce %ge3A_499 {dim = 0 : i64, kind = #tpu.reduction_kind<sum>} : vector<16xi1> -> vector<16xi32>
      %slice3A = vector.extract_strided_slice %all_reduce_population_count3A {offsets = [0], sizes = [1], strides = [1]} : vector<16xi32> to vector<1xi32>
      %squeeze3A = vector.extract %slice3A[0] : i32 from vector<1xi32>
      %ge3A_500 = vector.broadcast %or3A_497 : i32 to vector<16xi32>
      %ge3A_501 = arith.cmpi uge, %select_n3A_58, %ge3A_500 : vector<16xi32>
      %all_reduce_population_count3A_502 = tpu.all_reduce %ge3A_501 {dim = 0 : i64, kind = #tpu.reduction_kind<sum>} : vector<16xi1> -> vector<16xi32>
      %slice3A_503 = vector.extract_strided_slice %all_reduce_population_count3A_502 {offsets = [0], sizes = [1], strides = [1]} : vector<16xi32> to vector<1xi32>
      %squeeze3A_504 = vector.extract %slice3A_503[0] : i32 from vector<1xi32>
      %add3A_505 = arith.addi %squeeze3A, %squeeze3A_504 : i32
      %ge3A_506 = vector.broadcast %or3A_497 : i32 to vector<16xi32>
      %ge3A_507 = arith.cmpi uge, %select_n3A_71, %ge3A_506 : vector<16xi32>
      %all_reduce_population_count3A_508 = tpu.all_reduce %ge3A_507 {dim = 0 : i64, kind = #tpu.reduction_kind<sum>} : vector<16xi1> -> vector<16xi32>
      %slice3A_509 = vector.extract_strided_slice %all_reduce_population_count3A_508 {offsets = [0], sizes = [1], strides = [1]} : vector<16xi32> to vector<1xi32>
      %squeeze3A_510 = vector.extract %slice3A_509[0] : i32 from vector<1xi32>
      %add3A_511 = arith.addi %add3A_505, %squeeze3A_510 : i32
      %ge3A_512 = vector.broadcast %or3A_497 : i32 to vector<16xi32>
      %ge3A_513 = arith.cmpi uge, %select_n3A_84, %ge3A_512 : vector<16xi32>
      %all_reduce_population_count3A_514 = tpu.all_reduce %ge3A_513 {dim = 0 : i64, kind = #tpu.reduction_kind<sum>} : vector<16xi1> -> vector<16xi32>
      %slice3A_515 = vector.extract_strided_slice %all_reduce_population_count3A_514 {offsets = [0], sizes = [1], strides = [1]} : vector<16xi32> to vector<1xi32>
      %squeeze3A_516 = vector.extract %slice3A_515[0] : i32 from vector<1xi32>
      %add3A_517 = arith.addi %add3A_511, %squeeze3A_516 : i32
      %ge3A_518 = vector.broadcast %or3A_497 : i32 to vector<16xi32>
      %ge3A_519 = arith.cmpi uge, %select_n3A_97, %ge3A_518 : vector<16xi32>
      %all_reduce_population_count3A_520 = tpu.all_reduce %ge3A_519 {dim = 0 : i64, kind = #tpu.reduction_kind<sum>} : vector<16xi1> -> vector<16xi32>
      %slice3A_521 = vector.extract_strided_slice %all_reduce_population_count3A_520 {offsets = [0], sizes = [1], strides = [1]} : vector<16xi32> to vector<1xi32>
      %squeeze3A_522 = vector.extract %slice3A_521[0] : i32 from vector<1xi32>
      %add3A_523 = arith.addi %add3A_517, %squeeze3A_522 : i32
      %ge3A_524 = vector.broadcast %or3A_497 : i32 to vector<16xi32>
      %ge3A_525 = arith.cmpi uge, %select_n3A_110, %ge3A_524 : vector<16xi32>
      %all_reduce_population_count3A_526 = tpu.all_reduce %ge3A_525 {dim = 0 : i64, kind = #tpu.reduction_kind<sum>} : vector<16xi1> -> vector<16xi32>
      %slice3A_527 = vector.extract_strided_slice %all_reduce_population_count3A_526 {offsets = [0], sizes = [1], strides = [1]} : vector<16xi32> to vector<1xi32>
      %squeeze3A_528 = vector.extract %slice3A_527[0] : i32 from vector<1xi32>
      %add3A_529 = arith.addi %add3A_523, %squeeze3A_528 : i32
      %ge3A_530 = vector.broadcast %or3A_497 : i32 to vector<16xi32>
      %ge3A_531 = arith.cmpi uge, %select_n3A_123, %ge3A_530 : vector<16xi32>
      %all_reduce_population_count3A_532 = tpu.all_reduce %ge3A_531 {dim = 0 : i64, kind = #tpu.reduction_kind<sum>} : vector<16xi1> -> vector<16xi32>
      %slice3A_533 = vector.extract_strided_slice %all_reduce_population_count3A_532 {offsets = [0], sizes = [1], strides = [1]} : vector<16xi32> to vector<1xi32>
      %squeeze3A_534 = vector.extract %slice3A_533[0] : i32 from vector<1xi32>
      %add3A_535 = arith.addi %add3A_529, %squeeze3A_534 : i32
      %ge3A_536 = vector.broadcast %or3A_497 : i32 to vector<16xi32>
      %ge3A_537 = arith.cmpi uge, %select_n3A_136, %ge3A_536 : vector<16xi32>
      %all_reduce_population_count3A_538 = tpu.all_reduce %ge3A_537 {dim = 0 : i64, kind = #tpu.reduction_kind<sum>} : vector<16xi1> -> vector<16xi32>
      %slice3A_539 = vector.extract_strided_slice %all_reduce_population_count3A_538 {offsets = [0], sizes = [1], strides = [1]} : vector<16xi32> to vector<1xi32>
      %squeeze3A_540 = vector.extract %slice3A_539[0] : i32 from vector<1xi32>
      %add3A_541 = arith.addi %add3A_535, %squeeze3A_540 : i32
      %ge3A_542 = arith.constant 32 : i32
      %ge3A_543 = arith.cmpi sge, %add3A_541, %ge3A_542 : i32
      %select_n3A_544 = arith.select %ge3A_543, %or3A_497, %scan3A_493 : i32
      scf.yield %select_n3A_544 : i32
    }
    %scan3A_142 = arith.constant 16 : i32
    %ge3A = arith.constant -2147483648 : i32
    %ge3A_143 = arith.cmpi uge, %scan3A_141, %ge3A : i32
    %xor3A = arith.constant -2147483648 : i32
    %xor3A_144 = arith.xori %scan3A_141, %xor3A : i32
    %not3A_145 = arith.constant -1 : i32
    %not3A_146 = arith.xori %scan3A_141, %not3A_145 : i32
    %select_n3A_147 = arith.select %ge3A_143, %xor3A_144, %not3A_146 : i32
    %broadcast_in_dim3A_148 = vector.broadcast %select_n3A_147 : i32 to vector<16xi32>
    %bitcast_convert_type3A_149 = tpu.bitcast %broadcast_in_dim3A_148 : vector<16xi32> -> vector<16xf32>
    %scan3A_150 = arith.constant 0 : i32
    %scan3A_151 = arith.constant 0 : i32
    %scan3A_152 = arith.constant 256 : i32
    %scan3A_153 = arith.addi %scan3A_151, %scan3A_152 : i32
    %scan3A_154 = arith.constant 1 : i32
    %scan3A_155 = scf.for %scan3A_492 = %scan3A_151 to %scan3A_153 step %scan3A_154 iter_args(%scan3A_493 = %scan3A_150) -> (i32)  : i32 {
      %mul3A_494 = arith.constant 16 : i32
      %mul3A_495 = arith.muli %scan3A_492, %mul3A_494 : i32
      %get3A = arith.index_cast %mul3A_495 : i32 to index
      %get3A_496 = tpu.vector_load %arg7[%get3A] {strides = array<i32>} : memref<4096xf32, #tpu.memory_space<vmem>>, vector<16xf32>,
      %ge3A_497 = arith.cmpf oge, %get3A_496, %bitcast_convert_type3A_149 : vector<16xf32>
      %all_reduce_population_count3A = tpu.all_reduce %ge3A_497 {dim = 0 : i64, kind = #tpu.reduction_kind<sum>} : vector<16xi1> -> vector<16xi32>
      %slice3A = vector.extract_strided_slice %all_reduce_population_count3A {offsets = [0], sizes = [1], strides = [1]} : vector<16xi32> to vector<1xi32>
      %squeeze3A = vector.extract %slice3A[0] : i32 from vector<1xi32>
      %swap3A_498 = arith.index_cast %scan3A_493 : i32 to index
      %swap3A_499 = memref.load %arg8[%swap3A_498] : memref<257xi32, #tpu.memory_space<smem>>
      memref.store %scan3A_492, %arg8[%swap3A_498] : memref<257xi32, #tpu.memory_space<smem>>
      %gt3A_500 = arith.constant 0 : i32
      %gt3A_501 = arith.cmpi sgt, %squeeze3A, %gt3A_500 : i32
      %convert_element_type3A_502 = arith.extui %gt3A_501 : i1 to i32
      %add3A_503 = arith.addi %scan3A_493, %convert_element_type3A_502 : i32
      scf.yield %add3A_503 : i32
    }
    %scan3A_156 = arith.constant 256 : i32
    %while3A = arith.constant 0 : i32
    %while3A_157 = arith.constant 0 : i32
    %while3A_158 = arith.subi %scan3A_155, %while3A : i32
    %while3A_159 = arith.addi %while3A, %while3A_158 : i32
    %while3A_160 = arith.constant 1 : i32
    %while3A_161 = arith.divsi %while3A_158, %while3A_160 : i32
    %while3A_162 = arith.muli %while3A_161, %while3A_160 : i32
    %while3A_163 = arith.addi %while3A, %while3A_162 : i32
    %while3A_164 = arith.constant 1 : i32
    %while3A_165 = scf.for %while3A_492 = %while3A to %while3A_163 step %while3A_164 iter_args(%while3A_493 = %while3A_157) -> (i32)  : i32 {
      %get3A = arith.index_cast %while3A_492 : i32 to index
      %get3A_494 = memref.load %arg8[%get3A] : memref<257xi32, #tpu.memory_space<smem>>
      %mul3A_495 = arith.constant 128 : i32
      %mul3A_496 = arith.muli %get3A_494, %mul3A_495 : i32
      %add3A_497 = arith.constant 0 : i32
      %add3A_498 = arith.addi %mul3A_496, %add3A_497 : i32
      %get3A_499 = arith.index_cast %add3A_498 : i32 to index
      %get3A_500 = tpu.vector_load %arg4[%get3A_499] {strides = array<i32>} : memref<32768xf32, #tpu.memory_space<vmem>>, vector<16xf32>,
      %ge3A_501 = arith.cmpf oge, %get3A_500, %bitcast_convert_type3A_149 : vector<16xf32>
      %swap3A_502 = arith.index_cast %while3A_493 : i32 to index
      %swap3A_503 = tpu.vector_load %arg6[%swap3A_502] masked %ge3A_501 {strides = array<i32>} : memref<32784xf32, #tpu.memory_space<vmem>>, vector<16xf32>, vector<16xi1>
      tpu.vector_store %arg6[%swap3A_502], %get3A_500 masked %ge3A_501 {strides = array<i32>} : memref<32784xf32, #tpu.memory_space<vmem>>, vector<16xf32>, vector<16xi1>
      %all_reduce_population_count3A = tpu.all_reduce %ge3A_501 {dim = 0 : i64, kind = #tpu.reduction_kind<sum>} : vector<16xi1> -> vector<16xi32>
      %slice3A = vector.extract_strided_slice %all_reduce_population_count3A {offsets = [0], sizes = [1], strides = [1]} : vector<16xi32> to vector<1xi32>
      %squeeze3A = vector.extract %slice3A[0] : i32 from vector<1xi32>
      %add3A_504 = arith.addi %while3A_493, %squeeze3A : i32
      %add3A_505 = arith.constant 16 : i32
      %add3A_506 = arith.addi %mul3A_496, %add3A_505 : i32
      %get3A_507 = arith.index_cast %add3A_506 : i32 to index
      %get3A_508 = tpu.vector_load %arg4[%get3A_507] {strides = array<i32>} : memref<32768xf32, #tpu.memory_space<vmem>>, vector<16xf32>,
      %ge3A_509 = arith.cmpf oge, %get3A_508, %bitcast_convert_type3A_149 : vector<16xf32>
      %swap3A_510 = arith.index_cast %add3A_504 : i32 to index
      %swap3A_511 = tpu.vector_load %arg6[%swap3A_510] masked %ge3A_509 {strides = array<i32>} : memref<32784xf32, #tpu.memory_space<vmem>>, vector<16xf32>, vector<16xi1>
      tpu.vector_store %arg6[%swap3A_510], %get3A_508 masked %ge3A_509 {strides = array<i32>} : memref<32784xf32, #tpu.memory_space<vmem>>, vector<16xf32>, vector<16xi1>
      %all_reduce_population_count3A_512 = tpu.all_reduce %ge3A_509 {dim = 0 : i64, kind = #tpu.reduction_kind<sum>} : vector<16xi1> -> vector<16xi32>
      %slice3A_513 = vector.extract_strided_slice %all_reduce_population_count3A_512 {offsets = [0], sizes = [1], strides = [1]} : vector<16xi32> to vector<1xi32>
      %squeeze3A_514 = vector.extract %slice3A_513[0] : i32 from vector<1xi32>
      %add3A_515 = arith.addi %add3A_504, %squeeze3A_514 : i32
      %add3A_516 = arith.constant 32 : i32
      %add3A_517 = arith.addi %mul3A_496, %add3A_516 : i32
      %get3A_518 = arith.index_cast %add3A_517 : i32 to index
      %get3A_519 = tpu.vector_load %arg4[%get3A_518] {strides = array<i32>} : memref<32768xf32, #tpu.memory_space<vmem>>, vector<16xf32>,
      %ge3A_520 = arith.cmpf oge, %get3A_519, %bitcast_convert_type3A_149 : vector<16xf32>
      %swap3A_521 = arith.index_cast %add3A_515 : i32 to index
      %swap3A_522 = tpu.vector_load %arg6[%swap3A_521] masked %ge3A_520 {strides = array<i32>} : memref<32784xf32, #tpu.memory_space<vmem>>, vector<16xf32>, vector<16xi1>
      tpu.vector_store %arg6[%swap3A_521], %get3A_519 masked %ge3A_520 {strides = array<i32>} : memref<32784xf32, #tpu.memory_space<vmem>>, vector<16xf32>, vector<16xi1>
      %all_reduce_population_count3A_523 = tpu.all_reduce %ge3A_520 {dim = 0 : i64, kind = #tpu.reduction_kind<sum>} : vector<16xi1> -> vector<16xi32>
      %slice3A_524 = vector.extract_strided_slice %all_reduce_population_count3A_523 {offsets = [0], sizes = [1], strides = [1]} : vector<16xi32> to vector<1xi32>
      %squeeze3A_525 = vector.extract %slice3A_524[0] : i32 from vector<1xi32>
      %add3A_526 = arith.addi %add3A_515, %squeeze3A_525 : i32
      %add3A_527 = arith.constant 48 : i32
      %add3A_528 = arith.addi %mul3A_496, %add3A_527 : i32
      %get3A_529 = arith.index_cast %add3A_528 : i32 to index
      %get3A_530 = tpu.vector_load %arg4[%get3A_529] {strides = array<i32>} : memref<32768xf32, #tpu.memory_space<vmem>>, vector<16xf32>,
      %ge3A_531 = arith.cmpf oge, %get3A_530, %bitcast_convert_type3A_149 : vector<16xf32>
      %swap3A_532 = arith.index_cast %add3A_526 : i32 to index
      %swap3A_533 = tpu.vector_load %arg6[%swap3A_532] masked %ge3A_531 {strides = array<i32>} : memref<32784xf32, #tpu.memory_space<vmem>>, vector<16xf32>, vector<16xi1>
      tpu.vector_store %arg6[%swap3A_532], %get3A_530 masked %ge3A_531 {strides = array<i32>} : memref<32784xf32, #tpu.memory_space<vmem>>, vector<16xf32>, vector<16xi1>
      %all_reduce_population_count3A_534 = tpu.all_reduce %ge3A_531 {dim = 0 : i64, kind = #tpu.reduction_kind<sum>} : vector<16xi1> -> vector<16xi32>
      %slice3A_535 = vector.extract_strided_slice %all_reduce_population_count3A_534 {offsets = [0], sizes = [1], strides = [1]} : vector<16xi32> to vector<1xi32>
      %squeeze3A_536 = vector.extract %slice3A_535[0] : i32 from vector<1xi32>
      %add3A_537 = arith.addi %add3A_526, %squeeze3A_536 : i32
      %add3A_538 = arith.constant 64 : i32
      %add3A_539 = arith.addi %mul3A_496, %add3A_538 : i32
      %get3A_540 = arith.index_cast %add3A_539 : i32 to index
      %get3A_541 = tpu.vector_load %arg4[%get3A_540] {strides = array<i32>} : memref<32768xf32, #tpu.memory_space<vmem>>, vector<16xf32>,
      %ge3A_542 = arith.cmpf oge, %get3A_541, %bitcast_convert_type3A_149 : vector<16xf32>
      %swap3A_543 = arith.index_cast %add3A_537 : i32 to index
      %swap3A_544 = tpu.vector_load %arg6[%swap3A_543] masked %ge3A_542 {strides = array<i32>} : memref<32784xf32, #tpu.memory_space<vmem>>, vector<16xf32>, vector<16xi1>
      tpu.vector_store %arg6[%swap3A_543], %get3A_541 masked %ge3A_542 {strides = array<i32>} : memref<32784xf32, #tpu.memory_space<vmem>>, vector<16xf32>, vector<16xi1>
      %all_reduce_population_count3A_545 = tpu.all_reduce %ge3A_542 {dim = 0 : i64, kind = #tpu.reduction_kind<sum>} : vector<16xi1> -> vector<16xi32>
      %slice3A_546 = vector.extract_strided_slice %all_reduce_population_count3A_545 {offsets = [0], sizes = [1], strides = [1]} : vector<16xi32> to vector<1xi32>
      %squeeze3A_547 = vector.extract %slice3A_546[0] : i32 from vector<1xi32>
      %add3A_548 = arith.addi %add3A_537, %squeeze3A_547 : i32
      %add3A_549 = arith.constant 80 : i32
      %add3A_550 = arith.addi %mul3A_496, %add3A_549 : i32
      %get3A_551 = arith.index_cast %add3A_550 : i32 to index
      %get3A_552 = tpu.vector_load %arg4[%get3A_551] {strides = array<i32>} : memref<32768xf32, #tpu.memory_space<vmem>>, vector<16xf32>,
      %ge3A_553 = arith.cmpf oge, %get3A_552, %bitcast_convert_type3A_149 : vector<16xf32>
      %swap3A_554 = arith.index_cast %add3A_548 : i32 to index
      %swap3A_555 = tpu.vector_load %arg6[%swap3A_554] masked %ge3A_553 {strides = array<i32>} : memref<32784xf32, #tpu.memory_space<vmem>>, vector<16xf32>, vector<16xi1>
      tpu.vector_store %arg6[%swap3A_554], %get3A_552 masked %ge3A_553 {strides = array<i32>} : memref<32784xf32, #tpu.memory_space<vmem>>, vector<16xf32>, vector<16xi1>
      %all_reduce_population_count3A_556 = tpu.all_reduce %ge3A_553 {dim = 0 : i64, kind = #tpu.reduction_kind<sum>} : vector<16xi1> -> vector<16xi32>
      %slice3A_557 = vector.extract_strided_slice %all_reduce_population_count3A_556 {offsets = [0], sizes = [1], strides = [1]} : vector<16xi32> to vector<1xi32>
      %squeeze3A_558 = vector.extract %slice3A_557[0] : i32 from vector<1xi32>
      %add3A_559 = arith.addi %add3A_548, %squeeze3A_558 : i32
      %add3A_560 = arith.constant 96 : i32
      %add3A_561 = arith.addi %mul3A_496, %add3A_560 : i32
      %get3A_562 = arith.index_cast %add3A_561 : i32 to index
      %get3A_563 = tpu.vector_load %arg4[%get3A_562] {strides = array<i32>} : memref<32768xf32, #tpu.memory_space<vmem>>, vector<16xf32>,
      %ge3A_564 = arith.cmpf oge, %get3A_563, %bitcast_convert_type3A_149 : vector<16xf32>
      %swap3A_565 = arith.index_cast %add3A_559 : i32 to index
      %swap3A_566 = tpu.vector_load %arg6[%swap3A_565] masked %ge3A_564 {strides = array<i32>} : memref<32784xf32, #tpu.memory_space<vmem>>, vector<16xf32>, vector<16xi1>
      tpu.vector_store %arg6[%swap3A_565], %get3A_563 masked %ge3A_564 {strides = array<i32>} : memref<32784xf32, #tpu.memory_space<vmem>>, vector<16xf32>, vector<16xi1>
      %all_reduce_population_count3A_567 = tpu.all_reduce %ge3A_564 {dim = 0 : i64, kind = #tpu.reduction_kind<sum>} : vector<16xi1> -> vector<16xi32>
      %slice3A_568 = vector.extract_strided_slice %all_reduce_population_count3A_567 {offsets = [0], sizes = [1], strides = [1]} : vector<16xi32> to vector<1xi32>
      %squeeze3A_569 = vector.extract %slice3A_568[0] : i32 from vector<1xi32>
      %add3A_570 = arith.addi %add3A_559, %squeeze3A_569 : i32
      %add3A_571 = arith.constant 112 : i32
      %add3A_572 = arith.addi %mul3A_496, %add3A_571 : i32
      %get3A_573 = arith.index_cast %add3A_572 : i32 to index
      %get3A_574 = tpu.vector_load %arg4[%get3A_573] {strides = array<i32>} : memref<32768xf32, #tpu.memory_space<vmem>>, vector<16xf32>,
      %ge3A_575 = arith.cmpf oge, %get3A_574, %bitcast_convert_type3A_149 : vector<16xf32>
      %swap3A_576 = arith.index_cast %add3A_570 : i32 to index
      %swap3A_577 = tpu.vector_load %arg6[%swap3A_576] masked %ge3A_575 {strides = array<i32>} : memref<32784xf32, #tpu.memory_space<vmem>>, vector<16xf32>, vector<16xi1>
      tpu.vector_store %arg6[%swap3A_576], %get3A_574 masked %ge3A_575 {strides = array<i32>} : memref<32784xf32, #tpu.memory_space<vmem>>, vector<16xf32>, vector<16xi1>
      %all_reduce_population_count3A_578 = tpu.all_reduce %ge3A_575 {dim = 0 : i64, kind = #tpu.reduction_kind<sum>} : vector<16xi1> -> vector<16xi32>
      %slice3A_579 = vector.extract_strided_slice %all_reduce_population_count3A_578 {offsets = [0], sizes = [1], strides = [1]} : vector<16xi32> to vector<1xi32>
      %squeeze3A_580 = vector.extract %slice3A_579[0] : i32 from vector<1xi32>
      %add3A_581 = arith.addi %add3A_570, %squeeze3A_580 : i32
      scf.yield %add3A_581 : i32
    }
    %while3A_166 = arith.constant 1 : i32
    %while3A_167 = scf.for %while3A_492 = %while3A_163 to %while3A_159 step %while3A_166 iter_args(%while3A_493 = %while3A_165) -> (i32)  : i32 {
      %get3A = arith.index_cast %while3A_492 : i32 to index
      %get3A_494 = memref.load %arg8[%get3A] : memref<257xi32, #tpu.memory_space<smem>>
      %mul3A_495 = arith.constant 128 : i32
      %mul3A_496 = arith.muli %get3A_494, %mul3A_495 : i32
      %add3A_497 = arith.constant 0 : i32
      %add3A_498 = arith.addi %mul3A_496, %add3A_497 : i32
      %get3A_499 = arith.index_cast %add3A_498 : i32 to index
      %get3A_500 = tpu.vector_load %arg4[%get3A_499] {strides = array<i32>} : memref<32768xf32, #tpu.memory_space<vmem>>, vector<16xf32>,
      %ge3A_501 = arith.cmpf oge, %get3A_500, %bitcast_convert_type3A_149 : vector<16xf32>
      %swap3A_502 = arith.index_cast %while3A_493 : i32 to index
      %swap3A_503 = tpu.vector_load %arg6[%swap3A_502] masked %ge3A_501 {strides = array<i32>} : memref<32784xf32, #tpu.memory_space<vmem>>, vector<16xf32>, vector<16xi1>
      tpu.vector_store %arg6[%swap3A_502], %get3A_500 masked %ge3A_501 {strides = array<i32>} : memref<32784xf32, #tpu.memory_space<vmem>>, vector<16xf32>, vector<16xi1>
      %all_reduce_population_count3A = tpu.all_reduce %ge3A_501 {dim = 0 : i64, kind = #tpu.reduction_kind<sum>} : vector<16xi1> -> vector<16xi32>
      %slice3A = vector.extract_strided_slice %all_reduce_population_count3A {offsets = [0], sizes = [1], strides = [1]} : vector<16xi32> to vector<1xi32>
      %squeeze3A = vector.extract %slice3A[0] : i32 from vector<1xi32>
      %add3A_504 = arith.addi %while3A_493, %squeeze3A : i32
      %add3A_505 = arith.constant 16 : i32
      %add3A_506 = arith.addi %mul3A_496, %add3A_505 : i32
      %get3A_507 = arith.index_cast %add3A_506 : i32 to index
      %get3A_508 = tpu.vector_load %arg4[%get3A_507] {strides = array<i32>} : memref<32768xf32, #tpu.memory_space<vmem>>, vector<16xf32>,
      %ge3A_509 = arith.cmpf oge, %get3A_508, %bitcast_convert_type3A_149 : vector<16xf32>
      %swap3A_510 = arith.index_cast %add3A_504 : i32 to index
      %swap3A_511 = tpu.vector_load %arg6[%swap3A_510] masked %ge3A_509 {strides = array<i32>} : memref<32784xf32, #tpu.memory_space<vmem>>, vector<16xf32>, vector<16xi1>
      tpu.vector_store %arg6[%swap3A_510], %get3A_508 masked %ge3A_509 {strides = array<i32>} : memref<32784xf32, #tpu.memory_space<vmem>>, vector<16xf32>, vector<16xi1>
      %all_reduce_population_count3A_512 = tpu.all_reduce %ge3A_509 {dim = 0 : i64, kind = #tpu.reduction_kind<sum>} : vector<16xi1> -> vector<16xi32>
      %slice3A_513 = vector.extract_strided_slice %all_reduce_population_count3A_512 {offsets = [0], sizes = [1], strides = [1]} : vector<16xi32> to vector<1xi32>
      %squeeze3A_514 = vector.extract %slice3A_513[0] : i32 from vector<1xi32>
      %add3A_515 = arith.addi %add3A_504, %squeeze3A_514 : i32
      %add3A_516 = arith.constant 32 : i32
      %add3A_517 = arith.addi %mul3A_496, %add3A_516 : i32
      %get3A_518 = arith.index_cast %add3A_517 : i32 to index
      %get3A_519 = tpu.vector_load %arg4[%get3A_518] {strides = array<i32>} : memref<32768xf32, #tpu.memory_space<vmem>>, vector<16xf32>,
      %ge3A_520 = arith.cmpf oge, %get3A_519, %bitcast_convert_type3A_149 : vector<16xf32>
      %swap3A_521 = arith.index_cast %add3A_515 : i32 to index
      %swap3A_522 = tpu.vector_load %arg6[%swap3A_521] masked %ge3A_520 {strides = array<i32>} : memref<32784xf32, #tpu.memory_space<vmem>>, vector<16xf32>, vector<16xi1>
      tpu.vector_store %arg6[%swap3A_521], %get3A_519 masked %ge3A_520 {strides = array<i32>} : memref<32784xf32, #tpu.memory_space<vmem>>, vector<16xf32>, vector<16xi1>
      %all_reduce_population_count3A_523 = tpu.all_reduce %ge3A_520 {dim = 0 : i64, kind = #tpu.reduction_kind<sum>} : vector<16xi1> -> vector<16xi32>
      %slice3A_524 = vector.extract_strided_slice %all_reduce_population_count3A_523 {offsets = [0], sizes = [1], strides = [1]} : vector<16xi32> to vector<1xi32>
      %squeeze3A_525 = vector.extract %slice3A_524[0] : i32 from vector<1xi32>
      %add3A_526 = arith.addi %add3A_515, %squeeze3A_525 : i32
      %add3A_527 = arith.constant 48 : i32
      %add3A_528 = arith.addi %mul3A_496, %add3A_527 : i32
      %get3A_529 = arith.index_cast %add3A_528 : i32 to index
      %get3A_530 = tpu.vector_load %arg4[%get3A_529] {strides = array<i32>} : memref<32768xf32, #tpu.memory_space<vmem>>, vector<16xf32>,
      %ge3A_531 = arith.cmpf oge, %get3A_530, %bitcast_convert_type3A_149 : vector<16xf32>
      %swap3A_532 = arith.index_cast %add3A_526 : i32 to index
      %swap3A_533 = tpu.vector_load %arg6[%swap3A_532] masked %ge3A_531 {strides = array<i32>} : memref<32784xf32, #tpu.memory_space<vmem>>, vector<16xf32>, vector<16xi1>
      tpu.vector_store %arg6[%swap3A_532], %get3A_530 masked %ge3A_531 {strides = array<i32>} : memref<32784xf32, #tpu.memory_space<vmem>>, vector<16xf32>, vector<16xi1>
      %all_reduce_population_count3A_534 = tpu.all_reduce %ge3A_531 {dim = 0 : i64, kind = #tpu.reduction_kind<sum>} : vector<16xi1> -> vector<16xi32>
      %slice3A_535 = vector.extract_strided_slice %all_reduce_population_count3A_534 {offsets = [0], sizes = [1], strides = [1]} : vector<16xi32> to vector<1xi32>
      %squeeze3A_536 = vector.extract %slice3A_535[0] : i32 from vector<1xi32>
      %add3A_537 = arith.addi %add3A_526, %squeeze3A_536 : i32
      %add3A_538 = arith.constant 64 : i32
      %add3A_539 = arith.addi %mul3A_496, %add3A_538 : i32
      %get3A_540 = arith.index_cast %add3A_539 : i32 to index
      %get3A_541 = tpu.vector_load %arg4[%get3A_540] {strides = array<i32>} : memref<32768xf32, #tpu.memory_space<vmem>>, vector<16xf32>,
      %ge3A_542 = arith.cmpf oge, %get3A_541, %bitcast_convert_type3A_149 : vector<16xf32>
      %swap3A_543 = arith.index_cast %add3A_537 : i32 to index
      %swap3A_544 = tpu.vector_load %arg6[%swap3A_543] masked %ge3A_542 {strides = array<i32>} : memref<32784xf32, #tpu.memory_space<vmem>>, vector<16xf32>, vector<16xi1>
      tpu.vector_store %arg6[%swap3A_543], %get3A_541 masked %ge3A_542 {strides = array<i32>} : memref<32784xf32, #tpu.memory_space<vmem>>, vector<16xf32>, vector<16xi1>
      %all_reduce_population_count3A_545 = tpu.all_reduce %ge3A_542 {dim = 0 : i64, kind = #tpu.reduction_kind<sum>} : vector<16xi1> -> vector<16xi32>
      %slice3A_546 = vector.extract_strided_slice %all_reduce_population_count3A_545 {offsets = [0], sizes = [1], strides = [1]} : vector<16xi32> to vector<1xi32>
      %squeeze3A_547 = vector.extract %slice3A_546[0] : i32 from vector<1xi32>
      %add3A_548 = arith.addi %add3A_537, %squeeze3A_547 : i32
      %add3A_549 = arith.constant 80 : i32
      %add3A_550 = arith.addi %mul3A_496, %add3A_549 : i32
      %get3A_551 = arith.index_cast %add3A_550 : i32 to index
      %get3A_552 = tpu.vector_load %arg4[%get3A_551] {strides = array<i32>} : memref<32768xf32, #tpu.memory_space<vmem>>, vector<16xf32>,
      %ge3A_553 = arith.cmpf oge, %get3A_552, %bitcast_convert_type3A_149 : vector<16xf32>
      %swap3A_554 = arith.index_cast %add3A_548 : i32 to index
      %swap3A_555 = tpu.vector_load %arg6[%swap3A_554] masked %ge3A_553 {strides = array<i32>} : memref<32784xf32, #tpu.memory_space<vmem>>, vector<16xf32>, vector<16xi1>
      tpu.vector_store %arg6[%swap3A_554], %get3A_552 masked %ge3A_553 {strides = array<i32>} : memref<32784xf32, #tpu.memory_space<vmem>>, vector<16xf32>, vector<16xi1>
      %all_reduce_population_count3A_556 = tpu.all_reduce %ge3A_553 {dim = 0 : i64, kind = #tpu.reduction_kind<sum>} : vector<16xi1> -> vector<16xi32>
      %slice3A_557 = vector.extract_strided_slice %all_reduce_population_count3A_556 {offsets = [0], sizes = [1], strides = [1]} : vector<16xi32> to vector<1xi32>
      %squeeze3A_558 = vector.extract %slice3A_557[0] : i32 from vector<1xi32>
      %add3A_559 = arith.addi %add3A_548, %squeeze3A_558 : i32
      %add3A_560 = arith.constant 96 : i32
      %add3A_561 = arith.addi %mul3A_496, %add3A_560 : i32
      %get3A_562 = arith.index_cast %add3A_561 : i32 to index
      %get3A_563 = tpu.vector_load %arg4[%get3A_562] {strides = array<i32>} : memref<32768xf32, #tpu.memory_space<vmem>>, vector<16xf32>,
      %ge3A_564 = arith.cmpf oge, %get3A_563, %bitcast_convert_type3A_149 : vector<16xf32>
      %swap3A_565 = arith.index_cast %add3A_559 : i32 to index
      %swap3A_566 = tpu.vector_load %arg6[%swap3A_565] masked %ge3A_564 {strides = array<i32>} : memref<32784xf32, #tpu.memory_space<vmem>>, vector<16xf32>, vector<16xi1>
      tpu.vector_store %arg6[%swap3A_565], %get3A_563 masked %ge3A_564 {strides = array<i32>} : memref<32784xf32, #tpu.memory_space<vmem>>, vector<16xf32>, vector<16xi1>
      %all_reduce_population_count3A_567 = tpu.all_reduce %ge3A_564 {dim = 0 : i64, kind = #tpu.reduction_kind<sum>} : vector<16xi1> -> vector<16xi32>
      %slice3A_568 = vector.extract_strided_slice %all_reduce_population_count3A_567 {offsets = [0], sizes = [1], strides = [1]} : vector<16xi32> to vector<1xi32>
      %squeeze3A_569 = vector.extract %slice3A_568[0] : i32 from vector<1xi32>
      %add3A_570 = arith.addi %add3A_559, %squeeze3A_569 : i32
      %add3A_571 = arith.constant 112 : i32
      %add3A_572 = arith.addi %mul3A_496, %add3A_571 : i32
      %get3A_573 = arith.index_cast %add3A_572 : i32 to index
      %get3A_574 = tpu.vector_load %arg4[%get3A_573] {strides = array<i32>} : memref<32768xf32, #tpu.memory_space<vmem>>, vector<16xf32>,
      %ge3A_575 = arith.cmpf oge, %get3A_574, %bitcast_convert_type3A_149 : vector<16xf32>
      %swap3A_576 = arith.index_cast %add3A_570 : i32 to index
      %swap3A_577 = tpu.vector_load %arg6[%swap3A_576] masked %ge3A_575 {strides = array<i32>} : memref<32784xf32, #tpu.memory_space<vmem>>, vector<16xf32>, vector<16xi1>
      tpu.vector_store %arg6[%swap3A_576], %get3A_574 masked %ge3A_575 {strides = array<i32>} : memref<32784xf32, #tpu.memory_space<vmem>>, vector<16xf32>, vector<16xi1>
      %all_reduce_population_count3A_578 = tpu.all_reduce %ge3A_575 {dim = 0 : i64, kind = #tpu.reduction_kind<sum>} : vector<16xi1> -> vector<16xi32>
      %slice3A_579 = vector.extract_strided_slice %all_reduce_population_count3A_578 {offsets = [0], sizes = [1], strides = [1]} : vector<16xi32> to vector<1xi32>
      %squeeze3A_580 = vector.extract %slice3A_579[0] : i32 from vector<1xi32>
      %add3A_581 = arith.addi %add3A_570, %squeeze3A_580 : i32
      scf.yield %add3A_581 : i32
    }
    %broadcast_in_dim3A_168 = arith.constant 0xFF800000 : f32
    %broadcast_in_dim3A_169 = vector.broadcast %broadcast_in_dim3A_168 : f32 to vector<16xf32>
    %swap3A = arith.index_cast %while3A_167 : i32 to index
    %swap3A_170 = tpu.vector_load %arg6[%swap3A] {strides = array<i32>} : memref<32784xf32, #tpu.memory_space<vmem>>, vector<16xf32>,
    tpu.vector_store %arg6[%swap3A], %broadcast_in_dim3A_169 {strides = array<i32>} : memref<32784xf32, #tpu.memory_space<vmem>>, vector<16xf32>,
    %add3A_171 = arith.constant 16 : i32
    %add3A_172 = arith.addi %while3A_167, %add3A_171 : i32
    %sub3A = arith.constant 1 : i32
    %sub3A_173 = arith.subi %add3A_172, %sub3A : i32
    %shift_right_arithmetic3A = arith.constant 4 : i32
    %shift_right_arithmetic3A_174 = arith.shrsi %sub3A_173, %shift_right_arithmetic3A : i32
    %while3A_175 = arith.constant 0 : i32
    %while3A_176 = arith.constant 0 : i32
    %while3A_177 = arith.subi %shift_right_arithmetic3A_174, %while3A_176 : i32
    %while3A_178 = arith.addi %while3A_176, %while3A_177 : i32
    %while3A_179 = arith.constant 1 : i32
    %while3A_180 = arith.divsi %while3A_177, %while3A_179 : i32
    %while3A_181 = arith.muli %while3A_180, %while3A_179 : i32
    %while3A_182 = arith.addi %while3A_176, %while3A_181 : i32
    %while3A_183 = arith.constant 1 : i32
    scf.for %while3A_492 = %while3A_176 to %while3A_182 step %while3A_183  : i32 {
      %mul3A_493 = arith.constant 16 : i32
      %mul3A_494 = arith.muli %while3A_492, %mul3A_493 : i32
      %get3A = arith.index_cast %mul3A_494 : i32 to index
      %get3A_495 = tpu.vector_load %arg6[%get3A] {strides = array<i32>} : memref<32784xf32, #tpu.memory_space<vmem>>, vector<16xf32>,
      %bitcast_convert_type3A_496 = tpu.bitcast %get3A_495 : vector<16xf32> -> vector<16xi32>
      %shift_right_logical3A_497 = arith.constant 31 : i32
      %shift_right_logical3A_498 = vector.broadcast %shift_right_logical3A_497 : i32 to vector<16xi32>
      %shift_right_logical3A_499 = arith.shrui %bitcast_convert_type3A_496, %shift_right_logical3A_498 : vector<16xi32>
      %convert_element_type3A_500 = arith.constant 0 : i32
      %convert_element_type3A_501 = vector.broadcast %convert_element_type3A_500 : i32 to vector<16xi32>
      %convert_element_type3A_502 = arith.cmpi ne, %shift_right_logical3A_499, %convert_element_type3A_501 : vector<16xi32>
      %not3A_503 = arith.constant dense<-1> : vector<16xi32>
      %not3A_504 = arith.xori %bitcast_convert_type3A_496, %not3A_503 : vector<16xi32>
      %or3A_505 = arith.constant -2147483648 : i32
      %or3A_506 = vector.broadcast %or3A_505 : i32 to vector<16xi32>
      %or3A_507 = arith.ori %bitcast_convert_type3A_496, %or3A_506 : vector<16xi32>
      %select_n3A_508 = arith.select %convert_element_type3A_502, %not3A_504, %or3A_507 : vector<16xi1>, vector<16xi32>
      %bitcast_convert_type3A_509 = tpu.bitcast %select_n3A_508 : vector<16xi32> -> vector<16xf32>
      %mul3A_510 = arith.constant 16 : i32
      %mul3A_511 = arith.muli %while3A_492, %mul3A_510 : i32
      %swap3A_512 = arith.index_cast %mul3A_511 : i32 to index
      %swap3A_513 = tpu.vector_load %arg6[%swap3A_512] {strides = array<i32>} : memref<32784xf32, #tpu.memory_space<vmem>>, vector<16xf32>,
      tpu.vector_store %arg6[%swap3A_512], %bitcast_convert_type3A_509 {strides = array<i32>} : memref<32784xf32, #tpu.memory_space<vmem>>, vector<16xf32>,
    }
    %while3A_184 = arith.constant 1 : i32
    scf.for %while3A_492 = %while3A_182 to %while3A_178 step %while3A_184  : i32 {
      %mul3A_493 = arith.constant 16 : i32
      %mul3A_494 = arith.muli %while3A_492, %mul3A_493 : i32
      %get3A = arith.index_cast %mul3A_494 : i32 to index
      %get3A_495 = tpu.vector_load %arg6[%get3A] {strides = array<i32>} : memref<32784xf32, #tpu.memory_space<vmem>>, vector<16xf32>,
      %bitcast_convert_type3A_496 = tpu.bitcast %get3A_495 : vector<16xf32> -> vector<16xi32>
      %shift_right_logical3A_497 = arith.constant 31 : i32
      %shift_right_logical3A_498 = vector.broadcast %shift_right_logical3A_497 : i32 to vector<16xi32>
      %shift_right_logical3A_499 = arith.shrui %bitcast_convert_type3A_496, %shift_right_logical3A_498 : vector<16xi32>
      %convert_element_type3A_500 = arith.constant 0 : i32
      %convert_element_type3A_501 = vector.broadcast %convert_element_type3A_500 : i32 to vector<16xi32>
      %convert_element_type3A_502 = arith.cmpi ne, %shift_right_logical3A_499, %convert_element_type3A_501 : vector<16xi32>
      %not3A_503 = arith.constant dense<-1> : vector<16xi32>
      %not3A_504 = arith.xori %bitcast_convert_type3A_496, %not3A_503 : vector<16xi32>
      %or3A_505 = arith.constant -2147483648 : i32
      %or3A_506 = vector.broadcast %or3A_505 : i32 to vector<16xi32>
      %or3A_507 = arith.ori %bitcast_convert_type3A_496, %or3A_506 : vector<16xi32>
      %select_n3A_508 = arith.select %convert_element_type3A_502, %not3A_504, %or3A_507 : vector<16xi1>, vector<16xi32>
      %bitcast_convert_type3A_509 = tpu.bitcast %select_n3A_508 : vector<16xi32> -> vector<16xf32>
      %mul3A_510 = arith.constant 16 : i32
      %mul3A_511 = arith.muli %while3A_492, %mul3A_510 : i32
      %swap3A_512 = arith.index_cast %mul3A_511 : i32 to index
      %swap3A_513 = tpu.vector_load %arg6[%swap3A_512] {strides = array<i32>} : memref<32784xf32, #tpu.memory_space<vmem>>, vector<16xf32>,
      tpu.vector_store %arg6[%swap3A_512], %bitcast_convert_type3A_509 {strides = array<i32>} : memref<32784xf32, #tpu.memory_space<vmem>>, vector<16xf32>,
    }
    %scan3A_185 = arith.constant 0 : i32
    %scan3A_186 = arith.constant 0 : i32
    %scan3A_187 = arith.constant 32 : i32
    %scan3A_188 = arith.addi %scan3A_186, %scan3A_187 : i32
    %scan3A_189 = arith.constant 1 : i32
    %scan3A_190 = scf.for %scan3A_492 = %scan3A_186 to %scan3A_188 step %scan3A_189 iter_args(%scan3A_493 = %scan3A_185) -> (i32)  : i32 {
      %sub3A_494 = arith.constant 31 : i32
      %sub3A_495 = arith.subi %sub3A_494, %scan3A_492 : i32
      %shift_left3A = arith.constant 1 : i32
      %shift_left3A_496 = arith.shli %shift_left3A, %sub3A_495 : i32
      %or3A_497 = arith.ori %scan3A_493, %shift_left3A_496 : i32
      %while3A_498 = arith.constant 0 : i32
      %while3A_499 = arith.constant 0 : i32
      %while3A_500 = arith.subi %shift_right_arithmetic3A_174, %while3A_498 : i32
      %while3A_501 = arith.addi %while3A_498, %while3A_500 : i32
      %while3A_502 = arith.constant 1 : i32
      %while3A_503 = arith.divsi %while3A_500, %while3A_502 : i32
      %while3A_504 = arith.muli %while3A_503, %while3A_502 : i32
      %while3A_505 = arith.addi %while3A_498, %while3A_504 : i32
      %while3A_506 = arith.constant 1 : i32
      %while3A_507 = scf.for %while3A_513 = %while3A_498 to %while3A_505 step %while3A_506 iter_args(%while3A_514 = %while3A_499) -> (i32)  : i32 {
        %mul3A_515 = arith.constant 16 : i32
        %mul3A_516 = arith.muli %while3A_513, %mul3A_515 : i32
        %get3A = arith.index_cast %mul3A_516 : i32 to index
        %get3A_517 = tpu.vector_load %arg6[%get3A] {strides = array<i32>} : memref<32784xf32, #tpu.memory_space<vmem>>, vector<16xf32>,
        %bitcast_convert_type3A_518 = tpu.bitcast %get3A_517 : vector<16xf32> -> vector<16xi32>
        %ge3A_519 = vector.broadcast %or3A_497 : i32 to vector<16xi32>
        %ge3A_520 = arith.cmpi uge, %bitcast_convert_type3A_518, %ge3A_519 : vector<16xi32>
        %all_reduce_population_count3A = tpu.all_reduce %ge3A_520 {dim = 0 : i64, kind = #tpu.reduction_kind<sum>} : vector<16xi1> -> vector<16xi32>
        %slice3A = vector.extract_strided_slice %all_reduce_population_count3A {offsets = [0], sizes = [1], strides = [1]} : vector<16xi32> to vector<1xi32>
        %squeeze3A = vector.extract %slice3A[0] : i32 from vector<1xi32>
        %add3A_521 = arith.addi %while3A_514, %squeeze3A : i32
        scf.yield %add3A_521 : i32
      }
      %while3A_508 = arith.constant 1 : i32
      %while3A_509 = scf.for %while3A_513 = %while3A_505 to %while3A_501 step %while3A_508 iter_args(%while3A_514 = %while3A_507) -> (i32)  : i32 {
        %mul3A_515 = arith.constant 16 : i32
        %mul3A_516 = arith.muli %while3A_513, %mul3A_515 : i32
        %get3A = arith.index_cast %mul3A_516 : i32 to index
        %get3A_517 = tpu.vector_load %arg6[%get3A] {strides = array<i32>} : memref<32784xf32, #tpu.memory_space<vmem>>, vector<16xf32>,
        %bitcast_convert_type3A_518 = tpu.bitcast %get3A_517 : vector<16xf32> -> vector<16xi32>
        %ge3A_519 = vector.broadcast %or3A_497 : i32 to vector<16xi32>
        %ge3A_520 = arith.cmpi uge, %bitcast_convert_type3A_518, %ge3A_519 : vector<16xi32>
        %all_reduce_population_count3A = tpu.all_reduce %ge3A_520 {dim = 0 : i64, kind = #tpu.reduction_kind<sum>} : vector<16xi1> -> vector<16xi32>
        %slice3A = vector.extract_strided_slice %all_reduce_population_count3A {offsets = [0], sizes = [1], strides = [1]} : vector<16xi32> to vector<1xi32>
        %squeeze3A = vector.extract %slice3A[0] : i32 from vector<1xi32>
        %add3A_521 = arith.addi %while3A_514, %squeeze3A : i32
        scf.yield %add3A_521 : i32
      }
      %ge3A_510 = arith.constant 32 : i32
      %ge3A_511 = arith.cmpi sge, %while3A_509, %ge3A_510 : i32
      %select_n3A_512 = arith.select %ge3A_511, %or3A_497, %scan3A_493 : i32
      scf.yield %select_n3A_512 : i32
    }
    %scan3A_191 = arith.constant 32 : i32
    %while3A_192 = arith.constant 0 : i32
    %while3A_193 = arith.constant 0 : i32
    %while3A_194 = arith.constant 0 : i32
    %while3A_195 = arith.subi %shift_right_arithmetic3A_174, %while3A_192 : i32
    %while3A_196 = arith.addi %while3A_192, %while3A_195 : i32
    %while3A_197 = arith.constant 1 : i32
    %while3A_198 = arith.divsi %while3A_195, %while3A_197 : i32
    %while3A_199 = arith.muli %while3A_198, %while3A_197 : i32
    %while3A_200 = arith.addi %while3A_192, %while3A_199 : i32
    %while3A_201 = arith.constant 1 : i32
    %while3A_202:2 = scf.for %while3A_492 = %while3A_192 to %while3A_200 step %while3A_201 iter_args(%while3A_493 = %while3A_193, %while3A_494 = %while3A_194) -> (i32, i32)  : i32 {
      %mul3A_495 = arith.constant 16 : i32
      %mul3A_496 = arith.muli %while3A_492, %mul3A_495 : i32
      %get3A = arith.index_cast %mul3A_496 : i32 to index
      %get3A_497 = tpu.vector_load %arg6[%get3A] {strides = array<i32>} : memref<32784xf32, #tpu.memory_space<vmem>>, vector<16xf32>,
      %bitcast_convert_type3A_498 = tpu.bitcast %get3A_497 : vector<16xf32> -> vector<16xi32>
      %ge3A_499 = vector.broadcast %scan3A_190 : i32 to vector<16xi32>
      %ge3A_500 = arith.cmpi uge, %bitcast_convert_type3A_498, %ge3A_499 : vector<16xi32>
      %all_reduce_population_count3A = tpu.all_reduce %ge3A_500 {dim = 0 : i64, kind = #tpu.reduction_kind<sum>} : vector<16xi1> -> vector<16xi32>
      %slice3A = vector.extract_strided_slice %all_reduce_population_count3A {offsets = [0], sizes = [1], strides = [1]} : vector<16xi32> to vector<1xi32>
      %squeeze3A = vector.extract %slice3A[0] : i32 from vector<1xi32>
      %add3A_501 = arith.addi %while3A_493, %squeeze3A : i32
      %gt3A_502 = vector.broadcast %scan3A_190 : i32 to vector<16xi32>
      %gt3A_503 = arith.cmpi ugt, %bitcast_convert_type3A_498, %gt3A_502 : vector<16xi32>
      %all_reduce_population_count3A_504 = tpu.all_reduce %gt3A_503 {dim = 0 : i64, kind = #tpu.reduction_kind<sum>} : vector<16xi1> -> vector<16xi32>
      %slice3A_505 = vector.extract_strided_slice %all_reduce_population_count3A_504 {offsets = [0], sizes = [1], strides = [1]} : vector<16xi32> to vector<1xi32>
      %squeeze3A_506 = vector.extract %slice3A_505[0] : i32 from vector<1xi32>
      %add3A_507 = arith.addi %while3A_494, %squeeze3A_506 : i32
      scf.yield %add3A_501, %add3A_507 : i32, i32
    }
    %while3A_203 = arith.constant 1 : i32
    %while3A_204:2 = scf.for %while3A_492 = %while3A_200 to %while3A_196 step %while3A_203 iter_args(%while3A_493 = %while3A_202#0, %while3A_494 = %while3A_202#1) -> (i32, i32)  : i32 {
      %mul3A_495 = arith.constant 16 : i32
      %mul3A_496 = arith.muli %while3A_492, %mul3A_495 : i32
      %get3A = arith.index_cast %mul3A_496 : i32 to index
      %get3A_497 = tpu.vector_load %arg6[%get3A] {strides = array<i32>} : memref<32784xf32, #tpu.memory_space<vmem>>, vector<16xf32>,
      %bitcast_convert_type3A_498 = tpu.bitcast %get3A_497 : vector<16xf32> -> vector<16xi32>
      %ge3A_499 = vector.broadcast %scan3A_190 : i32 to vector<16xi32>
      %ge3A_500 = arith.cmpi uge, %bitcast_convert_type3A_498, %ge3A_499 : vector<16xi32>
      %all_reduce_population_count3A = tpu.all_reduce %ge3A_500 {dim = 0 : i64, kind = #tpu.reduction_kind<sum>} : vector<16xi1> -> vector<16xi32>
      %slice3A = vector.extract_strided_slice %all_reduce_population_count3A {offsets = [0], sizes = [1], strides = [1]} : vector<16xi32> to vector<1xi32>
      %squeeze3A = vector.extract %slice3A[0] : i32 from vector<1xi32>
      %add3A_501 = arith.addi %while3A_493, %squeeze3A : i32
      %gt3A_502 = vector.broadcast %scan3A_190 : i32 to vector<16xi32>
      %gt3A_503 = arith.cmpi ugt, %bitcast_convert_type3A_498, %gt3A_502 : vector<16xi32>
      %all_reduce_population_count3A_504 = tpu.all_reduce %gt3A_503 {dim = 0 : i64, kind = #tpu.reduction_kind<sum>} : vector<16xi1> -> vector<16xi32>
      %slice3A_505 = vector.extract_strided_slice %all_reduce_population_count3A_504 {offsets = [0], sizes = [1], strides = [1]} : vector<16xi32> to vector<1xi32>
      %squeeze3A_506 = vector.extract %slice3A_505[0] : i32 from vector<1xi32>
      %add3A_507 = arith.addi %while3A_494, %squeeze3A_506 : i32
      scf.yield %add3A_501, %add3A_507 : i32, i32
    }
    %sub3A_205 = arith.constant 32 : i32
    %sub3A_206 = arith.subi %sub3A_205, %while3A_204#1 : i32
    %ge3A_207 = arith.constant -2147483648 : i32
    %ge3A_208 = arith.cmpi uge, %scan3A_190, %ge3A_207 : i32
    %xor3A_209 = arith.constant -2147483648 : i32
    %xor3A_210 = arith.xori %scan3A_190, %xor3A_209 : i32
    %not3A_211 = arith.constant -1 : i32
    %not3A_212 = arith.xori %scan3A_190, %not3A_211 : i32
    %select_n3A_213 = arith.select %ge3A_208, %xor3A_210, %not3A_212 : i32
    %broadcast_in_dim3A_214 = vector.broadcast %select_n3A_213 : i32 to vector<16xi32>
    %bitcast_convert_type3A_215 = tpu.bitcast %broadcast_in_dim3A_214 : vector<16xi32> -> vector<16xf32>
    %gt3A = arith.constant 32 : i32
    %gt3A_216 = arith.cmpi sgt, %while3A_204#0, %gt3A : i32
    %convert_element_type3A_217 = arith.extui %gt3A_216 : i1 to i32
    %cond3A = arith.constant 0 : i32
    %cond3A_218 = arith.constant 0 : i32
    %cond3A_219 = arith.cmpi ne, %convert_element_type3A_217, %cond3A_218 : i32
    %cond3A_220 = scf.if %cond3A_219 -> (i32) {
      %scan3A_492 = arith.constant 0 : i32
      %scan3A_493 = arith.constant 0 : i32
      %scan3A_494 = arith.constant 2048 : i32
      %scan3A_495 = arith.addi %scan3A_493, %scan3A_494 : i32
      %scan3A_496 = arith.constant 1 : i32
      %scan3A_497 = scf.for %scan3A_499 = %scan3A_493 to %scan3A_495 step %scan3A_496 iter_args(%scan3A_500 = %scan3A_492) -> (i32)  : i32 {
        %mul3A_501 = arith.constant 16 : i32
        %mul3A_502 = arith.muli %scan3A_499, %mul3A_501 : i32
        %get3A = arith.index_cast %mul3A_502 : i32 to index
        %get3A_503 = tpu.vector_load %arg4[%get3A] {strides = array<i32>} : memref<32768xf32, #tpu.memory_space<vmem>>, vector<16xf32>,
        %gt3A_504 = arith.cmpf ogt, %get3A_503, %bitcast_convert_type3A_215 : vector<16xf32>
        %eq3A = arith.cmpf oeq, %get3A_503, %bitcast_convert_type3A_215 : vector<16xf32>
        %convert_element_type3A_505 = arith.extui %eq3A : vector<16xi1> to vector<16xi32>
        %cumsum3A = arith.constant true
        %cumsum3A_506 = vector.broadcast %cumsum3A : i1 to vector<16xi1>
        %cumsum3A_507 = tpu.scan <sum>, %convert_element_type3A_505 masked %cumsum3A_506 : vector<16xi32>, vector<16xi1> -> vector<16xi32>
        %sub3A_508 = arith.subi %cumsum3A_507, %convert_element_type3A_505 : vector<16xi32>
        %add3A_509 = vector.broadcast %scan3A_500 : i32 to vector<16xi32>
        %add3A_510 = arith.addi %sub3A_508, %add3A_509 : vector<16xi32>
        %lt3A = vector.broadcast %sub3A_206 : i32 to vector<16xi32>
        %lt3A_511 = arith.cmpi slt, %add3A_510, %lt3A : vector<16xi32>
        %and3A = arith.andi %eq3A, %lt3A_511 : vector<16xi1>
        %or3A_512 = arith.ori %gt3A_504, %and3A : vector<16xi1>
        %jit3A = arith.constant 0.000000e+00 : f32
        %broadcast_in_dim3A_513 = vector.broadcast %jit3A : f32 to vector<16xf32>
        %select_n3A_514 = arith.select %or3A_512, %get3A_503, %broadcast_in_dim3A_513 : vector<16xi1>, vector<16xf32>
        %swap3A_515 = arith.index_cast %mul3A_502 : i32 to index
        %swap3A_516 = tpu.vector_load %arg4[%swap3A_515] {strides = array<i32>} : memref<32768xf32, #tpu.memory_space<vmem>>, vector<16xf32>,
        tpu.vector_store %arg4[%swap3A_515], %select_n3A_514 {strides = array<i32>} : memref<32768xf32, #tpu.memory_space<vmem>>, vector<16xf32>,
        %reduce_sum3A = arith.constant true
        %reduce_sum3A_517 = vector.broadcast %reduce_sum3A : i1 to vector<16xi1>
        %reduce_sum3A_518 = tpu.scan <sum>, %convert_element_type3A_505 masked %reduce_sum3A_517 : vector<16xi32>, vector<16xi1> -> vector<16xi32>
        %reduce_sum3A_519 = vector.extract %reduce_sum3A_518[15] : i32 from vector<16xi32>
        %add3A_520 = arith.addi %scan3A_500, %reduce_sum3A_519 : i32
        scf.yield %add3A_520 : i32
      }
      %scan3A_498 = arith.constant 2048 : i32
      scf.yield %scan3A_497 : i32
    } else {
      %parallel_loop3A_492 = arith.constant 0 : i32
      %parallel_loop3A_493 = arith.constant 2048 : i32
      %parallel_loop3A_494 = arith.constant 1 : i32
      scf.for %parallel_loop3A_496 = %parallel_loop3A_492 to %parallel_loop3A_493 step %parallel_loop3A_494  : i32 {
        %parallel_loop3A_497 = arith.constant 16 : i32
        %parallel_loop3A_498 = arith.muli %parallel_loop3A_496, %parallel_loop3A_497 : i32
        %parallel_loop3A_499 = arith.index_cast %parallel_loop3A_498 : i32 to index
        %parallel_loop3A_500 = tpu.vector_load %arg4[%parallel_loop3A_499] {strides = array<i32>} : memref<32768xf32, #tpu.memory_space<vmem>>, vector<16xf32>,
        %parallel_loop3A_501 = arith.cmpf oge, %parallel_loop3A_500, %bitcast_convert_type3A_215 : vector<16xf32>
        %parallel_loop3A_502 = arith.constant 0.000000e+00 : f32
        %parallel_loop3A_503 = vector.broadcast %parallel_loop3A_502 : f32 to vector<16xf32>
        %parallel_loop3A_504 = arith.select %parallel_loop3A_501, %parallel_loop3A_500, %parallel_loop3A_503 : vector<16xi1>, vector<16xf32>
        %parallel_loop3A_505 = arith.index_cast %parallel_loop3A_498 : i32 to index
        %parallel_loop3A_506 = tpu.vector_load %arg4[%parallel_loop3A_505] {strides = array<i32>} : memref<32768xf32, #tpu.memory_space<vmem>>, vector<16xf32>,
        tpu.vector_store %arg4[%parallel_loop3A_505], %parallel_loop3A_504 {strides = array<i32>} : memref<32768xf32, #tpu.memory_space<vmem>>, vector<16xf32>,
      } {sc.loop_unroll_factor = 8 : i64, sc.parallel_access}
      %cond3A_495 = arith.constant 0 : i32
      scf.yield %cond3A_495 : i32
    }
    %dma_start3A_221 = arith.constant 0 : i32
    %dma_start3A_222 = tpu.memref_slice %arg3[%mul3A_2, %dma_start3A_221] : memref<1024x32768xf32, #tpu.memory_space<hbm>> -> memref<1x32768xf32, #tpu.memory_space<hbm>>
    %dma_start3A_223 = tpu.memref_squeeze %dma_start3A_222 : memref<1x32768xf32, #tpu.memory_space<hbm>> -> memref<32768xf32, #tpu.memory_space<hbm>>
    %dma_start3A_224 = arith.constant 0 : i32
    %dma_start3A_225 = tpu.memref_slice %arg3[%mul3A_2, %dma_start3A_224] : memref<1024x32768xf32, #tpu.memory_space<hbm>> -> memref<1x32768xf32, #tpu.memory_space<hbm>>
    %dma_start3A_226 = tpu.memref_squeeze %dma_start3A_225 : memref<1x32768xf32, #tpu.memory_space<hbm>> -> memref<32768xf32, #tpu.memory_space<hbm>>
    tpu.enqueue_dma source(%arg4 : memref<32768xf32, #tpu.memory_space<vmem>>) target(%dma_start3A_226 : memref<32768xf32, #tpu.memory_space<hbm>>) target_semaphore(%arg11 : memref<!tpu.dma_semaphore, #tpu.memory_space<semaphore_mem>>)
    %add3A_227 = arith.constant 1 : i32
    %add3A_228 = arith.addi %mul3A_2, %add3A_227 : i32
    %dma_wait3A_229 = arith.constant 0 : i32
    %dma_wait3A_230 = tpu.memref_slice %arg2[%add3A_228, %dma_wait3A_229] : memref<1024x32768xf32, #tpu.memory_space<hbm>> -> memref<1x32768xf32, #tpu.memory_space<hbm>>
    %dma_wait3A_231 = tpu.memref_squeeze %dma_wait3A_230 : memref<1x32768xf32, #tpu.memory_space<hbm>> -> memref<32768xf32, #tpu.memory_space<hbm>>
    %dma_wait3A_232 = arith.constant 0 : i32
    %dma_wait3A_233 = tpu.memref_slice %arg2[%add3A_228, %dma_wait3A_232] : memref<1024x32768xf32, #tpu.memory_space<hbm>> -> memref<1x32768xf32, #tpu.memory_space<hbm>>
    %dma_wait3A_234 = tpu.memref_squeeze %dma_wait3A_233 : memref<1x32768xf32, #tpu.memory_space<hbm>> -> memref<32768xf32, #tpu.memory_space<hbm>>
    tpu.wait_dma2 semaphore(%arg10 : memref<!tpu.dma_semaphore, #tpu.memory_space<semaphore_mem>>) src(%dma_wait3A_234 : memref<32768xf32, #tpu.memory_space<hbm>>) dst(%arg5 : memref<32768xf32, #tpu.memory_space<vmem>>)
    %broadcast_in_dim3A_235 = arith.constant 0xFF800000 : f32
    %broadcast_in_dim3A_236 = vector.broadcast %broadcast_in_dim3A_235 : f32 to vector<16xf32>
    %broadcast_in_dim3A_237 = arith.constant 0xFF800000 : f32
    %broadcast_in_dim3A_238 = vector.broadcast %broadcast_in_dim3A_237 : f32 to vector<16xf32>
    %broadcast_in_dim3A_239 = arith.constant 0xFF800000 : f32
    %broadcast_in_dim3A_240 = vector.broadcast %broadcast_in_dim3A_239 : f32 to vector<16xf32>
    %broadcast_in_dim3A_241 = arith.constant 0xFF800000 : f32
    %broadcast_in_dim3A_242 = vector.broadcast %broadcast_in_dim3A_241 : f32 to vector<16xf32>
    %broadcast_in_dim3A_243 = arith.constant 0xFF800000 : f32
    %broadcast_in_dim3A_244 = vector.broadcast %broadcast_in_dim3A_243 : f32 to vector<16xf32>
    %broadcast_in_dim3A_245 = arith.constant 0xFF800000 : f32
    %broadcast_in_dim3A_246 = vector.broadcast %broadcast_in_dim3A_245 : f32 to vector<16xf32>
    %broadcast_in_dim3A_247 = arith.constant 0xFF800000 : f32
    %broadcast_in_dim3A_248 = vector.broadcast %broadcast_in_dim3A_247 : f32 to vector<16xf32>
    %broadcast_in_dim3A_249 = arith.constant 0xFF800000 : f32
    %broadcast_in_dim3A_250 = vector.broadcast %broadcast_in_dim3A_249 : f32 to vector<16xf32>
    %parallel_loop3A_251 = arith.constant 0 : i32
    %parallel_loop3A_252 = arith.constant 256 : i32
    %parallel_loop3A_253 = arith.constant 1 : i32
    %parallel_loop3A_254:8 = scf.for %parallel_loop3A_492 = %parallel_loop3A_251 to %parallel_loop3A_252 step %parallel_loop3A_253 iter_args(%parallel_loop3A_493 = %broadcast_in_dim3A_236, %parallel_loop3A_494 = %broadcast_in_dim3A_238, %parallel_loop3A_495 = %broadcast_in_dim3A_240, %parallel_loop3A_496 = %broadcast_in_dim3A_242, %parallel_loop3A_497 = %broadcast_in_dim3A_244, %parallel_loop3A_498 = %broadcast_in_dim3A_246, %parallel_loop3A_499 = %broadcast_in_dim3A_248, %parallel_loop3A_500 = %broadcast_in_dim3A_250) -> (vector<16xf32>, vector<16xf32>, vector<16xf32>, vector<16xf32>, vector<16xf32>, vector<16xf32>, vector<16xf32>, vector<16xf32>)  : i32 {
      %parallel_loop3A_501 = arith.constant 128 : i32
      %parallel_loop3A_502 = arith.muli %parallel_loop3A_492, %parallel_loop3A_501 : i32
      %parallel_loop3A_503 = arith.constant 0 : i32
      %parallel_loop3A_504 = arith.addi %parallel_loop3A_502, %parallel_loop3A_503 : i32
      %parallel_loop3A_505 = arith.index_cast %parallel_loop3A_504 : i32 to index
      %parallel_loop3A_506 = tpu.vector_load %arg5[%parallel_loop3A_505] {strides = array<i32>} : memref<32768xf32, #tpu.memory_space<vmem>>, vector<16xf32>,
      %parallel_loop3A_507 = arith.constant 16 : i32
      %parallel_loop3A_508 = arith.addi %parallel_loop3A_502, %parallel_loop3A_507 : i32
      %parallel_loop3A_509 = arith.index_cast %parallel_loop3A_508 : i32 to index
      %parallel_loop3A_510 = tpu.vector_load %arg5[%parallel_loop3A_509] {strides = array<i32>} : memref<32768xf32, #tpu.memory_space<vmem>>, vector<16xf32>,
      %parallel_loop3A_511 = arith.constant 32 : i32
      %parallel_loop3A_512 = arith.addi %parallel_loop3A_502, %parallel_loop3A_511 : i32
      %parallel_loop3A_513 = arith.index_cast %parallel_loop3A_512 : i32 to index
      %parallel_loop3A_514 = tpu.vector_load %arg5[%parallel_loop3A_513] {strides = array<i32>} : memref<32768xf32, #tpu.memory_space<vmem>>, vector<16xf32>,
      %parallel_loop3A_515 = arith.constant 48 : i32
      %parallel_loop3A_516 = arith.addi %parallel_loop3A_502, %parallel_loop3A_515 : i32
      %parallel_loop3A_517 = arith.index_cast %parallel_loop3A_516 : i32 to index
      %parallel_loop3A_518 = tpu.vector_load %arg5[%parallel_loop3A_517] {strides = array<i32>} : memref<32768xf32, #tpu.memory_space<vmem>>, vector<16xf32>,
      %parallel_loop3A_519 = arith.constant 64 : i32
      %parallel_loop3A_520 = arith.addi %parallel_loop3A_502, %parallel_loop3A_519 : i32
      %parallel_loop3A_521 = arith.index_cast %parallel_loop3A_520 : i32 to index
      %parallel_loop3A_522 = tpu.vector_load %arg5[%parallel_loop3A_521] {strides = array<i32>} : memref<32768xf32, #tpu.memory_space<vmem>>, vector<16xf32>,
      %parallel_loop3A_523 = arith.constant 80 : i32
      %parallel_loop3A_524 = arith.addi %parallel_loop3A_502, %parallel_loop3A_523 : i32
      %parallel_loop3A_525 = arith.index_cast %parallel_loop3A_524 : i32 to index
      %parallel_loop3A_526 = tpu.vector_load %arg5[%parallel_loop3A_525] {strides = array<i32>} : memref<32768xf32, #tpu.memory_space<vmem>>, vector<16xf32>,
      %parallel_loop3A_527 = arith.constant 96 : i32
      %parallel_loop3A_528 = arith.addi %parallel_loop3A_502, %parallel_loop3A_527 : i32
      %parallel_loop3A_529 = arith.index_cast %parallel_loop3A_528 : i32 to index
      %parallel_loop3A_530 = tpu.vector_load %arg5[%parallel_loop3A_529] {strides = array<i32>} : memref<32768xf32, #tpu.memory_space<vmem>>, vector<16xf32>,
      %parallel_loop3A_531 = arith.constant 112 : i32
      %parallel_loop3A_532 = arith.addi %parallel_loop3A_502, %parallel_loop3A_531 : i32
      %parallel_loop3A_533 = arith.index_cast %parallel_loop3A_532 : i32 to index
      %parallel_loop3A_534 = tpu.vector_load %arg5[%parallel_loop3A_533] {strides = array<i32>} : memref<32768xf32, #tpu.memory_space<vmem>>, vector<16xf32>,
      %parallel_loop3A_535 = arith.maximumf %parallel_loop3A_493, %parallel_loop3A_506 : vector<16xf32>
      %parallel_loop3A_536 = arith.maximumf %parallel_loop3A_494, %parallel_loop3A_510 : vector<16xf32>
      %parallel_loop3A_537 = arith.maximumf %parallel_loop3A_495, %parallel_loop3A_514 : vector<16xf32>
      %parallel_loop3A_538 = arith.maximumf %parallel_loop3A_496, %parallel_loop3A_518 : vector<16xf32>
      %parallel_loop3A_539 = arith.maximumf %parallel_loop3A_497, %parallel_loop3A_522 : vector<16xf32>
      %parallel_loop3A_540 = arith.maximumf %parallel_loop3A_498, %parallel_loop3A_526 : vector<16xf32>
      %parallel_loop3A_541 = arith.maximumf %parallel_loop3A_499, %parallel_loop3A_530 : vector<16xf32>
      %parallel_loop3A_542 = arith.maximumf %parallel_loop3A_500, %parallel_loop3A_534 : vector<16xf32>
      %parallel_loop3A_543 = arith.maximumf %parallel_loop3A_506, %parallel_loop3A_510 : vector<16xf32>
      %parallel_loop3A_544 = arith.maximumf %parallel_loop3A_543, %parallel_loop3A_514 : vector<16xf32>
      %parallel_loop3A_545 = arith.maximumf %parallel_loop3A_544, %parallel_loop3A_518 : vector<16xf32>
      %parallel_loop3A_546 = arith.maximumf %parallel_loop3A_545, %parallel_loop3A_522 : vector<16xf32>
      %parallel_loop3A_547 = arith.maximumf %parallel_loop3A_546, %parallel_loop3A_526 : vector<16xf32>
      %parallel_loop3A_548 = arith.maximumf %parallel_loop3A_547, %parallel_loop3A_530 : vector<16xf32>
      %parallel_loop3A_549 = arith.maximumf %parallel_loop3A_548, %parallel_loop3A_534 : vector<16xf32>
      %parallel_loop3A_550 = arith.constant 16 : i32
      %parallel_loop3A_551 = arith.muli %parallel_loop3A_492, %parallel_loop3A_550 : i32
      %parallel_loop3A_552 = arith.index_cast %parallel_loop3A_551 : i32 to index
      %parallel_loop3A_553 = tpu.vector_load %arg7[%parallel_loop3A_552] {strides = array<i32>} : memref<4096xf32, #tpu.memory_space<vmem>>, vector<16xf32>,
      tpu.vector_store %arg7[%parallel_loop3A_552], %parallel_loop3A_549 {strides = array<i32>} : memref<4096xf32, #tpu.memory_space<vmem>>, vector<16xf32>,
      scf.yield %parallel_loop3A_535, %parallel_loop3A_536, %parallel_loop3A_537, %parallel_loop3A_538, %parallel_loop3A_539, %parallel_loop3A_540, %parallel_loop3A_541, %parallel_loop3A_542 : vector<16xf32>, vector<16xf32>, vector<16xf32>, vector<16xf32>, vector<16xf32>, vector<16xf32>, vector<16xf32>, vector<16xf32>
    } {sc.loop_unroll_factor = 1 : i64, sc.parallel_access}
    %bitcast_convert_type3A_255 = tpu.bitcast %parallel_loop3A_254#0 : vector<16xf32> -> vector<16xi32>
    %shift_right_logical3A_256 = arith.constant 31 : i32
    %shift_right_logical3A_257 = vector.broadcast %shift_right_logical3A_256 : i32 to vector<16xi32>
    %shift_right_logical3A_258 = arith.shrui %bitcast_convert_type3A_255, %shift_right_logical3A_257 : vector<16xi32>
    %convert_element_type3A_259 = arith.constant 0 : i32
    %convert_element_type3A_260 = vector.broadcast %convert_element_type3A_259 : i32 to vector<16xi32>
    %convert_element_type3A_261 = arith.cmpi ne, %shift_right_logical3A_258, %convert_element_type3A_260 : vector<16xi32>
    %not3A_262 = arith.constant dense<-1> : vector<16xi32>
    %not3A_263 = arith.xori %bitcast_convert_type3A_255, %not3A_262 : vector<16xi32>
    %or3A_264 = arith.constant -2147483648 : i32
    %or3A_265 = vector.broadcast %or3A_264 : i32 to vector<16xi32>
    %or3A_266 = arith.ori %bitcast_convert_type3A_255, %or3A_265 : vector<16xi32>
    %select_n3A_267 = arith.select %convert_element_type3A_261, %not3A_263, %or3A_266 : vector<16xi1>, vector<16xi32>
    %bitcast_convert_type3A_268 = tpu.bitcast %parallel_loop3A_254#1 : vector<16xf32> -> vector<16xi32>
    %shift_right_logical3A_269 = arith.constant 31 : i32
    %shift_right_logical3A_270 = vector.broadcast %shift_right_logical3A_269 : i32 to vector<16xi32>
    %shift_right_logical3A_271 = arith.shrui %bitcast_convert_type3A_268, %shift_right_logical3A_270 : vector<16xi32>
    %convert_element_type3A_272 = arith.constant 0 : i32
    %convert_element_type3A_273 = vector.broadcast %convert_element_type3A_272 : i32 to vector<16xi32>
    %convert_element_type3A_274 = arith.cmpi ne, %shift_right_logical3A_271, %convert_element_type3A_273 : vector<16xi32>
    %not3A_275 = arith.constant dense<-1> : vector<16xi32>
    %not3A_276 = arith.xori %bitcast_convert_type3A_268, %not3A_275 : vector<16xi32>
    %or3A_277 = arith.constant -2147483648 : i32
    %or3A_278 = vector.broadcast %or3A_277 : i32 to vector<16xi32>
    %or3A_279 = arith.ori %bitcast_convert_type3A_268, %or3A_278 : vector<16xi32>
    %select_n3A_280 = arith.select %convert_element_type3A_274, %not3A_276, %or3A_279 : vector<16xi1>, vector<16xi32>
    %bitcast_convert_type3A_281 = tpu.bitcast %parallel_loop3A_254#2 : vector<16xf32> -> vector<16xi32>
    %shift_right_logical3A_282 = arith.constant 31 : i32
    %shift_right_logical3A_283 = vector.broadcast %shift_right_logical3A_282 : i32 to vector<16xi32>
    %shift_right_logical3A_284 = arith.shrui %bitcast_convert_type3A_281, %shift_right_logical3A_283 : vector<16xi32>
    %convert_element_type3A_285 = arith.constant 0 : i32
    %convert_element_type3A_286 = vector.broadcast %convert_element_type3A_285 : i32 to vector<16xi32>
    %convert_element_type3A_287 = arith.cmpi ne, %shift_right_logical3A_284, %convert_element_type3A_286 : vector<16xi32>
    %not3A_288 = arith.constant dense<-1> : vector<16xi32>
    %not3A_289 = arith.xori %bitcast_convert_type3A_281, %not3A_288 : vector<16xi32>
    %or3A_290 = arith.constant -2147483648 : i32
    %or3A_291 = vector.broadcast %or3A_290 : i32 to vector<16xi32>
    %or3A_292 = arith.ori %bitcast_convert_type3A_281, %or3A_291 : vector<16xi32>
    %select_n3A_293 = arith.select %convert_element_type3A_287, %not3A_289, %or3A_292 : vector<16xi1>, vector<16xi32>
    %bitcast_convert_type3A_294 = tpu.bitcast %parallel_loop3A_254#3 : vector<16xf32> -> vector<16xi32>
    %shift_right_logical3A_295 = arith.constant 31 : i32
    %shift_right_logical3A_296 = vector.broadcast %shift_right_logical3A_295 : i32 to vector<16xi32>
    %shift_right_logical3A_297 = arith.shrui %bitcast_convert_type3A_294, %shift_right_logical3A_296 : vector<16xi32>
    %convert_element_type3A_298 = arith.constant 0 : i32
    %convert_element_type3A_299 = vector.broadcast %convert_element_type3A_298 : i32 to vector<16xi32>
    %convert_element_type3A_300 = arith.cmpi ne, %shift_right_logical3A_297, %convert_element_type3A_299 : vector<16xi32>
    %not3A_301 = arith.constant dense<-1> : vector<16xi32>
    %not3A_302 = arith.xori %bitcast_convert_type3A_294, %not3A_301 : vector<16xi32>
    %or3A_303 = arith.constant -2147483648 : i32
    %or3A_304 = vector.broadcast %or3A_303 : i32 to vector<16xi32>
    %or3A_305 = arith.ori %bitcast_convert_type3A_294, %or3A_304 : vector<16xi32>
    %select_n3A_306 = arith.select %convert_element_type3A_300, %not3A_302, %or3A_305 : vector<16xi1>, vector<16xi32>
    %bitcast_convert_type3A_307 = tpu.bitcast %parallel_loop3A_254#4 : vector<16xf32> -> vector<16xi32>
    %shift_right_logical3A_308 = arith.constant 31 : i32
    %shift_right_logical3A_309 = vector.broadcast %shift_right_logical3A_308 : i32 to vector<16xi32>
    %shift_right_logical3A_310 = arith.shrui %bitcast_convert_type3A_307, %shift_right_logical3A_309 : vector<16xi32>
    %convert_element_type3A_311 = arith.constant 0 : i32
    %convert_element_type3A_312 = vector.broadcast %convert_element_type3A_311 : i32 to vector<16xi32>
    %convert_element_type3A_313 = arith.cmpi ne, %shift_right_logical3A_310, %convert_element_type3A_312 : vector<16xi32>
    %not3A_314 = arith.constant dense<-1> : vector<16xi32>
    %not3A_315 = arith.xori %bitcast_convert_type3A_307, %not3A_314 : vector<16xi32>
    %or3A_316 = arith.constant -2147483648 : i32
    %or3A_317 = vector.broadcast %or3A_316 : i32 to vector<16xi32>
    %or3A_318 = arith.ori %bitcast_convert_type3A_307, %or3A_317 : vector<16xi32>
    %select_n3A_319 = arith.select %convert_element_type3A_313, %not3A_315, %or3A_318 : vector<16xi1>, vector<16xi32>
    %bitcast_convert_type3A_320 = tpu.bitcast %parallel_loop3A_254#5 : vector<16xf32> -> vector<16xi32>
    %shift_right_logical3A_321 = arith.constant 31 : i32
    %shift_right_logical3A_322 = vector.broadcast %shift_right_logical3A_321 : i32 to vector<16xi32>
    %shift_right_logical3A_323 = arith.shrui %bitcast_convert_type3A_320, %shift_right_logical3A_322 : vector<16xi32>
    %convert_element_type3A_324 = arith.constant 0 : i32
    %convert_element_type3A_325 = vector.broadcast %convert_element_type3A_324 : i32 to vector<16xi32>
    %convert_element_type3A_326 = arith.cmpi ne, %shift_right_logical3A_323, %convert_element_type3A_325 : vector<16xi32>
    %not3A_327 = arith.constant dense<-1> : vector<16xi32>
    %not3A_328 = arith.xori %bitcast_convert_type3A_320, %not3A_327 : vector<16xi32>
    %or3A_329 = arith.constant -2147483648 : i32
    %or3A_330 = vector.broadcast %or3A_329 : i32 to vector<16xi32>
    %or3A_331 = arith.ori %bitcast_convert_type3A_320, %or3A_330 : vector<16xi32>
    %select_n3A_332 = arith.select %convert_element_type3A_326, %not3A_328, %or3A_331 : vector<16xi1>, vector<16xi32>
    %bitcast_convert_type3A_333 = tpu.bitcast %parallel_loop3A_254#6 : vector<16xf32> -> vector<16xi32>
    %shift_right_logical3A_334 = arith.constant 31 : i32
    %shift_right_logical3A_335 = vector.broadcast %shift_right_logical3A_334 : i32 to vector<16xi32>
    %shift_right_logical3A_336 = arith.shrui %bitcast_convert_type3A_333, %shift_right_logical3A_335 : vector<16xi32>
    %convert_element_type3A_337 = arith.constant 0 : i32
    %convert_element_type3A_338 = vector.broadcast %convert_element_type3A_337 : i32 to vector<16xi32>
    %convert_element_type3A_339 = arith.cmpi ne, %shift_right_logical3A_336, %convert_element_type3A_338 : vector<16xi32>
    %not3A_340 = arith.constant dense<-1> : vector<16xi32>
    %not3A_341 = arith.xori %bitcast_convert_type3A_333, %not3A_340 : vector<16xi32>
    %or3A_342 = arith.constant -2147483648 : i32
    %or3A_343 = vector.broadcast %or3A_342 : i32 to vector<16xi32>
    %or3A_344 = arith.ori %bitcast_convert_type3A_333, %or3A_343 : vector<16xi32>
    %select_n3A_345 = arith.select %convert_element_type3A_339, %not3A_341, %or3A_344 : vector<16xi1>, vector<16xi32>
    %bitcast_convert_type3A_346 = tpu.bitcast %parallel_loop3A_254#7 : vector<16xf32> -> vector<16xi32>
    %shift_right_logical3A_347 = arith.constant 31 : i32
    %shift_right_logical3A_348 = vector.broadcast %shift_right_logical3A_347 : i32 to vector<16xi32>
    %shift_right_logical3A_349 = arith.shrui %bitcast_convert_type3A_346, %shift_right_logical3A_348 : vector<16xi32>
    %convert_element_type3A_350 = arith.constant 0 : i32
    %convert_element_type3A_351 = vector.broadcast %convert_element_type3A_350 : i32 to vector<16xi32>
    %convert_element_type3A_352 = arith.cmpi ne, %shift_right_logical3A_349, %convert_element_type3A_351 : vector<16xi32>
    %not3A_353 = arith.constant dense<-1> : vector<16xi32>
    %not3A_354 = arith.xori %bitcast_convert_type3A_346, %not3A_353 : vector<16xi32>
    %or3A_355 = arith.constant -2147483648 : i32
    %or3A_356 = vector.broadcast %or3A_355 : i32 to vector<16xi32>
    %or3A_357 = arith.ori %bitcast_convert_type3A_346, %or3A_356 : vector<16xi32>
    %select_n3A_358 = arith.select %convert_element_type3A_352, %not3A_354, %or3A_357 : vector<16xi1>, vector<16xi32>
    %scan3A_359 = arith.constant 0 : i32
    %scan3A_360 = arith.constant 0 : i32
    %scan3A_361 = arith.constant 16 : i32
    %scan3A_362 = arith.addi %scan3A_360, %scan3A_361 : i32
    %scan3A_363 = arith.constant 1 : i32
    %scan3A_364 = scf.for %scan3A_492 = %scan3A_360 to %scan3A_362 step %scan3A_363 iter_args(%scan3A_493 = %scan3A_359) -> (i32)  : i32 {
      %sub3A_494 = arith.constant 31 : i32
      %sub3A_495 = arith.subi %sub3A_494, %scan3A_492 : i32
      %shift_left3A = arith.constant 1 : i32
      %shift_left3A_496 = arith.shli %shift_left3A, %sub3A_495 : i32
      %or3A_497 = arith.ori %scan3A_493, %shift_left3A_496 : i32
      %ge3A_498 = vector.broadcast %or3A_497 : i32 to vector<16xi32>
      %ge3A_499 = arith.cmpi uge, %select_n3A_267, %ge3A_498 : vector<16xi32>
      %all_reduce_population_count3A = tpu.all_reduce %ge3A_499 {dim = 0 : i64, kind = #tpu.reduction_kind<sum>} : vector<16xi1> -> vector<16xi32>
      %slice3A = vector.extract_strided_slice %all_reduce_population_count3A {offsets = [0], sizes = [1], strides = [1]} : vector<16xi32> to vector<1xi32>
      %squeeze3A = vector.extract %slice3A[0] : i32 from vector<1xi32>
      %ge3A_500 = vector.broadcast %or3A_497 : i32 to vector<16xi32>
      %ge3A_501 = arith.cmpi uge, %select_n3A_280, %ge3A_500 : vector<16xi32>
      %all_reduce_population_count3A_502 = tpu.all_reduce %ge3A_501 {dim = 0 : i64, kind = #tpu.reduction_kind<sum>} : vector<16xi1> -> vector<16xi32>
      %slice3A_503 = vector.extract_strided_slice %all_reduce_population_count3A_502 {offsets = [0], sizes = [1], strides = [1]} : vector<16xi32> to vector<1xi32>
      %squeeze3A_504 = vector.extract %slice3A_503[0] : i32 from vector<1xi32>
      %add3A_505 = arith.addi %squeeze3A, %squeeze3A_504 : i32
      %ge3A_506 = vector.broadcast %or3A_497 : i32 to vector<16xi32>
      %ge3A_507 = arith.cmpi uge, %select_n3A_293, %ge3A_506 : vector<16xi32>
      %all_reduce_population_count3A_508 = tpu.all_reduce %ge3A_507 {dim = 0 : i64, kind = #tpu.reduction_kind<sum>} : vector<16xi1> -> vector<16xi32>
      %slice3A_509 = vector.extract_strided_slice %all_reduce_population_count3A_508 {offsets = [0], sizes = [1], strides = [1]} : vector<16xi32> to vector<1xi32>
      %squeeze3A_510 = vector.extract %slice3A_509[0] : i32 from vector<1xi32>
      %add3A_511 = arith.addi %add3A_505, %squeeze3A_510 : i32
      %ge3A_512 = vector.broadcast %or3A_497 : i32 to vector<16xi32>
      %ge3A_513 = arith.cmpi uge, %select_n3A_306, %ge3A_512 : vector<16xi32>
      %all_reduce_population_count3A_514 = tpu.all_reduce %ge3A_513 {dim = 0 : i64, kind = #tpu.reduction_kind<sum>} : vector<16xi1> -> vector<16xi32>
      %slice3A_515 = vector.extract_strided_slice %all_reduce_population_count3A_514 {offsets = [0], sizes = [1], strides = [1]} : vector<16xi32> to vector<1xi32>
      %squeeze3A_516 = vector.extract %slice3A_515[0] : i32 from vector<1xi32>
      %add3A_517 = arith.addi %add3A_511, %squeeze3A_516 : i32
      %ge3A_518 = vector.broadcast %or3A_497 : i32 to vector<16xi32>
      %ge3A_519 = arith.cmpi uge, %select_n3A_319, %ge3A_518 : vector<16xi32>
      %all_reduce_population_count3A_520 = tpu.all_reduce %ge3A_519 {dim = 0 : i64, kind = #tpu.reduction_kind<sum>} : vector<16xi1> -> vector<16xi32>
      %slice3A_521 = vector.extract_strided_slice %all_reduce_population_count3A_520 {offsets = [0], sizes = [1], strides = [1]} : vector<16xi32> to vector<1xi32>
      %squeeze3A_522 = vector.extract %slice3A_521[0] : i32 from vector<1xi32>
      %add3A_523 = arith.addi %add3A_517, %squeeze3A_522 : i32
      %ge3A_524 = vector.broadcast %or3A_497 : i32 to vector<16xi32>
      %ge3A_525 = arith.cmpi uge, %select_n3A_332, %ge3A_524 : vector<16xi32>
      %all_reduce_population_count3A_526 = tpu.all_reduce %ge3A_525 {dim = 0 : i64, kind = #tpu.reduction_kind<sum>} : vector<16xi1> -> vector<16xi32>
      %slice3A_527 = vector.extract_strided_slice %all_reduce_population_count3A_526 {offsets = [0], sizes = [1], strides = [1]} : vector<16xi32> to vector<1xi32>
      %squeeze3A_528 = vector.extract %slice3A_527[0] : i32 from vector<1xi32>
      %add3A_529 = arith.addi %add3A_523, %squeeze3A_528 : i32
      %ge3A_530 = vector.broadcast %or3A_497 : i32 to vector<16xi32>
      %ge3A_531 = arith.cmpi uge, %select_n3A_345, %ge3A_530 : vector<16xi32>
      %all_reduce_population_count3A_532 = tpu.all_reduce %ge3A_531 {dim = 0 : i64, kind = #tpu.reduction_kind<sum>} : vector<16xi1> -> vector<16xi32>
      %slice3A_533 = vector.extract_strided_slice %all_reduce_population_count3A_532 {offsets = [0], sizes = [1], strides = [1]} : vector<16xi32> to vector<1xi32>
      %squeeze3A_534 = vector.extract %slice3A_533[0] : i32 from vector<1xi32>
      %add3A_535 = arith.addi %add3A_529, %squeeze3A_534 : i32
      %ge3A_536 = vector.broadcast %or3A_497 : i32 to vector<16xi32>
      %ge3A_537 = arith.cmpi uge, %select_n3A_358, %ge3A_536 : vector<16xi32>
      %all_reduce_population_count3A_538 = tpu.all_reduce %ge3A_537 {dim = 0 : i64, kind = #tpu.reduction_kind<sum>} : vector<16xi1> -> vector<16xi32>
      %slice3A_539 = vector.extract_strided_slice %all_reduce_population_count3A_538 {offsets = [0], sizes = [1], strides = [1]} : vector<16xi32> to vector<1xi32>
      %squeeze3A_540 = vector.extract %slice3A_539[0] : i32 from vector<1xi32>
      %add3A_541 = arith.addi %add3A_535, %squeeze3A_540 : i32
      %ge3A_542 = arith.constant 32 : i32
      %ge3A_543 = arith.cmpi sge, %add3A_541, %ge3A_542 : i32
      %select_n3A_544 = arith.select %ge3A_543, %or3A_497, %scan3A_493 : i32
      scf.yield %select_n3A_544 : i32
    }
    %scan3A_365 = arith.constant 16 : i32
    %ge3A_366 = arith.constant -2147483648 : i32
    %ge3A_367 = arith.cmpi uge, %scan3A_364, %ge3A_366 : i32
    %xor3A_368 = arith.constant -2147483648 : i32
    %xor3A_369 = arith.xori %scan3A_364, %xor3A_368 : i32
    %not3A_370 = arith.constant -1 : i32
    %not3A_371 = arith.xori %scan3A_364, %not3A_370 : i32
    %select_n3A_372 = arith.select %ge3A_367, %xor3A_369, %not3A_371 : i32
    %broadcast_in_dim3A_373 = vector.broadcast %select_n3A_372 : i32 to vector<16xi32>
    %bitcast_convert_type3A_374 = tpu.bitcast %broadcast_in_dim3A_373 : vector<16xi32> -> vector<16xf32>
    %scan3A_375 = arith.constant 0 : i32
    %scan3A_376 = arith.constant 0 : i32
    %scan3A_377 = arith.constant 256 : i32
    %scan3A_378 = arith.addi %scan3A_376, %scan3A_377 : i32
    %scan3A_379 = arith.constant 1 : i32
    %scan3A_380 = scf.for %scan3A_492 = %scan3A_376 to %scan3A_378 step %scan3A_379 iter_args(%scan3A_493 = %scan3A_375) -> (i32)  : i32 {
      %mul3A_494 = arith.constant 16 : i32
      %mul3A_495 = arith.muli %scan3A_492, %mul3A_494 : i32
      %get3A = arith.index_cast %mul3A_495 : i32 to index
      %get3A_496 = tpu.vector_load %arg7[%get3A] {strides = array<i32>} : memref<4096xf32, #tpu.memory_space<vmem>>, vector<16xf32>,
      %ge3A_497 = arith.cmpf oge, %get3A_496, %bitcast_convert_type3A_374 : vector<16xf32>
      %all_reduce_population_count3A = tpu.all_reduce %ge3A_497 {dim = 0 : i64, kind = #tpu.reduction_kind<sum>} : vector<16xi1> -> vector<16xi32>
      %slice3A = vector.extract_strided_slice %all_reduce_population_count3A {offsets = [0], sizes = [1], strides = [1]} : vector<16xi32> to vector<1xi32>
      %squeeze3A = vector.extract %slice3A[0] : i32 from vector<1xi32>
      %swap3A_498 = arith.index_cast %scan3A_493 : i32 to index
      %swap3A_499 = memref.load %arg8[%swap3A_498] : memref<257xi32, #tpu.memory_space<smem>>
      memref.store %scan3A_492, %arg8[%swap3A_498] : memref<257xi32, #tpu.memory_space<smem>>
      %gt3A_500 = arith.constant 0 : i32
      %gt3A_501 = arith.cmpi sgt, %squeeze3A, %gt3A_500 : i32
      %convert_element_type3A_502 = arith.extui %gt3A_501 : i1 to i32
      %add3A_503 = arith.addi %scan3A_493, %convert_element_type3A_502 : i32
      scf.yield %add3A_503 : i32
    }
    %scan3A_381 = arith.constant 256 : i32
    %while3A_382 = arith.constant 0 : i32
    %while3A_383 = arith.constant 0 : i32
    %while3A_384 = arith.subi %scan3A_380, %while3A_382 : i32
    %while3A_385 = arith.addi %while3A_382, %while3A_384 : i32
    %while3A_386 = arith.constant 1 : i32
    %while3A_387 = arith.divsi %while3A_384, %while3A_386 : i32
    %while3A_388 = arith.muli %while3A_387, %while3A_386 : i32
    %while3A_389 = arith.addi %while3A_382, %while3A_388 : i32
    %while3A_390 = arith.constant 1 : i32
    %while3A_391 = scf.for %while3A_492 = %while3A_382 to %while3A_389 step %while3A_390 iter_args(%while3A_493 = %while3A_383) -> (i32)  : i32 {
      %get3A = arith.index_cast %while3A_492 : i32 to index
      %get3A_494 = memref.load %arg8[%get3A] : memref<257xi32, #tpu.memory_space<smem>>
      %mul3A_495 = arith.constant 128 : i32
      %mul3A_496 = arith.muli %get3A_494, %mul3A_495 : i32
      %add3A_497 = arith.constant 0 : i32
      %add3A_498 = arith.addi %mul3A_496, %add3A_497 : i32
      %get3A_499 = arith.index_cast %add3A_498 : i32 to index
      %get3A_500 = tpu.vector_load %arg5[%get3A_499] {strides = array<i32>} : memref<32768xf32, #tpu.memory_space<vmem>>, vector<16xf32>,
      %ge3A_501 = arith.cmpf oge, %get3A_500, %bitcast_convert_type3A_374 : vector<16xf32>
      %swap3A_502 = arith.index_cast %while3A_493 : i32 to index
      %swap3A_503 = tpu.vector_load %arg6[%swap3A_502] masked %ge3A_501 {strides = array<i32>} : memref<32784xf32, #tpu.memory_space<vmem>>, vector<16xf32>, vector<16xi1>
      tpu.vector_store %arg6[%swap3A_502], %get3A_500 masked %ge3A_501 {strides = array<i32>} : memref<32784xf32, #tpu.memory_space<vmem>>, vector<16xf32>, vector<16xi1>
      %all_reduce_population_count3A = tpu.all_reduce %ge3A_501 {dim = 0 : i64, kind = #tpu.reduction_kind<sum>} : vector<16xi1> -> vector<16xi32>
      %slice3A = vector.extract_strided_slice %all_reduce_population_count3A {offsets = [0], sizes = [1], strides = [1]} : vector<16xi32> to vector<1xi32>
      %squeeze3A = vector.extract %slice3A[0] : i32 from vector<1xi32>
      %add3A_504 = arith.addi %while3A_493, %squeeze3A : i32
      %add3A_505 = arith.constant 16 : i32
      %add3A_506 = arith.addi %mul3A_496, %add3A_505 : i32
      %get3A_507 = arith.index_cast %add3A_506 : i32 to index
      %get3A_508 = tpu.vector_load %arg5[%get3A_507] {strides = array<i32>} : memref<32768xf32, #tpu.memory_space<vmem>>, vector<16xf32>,
      %ge3A_509 = arith.cmpf oge, %get3A_508, %bitcast_convert_type3A_374 : vector<16xf32>
      %swap3A_510 = arith.index_cast %add3A_504 : i32 to index
      %swap3A_511 = tpu.vector_load %arg6[%swap3A_510] masked %ge3A_509 {strides = array<i32>} : memref<32784xf32, #tpu.memory_space<vmem>>, vector<16xf32>, vector<16xi1>
      tpu.vector_store %arg6[%swap3A_510], %get3A_508 masked %ge3A_509 {strides = array<i32>} : memref<32784xf32, #tpu.memory_space<vmem>>, vector<16xf32>, vector<16xi1>
      %all_reduce_population_count3A_512 = tpu.all_reduce %ge3A_509 {dim = 0 : i64, kind = #tpu.reduction_kind<sum>} : vector<16xi1> -> vector<16xi32>
      %slice3A_513 = vector.extract_strided_slice %all_reduce_population_count3A_512 {offsets = [0], sizes = [1], strides = [1]} : vector<16xi32> to vector<1xi32>
      %squeeze3A_514 = vector.extract %slice3A_513[0] : i32 from vector<1xi32>
      %add3A_515 = arith.addi %add3A_504, %squeeze3A_514 : i32
      %add3A_516 = arith.constant 32 : i32
      %add3A_517 = arith.addi %mul3A_496, %add3A_516 : i32
      %get3A_518 = arith.index_cast %add3A_517 : i32 to index
      %get3A_519 = tpu.vector_load %arg5[%get3A_518] {strides = array<i32>} : memref<32768xf32, #tpu.memory_space<vmem>>, vector<16xf32>,
      %ge3A_520 = arith.cmpf oge, %get3A_519, %bitcast_convert_type3A_374 : vector<16xf32>
      %swap3A_521 = arith.index_cast %add3A_515 : i32 to index
      %swap3A_522 = tpu.vector_load %arg6[%swap3A_521] masked %ge3A_520 {strides = array<i32>} : memref<32784xf32, #tpu.memory_space<vmem>>, vector<16xf32>, vector<16xi1>
      tpu.vector_store %arg6[%swap3A_521], %get3A_519 masked %ge3A_520 {strides = array<i32>} : memref<32784xf32, #tpu.memory_space<vmem>>, vector<16xf32>, vector<16xi1>
      %all_reduce_population_count3A_523 = tpu.all_reduce %ge3A_520 {dim = 0 : i64, kind = #tpu.reduction_kind<sum>} : vector<16xi1> -> vector<16xi32>
      %slice3A_524 = vector.extract_strided_slice %all_reduce_population_count3A_523 {offsets = [0], sizes = [1], strides = [1]} : vector<16xi32> to vector<1xi32>
      %squeeze3A_525 = vector.extract %slice3A_524[0] : i32 from vector<1xi32>
      %add3A_526 = arith.addi %add3A_515, %squeeze3A_525 : i32
      %add3A_527 = arith.constant 48 : i32
      %add3A_528 = arith.addi %mul3A_496, %add3A_527 : i32
      %get3A_529 = arith.index_cast %add3A_528 : i32 to index
      %get3A_530 = tpu.vector_load %arg5[%get3A_529] {strides = array<i32>} : memref<32768xf32, #tpu.memory_space<vmem>>, vector<16xf32>,
      %ge3A_531 = arith.cmpf oge, %get3A_530, %bitcast_convert_type3A_374 : vector<16xf32>
      %swap3A_532 = arith.index_cast %add3A_526 : i32 to index
      %swap3A_533 = tpu.vector_load %arg6[%swap3A_532] masked %ge3A_531 {strides = array<i32>} : memref<32784xf32, #tpu.memory_space<vmem>>, vector<16xf32>, vector<16xi1>
      tpu.vector_store %arg6[%swap3A_532], %get3A_530 masked %ge3A_531 {strides = array<i32>} : memref<32784xf32, #tpu.memory_space<vmem>>, vector<16xf32>, vector<16xi1>
      %all_reduce_population_count3A_534 = tpu.all_reduce %ge3A_531 {dim = 0 : i64, kind = #tpu.reduction_kind<sum>} : vector<16xi1> -> vector<16xi32>
      %slice3A_535 = vector.extract_strided_slice %all_reduce_population_count3A_534 {offsets = [0], sizes = [1], strides = [1]} : vector<16xi32> to vector<1xi32>
      %squeeze3A_536 = vector.extract %slice3A_535[0] : i32 from vector<1xi32>
      %add3A_537 = arith.addi %add3A_526, %squeeze3A_536 : i32
      %add3A_538 = arith.constant 64 : i32
      %add3A_539 = arith.addi %mul3A_496, %add3A_538 : i32
      %get3A_540 = arith.index_cast %add3A_539 : i32 to index
      %get3A_541 = tpu.vector_load %arg5[%get3A_540] {strides = array<i32>} : memref<32768xf32, #tpu.memory_space<vmem>>, vector<16xf32>,
      %ge3A_542 = arith.cmpf oge, %get3A_541, %bitcast_convert_type3A_374 : vector<16xf32>
      %swap3A_543 = arith.index_cast %add3A_537 : i32 to index
      %swap3A_544 = tpu.vector_load %arg6[%swap3A_543] masked %ge3A_542 {strides = array<i32>} : memref<32784xf32, #tpu.memory_space<vmem>>, vector<16xf32>, vector<16xi1>
      tpu.vector_store %arg6[%swap3A_543], %get3A_541 masked %ge3A_542 {strides = array<i32>} : memref<32784xf32, #tpu.memory_space<vmem>>, vector<16xf32>, vector<16xi1>
      %all_reduce_population_count3A_545 = tpu.all_reduce %ge3A_542 {dim = 0 : i64, kind = #tpu.reduction_kind<sum>} : vector<16xi1> -> vector<16xi32>
      %slice3A_546 = vector.extract_strided_slice %all_reduce_population_count3A_545 {offsets = [0], sizes = [1], strides = [1]} : vector<16xi32> to vector<1xi32>
      %squeeze3A_547 = vector.extract %slice3A_546[0] : i32 from vector<1xi32>
      %add3A_548 = arith.addi %add3A_537, %squeeze3A_547 : i32
      %add3A_549 = arith.constant 80 : i32
      %add3A_550 = arith.addi %mul3A_496, %add3A_549 : i32
      %get3A_551 = arith.index_cast %add3A_550 : i32 to index
      %get3A_552 = tpu.vector_load %arg5[%get3A_551] {strides = array<i32>} : memref<32768xf32, #tpu.memory_space<vmem>>, vector<16xf32>,
      %ge3A_553 = arith.cmpf oge, %get3A_552, %bitcast_convert_type3A_374 : vector<16xf32>
      %swap3A_554 = arith.index_cast %add3A_548 : i32 to index
      %swap3A_555 = tpu.vector_load %arg6[%swap3A_554] masked %ge3A_553 {strides = array<i32>} : memref<32784xf32, #tpu.memory_space<vmem>>, vector<16xf32>, vector<16xi1>
      tpu.vector_store %arg6[%swap3A_554], %get3A_552 masked %ge3A_553 {strides = array<i32>} : memref<32784xf32, #tpu.memory_space<vmem>>, vector<16xf32>, vector<16xi1>
      %all_reduce_population_count3A_556 = tpu.all_reduce %ge3A_553 {dim = 0 : i64, kind = #tpu.reduction_kind<sum>} : vector<16xi1> -> vector<16xi32>
      %slice3A_557 = vector.extract_strided_slice %all_reduce_population_count3A_556 {offsets = [0], sizes = [1], strides = [1]} : vector<16xi32> to vector<1xi32>
      %squeeze3A_558 = vector.extract %slice3A_557[0] : i32 from vector<1xi32>
      %add3A_559 = arith.addi %add3A_548, %squeeze3A_558 : i32
      %add3A_560 = arith.constant 96 : i32
      %add3A_561 = arith.addi %mul3A_496, %add3A_560 : i32
      %get3A_562 = arith.index_cast %add3A_561 : i32 to index
      %get3A_563 = tpu.vector_load %arg5[%get3A_562] {strides = array<i32>} : memref<32768xf32, #tpu.memory_space<vmem>>, vector<16xf32>,
      %ge3A_564 = arith.cmpf oge, %get3A_563, %bitcast_convert_type3A_374 : vector<16xf32>
      %swap3A_565 = arith.index_cast %add3A_559 : i32 to index
      %swap3A_566 = tpu.vector_load %arg6[%swap3A_565] masked %ge3A_564 {strides = array<i32>} : memref<32784xf32, #tpu.memory_space<vmem>>, vector<16xf32>, vector<16xi1>
      tpu.vector_store %arg6[%swap3A_565], %get3A_563 masked %ge3A_564 {strides = array<i32>} : memref<32784xf32, #tpu.memory_space<vmem>>, vector<16xf32>, vector<16xi1>
      %all_reduce_population_count3A_567 = tpu.all_reduce %ge3A_564 {dim = 0 : i64, kind = #tpu.reduction_kind<sum>} : vector<16xi1> -> vector<16xi32>
      %slice3A_568 = vector.extract_strided_slice %all_reduce_population_count3A_567 {offsets = [0], sizes = [1], strides = [1]} : vector<16xi32> to vector<1xi32>
      %squeeze3A_569 = vector.extract %slice3A_568[0] : i32 from vector<1xi32>
      %add3A_570 = arith.addi %add3A_559, %squeeze3A_569 : i32
      %add3A_571 = arith.constant 112 : i32
      %add3A_572 = arith.addi %mul3A_496, %add3A_571 : i32
      %get3A_573 = arith.index_cast %add3A_572 : i32 to index
      %get3A_574 = tpu.vector_load %arg5[%get3A_573] {strides = array<i32>} : memref<32768xf32, #tpu.memory_space<vmem>>, vector<16xf32>,
      %ge3A_575 = arith.cmpf oge, %get3A_574, %bitcast_convert_type3A_374 : vector<16xf32>
      %swap3A_576 = arith.index_cast %add3A_570 : i32 to index
      %swap3A_577 = tpu.vector_load %arg6[%swap3A_576] masked %ge3A_575 {strides = array<i32>} : memref<32784xf32, #tpu.memory_space<vmem>>, vector<16xf32>, vector<16xi1>
      tpu.vector_store %arg6[%swap3A_576], %get3A_574 masked %ge3A_575 {strides = array<i32>} : memref<32784xf32, #tpu.memory_space<vmem>>, vector<16xf32>, vector<16xi1>
      %all_reduce_population_count3A_578 = tpu.all_reduce %ge3A_575 {dim = 0 : i64, kind = #tpu.reduction_kind<sum>} : vector<16xi1> -> vector<16xi32>
      %slice3A_579 = vector.extract_strided_slice %all_reduce_population_count3A_578 {offsets = [0], sizes = [1], strides = [1]} : vector<16xi32> to vector<1xi32>
      %squeeze3A_580 = vector.extract %slice3A_579[0] : i32 from vector<1xi32>
      %add3A_581 = arith.addi %add3A_570, %squeeze3A_580 : i32
      scf.yield %add3A_581 : i32
    }
    %while3A_392 = arith.constant 1 : i32
    %while3A_393 = scf.for %while3A_492 = %while3A_389 to %while3A_385 step %while3A_392 iter_args(%while3A_493 = %while3A_391) -> (i32)  : i32 {
      %get3A = arith.index_cast %while3A_492 : i32 to index
      %get3A_494 = memref.load %arg8[%get3A] : memref<257xi32, #tpu.memory_space<smem>>
      %mul3A_495 = arith.constant 128 : i32
      %mul3A_496 = arith.muli %get3A_494, %mul3A_495 : i32
      %add3A_497 = arith.constant 0 : i32
      %add3A_498 = arith.addi %mul3A_496, %add3A_497 : i32
      %get3A_499 = arith.index_cast %add3A_498 : i32 to index
      %get3A_500 = tpu.vector_load %arg5[%get3A_499] {strides = array<i32>} : memref<32768xf32, #tpu.memory_space<vmem>>, vector<16xf32>,
      %ge3A_501 = arith.cmpf oge, %get3A_500, %bitcast_convert_type3A_374 : vector<16xf32>
      %swap3A_502 = arith.index_cast %while3A_493 : i32 to index
      %swap3A_503 = tpu.vector_load %arg6[%swap3A_502] masked %ge3A_501 {strides = array<i32>} : memref<32784xf32, #tpu.memory_space<vmem>>, vector<16xf32>, vector<16xi1>
      tpu.vector_store %arg6[%swap3A_502], %get3A_500 masked %ge3A_501 {strides = array<i32>} : memref<32784xf32, #tpu.memory_space<vmem>>, vector<16xf32>, vector<16xi1>
      %all_reduce_population_count3A = tpu.all_reduce %ge3A_501 {dim = 0 : i64, kind = #tpu.reduction_kind<sum>} : vector<16xi1> -> vector<16xi32>
      %slice3A = vector.extract_strided_slice %all_reduce_population_count3A {offsets = [0], sizes = [1], strides = [1]} : vector<16xi32> to vector<1xi32>
      %squeeze3A = vector.extract %slice3A[0] : i32 from vector<1xi32>
      %add3A_504 = arith.addi %while3A_493, %squeeze3A : i32
      %add3A_505 = arith.constant 16 : i32
      %add3A_506 = arith.addi %mul3A_496, %add3A_505 : i32
      %get3A_507 = arith.index_cast %add3A_506 : i32 to index
      %get3A_508 = tpu.vector_load %arg5[%get3A_507] {strides = array<i32>} : memref<32768xf32, #tpu.memory_space<vmem>>, vector<16xf32>,
      %ge3A_509 = arith.cmpf oge, %get3A_508, %bitcast_convert_type3A_374 : vector<16xf32>
      %swap3A_510 = arith.index_cast %add3A_504 : i32 to index
      %swap3A_511 = tpu.vector_load %arg6[%swap3A_510] masked %ge3A_509 {strides = array<i32>} : memref<32784xf32, #tpu.memory_space<vmem>>, vector<16xf32>, vector<16xi1>
      tpu.vector_store %arg6[%swap3A_510], %get3A_508 masked %ge3A_509 {strides = array<i32>} : memref<32784xf32, #tpu.memory_space<vmem>>, vector<16xf32>, vector<16xi1>
      %all_reduce_population_count3A_512 = tpu.all_reduce %ge3A_509 {dim = 0 : i64, kind = #tpu.reduction_kind<sum>} : vector<16xi1> -> vector<16xi32>
      %slice3A_513 = vector.extract_strided_slice %all_reduce_population_count3A_512 {offsets = [0], sizes = [1], strides = [1]} : vector<16xi32> to vector<1xi32>
      %squeeze3A_514 = vector.extract %slice3A_513[0] : i32 from vector<1xi32>
      %add3A_515 = arith.addi %add3A_504, %squeeze3A_514 : i32
      %add3A_516 = arith.constant 32 : i32
      %add3A_517 = arith.addi %mul3A_496, %add3A_516 : i32
      %get3A_518 = arith.index_cast %add3A_517 : i32 to index
      %get3A_519 = tpu.vector_load %arg5[%get3A_518] {strides = array<i32>} : memref<32768xf32, #tpu.memory_space<vmem>>, vector<16xf32>,
      %ge3A_520 = arith.cmpf oge, %get3A_519, %bitcast_convert_type3A_374 : vector<16xf32>
      %swap3A_521 = arith.index_cast %add3A_515 : i32 to index
      %swap3A_522 = tpu.vector_load %arg6[%swap3A_521] masked %ge3A_520 {strides = array<i32>} : memref<32784xf32, #tpu.memory_space<vmem>>, vector<16xf32>, vector<16xi1>
      tpu.vector_store %arg6[%swap3A_521], %get3A_519 masked %ge3A_520 {strides = array<i32>} : memref<32784xf32, #tpu.memory_space<vmem>>, vector<16xf32>, vector<16xi1>
      %all_reduce_population_count3A_523 = tpu.all_reduce %ge3A_520 {dim = 0 : i64, kind = #tpu.reduction_kind<sum>} : vector<16xi1> -> vector<16xi32>
      %slice3A_524 = vector.extract_strided_slice %all_reduce_population_count3A_523 {offsets = [0], sizes = [1], strides = [1]} : vector<16xi32> to vector<1xi32>
      %squeeze3A_525 = vector.extract %slice3A_524[0] : i32 from vector<1xi32>
      %add3A_526 = arith.addi %add3A_515, %squeeze3A_525 : i32
      %add3A_527 = arith.constant 48 : i32
      %add3A_528 = arith.addi %mul3A_496, %add3A_527 : i32
      %get3A_529 = arith.index_cast %add3A_528 : i32 to index
      %get3A_530 = tpu.vector_load %arg5[%get3A_529] {strides = array<i32>} : memref<32768xf32, #tpu.memory_space<vmem>>, vector<16xf32>,
      %ge3A_531 = arith.cmpf oge, %get3A_530, %bitcast_convert_type3A_374 : vector<16xf32>
      %swap3A_532 = arith.index_cast %add3A_526 : i32 to index
      %swap3A_533 = tpu.vector_load %arg6[%swap3A_532] masked %ge3A_531 {strides = array<i32>} : memref<32784xf32, #tpu.memory_space<vmem>>, vector<16xf32>, vector<16xi1>
      tpu.vector_store %arg6[%swap3A_532], %get3A_530 masked %ge3A_531 {strides = array<i32>} : memref<32784xf32, #tpu.memory_space<vmem>>, vector<16xf32>, vector<16xi1>
      %all_reduce_population_count3A_534 = tpu.all_reduce %ge3A_531 {dim = 0 : i64, kind = #tpu.reduction_kind<sum>} : vector<16xi1> -> vector<16xi32>
      %slice3A_535 = vector.extract_strided_slice %all_reduce_population_count3A_534 {offsets = [0], sizes = [1], strides = [1]} : vector<16xi32> to vector<1xi32>
      %squeeze3A_536 = vector.extract %slice3A_535[0] : i32 from vector<1xi32>
      %add3A_537 = arith.addi %add3A_526, %squeeze3A_536 : i32
      %add3A_538 = arith.constant 64 : i32
      %add3A_539 = arith.addi %mul3A_496, %add3A_538 : i32
      %get3A_540 = arith.index_cast %add3A_539 : i32 to index
      %get3A_541 = tpu.vector_load %arg5[%get3A_540] {strides = array<i32>} : memref<32768xf32, #tpu.memory_space<vmem>>, vector<16xf32>,
      %ge3A_542 = arith.cmpf oge, %get3A_541, %bitcast_convert_type3A_374 : vector<16xf32>
      %swap3A_543 = arith.index_cast %add3A_537 : i32 to index
      %swap3A_544 = tpu.vector_load %arg6[%swap3A_543] masked %ge3A_542 {strides = array<i32>} : memref<32784xf32, #tpu.memory_space<vmem>>, vector<16xf32>, vector<16xi1>
      tpu.vector_store %arg6[%swap3A_543], %get3A_541 masked %ge3A_542 {strides = array<i32>} : memref<32784xf32, #tpu.memory_space<vmem>>, vector<16xf32>, vector<16xi1>
      %all_reduce_population_count3A_545 = tpu.all_reduce %ge3A_542 {dim = 0 : i64, kind = #tpu.reduction_kind<sum>} : vector<16xi1> -> vector<16xi32>
      %slice3A_546 = vector.extract_strided_slice %all_reduce_population_count3A_545 {offsets = [0], sizes = [1], strides = [1]} : vector<16xi32> to vector<1xi32>
      %squeeze3A_547 = vector.extract %slice3A_546[0] : i32 from vector<1xi32>
      %add3A_548 = arith.addi %add3A_537, %squeeze3A_547 : i32
      %add3A_549 = arith.constant 80 : i32
      %add3A_550 = arith.addi %mul3A_496, %add3A_549 : i32
      %get3A_551 = arith.index_cast %add3A_550 : i32 to index
      %get3A_552 = tpu.vector_load %arg5[%get3A_551] {strides = array<i32>} : memref<32768xf32, #tpu.memory_space<vmem>>, vector<16xf32>,
      %ge3A_553 = arith.cmpf oge, %get3A_552, %bitcast_convert_type3A_374 : vector<16xf32>
      %swap3A_554 = arith.index_cast %add3A_548 : i32 to index
      %swap3A_555 = tpu.vector_load %arg6[%swap3A_554] masked %ge3A_553 {strides = array<i32>} : memref<32784xf32, #tpu.memory_space<vmem>>, vector<16xf32>, vector<16xi1>
      tpu.vector_store %arg6[%swap3A_554], %get3A_552 masked %ge3A_553 {strides = array<i32>} : memref<32784xf32, #tpu.memory_space<vmem>>, vector<16xf32>, vector<16xi1>
      %all_reduce_population_count3A_556 = tpu.all_reduce %ge3A_553 {dim = 0 : i64, kind = #tpu.reduction_kind<sum>} : vector<16xi1> -> vector<16xi32>
      %slice3A_557 = vector.extract_strided_slice %all_reduce_population_count3A_556 {offsets = [0], sizes = [1], strides = [1]} : vector<16xi32> to vector<1xi32>
      %squeeze3A_558 = vector.extract %slice3A_557[0] : i32 from vector<1xi32>
      %add3A_559 = arith.addi %add3A_548, %squeeze3A_558 : i32
      %add3A_560 = arith.constant 96 : i32
      %add3A_561 = arith.addi %mul3A_496, %add3A_560 : i32
      %get3A_562 = arith.index_cast %add3A_561 : i32 to index
      %get3A_563 = tpu.vector_load %arg5[%get3A_562] {strides = array<i32>} : memref<32768xf32, #tpu.memory_space<vmem>>, vector<16xf32>,
      %ge3A_564 = arith.cmpf oge, %get3A_563, %bitcast_convert_type3A_374 : vector<16xf32>
      %swap3A_565 = arith.index_cast %add3A_559 : i32 to index
      %swap3A_566 = tpu.vector_load %arg6[%swap3A_565] masked %ge3A_564 {strides = array<i32>} : memref<32784xf32, #tpu.memory_space<vmem>>, vector<16xf32>, vector<16xi1>
      tpu.vector_store %arg6[%swap3A_565], %get3A_563 masked %ge3A_564 {strides = array<i32>} : memref<32784xf32, #tpu.memory_space<vmem>>, vector<16xf32>, vector<16xi1>
      %all_reduce_population_count3A_567 = tpu.all_reduce %ge3A_564 {dim = 0 : i64, kind = #tpu.reduction_kind<sum>} : vector<16xi1> -> vector<16xi32>
      %slice3A_568 = vector.extract_strided_slice %all_reduce_population_count3A_567 {offsets = [0], sizes = [1], strides = [1]} : vector<16xi32> to vector<1xi32>
      %squeeze3A_569 = vector.extract %slice3A_568[0] : i32 from vector<1xi32>
      %add3A_570 = arith.addi %add3A_559, %squeeze3A_569 : i32
      %add3A_571 = arith.constant 112 : i32
      %add3A_572 = arith.addi %mul3A_496, %add3A_571 : i32
      %get3A_573 = arith.index_cast %add3A_572 : i32 to index
      %get3A_574 = tpu.vector_load %arg5[%get3A_573] {strides = array<i32>} : memref<32768xf32, #tpu.memory_space<vmem>>, vector<16xf32>,
      %ge3A_575 = arith.cmpf oge, %get3A_574, %bitcast_convert_type3A_374 : vector<16xf32>
      %swap3A_576 = arith.index_cast %add3A_570 : i32 to index
      %swap3A_577 = tpu.vector_load %arg6[%swap3A_576] masked %ge3A_575 {strides = array<i32>} : memref<32784xf32, #tpu.memory_space<vmem>>, vector<16xf32>, vector<16xi1>
      tpu.vector_store %arg6[%swap3A_576], %get3A_574 masked %ge3A_575 {strides = array<i32>} : memref<32784xf32, #tpu.memory_space<vmem>>, vector<16xf32>, vector<16xi1>
      %all_reduce_population_count3A_578 = tpu.all_reduce %ge3A_575 {dim = 0 : i64, kind = #tpu.reduction_kind<sum>} : vector<16xi1> -> vector<16xi32>
      %slice3A_579 = vector.extract_strided_slice %all_reduce_population_count3A_578 {offsets = [0], sizes = [1], strides = [1]} : vector<16xi32> to vector<1xi32>
      %squeeze3A_580 = vector.extract %slice3A_579[0] : i32 from vector<1xi32>
      %add3A_581 = arith.addi %add3A_570, %squeeze3A_580 : i32
      scf.yield %add3A_581 : i32
    }
    %broadcast_in_dim3A_394 = arith.constant 0xFF800000 : f32
    %broadcast_in_dim3A_395 = vector.broadcast %broadcast_in_dim3A_394 : f32 to vector<16xf32>
    %swap3A_396 = arith.index_cast %while3A_393 : i32 to index
    %swap3A_397 = tpu.vector_load %arg6[%swap3A_396] {strides = array<i32>} : memref<32784xf32, #tpu.memory_space<vmem>>, vector<16xf32>,
    tpu.vector_store %arg6[%swap3A_396], %broadcast_in_dim3A_395 {strides = array<i32>} : memref<32784xf32, #tpu.memory_space<vmem>>, vector<16xf32>,
    %add3A_398 = arith.constant 16 : i32
    %add3A_399 = arith.addi %while3A_393, %add3A_398 : i32
    %sub3A_400 = arith.constant 1 : i32
    %sub3A_401 = arith.subi %add3A_399, %sub3A_400 : i32
    %shift_right_arithmetic3A_402 = arith.constant 4 : i32
    %shift_right_arithmetic3A_403 = arith.shrsi %sub3A_401, %shift_right_arithmetic3A_402 : i32
    %while3A_404 = arith.constant 0 : i32
    %while3A_405 = arith.constant 0 : i32
    %while3A_406 = arith.subi %shift_right_arithmetic3A_403, %while3A_405 : i32
    %while3A_407 = arith.addi %while3A_405, %while3A_406 : i32
    %while3A_408 = arith.constant 1 : i32
    %while3A_409 = arith.divsi %while3A_406, %while3A_408 : i32
    %while3A_410 = arith.muli %while3A_409, %while3A_408 : i32
    %while3A_411 = arith.addi %while3A_405, %while3A_410 : i32
    %while3A_412 = arith.constant 1 : i32
    scf.for %while3A_492 = %while3A_405 to %while3A_411 step %while3A_412  : i32 {
      %mul3A_493 = arith.constant 16 : i32
      %mul3A_494 = arith.muli %while3A_492, %mul3A_493 : i32
      %get3A = arith.index_cast %mul3A_494 : i32 to index
      %get3A_495 = tpu.vector_load %arg6[%get3A] {strides = array<i32>} : memref<32784xf32, #tpu.memory_space<vmem>>, vector<16xf32>,
      %bitcast_convert_type3A_496 = tpu.bitcast %get3A_495 : vector<16xf32> -> vector<16xi32>
      %shift_right_logical3A_497 = arith.constant 31 : i32
      %shift_right_logical3A_498 = vector.broadcast %shift_right_logical3A_497 : i32 to vector<16xi32>
      %shift_right_logical3A_499 = arith.shrui %bitcast_convert_type3A_496, %shift_right_logical3A_498 : vector<16xi32>
      %convert_element_type3A_500 = arith.constant 0 : i32
      %convert_element_type3A_501 = vector.broadcast %convert_element_type3A_500 : i32 to vector<16xi32>
      %convert_element_type3A_502 = arith.cmpi ne, %shift_right_logical3A_499, %convert_element_type3A_501 : vector<16xi32>
      %not3A_503 = arith.constant dense<-1> : vector<16xi32>
      %not3A_504 = arith.xori %bitcast_convert_type3A_496, %not3A_503 : vector<16xi32>
      %or3A_505 = arith.constant -2147483648 : i32
      %or3A_506 = vector.broadcast %or3A_505 : i32 to vector<16xi32>
      %or3A_507 = arith.ori %bitcast_convert_type3A_496, %or3A_506 : vector<16xi32>
      %select_n3A_508 = arith.select %convert_element_type3A_502, %not3A_504, %or3A_507 : vector<16xi1>, vector<16xi32>
      %bitcast_convert_type3A_509 = tpu.bitcast %select_n3A_508 : vector<16xi32> -> vector<16xf32>
      %mul3A_510 = arith.constant 16 : i32
      %mul3A_511 = arith.muli %while3A_492, %mul3A_510 : i32
      %swap3A_512 = arith.index_cast %mul3A_511 : i32 to index
      %swap3A_513 = tpu.vector_load %arg6[%swap3A_512] {strides = array<i32>} : memref<32784xf32, #tpu.memory_space<vmem>>, vector<16xf32>,
      tpu.vector_store %arg6[%swap3A_512], %bitcast_convert_type3A_509 {strides = array<i32>} : memref<32784xf32, #tpu.memory_space<vmem>>, vector<16xf32>,
    }
    %while3A_413 = arith.constant 1 : i32
    scf.for %while3A_492 = %while3A_411 to %while3A_407 step %while3A_413  : i32 {
      %mul3A_493 = arith.constant 16 : i32
      %mul3A_494 = arith.muli %while3A_492, %mul3A_493 : i32
      %get3A = arith.index_cast %mul3A_494 : i32 to index
      %get3A_495 = tpu.vector_load %arg6[%get3A] {strides = array<i32>} : memref<32784xf32, #tpu.memory_space<vmem>>, vector<16xf32>,
      %bitcast_convert_type3A_496 = tpu.bitcast %get3A_495 : vector<16xf32> -> vector<16xi32>
      %shift_right_logical3A_497 = arith.constant 31 : i32
      %shift_right_logical3A_498 = vector.broadcast %shift_right_logical3A_497 : i32 to vector<16xi32>
      %shift_right_logical3A_499 = arith.shrui %bitcast_convert_type3A_496, %shift_right_logical3A_498 : vector<16xi32>
      %convert_element_type3A_500 = arith.constant 0 : i32
      %convert_element_type3A_501 = vector.broadcast %convert_element_type3A_500 : i32 to vector<16xi32>
      %convert_element_type3A_502 = arith.cmpi ne, %shift_right_logical3A_499, %convert_element_type3A_501 : vector<16xi32>
      %not3A_503 = arith.constant dense<-1> : vector<16xi32>
      %not3A_504 = arith.xori %bitcast_convert_type3A_496, %not3A_503 : vector<16xi32>
      %or3A_505 = arith.constant -2147483648 : i32
      %or3A_506 = vector.broadcast %or3A_505 : i32 to vector<16xi32>
      %or3A_507 = arith.ori %bitcast_convert_type3A_496, %or3A_506 : vector<16xi32>
      %select_n3A_508 = arith.select %convert_element_type3A_502, %not3A_504, %or3A_507 : vector<16xi1>, vector<16xi32>
      %bitcast_convert_type3A_509 = tpu.bitcast %select_n3A_508 : vector<16xi32> -> vector<16xf32>
      %mul3A_510 = arith.constant 16 : i32
      %mul3A_511 = arith.muli %while3A_492, %mul3A_510 : i32
      %swap3A_512 = arith.index_cast %mul3A_511 : i32 to index
      %swap3A_513 = tpu.vector_load %arg6[%swap3A_512] {strides = array<i32>} : memref<32784xf32, #tpu.memory_space<vmem>>, vector<16xf32>,
      tpu.vector_store %arg6[%swap3A_512], %bitcast_convert_type3A_509 {strides = array<i32>} : memref<32784xf32, #tpu.memory_space<vmem>>, vector<16xf32>,
    }
    %scan3A_414 = arith.constant 0 : i32
    %scan3A_415 = arith.constant 0 : i32
    %scan3A_416 = arith.constant 32 : i32
    %scan3A_417 = arith.addi %scan3A_415, %scan3A_416 : i32
    %scan3A_418 = arith.constant 1 : i32
    %scan3A_419 = scf.for %scan3A_492 = %scan3A_415 to %scan3A_417 step %scan3A_418 iter_args(%scan3A_493 = %scan3A_414) -> (i32)  : i32 {
      %sub3A_494 = arith.constant 31 : i32
      %sub3A_495 = arith.subi %sub3A_494, %scan3A_492 : i32
      %shift_left3A = arith.constant 1 : i32
      %shift_left3A_496 = arith.shli %shift_left3A, %sub3A_495 : i32
      %or3A_497 = arith.ori %scan3A_493, %shift_left3A_496 : i32
      %while3A_498 = arith.constant 0 : i32
      %while3A_499 = arith.constant 0 : i32
      %while3A_500 = arith.subi %shift_right_arithmetic3A_403, %while3A_498 : i32
      %while3A_501 = arith.addi %while3A_498, %while3A_500 : i32
      %while3A_502 = arith.constant 1 : i32
      %while3A_503 = arith.divsi %while3A_500, %while3A_502 : i32
      %while3A_504 = arith.muli %while3A_503, %while3A_502 : i32
      %while3A_505 = arith.addi %while3A_498, %while3A_504 : i32
      %while3A_506 = arith.constant 1 : i32
      %while3A_507 = scf.for %while3A_513 = %while3A_498 to %while3A_505 step %while3A_506 iter_args(%while3A_514 = %while3A_499) -> (i32)  : i32 {
        %mul3A_515 = arith.constant 16 : i32
        %mul3A_516 = arith.muli %while3A_513, %mul3A_515 : i32
        %get3A = arith.index_cast %mul3A_516 : i32 to index
        %get3A_517 = tpu.vector_load %arg6[%get3A] {strides = array<i32>} : memref<32784xf32, #tpu.memory_space<vmem>>, vector<16xf32>,
        %bitcast_convert_type3A_518 = tpu.bitcast %get3A_517 : vector<16xf32> -> vector<16xi32>
        %ge3A_519 = vector.broadcast %or3A_497 : i32 to vector<16xi32>
        %ge3A_520 = arith.cmpi uge, %bitcast_convert_type3A_518, %ge3A_519 : vector<16xi32>
        %all_reduce_population_count3A = tpu.all_reduce %ge3A_520 {dim = 0 : i64, kind = #tpu.reduction_kind<sum>} : vector<16xi1> -> vector<16xi32>
        %slice3A = vector.extract_strided_slice %all_reduce_population_count3A {offsets = [0], sizes = [1], strides = [1]} : vector<16xi32> to vector<1xi32>
        %squeeze3A = vector.extract %slice3A[0] : i32 from vector<1xi32>
        %add3A_521 = arith.addi %while3A_514, %squeeze3A : i32
        scf.yield %add3A_521 : i32
      }
      %while3A_508 = arith.constant 1 : i32
      %while3A_509 = scf.for %while3A_513 = %while3A_505 to %while3A_501 step %while3A_508 iter_args(%while3A_514 = %while3A_507) -> (i32)  : i32 {
        %mul3A_515 = arith.constant 16 : i32
        %mul3A_516 = arith.muli %while3A_513, %mul3A_515 : i32
        %get3A = arith.index_cast %mul3A_516 : i32 to index
        %get3A_517 = tpu.vector_load %arg6[%get3A] {strides = array<i32>} : memref<32784xf32, #tpu.memory_space<vmem>>, vector<16xf32>,
        %bitcast_convert_type3A_518 = tpu.bitcast %get3A_517 : vector<16xf32> -> vector<16xi32>
        %ge3A_519 = vector.broadcast %or3A_497 : i32 to vector<16xi32>
        %ge3A_520 = arith.cmpi uge, %bitcast_convert_type3A_518, %ge3A_519 : vector<16xi32>
        %all_reduce_population_count3A = tpu.all_reduce %ge3A_520 {dim = 0 : i64, kind = #tpu.reduction_kind<sum>} : vector<16xi1> -> vector<16xi32>
        %slice3A = vector.extract_strided_slice %all_reduce_population_count3A {offsets = [0], sizes = [1], strides = [1]} : vector<16xi32> to vector<1xi32>
        %squeeze3A = vector.extract %slice3A[0] : i32 from vector<1xi32>
        %add3A_521 = arith.addi %while3A_514, %squeeze3A : i32
        scf.yield %add3A_521 : i32
      }
      %ge3A_510 = arith.constant 32 : i32
      %ge3A_511 = arith.cmpi sge, %while3A_509, %ge3A_510 : i32
      %select_n3A_512 = arith.select %ge3A_511, %or3A_497, %scan3A_493 : i32
      scf.yield %select_n3A_512 : i32
    }
    %scan3A_420 = arith.constant 32 : i32
    %while3A_421 = arith.constant 0 : i32
    %while3A_422 = arith.constant 0 : i32
    %while3A_423 = arith.constant 0 : i32
    %while3A_424 = arith.subi %shift_right_arithmetic3A_403, %while3A_421 : i32
    %while3A_425 = arith.addi %while3A_421, %while3A_424 : i32
    %while3A_426 = arith.constant 1 : i32
    %while3A_427 = arith.divsi %while3A_424, %while3A_426 : i32
    %while3A_428 = arith.muli %while3A_427, %while3A_426 : i32
    %while3A_429 = arith.addi %while3A_421, %while3A_428 : i32
    %while3A_430 = arith.constant 1 : i32
    %while3A_431:2 = scf.for %while3A_492 = %while3A_421 to %while3A_429 step %while3A_430 iter_args(%while3A_493 = %while3A_422, %while3A_494 = %while3A_423) -> (i32, i32)  : i32 {
      %mul3A_495 = arith.constant 16 : i32
      %mul3A_496 = arith.muli %while3A_492, %mul3A_495 : i32
      %get3A = arith.index_cast %mul3A_496 : i32 to index
      %get3A_497 = tpu.vector_load %arg6[%get3A] {strides = array<i32>} : memref<32784xf32, #tpu.memory_space<vmem>>, vector<16xf32>,
      %bitcast_convert_type3A_498 = tpu.bitcast %get3A_497 : vector<16xf32> -> vector<16xi32>
      %ge3A_499 = vector.broadcast %scan3A_419 : i32 to vector<16xi32>
      %ge3A_500 = arith.cmpi uge, %bitcast_convert_type3A_498, %ge3A_499 : vector<16xi32>
      %all_reduce_population_count3A = tpu.all_reduce %ge3A_500 {dim = 0 : i64, kind = #tpu.reduction_kind<sum>} : vector<16xi1> -> vector<16xi32>
      %slice3A = vector.extract_strided_slice %all_reduce_population_count3A {offsets = [0], sizes = [1], strides = [1]} : vector<16xi32> to vector<1xi32>
      %squeeze3A = vector.extract %slice3A[0] : i32 from vector<1xi32>
      %add3A_501 = arith.addi %while3A_493, %squeeze3A : i32
      %gt3A_502 = vector.broadcast %scan3A_419 : i32 to vector<16xi32>
      %gt3A_503 = arith.cmpi ugt, %bitcast_convert_type3A_498, %gt3A_502 : vector<16xi32>
      %all_reduce_population_count3A_504 = tpu.all_reduce %gt3A_503 {dim = 0 : i64, kind = #tpu.reduction_kind<sum>} : vector<16xi1> -> vector<16xi32>
      %slice3A_505 = vector.extract_strided_slice %all_reduce_population_count3A_504 {offsets = [0], sizes = [1], strides = [1]} : vector<16xi32> to vector<1xi32>
      %squeeze3A_506 = vector.extract %slice3A_505[0] : i32 from vector<1xi32>
      %add3A_507 = arith.addi %while3A_494, %squeeze3A_506 : i32
      scf.yield %add3A_501, %add3A_507 : i32, i32
    }
    %while3A_432 = arith.constant 1 : i32
    %while3A_433:2 = scf.for %while3A_492 = %while3A_429 to %while3A_425 step %while3A_432 iter_args(%while3A_493 = %while3A_431#0, %while3A_494 = %while3A_431#1) -> (i32, i32)  : i32 {
      %mul3A_495 = arith.constant 16 : i32
      %mul3A_496 = arith.muli %while3A_492, %mul3A_495 : i32
      %get3A = arith.index_cast %mul3A_496 : i32 to index
      %get3A_497 = tpu.vector_load %arg6[%get3A] {strides = array<i32>} : memref<32784xf32, #tpu.memory_space<vmem>>, vector<16xf32>,
      %bitcast_convert_type3A_498 = tpu.bitcast %get3A_497 : vector<16xf32> -> vector<16xi32>
      %ge3A_499 = vector.broadcast %scan3A_419 : i32 to vector<16xi32>
      %ge3A_500 = arith.cmpi uge, %bitcast_convert_type3A_498, %ge3A_499 : vector<16xi32>
      %all_reduce_population_count3A = tpu.all_reduce %ge3A_500 {dim = 0 : i64, kind = #tpu.reduction_kind<sum>} : vector<16xi1> -> vector<16xi32>
      %slice3A = vector.extract_strided_slice %all_reduce_population_count3A {offsets = [0], sizes = [1], strides = [1]} : vector<16xi32> to vector<1xi32>
      %squeeze3A = vector.extract %slice3A[0] : i32 from vector<1xi32>
      %add3A_501 = arith.addi %while3A_493, %squeeze3A : i32
      %gt3A_502 = vector.broadcast %scan3A_419 : i32 to vector<16xi32>
      %gt3A_503 = arith.cmpi ugt, %bitcast_convert_type3A_498, %gt3A_502 : vector<16xi32>
      %all_reduce_population_count3A_504 = tpu.all_reduce %gt3A_503 {dim = 0 : i64, kind = #tpu.reduction_kind<sum>} : vector<16xi1> -> vector<16xi32>
      %slice3A_505 = vector.extract_strided_slice %all_reduce_population_count3A_504 {offsets = [0], sizes = [1], strides = [1]} : vector<16xi32> to vector<1xi32>
      %squeeze3A_506 = vector.extract %slice3A_505[0] : i32 from vector<1xi32>
      %add3A_507 = arith.addi %while3A_494, %squeeze3A_506 : i32
      scf.yield %add3A_501, %add3A_507 : i32, i32
    }
    %sub3A_434 = arith.constant 32 : i32
    %sub3A_435 = arith.subi %sub3A_434, %while3A_433#1 : i32
    %ge3A_436 = arith.constant -2147483648 : i32
    %ge3A_437 = arith.cmpi uge, %scan3A_419, %ge3A_436 : i32
    %xor3A_438 = arith.constant -2147483648 : i32
    %xor3A_439 = arith.xori %scan3A_419, %xor3A_438 : i32
    %not3A_440 = arith.constant -1 : i32
    %not3A_441 = arith.xori %scan3A_419, %not3A_440 : i32
    %select_n3A_442 = arith.select %ge3A_437, %xor3A_439, %not3A_441 : i32
    %broadcast_in_dim3A_443 = vector.broadcast %select_n3A_442 : i32 to vector<16xi32>
    %bitcast_convert_type3A_444 = tpu.bitcast %broadcast_in_dim3A_443 : vector<16xi32> -> vector<16xf32>
    %gt3A_445 = arith.constant 32 : i32
    %gt3A_446 = arith.cmpi sgt, %while3A_433#0, %gt3A_445 : i32
    %convert_element_type3A_447 = arith.extui %gt3A_446 : i1 to i32
    %cond3A_448 = arith.constant 0 : i32
    %cond3A_449 = arith.constant 0 : i32
    %cond3A_450 = arith.cmpi ne, %convert_element_type3A_447, %cond3A_449 : i32
    %cond3A_451 = scf.if %cond3A_450 -> (i32) {
      %scan3A_492 = arith.constant 0 : i32
      %scan3A_493 = arith.constant 0 : i32
      %scan3A_494 = arith.constant 2048 : i32
      %scan3A_495 = arith.addi %scan3A_493, %scan3A_494 : i32
      %scan3A_496 = arith.constant 1 : i32
      %scan3A_497 = scf.for %scan3A_499 = %scan3A_493 to %scan3A_495 step %scan3A_496 iter_args(%scan3A_500 = %scan3A_492) -> (i32)  : i32 {
        %mul3A_501 = arith.constant 16 : i32
        %mul3A_502 = arith.muli %scan3A_499, %mul3A_501 : i32
        %get3A = arith.index_cast %mul3A_502 : i32 to index
        %get3A_503 = tpu.vector_load %arg5[%get3A] {strides = array<i32>} : memref<32768xf32, #tpu.memory_space<vmem>>, vector<16xf32>,
        %gt3A_504 = arith.cmpf ogt, %get3A_503, %bitcast_convert_type3A_444 : vector<16xf32>
        %eq3A = arith.cmpf oeq, %get3A_503, %bitcast_convert_type3A_444 : vector<16xf32>
        %convert_element_type3A_505 = arith.extui %eq3A : vector<16xi1> to vector<16xi32>
        %cumsum3A = arith.constant true
        %cumsum3A_506 = vector.broadcast %cumsum3A : i1 to vector<16xi1>
        %cumsum3A_507 = tpu.scan <sum>, %convert_element_type3A_505 masked %cumsum3A_506 : vector<16xi32>, vector<16xi1> -> vector<16xi32>
        %sub3A_508 = arith.subi %cumsum3A_507, %convert_element_type3A_505 : vector<16xi32>
        %add3A_509 = vector.broadcast %scan3A_500 : i32 to vector<16xi32>
        %add3A_510 = arith.addi %sub3A_508, %add3A_509 : vector<16xi32>
        %lt3A = vector.broadcast %sub3A_435 : i32 to vector<16xi32>
        %lt3A_511 = arith.cmpi slt, %add3A_510, %lt3A : vector<16xi32>
        %and3A = arith.andi %eq3A, %lt3A_511 : vector<16xi1>
        %or3A_512 = arith.ori %gt3A_504, %and3A : vector<16xi1>
        %jit3A = arith.constant 0.000000e+00 : f32
        %broadcast_in_dim3A_513 = vector.broadcast %jit3A : f32 to vector<16xf32>
        %select_n3A_514 = arith.select %or3A_512, %get3A_503, %broadcast_in_dim3A_513 : vector<16xi1>, vector<16xf32>
        %swap3A_515 = arith.index_cast %mul3A_502 : i32 to index
        %swap3A_516 = tpu.vector_load %arg5[%swap3A_515] {strides = array<i32>} : memref<32768xf32, #tpu.memory_space<vmem>>, vector<16xf32>,
        tpu.vector_store %arg5[%swap3A_515], %select_n3A_514 {strides = array<i32>} : memref<32768xf32, #tpu.memory_space<vmem>>, vector<16xf32>,
        %reduce_sum3A = arith.constant true
        %reduce_sum3A_517 = vector.broadcast %reduce_sum3A : i1 to vector<16xi1>
        %reduce_sum3A_518 = tpu.scan <sum>, %convert_element_type3A_505 masked %reduce_sum3A_517 : vector<16xi32>, vector<16xi1> -> vector<16xi32>
        %reduce_sum3A_519 = vector.extract %reduce_sum3A_518[15] : i32 from vector<16xi32>
        %add3A_520 = arith.addi %scan3A_500, %reduce_sum3A_519 : i32
        scf.yield %add3A_520 : i32
      }
      %scan3A_498 = arith.constant 2048 : i32
      scf.yield %scan3A_497 : i32
    } else {
      %parallel_loop3A_492 = arith.constant 0 : i32
      %parallel_loop3A_493 = arith.constant 2048 : i32
      %parallel_loop3A_494 = arith.constant 1 : i32
      scf.for %parallel_loop3A_496 = %parallel_loop3A_492 to %parallel_loop3A_493 step %parallel_loop3A_494  : i32 {
        %parallel_loop3A_497 = arith.constant 16 : i32
        %parallel_loop3A_498 = arith.muli %parallel_loop3A_496, %parallel_loop3A_497 : i32
        %parallel_loop3A_499 = arith.index_cast %parallel_loop3A_498 : i32 to index
        %parallel_loop3A_500 = tpu.vector_load %arg5[%parallel_loop3A_499] {strides = array<i32>} : memref<32768xf32, #tpu.memory_space<vmem>>, vector<16xf32>,
        %parallel_loop3A_501 = arith.cmpf oge, %parallel_loop3A_500, %bitcast_convert_type3A_444 : vector<16xf32>
        %parallel_loop3A_502 = arith.constant 0.000000e+00 : f32
        %parallel_loop3A_503 = vector.broadcast %parallel_loop3A_502 : f32 to vector<16xf32>
        %parallel_loop3A_504 = arith.select %parallel_loop3A_501, %parallel_loop3A_500, %parallel_loop3A_503 : vector<16xi1>, vector<16xf32>
        %parallel_loop3A_505 = arith.index_cast %parallel_loop3A_498 : i32 to index
        %parallel_loop3A_506 = tpu.vector_load %arg5[%parallel_loop3A_505] {strides = array<i32>} : memref<32768xf32, #tpu.memory_space<vmem>>, vector<16xf32>,
        tpu.vector_store %arg5[%parallel_loop3A_505], %parallel_loop3A_504 {strides = array<i32>} : memref<32768xf32, #tpu.memory_space<vmem>>, vector<16xf32>,
      } {sc.loop_unroll_factor = 8 : i64, sc.parallel_access}
      %cond3A_495 = arith.constant 0 : i32
      scf.yield %cond3A_495 : i32
    }
    %add3A_452 = arith.constant 1 : i32
    %add3A_453 = arith.addi %mul3A_2, %add3A_452 : i32
    %dma_start3A_454 = arith.constant 0 : i32
    %dma_start3A_455 = tpu.memref_slice %arg3[%add3A_453, %dma_start3A_454] : memref<1024x32768xf32, #tpu.memory_space<hbm>> -> memref<1x32768xf32, #tpu.memory_space<hbm>>
    %dma_start3A_456 = tpu.memref_squeeze %dma_start3A_455 : memref<1x32768xf32, #tpu.memory_space<hbm>> -> memref<32768xf32, #tpu.memory_space<hbm>>
    %dma_start3A_457 = arith.constant 0 : i32
    %dma_start3A_458 = tpu.memref_slice %arg3[%add3A_453, %dma_start3A_457] : memref<1024x32768xf32, #tpu.memory_space<hbm>> -> memref<1x32768xf32, #tpu.memory_space<hbm>>
    %dma_start3A_459 = tpu.memref_squeeze %dma_start3A_458 : memref<1x32768xf32, #tpu.memory_space<hbm>> -> memref<32768xf32, #tpu.memory_space<hbm>>
    tpu.enqueue_dma source(%arg5 : memref<32768xf32, #tpu.memory_space<vmem>>) target(%dma_start3A_459 : memref<32768xf32, #tpu.memory_space<hbm>>) target_semaphore(%arg12 : memref<!tpu.dma_semaphore, #tpu.memory_space<semaphore_mem>>)
    %dma_wait3A_460 = arith.constant 0 : i32
    %dma_wait3A_461 = tpu.memref_slice %arg3[%mul3A_2, %dma_wait3A_460] : memref<1024x32768xf32, #tpu.memory_space<hbm>> -> memref<1x32768xf32, #tpu.memory_space<hbm>>
    %dma_wait3A_462 = tpu.memref_squeeze %dma_wait3A_461 : memref<1x32768xf32, #tpu.memory_space<hbm>> -> memref<32768xf32, #tpu.memory_space<hbm>>
    %dma_wait3A_463 = arith.constant 0 : i32
    %dma_wait3A_464 = tpu.memref_slice %arg3[%mul3A_2, %dma_wait3A_463] : memref<1024x32768xf32, #tpu.memory_space<hbm>> -> memref<1x32768xf32, #tpu.memory_space<hbm>>
    %dma_wait3A_465 = tpu.memref_squeeze %dma_wait3A_464 : memref<1x32768xf32, #tpu.memory_space<hbm>> -> memref<32768xf32, #tpu.memory_space<hbm>>
    tpu.wait_dma2 semaphore(%arg11 : memref<!tpu.dma_semaphore, #tpu.memory_space<semaphore_mem>>) src(%arg4 : memref<32768xf32, #tpu.memory_space<vmem>>) dst(%dma_wait3A_465 : memref<32768xf32, #tpu.memory_space<hbm>>)
    %add3A_466 = arith.constant 2 : i32
    %add3A_467 = arith.addi %mul3A_2, %add3A_466 : i32
    %dma_start3A_468 = arith.constant 0 : i32
    %dma_start3A_469 = tpu.memref_slice %arg2[%add3A_467, %dma_start3A_468] : memref<1024x32768xf32, #tpu.memory_space<hbm>> -> memref<1x32768xf32, #tpu.memory_space<hbm>>
    %dma_start3A_470 = tpu.memref_squeeze %dma_start3A_469 : memref<1x32768xf32, #tpu.memory_space<hbm>> -> memref<32768xf32, #tpu.memory_space<hbm>>
    %dma_start3A_471 = arith.constant 0 : i32
    %dma_start3A_472 = tpu.memref_slice %arg2[%add3A_467, %dma_start3A_471] : memref<1024x32768xf32, #tpu.memory_space<hbm>> -> memref<1x32768xf32, #tpu.memory_space<hbm>>
    %dma_start3A_473 = tpu.memref_squeeze %dma_start3A_472 : memref<1x32768xf32, #tpu.memory_space<hbm>> -> memref<32768xf32, #tpu.memory_space<hbm>>
    tpu.enqueue_dma source(%dma_start3A_473 : memref<32768xf32, #tpu.memory_space<hbm>>) target(%arg4 : memref<32768xf32, #tpu.memory_space<vmem>>) target_semaphore(%arg9 : memref<!tpu.dma_semaphore, #tpu.memory_space<semaphore_mem>>)
    %scan3A_474 = arith.constant 0 : i32
    %scan3A_475 = arith.constant 1 : i32
    %scan3A_476 = arith.constant 15 : i32
    %scan3A_477 = arith.addi %scan3A_475, %scan3A_476 : i32
    %scan3A_478 = arith.constant 1 : i32
    scf.for %scan3A_492 = %scan3A_475 to %scan3A_477 step %scan3A_478  : i32 {
      %mul3A_493 = arith.constant 2 : i32
      %mul3A_494 = arith.muli %mul3A_493, %scan3A_492 : i32
      %add3A_495 = arith.addi %mul3A_2, %mul3A_494 : i32
      %sub3A_496 = arith.constant 1 : i32
      %sub3A_497 = arith.subi %add3A_495, %sub3A_496 : i32
      %dma_wait3A_498 = arith.constant 0 : i32
      %dma_wait3A_499 = tpu.memref_slice %arg3[%sub3A_497, %dma_wait3A_498] : memref<1024x32768xf32, #tpu.memory_space<hbm>> -> memref<1x32768xf32, #tpu.memory_space<hbm>>
      %dma_wait3A_500 = tpu.memref_squeeze %dma_wait3A_499 : memref<1x32768xf32, #tpu.memory_space<hbm>> -> memref<32768xf32, #tpu.memory_space<hbm>>
      %dma_wait3A_501 = arith.constant 0 : i32
      %dma_wait3A_502 = tpu.memref_slice %arg3[%sub3A_497, %dma_wait3A_501] : memref<1024x32768xf32, #tpu.memory_space<hbm>> -> memref<1x32768xf32, #tpu.memory_space<hbm>>
      %dma_wait3A_503 = tpu.memref_squeeze %dma_wait3A_502 : memref<1x32768xf32, #tpu.memory_space<hbm>> -> memref<32768xf32, #tpu.memory_space<hbm>>
      tpu.wait_dma2 semaphore(%arg12 : memref<!tpu.dma_semaphore, #tpu.memory_space<semaphore_mem>>) src(%arg5 : memref<32768xf32, #tpu.memory_space<vmem>>) dst(%dma_wait3A_503 : memref<32768xf32, #tpu.memory_space<hbm>>)
      %add3A_504 = arith.constant 1 : i32
      %add3A_505 = arith.addi %add3A_495, %add3A_504 : i32
      %dma_start3A_506 = arith.constant 0 : i32
      %dma_start3A_507 = tpu.memref_slice %arg2[%add3A_505, %dma_start3A_506] : memref<1024x32768xf32, #tpu.memory_space<hbm>> -> memref<1x32768xf32, #tpu.memory_space<hbm>>
      %dma_start3A_508 = tpu.memref_squeeze %dma_start3A_507 : memref<1x32768xf32, #tpu.memory_space<hbm>> -> memref<32768xf32, #tpu.memory_space<hbm>>
      %dma_start3A_509 = arith.constant 0 : i32
      %dma_start3A_510 = tpu.memref_slice %arg2[%add3A_505, %dma_start3A_509] : memref<1024x32768xf32, #tpu.memory_space<hbm>> -> memref<1x32768xf32, #tpu.memory_space<hbm>>
      %dma_start3A_511 = tpu.memref_squeeze %dma_start3A_510 : memref<1x32768xf32, #tpu.memory_space<hbm>> -> memref<32768xf32, #tpu.memory_space<hbm>>
      tpu.enqueue_dma source(%dma_start3A_511 : memref<32768xf32, #tpu.memory_space<hbm>>) target(%arg5 : memref<32768xf32, #tpu.memory_space<vmem>>) target_semaphore(%arg10 : memref<!tpu.dma_semaphore, #tpu.memory_space<semaphore_mem>>)
      %dma_wait3A_512 = arith.constant 0 : i32
      %dma_wait3A_513 = tpu.memref_slice %arg2[%add3A_495, %dma_wait3A_512] : memref<1024x32768xf32, #tpu.memory_space<hbm>> -> memref<1x32768xf32, #tpu.memory_space<hbm>>
      %dma_wait3A_514 = tpu.memref_squeeze %dma_wait3A_513 : memref<1x32768xf32, #tpu.memory_space<hbm>> -> memref<32768xf32, #tpu.memory_space<hbm>>
      %dma_wait3A_515 = arith.constant 0 : i32
      %dma_wait3A_516 = tpu.memref_slice %arg2[%add3A_495, %dma_wait3A_515] : memref<1024x32768xf32, #tpu.memory_space<hbm>> -> memref<1x32768xf32, #tpu.memory_space<hbm>>
      %dma_wait3A_517 = tpu.memref_squeeze %dma_wait3A_516 : memref<1x32768xf32, #tpu.memory_space<hbm>> -> memref<32768xf32, #tpu.memory_space<hbm>>
      tpu.wait_dma2 semaphore(%arg9 : memref<!tpu.dma_semaphore, #tpu.memory_space<semaphore_mem>>) src(%dma_wait3A_517 : memref<32768xf32, #tpu.memory_space<hbm>>) dst(%arg4 : memref<32768xf32, #tpu.memory_space<vmem>>)
      %broadcast_in_dim3A_518 = arith.constant 0xFF800000 : f32
      %broadcast_in_dim3A_519 = vector.broadcast %broadcast_in_dim3A_518 : f32 to vector<16xf32>
      %broadcast_in_dim3A_520 = arith.constant 0xFF800000 : f32
      %broadcast_in_dim3A_521 = vector.broadcast %broadcast_in_dim3A_520 : f32 to vector<16xf32>
      %broadcast_in_dim3A_522 = arith.constant 0xFF800000 : f32
      %broadcast_in_dim3A_523 = vector.broadcast %broadcast_in_dim3A_522 : f32 to vector<16xf32>
      %broadcast_in_dim3A_524 = arith.constant 0xFF800000 : f32
      %broadcast_in_dim3A_525 = vector.broadcast %broadcast_in_dim3A_524 : f32 to vector<16xf32>
      %broadcast_in_dim3A_526 = arith.constant 0xFF800000 : f32
      %broadcast_in_dim3A_527 = vector.broadcast %broadcast_in_dim3A_526 : f32 to vector<16xf32>
      %broadcast_in_dim3A_528 = arith.constant 0xFF800000 : f32
      %broadcast_in_dim3A_529 = vector.broadcast %broadcast_in_dim3A_528 : f32 to vector<16xf32>
      %broadcast_in_dim3A_530 = arith.constant 0xFF800000 : f32
      %broadcast_in_dim3A_531 = vector.broadcast %broadcast_in_dim3A_530 : f32 to vector<16xf32>
      %broadcast_in_dim3A_532 = arith.constant 0xFF800000 : f32
      %broadcast_in_dim3A_533 = vector.broadcast %broadcast_in_dim3A_532 : f32 to vector<16xf32>
      %parallel_loop3A_534 = arith.constant 0 : i32
      %parallel_loop3A_535 = arith.constant 256 : i32
      %parallel_loop3A_536 = arith.constant 1 : i32
      %parallel_loop3A_537:8 = scf.for %parallel_loop3A_989 = %parallel_loop3A_534 to %parallel_loop3A_535 step %parallel_loop3A_536 iter_args(%parallel_loop3A_990 = %broadcast_in_dim3A_519, %parallel_loop3A_991 = %broadcast_in_dim3A_521, %parallel_loop3A_992 = %broadcast_in_dim3A_523, %parallel_loop3A_993 = %broadcast_in_dim3A_525, %parallel_loop3A_994 = %broadcast_in_dim3A_527, %parallel_loop3A_995 = %broadcast_in_dim3A_529, %parallel_loop3A_996 = %broadcast_in_dim3A_531, %parallel_loop3A_997 = %broadcast_in_dim3A_533) -> (vector<16xf32>, vector<16xf32>, vector<16xf32>, vector<16xf32>, vector<16xf32>, vector<16xf32>, vector<16xf32>, vector<16xf32>)  : i32 {
        %parallel_loop3A_998 = arith.constant 128 : i32
        %parallel_loop3A_999 = arith.muli %parallel_loop3A_989, %parallel_loop3A_998 : i32
        %parallel_loop3A_1000 = arith.constant 0 : i32
        %parallel_loop3A_1001 = arith.addi %parallel_loop3A_999, %parallel_loop3A_1000 : i32
        %parallel_loop3A_1002 = arith.index_cast %parallel_loop3A_1001 : i32 to index
        %parallel_loop3A_1003 = tpu.vector_load %arg4[%parallel_loop3A_1002] {strides = array<i32>} : memref<32768xf32, #tpu.memory_space<vmem>>, vector<16xf32>,
        %parallel_loop3A_1004 = arith.constant 16 : i32
        %parallel_loop3A_1005 = arith.addi %parallel_loop3A_999, %parallel_loop3A_1004 : i32
        %parallel_loop3A_1006 = arith.index_cast %parallel_loop3A_1005 : i32 to index
        %parallel_loop3A_1007 = tpu.vector_load %arg4[%parallel_loop3A_1006] {strides = array<i32>} : memref<32768xf32, #tpu.memory_space<vmem>>, vector<16xf32>,
        %parallel_loop3A_1008 = arith.constant 32 : i32
        %parallel_loop3A_1009 = arith.addi %parallel_loop3A_999, %parallel_loop3A_1008 : i32
        %parallel_loop3A_1010 = arith.index_cast %parallel_loop3A_1009 : i32 to index
        %parallel_loop3A_1011 = tpu.vector_load %arg4[%parallel_loop3A_1010] {strides = array<i32>} : memref<32768xf32, #tpu.memory_space<vmem>>, vector<16xf32>,
        %parallel_loop3A_1012 = arith.constant 48 : i32
        %parallel_loop3A_1013 = arith.addi %parallel_loop3A_999, %parallel_loop3A_1012 : i32
        %parallel_loop3A_1014 = arith.index_cast %parallel_loop3A_1013 : i32 to index
        %parallel_loop3A_1015 = tpu.vector_load %arg4[%parallel_loop3A_1014] {strides = array<i32>} : memref<32768xf32, #tpu.memory_space<vmem>>, vector<16xf32>,
        %parallel_loop3A_1016 = arith.constant 64 : i32
        %parallel_loop3A_1017 = arith.addi %parallel_loop3A_999, %parallel_loop3A_1016 : i32
        %parallel_loop3A_1018 = arith.index_cast %parallel_loop3A_1017 : i32 to index
        %parallel_loop3A_1019 = tpu.vector_load %arg4[%parallel_loop3A_1018] {strides = array<i32>} : memref<32768xf32, #tpu.memory_space<vmem>>, vector<16xf32>,
        %parallel_loop3A_1020 = arith.constant 80 : i32
        %parallel_loop3A_1021 = arith.addi %parallel_loop3A_999, %parallel_loop3A_1020 : i32
        %parallel_loop3A_1022 = arith.index_cast %parallel_loop3A_1021 : i32 to index
        %parallel_loop3A_1023 = tpu.vector_load %arg4[%parallel_loop3A_1022] {strides = array<i32>} : memref<32768xf32, #tpu.memory_space<vmem>>, vector<16xf32>,
        %parallel_loop3A_1024 = arith.constant 96 : i32
        %parallel_loop3A_1025 = arith.addi %parallel_loop3A_999, %parallel_loop3A_1024 : i32
        %parallel_loop3A_1026 = arith.index_cast %parallel_loop3A_1025 : i32 to index
        %parallel_loop3A_1027 = tpu.vector_load %arg4[%parallel_loop3A_1026] {strides = array<i32>} : memref<32768xf32, #tpu.memory_space<vmem>>, vector<16xf32>,
        %parallel_loop3A_1028 = arith.constant 112 : i32
        %parallel_loop3A_1029 = arith.addi %parallel_loop3A_999, %parallel_loop3A_1028 : i32
        %parallel_loop3A_1030 = arith.index_cast %parallel_loop3A_1029 : i32 to index
        %parallel_loop3A_1031 = tpu.vector_load %arg4[%parallel_loop3A_1030] {strides = array<i32>} : memref<32768xf32, #tpu.memory_space<vmem>>, vector<16xf32>,
        %parallel_loop3A_1032 = arith.maximumf %parallel_loop3A_990, %parallel_loop3A_1003 : vector<16xf32>
        %parallel_loop3A_1033 = arith.maximumf %parallel_loop3A_991, %parallel_loop3A_1007 : vector<16xf32>
        %parallel_loop3A_1034 = arith.maximumf %parallel_loop3A_992, %parallel_loop3A_1011 : vector<16xf32>
        %parallel_loop3A_1035 = arith.maximumf %parallel_loop3A_993, %parallel_loop3A_1015 : vector<16xf32>
        %parallel_loop3A_1036 = arith.maximumf %parallel_loop3A_994, %parallel_loop3A_1019 : vector<16xf32>
        %parallel_loop3A_1037 = arith.maximumf %parallel_loop3A_995, %parallel_loop3A_1023 : vector<16xf32>
        %parallel_loop3A_1038 = arith.maximumf %parallel_loop3A_996, %parallel_loop3A_1027 : vector<16xf32>
        %parallel_loop3A_1039 = arith.maximumf %parallel_loop3A_997, %parallel_loop3A_1031 : vector<16xf32>
        %parallel_loop3A_1040 = arith.maximumf %parallel_loop3A_1003, %parallel_loop3A_1007 : vector<16xf32>
        %parallel_loop3A_1041 = arith.maximumf %parallel_loop3A_1040, %parallel_loop3A_1011 : vector<16xf32>
        %parallel_loop3A_1042 = arith.maximumf %parallel_loop3A_1041, %parallel_loop3A_1015 : vector<16xf32>
        %parallel_loop3A_1043 = arith.maximumf %parallel_loop3A_1042, %parallel_loop3A_1019 : vector<16xf32>
        %parallel_loop3A_1044 = arith.maximumf %parallel_loop3A_1043, %parallel_loop3A_1023 : vector<16xf32>
        %parallel_loop3A_1045 = arith.maximumf %parallel_loop3A_1044, %parallel_loop3A_1027 : vector<16xf32>
        %parallel_loop3A_1046 = arith.maximumf %parallel_loop3A_1045, %parallel_loop3A_1031 : vector<16xf32>
        %parallel_loop3A_1047 = arith.constant 16 : i32
        %parallel_loop3A_1048 = arith.muli %parallel_loop3A_989, %parallel_loop3A_1047 : i32
        %parallel_loop3A_1049 = arith.index_cast %parallel_loop3A_1048 : i32 to index
        %parallel_loop3A_1050 = tpu.vector_load %arg7[%parallel_loop3A_1049] {strides = array<i32>} : memref<4096xf32, #tpu.memory_space<vmem>>, vector<16xf32>,
        tpu.vector_store %arg7[%parallel_loop3A_1049], %parallel_loop3A_1046 {strides = array<i32>} : memref<4096xf32, #tpu.memory_space<vmem>>, vector<16xf32>,
        scf.yield %parallel_loop3A_1032, %parallel_loop3A_1033, %parallel_loop3A_1034, %parallel_loop3A_1035, %parallel_loop3A_1036, %parallel_loop3A_1037, %parallel_loop3A_1038, %parallel_loop3A_1039 : vector<16xf32>, vector<16xf32>, vector<16xf32>, vector<16xf32>, vector<16xf32>, vector<16xf32>, vector<16xf32>, vector<16xf32>
      } {sc.loop_unroll_factor = 1 : i64, sc.parallel_access}
      %bitcast_convert_type3A_538 = tpu.bitcast %parallel_loop3A_537#0 : vector<16xf32> -> vector<16xi32>
      %shift_right_logical3A_539 = arith.constant 31 : i32
      %shift_right_logical3A_540 = vector.broadcast %shift_right_logical3A_539 : i32 to vector<16xi32>
      %shift_right_logical3A_541 = arith.shrui %bitcast_convert_type3A_538, %shift_right_logical3A_540 : vector<16xi32>
      %convert_element_type3A_542 = arith.constant 0 : i32
      %convert_element_type3A_543 = vector.broadcast %convert_element_type3A_542 : i32 to vector<16xi32>
      %convert_element_type3A_544 = arith.cmpi ne, %shift_right_logical3A_541, %convert_element_type3A_543 : vector<16xi32>
      %not3A_545 = arith.constant dense<-1> : vector<16xi32>
      %not3A_546 = arith.xori %bitcast_convert_type3A_538, %not3A_545 : vector<16xi32>
      %or3A_547 = arith.constant -2147483648 : i32
      %or3A_548 = vector.broadcast %or3A_547 : i32 to vector<16xi32>
      %or3A_549 = arith.ori %bitcast_convert_type3A_538, %or3A_548 : vector<16xi32>
      %select_n3A_550 = arith.select %convert_element_type3A_544, %not3A_546, %or3A_549 : vector<16xi1>, vector<16xi32>
      %bitcast_convert_type3A_551 = tpu.bitcast %parallel_loop3A_537#1 : vector<16xf32> -> vector<16xi32>
      %shift_right_logical3A_552 = arith.constant 31 : i32
      %shift_right_logical3A_553 = vector.broadcast %shift_right_logical3A_552 : i32 to vector<16xi32>
      %shift_right_logical3A_554 = arith.shrui %bitcast_convert_type3A_551, %shift_right_logical3A_553 : vector<16xi32>
      %convert_element_type3A_555 = arith.constant 0 : i32
      %convert_element_type3A_556 = vector.broadcast %convert_element_type3A_555 : i32 to vector<16xi32>
      %convert_element_type3A_557 = arith.cmpi ne, %shift_right_logical3A_554, %convert_element_type3A_556 : vector<16xi32>
      %not3A_558 = arith.constant dense<-1> : vector<16xi32>
      %not3A_559 = arith.xori %bitcast_convert_type3A_551, %not3A_558 : vector<16xi32>
      %or3A_560 = arith.constant -2147483648 : i32
      %or3A_561 = vector.broadcast %or3A_560 : i32 to vector<16xi32>
      %or3A_562 = arith.ori %bitcast_convert_type3A_551, %or3A_561 : vector<16xi32>
      %select_n3A_563 = arith.select %convert_element_type3A_557, %not3A_559, %or3A_562 : vector<16xi1>, vector<16xi32>
      %bitcast_convert_type3A_564 = tpu.bitcast %parallel_loop3A_537#2 : vector<16xf32> -> vector<16xi32>
      %shift_right_logical3A_565 = arith.constant 31 : i32
      %shift_right_logical3A_566 = vector.broadcast %shift_right_logical3A_565 : i32 to vector<16xi32>
      %shift_right_logical3A_567 = arith.shrui %bitcast_convert_type3A_564, %shift_right_logical3A_566 : vector<16xi32>
      %convert_element_type3A_568 = arith.constant 0 : i32
      %convert_element_type3A_569 = vector.broadcast %convert_element_type3A_568 : i32 to vector<16xi32>
      %convert_element_type3A_570 = arith.cmpi ne, %shift_right_logical3A_567, %convert_element_type3A_569 : vector<16xi32>
      %not3A_571 = arith.constant dense<-1> : vector<16xi32>
      %not3A_572 = arith.xori %bitcast_convert_type3A_564, %not3A_571 : vector<16xi32>
      %or3A_573 = arith.constant -2147483648 : i32
      %or3A_574 = vector.broadcast %or3A_573 : i32 to vector<16xi32>
      %or3A_575 = arith.ori %bitcast_convert_type3A_564, %or3A_574 : vector<16xi32>
      %select_n3A_576 = arith.select %convert_element_type3A_570, %not3A_572, %or3A_575 : vector<16xi1>, vector<16xi32>
      %bitcast_convert_type3A_577 = tpu.bitcast %parallel_loop3A_537#3 : vector<16xf32> -> vector<16xi32>
      %shift_right_logical3A_578 = arith.constant 31 : i32
      %shift_right_logical3A_579 = vector.broadcast %shift_right_logical3A_578 : i32 to vector<16xi32>
      %shift_right_logical3A_580 = arith.shrui %bitcast_convert_type3A_577, %shift_right_logical3A_579 : vector<16xi32>
      %convert_element_type3A_581 = arith.constant 0 : i32
      %convert_element_type3A_582 = vector.broadcast %convert_element_type3A_581 : i32 to vector<16xi32>
      %convert_element_type3A_583 = arith.cmpi ne, %shift_right_logical3A_580, %convert_element_type3A_582 : vector<16xi32>
      %not3A_584 = arith.constant dense<-1> : vector<16xi32>
      %not3A_585 = arith.xori %bitcast_convert_type3A_577, %not3A_584 : vector<16xi32>
      %or3A_586 = arith.constant -2147483648 : i32
      %or3A_587 = vector.broadcast %or3A_586 : i32 to vector<16xi32>
      %or3A_588 = arith.ori %bitcast_convert_type3A_577, %or3A_587 : vector<16xi32>
      %select_n3A_589 = arith.select %convert_element_type3A_583, %not3A_585, %or3A_588 : vector<16xi1>, vector<16xi32>
      %bitcast_convert_type3A_590 = tpu.bitcast %parallel_loop3A_537#4 : vector<16xf32> -> vector<16xi32>
      %shift_right_logical3A_591 = arith.constant 31 : i32
      %shift_right_logical3A_592 = vector.broadcast %shift_right_logical3A_591 : i32 to vector<16xi32>
      %shift_right_logical3A_593 = arith.shrui %bitcast_convert_type3A_590, %shift_right_logical3A_592 : vector<16xi32>
      %convert_element_type3A_594 = arith.constant 0 : i32
      %convert_element_type3A_595 = vector.broadcast %convert_element_type3A_594 : i32 to vector<16xi32>
      %convert_element_type3A_596 = arith.cmpi ne, %shift_right_logical3A_593, %convert_element_type3A_595 : vector<16xi32>
      %not3A_597 = arith.constant dense<-1> : vector<16xi32>
      %not3A_598 = arith.xori %bitcast_convert_type3A_590, %not3A_597 : vector<16xi32>
      %or3A_599 = arith.constant -2147483648 : i32
      %or3A_600 = vector.broadcast %or3A_599 : i32 to vector<16xi32>
      %or3A_601 = arith.ori %bitcast_convert_type3A_590, %or3A_600 : vector<16xi32>
      %select_n3A_602 = arith.select %convert_element_type3A_596, %not3A_598, %or3A_601 : vector<16xi1>, vector<16xi32>
      %bitcast_convert_type3A_603 = tpu.bitcast %parallel_loop3A_537#5 : vector<16xf32> -> vector<16xi32>
      %shift_right_logical3A_604 = arith.constant 31 : i32
      %shift_right_logical3A_605 = vector.broadcast %shift_right_logical3A_604 : i32 to vector<16xi32>
      %shift_right_logical3A_606 = arith.shrui %bitcast_convert_type3A_603, %shift_right_logical3A_605 : vector<16xi32>
      %convert_element_type3A_607 = arith.constant 0 : i32
      %convert_element_type3A_608 = vector.broadcast %convert_element_type3A_607 : i32 to vector<16xi32>
      %convert_element_type3A_609 = arith.cmpi ne, %shift_right_logical3A_606, %convert_element_type3A_608 : vector<16xi32>
      %not3A_610 = arith.constant dense<-1> : vector<16xi32>
      %not3A_611 = arith.xori %bitcast_convert_type3A_603, %not3A_610 : vector<16xi32>
      %or3A_612 = arith.constant -2147483648 : i32
      %or3A_613 = vector.broadcast %or3A_612 : i32 to vector<16xi32>
      %or3A_614 = arith.ori %bitcast_convert_type3A_603, %or3A_613 : vector<16xi32>
      %select_n3A_615 = arith.select %convert_element_type3A_609, %not3A_611, %or3A_614 : vector<16xi1>, vector<16xi32>
      %bitcast_convert_type3A_616 = tpu.bitcast %parallel_loop3A_537#6 : vector<16xf32> -> vector<16xi32>
      %shift_right_logical3A_617 = arith.constant 31 : i32
      %shift_right_logical3A_618 = vector.broadcast %shift_right_logical3A_617 : i32 to vector<16xi32>
      %shift_right_logical3A_619 = arith.shrui %bitcast_convert_type3A_616, %shift_right_logical3A_618 : vector<16xi32>
      %convert_element_type3A_620 = arith.constant 0 : i32
      %convert_element_type3A_621 = vector.broadcast %convert_element_type3A_620 : i32 to vector<16xi32>
      %convert_element_type3A_622 = arith.cmpi ne, %shift_right_logical3A_619, %convert_element_type3A_621 : vector<16xi32>
      %not3A_623 = arith.constant dense<-1> : vector<16xi32>
      %not3A_624 = arith.xori %bitcast_convert_type3A_616, %not3A_623 : vector<16xi32>
      %or3A_625 = arith.constant -2147483648 : i32
      %or3A_626 = vector.broadcast %or3A_625 : i32 to vector<16xi32>
      %or3A_627 = arith.ori %bitcast_convert_type3A_616, %or3A_626 : vector<16xi32>
      %select_n3A_628 = arith.select %convert_element_type3A_622, %not3A_624, %or3A_627 : vector<16xi1>, vector<16xi32>
      %bitcast_convert_type3A_629 = tpu.bitcast %parallel_loop3A_537#7 : vector<16xf32> -> vector<16xi32>
      %shift_right_logical3A_630 = arith.constant 31 : i32
      %shift_right_logical3A_631 = vector.broadcast %shift_right_logical3A_630 : i32 to vector<16xi32>
      %shift_right_logical3A_632 = arith.shrui %bitcast_convert_type3A_629, %shift_right_logical3A_631 : vector<16xi32>
      %convert_element_type3A_633 = arith.constant 0 : i32
      %convert_element_type3A_634 = vector.broadcast %convert_element_type3A_633 : i32 to vector<16xi32>
      %convert_element_type3A_635 = arith.cmpi ne, %shift_right_logical3A_632, %convert_element_type3A_634 : vector<16xi32>
      %not3A_636 = arith.constant dense<-1> : vector<16xi32>
      %not3A_637 = arith.xori %bitcast_convert_type3A_629, %not3A_636 : vector<16xi32>
      %or3A_638 = arith.constant -2147483648 : i32
      %or3A_639 = vector.broadcast %or3A_638 : i32 to vector<16xi32>
      %or3A_640 = arith.ori %bitcast_convert_type3A_629, %or3A_639 : vector<16xi32>
      %select_n3A_641 = arith.select %convert_element_type3A_635, %not3A_637, %or3A_640 : vector<16xi1>, vector<16xi32>
      %scan3A_642 = arith.constant 0 : i32
      %scan3A_643 = arith.constant 0 : i32
      %scan3A_644 = arith.constant 16 : i32
      %scan3A_645 = arith.addi %scan3A_643, %scan3A_644 : i32
      %scan3A_646 = arith.constant 1 : i32
      %scan3A_647 = scf.for %scan3A_989 = %scan3A_643 to %scan3A_645 step %scan3A_646 iter_args(%scan3A_990 = %scan3A_642) -> (i32)  : i32 {
        %sub3A_991 = arith.constant 31 : i32
        %sub3A_992 = arith.subi %sub3A_991, %scan3A_989 : i32
        %shift_left3A = arith.constant 1 : i32
        %shift_left3A_993 = arith.shli %shift_left3A, %sub3A_992 : i32
        %or3A_994 = arith.ori %scan3A_990, %shift_left3A_993 : i32
        %ge3A_995 = vector.broadcast %or3A_994 : i32 to vector<16xi32>
        %ge3A_996 = arith.cmpi uge, %select_n3A_550, %ge3A_995 : vector<16xi32>
        %all_reduce_population_count3A = tpu.all_reduce %ge3A_996 {dim = 0 : i64, kind = #tpu.reduction_kind<sum>} : vector<16xi1> -> vector<16xi32>
        %slice3A = vector.extract_strided_slice %all_reduce_population_count3A {offsets = [0], sizes = [1], strides = [1]} : vector<16xi32> to vector<1xi32>
        %squeeze3A = vector.extract %slice3A[0] : i32 from vector<1xi32>
        %ge3A_997 = vector.broadcast %or3A_994 : i32 to vector<16xi32>
        %ge3A_998 = arith.cmpi uge, %select_n3A_563, %ge3A_997 : vector<16xi32>
        %all_reduce_population_count3A_999 = tpu.all_reduce %ge3A_998 {dim = 0 : i64, kind = #tpu.reduction_kind<sum>} : vector<16xi1> -> vector<16xi32>
        %slice3A_1000 = vector.extract_strided_slice %all_reduce_population_count3A_999 {offsets = [0], sizes = [1], strides = [1]} : vector<16xi32> to vector<1xi32>
        %squeeze3A_1001 = vector.extract %slice3A_1000[0] : i32 from vector<1xi32>
        %add3A_1002 = arith.addi %squeeze3A, %squeeze3A_1001 : i32
        %ge3A_1003 = vector.broadcast %or3A_994 : i32 to vector<16xi32>
        %ge3A_1004 = arith.cmpi uge, %select_n3A_576, %ge3A_1003 : vector<16xi32>
        %all_reduce_population_count3A_1005 = tpu.all_reduce %ge3A_1004 {dim = 0 : i64, kind = #tpu.reduction_kind<sum>} : vector<16xi1> -> vector<16xi32>
        %slice3A_1006 = vector.extract_strided_slice %all_reduce_population_count3A_1005 {offsets = [0], sizes = [1], strides = [1]} : vector<16xi32> to vector<1xi32>
        %squeeze3A_1007 = vector.extract %slice3A_1006[0] : i32 from vector<1xi32>
        %add3A_1008 = arith.addi %add3A_1002, %squeeze3A_1007 : i32
        %ge3A_1009 = vector.broadcast %or3A_994 : i32 to vector<16xi32>
        %ge3A_1010 = arith.cmpi uge, %select_n3A_589, %ge3A_1009 : vector<16xi32>
        %all_reduce_population_count3A_1011 = tpu.all_reduce %ge3A_1010 {dim = 0 : i64, kind = #tpu.reduction_kind<sum>} : vector<16xi1> -> vector<16xi32>
        %slice3A_1012 = vector.extract_strided_slice %all_reduce_population_count3A_1011 {offsets = [0], sizes = [1], strides = [1]} : vector<16xi32> to vector<1xi32>
        %squeeze3A_1013 = vector.extract %slice3A_1012[0] : i32 from vector<1xi32>
        %add3A_1014 = arith.addi %add3A_1008, %squeeze3A_1013 : i32
        %ge3A_1015 = vector.broadcast %or3A_994 : i32 to vector<16xi32>
        %ge3A_1016 = arith.cmpi uge, %select_n3A_602, %ge3A_1015 : vector<16xi32>
        %all_reduce_population_count3A_1017 = tpu.all_reduce %ge3A_1016 {dim = 0 : i64, kind = #tpu.reduction_kind<sum>} : vector<16xi1> -> vector<16xi32>
        %slice3A_1018 = vector.extract_strided_slice %all_reduce_population_count3A_1017 {offsets = [0], sizes = [1], strides = [1]} : vector<16xi32> to vector<1xi32>
        %squeeze3A_1019 = vector.extract %slice3A_1018[0] : i32 from vector<1xi32>
        %add3A_1020 = arith.addi %add3A_1014, %squeeze3A_1019 : i32
        %ge3A_1021 = vector.broadcast %or3A_994 : i32 to vector<16xi32>
        %ge3A_1022 = arith.cmpi uge, %select_n3A_615, %ge3A_1021 : vector<16xi32>
        %all_reduce_population_count3A_1023 = tpu.all_reduce %ge3A_1022 {dim = 0 : i64, kind = #tpu.reduction_kind<sum>} : vector<16xi1> -> vector<16xi32>
        %slice3A_1024 = vector.extract_strided_slice %all_reduce_population_count3A_1023 {offsets = [0], sizes = [1], strides = [1]} : vector<16xi32> to vector<1xi32>
        %squeeze3A_1025 = vector.extract %slice3A_1024[0] : i32 from vector<1xi32>
        %add3A_1026 = arith.addi %add3A_1020, %squeeze3A_1025 : i32
        %ge3A_1027 = vector.broadcast %or3A_994 : i32 to vector<16xi32>
        %ge3A_1028 = arith.cmpi uge, %select_n3A_628, %ge3A_1027 : vector<16xi32>
        %all_reduce_population_count3A_1029 = tpu.all_reduce %ge3A_1028 {dim = 0 : i64, kind = #tpu.reduction_kind<sum>} : vector<16xi1> -> vector<16xi32>
        %slice3A_1030 = vector.extract_strided_slice %all_reduce_population_count3A_1029 {offsets = [0], sizes = [1], strides = [1]} : vector<16xi32> to vector<1xi32>
        %squeeze3A_1031 = vector.extract %slice3A_1030[0] : i32 from vector<1xi32>
        %add3A_1032 = arith.addi %add3A_1026, %squeeze3A_1031 : i32
        %ge3A_1033 = vector.broadcast %or3A_994 : i32 to vector<16xi32>
        %ge3A_1034 = arith.cmpi uge, %select_n3A_641, %ge3A_1033 : vector<16xi32>
        %all_reduce_population_count3A_1035 = tpu.all_reduce %ge3A_1034 {dim = 0 : i64, kind = #tpu.reduction_kind<sum>} : vector<16xi1> -> vector<16xi32>
        %slice3A_1036 = vector.extract_strided_slice %all_reduce_population_count3A_1035 {offsets = [0], sizes = [1], strides = [1]} : vector<16xi32> to vector<1xi32>
        %squeeze3A_1037 = vector.extract %slice3A_1036[0] : i32 from vector<1xi32>
        %add3A_1038 = arith.addi %add3A_1032, %squeeze3A_1037 : i32
        %ge3A_1039 = arith.constant 32 : i32
        %ge3A_1040 = arith.cmpi sge, %add3A_1038, %ge3A_1039 : i32
        %select_n3A_1041 = arith.select %ge3A_1040, %or3A_994, %scan3A_990 : i32
        scf.yield %select_n3A_1041 : i32
      }
      %scan3A_648 = arith.constant 16 : i32
      %ge3A_649 = arith.constant -2147483648 : i32
      %ge3A_650 = arith.cmpi uge, %scan3A_647, %ge3A_649 : i32
      %xor3A_651 = arith.constant -2147483648 : i32
      %xor3A_652 = arith.xori %scan3A_647, %xor3A_651 : i32
      %not3A_653 = arith.constant -1 : i32
      %not3A_654 = arith.xori %scan3A_647, %not3A_653 : i32
      %select_n3A_655 = arith.select %ge3A_650, %xor3A_652, %not3A_654 : i32
      %broadcast_in_dim3A_656 = vector.broadcast %select_n3A_655 : i32 to vector<16xi32>
      %bitcast_convert_type3A_657 = tpu.bitcast %broadcast_in_dim3A_656 : vector<16xi32> -> vector<16xf32>
      %scan3A_658 = arith.constant 0 : i32
      %scan3A_659 = arith.constant 0 : i32
      %scan3A_660 = arith.constant 256 : i32
      %scan3A_661 = arith.addi %scan3A_659, %scan3A_660 : i32
      %scan3A_662 = arith.constant 1 : i32
      %scan3A_663 = scf.for %scan3A_989 = %scan3A_659 to %scan3A_661 step %scan3A_662 iter_args(%scan3A_990 = %scan3A_658) -> (i32)  : i32 {
        %mul3A_991 = arith.constant 16 : i32
        %mul3A_992 = arith.muli %scan3A_989, %mul3A_991 : i32
        %get3A = arith.index_cast %mul3A_992 : i32 to index
        %get3A_993 = tpu.vector_load %arg7[%get3A] {strides = array<i32>} : memref<4096xf32, #tpu.memory_space<vmem>>, vector<16xf32>,
        %ge3A_994 = arith.cmpf oge, %get3A_993, %bitcast_convert_type3A_657 : vector<16xf32>
        %all_reduce_population_count3A = tpu.all_reduce %ge3A_994 {dim = 0 : i64, kind = #tpu.reduction_kind<sum>} : vector<16xi1> -> vector<16xi32>
        %slice3A = vector.extract_strided_slice %all_reduce_population_count3A {offsets = [0], sizes = [1], strides = [1]} : vector<16xi32> to vector<1xi32>
        %squeeze3A = vector.extract %slice3A[0] : i32 from vector<1xi32>
        %swap3A_995 = arith.index_cast %scan3A_990 : i32 to index
        %swap3A_996 = memref.load %arg8[%swap3A_995] : memref<257xi32, #tpu.memory_space<smem>>
        memref.store %scan3A_989, %arg8[%swap3A_995] : memref<257xi32, #tpu.memory_space<smem>>
        %gt3A_997 = arith.constant 0 : i32
        %gt3A_998 = arith.cmpi sgt, %squeeze3A, %gt3A_997 : i32
        %convert_element_type3A_999 = arith.extui %gt3A_998 : i1 to i32
        %add3A_1000 = arith.addi %scan3A_990, %convert_element_type3A_999 : i32
        scf.yield %add3A_1000 : i32
      }
      %scan3A_664 = arith.constant 256 : i32
      %while3A_665 = arith.constant 0 : i32
      %while3A_666 = arith.constant 0 : i32
      %while3A_667 = arith.subi %scan3A_663, %while3A_665 : i32
      %while3A_668 = arith.addi %while3A_665, %while3A_667 : i32
      %while3A_669 = arith.constant 1 : i32
      %while3A_670 = arith.divsi %while3A_667, %while3A_669 : i32
      %while3A_671 = arith.muli %while3A_670, %while3A_669 : i32
      %while3A_672 = arith.addi %while3A_665, %while3A_671 : i32
      %while3A_673 = arith.constant 1 : i32
      %while3A_674 = scf.for %while3A_989 = %while3A_665 to %while3A_672 step %while3A_673 iter_args(%while3A_990 = %while3A_666) -> (i32)  : i32 {
        %get3A = arith.index_cast %while3A_989 : i32 to index
        %get3A_991 = memref.load %arg8[%get3A] : memref<257xi32, #tpu.memory_space<smem>>
        %mul3A_992 = arith.constant 128 : i32
        %mul3A_993 = arith.muli %get3A_991, %mul3A_992 : i32
        %add3A_994 = arith.constant 0 : i32
        %add3A_995 = arith.addi %mul3A_993, %add3A_994 : i32
        %get3A_996 = arith.index_cast %add3A_995 : i32 to index
        %get3A_997 = tpu.vector_load %arg4[%get3A_996] {strides = array<i32>} : memref<32768xf32, #tpu.memory_space<vmem>>, vector<16xf32>,
        %ge3A_998 = arith.cmpf oge, %get3A_997, %bitcast_convert_type3A_657 : vector<16xf32>
        %swap3A_999 = arith.index_cast %while3A_990 : i32 to index
        %swap3A_1000 = tpu.vector_load %arg6[%swap3A_999] masked %ge3A_998 {strides = array<i32>} : memref<32784xf32, #tpu.memory_space<vmem>>, vector<16xf32>, vector<16xi1>
        tpu.vector_store %arg6[%swap3A_999], %get3A_997 masked %ge3A_998 {strides = array<i32>} : memref<32784xf32, #tpu.memory_space<vmem>>, vector<16xf32>, vector<16xi1>
        %all_reduce_population_count3A = tpu.all_reduce %ge3A_998 {dim = 0 : i64, kind = #tpu.reduction_kind<sum>} : vector<16xi1> -> vector<16xi32>
        %slice3A = vector.extract_strided_slice %all_reduce_population_count3A {offsets = [0], sizes = [1], strides = [1]} : vector<16xi32> to vector<1xi32>
        %squeeze3A = vector.extract %slice3A[0] : i32 from vector<1xi32>
        %add3A_1001 = arith.addi %while3A_990, %squeeze3A : i32
        %add3A_1002 = arith.constant 16 : i32
        %add3A_1003 = arith.addi %mul3A_993, %add3A_1002 : i32
        %get3A_1004 = arith.index_cast %add3A_1003 : i32 to index
        %get3A_1005 = tpu.vector_load %arg4[%get3A_1004] {strides = array<i32>} : memref<32768xf32, #tpu.memory_space<vmem>>, vector<16xf32>,
        %ge3A_1006 = arith.cmpf oge, %get3A_1005, %bitcast_convert_type3A_657 : vector<16xf32>
        %swap3A_1007 = arith.index_cast %add3A_1001 : i32 to index
        %swap3A_1008 = tpu.vector_load %arg6[%swap3A_1007] masked %ge3A_1006 {strides = array<i32>} : memref<32784xf32, #tpu.memory_space<vmem>>, vector<16xf32>, vector<16xi1>
        tpu.vector_store %arg6[%swap3A_1007], %get3A_1005 masked %ge3A_1006 {strides = array<i32>} : memref<32784xf32, #tpu.memory_space<vmem>>, vector<16xf32>, vector<16xi1>
        %all_reduce_population_count3A_1009 = tpu.all_reduce %ge3A_1006 {dim = 0 : i64, kind = #tpu.reduction_kind<sum>} : vector<16xi1> -> vector<16xi32>
        %slice3A_1010 = vector.extract_strided_slice %all_reduce_population_count3A_1009 {offsets = [0], sizes = [1], strides = [1]} : vector<16xi32> to vector<1xi32>
        %squeeze3A_1011 = vector.extract %slice3A_1010[0] : i32 from vector<1xi32>
        %add3A_1012 = arith.addi %add3A_1001, %squeeze3A_1011 : i32
        %add3A_1013 = arith.constant 32 : i32
        %add3A_1014 = arith.addi %mul3A_993, %add3A_1013 : i32
        %get3A_1015 = arith.index_cast %add3A_1014 : i32 to index
        %get3A_1016 = tpu.vector_load %arg4[%get3A_1015] {strides = array<i32>} : memref<32768xf32, #tpu.memory_space<vmem>>, vector<16xf32>,
        %ge3A_1017 = arith.cmpf oge, %get3A_1016, %bitcast_convert_type3A_657 : vector<16xf32>
        %swap3A_1018 = arith.index_cast %add3A_1012 : i32 to index
        %swap3A_1019 = tpu.vector_load %arg6[%swap3A_1018] masked %ge3A_1017 {strides = array<i32>} : memref<32784xf32, #tpu.memory_space<vmem>>, vector<16xf32>, vector<16xi1>
        tpu.vector_store %arg6[%swap3A_1018], %get3A_1016 masked %ge3A_1017 {strides = array<i32>} : memref<32784xf32, #tpu.memory_space<vmem>>, vector<16xf32>, vector<16xi1>
        %all_reduce_population_count3A_1020 = tpu.all_reduce %ge3A_1017 {dim = 0 : i64, kind = #tpu.reduction_kind<sum>} : vector<16xi1> -> vector<16xi32>
        %slice3A_1021 = vector.extract_strided_slice %all_reduce_population_count3A_1020 {offsets = [0], sizes = [1], strides = [1]} : vector<16xi32> to vector<1xi32>
        %squeeze3A_1022 = vector.extract %slice3A_1021[0] : i32 from vector<1xi32>
        %add3A_1023 = arith.addi %add3A_1012, %squeeze3A_1022 : i32
        %add3A_1024 = arith.constant 48 : i32
        %add3A_1025 = arith.addi %mul3A_993, %add3A_1024 : i32
        %get3A_1026 = arith.index_cast %add3A_1025 : i32 to index
        %get3A_1027 = tpu.vector_load %arg4[%get3A_1026] {strides = array<i32>} : memref<32768xf32, #tpu.memory_space<vmem>>, vector<16xf32>,
        %ge3A_1028 = arith.cmpf oge, %get3A_1027, %bitcast_convert_type3A_657 : vector<16xf32>
        %swap3A_1029 = arith.index_cast %add3A_1023 : i32 to index
        %swap3A_1030 = tpu.vector_load %arg6[%swap3A_1029] masked %ge3A_1028 {strides = array<i32>} : memref<32784xf32, #tpu.memory_space<vmem>>, vector<16xf32>, vector<16xi1>
        tpu.vector_store %arg6[%swap3A_1029], %get3A_1027 masked %ge3A_1028 {strides = array<i32>} : memref<32784xf32, #tpu.memory_space<vmem>>, vector<16xf32>, vector<16xi1>
        %all_reduce_population_count3A_1031 = tpu.all_reduce %ge3A_1028 {dim = 0 : i64, kind = #tpu.reduction_kind<sum>} : vector<16xi1> -> vector<16xi32>
        %slice3A_1032 = vector.extract_strided_slice %all_reduce_population_count3A_1031 {offsets = [0], sizes = [1], strides = [1]} : vector<16xi32> to vector<1xi32>
        %squeeze3A_1033 = vector.extract %slice3A_1032[0] : i32 from vector<1xi32>
        %add3A_1034 = arith.addi %add3A_1023, %squeeze3A_1033 : i32
        %add3A_1035 = arith.constant 64 : i32
        %add3A_1036 = arith.addi %mul3A_993, %add3A_1035 : i32
        %get3A_1037 = arith.index_cast %add3A_1036 : i32 to index
        %get3A_1038 = tpu.vector_load %arg4[%get3A_1037] {strides = array<i32>} : memref<32768xf32, #tpu.memory_space<vmem>>, vector<16xf32>,
        %ge3A_1039 = arith.cmpf oge, %get3A_1038, %bitcast_convert_type3A_657 : vector<16xf32>
        %swap3A_1040 = arith.index_cast %add3A_1034 : i32 to index
        %swap3A_1041 = tpu.vector_load %arg6[%swap3A_1040] masked %ge3A_1039 {strides = array<i32>} : memref<32784xf32, #tpu.memory_space<vmem>>, vector<16xf32>, vector<16xi1>
        tpu.vector_store %arg6[%swap3A_1040], %get3A_1038 masked %ge3A_1039 {strides = array<i32>} : memref<32784xf32, #tpu.memory_space<vmem>>, vector<16xf32>, vector<16xi1>
        %all_reduce_population_count3A_1042 = tpu.all_reduce %ge3A_1039 {dim = 0 : i64, kind = #tpu.reduction_kind<sum>} : vector<16xi1> -> vector<16xi32>
        %slice3A_1043 = vector.extract_strided_slice %all_reduce_population_count3A_1042 {offsets = [0], sizes = [1], strides = [1]} : vector<16xi32> to vector<1xi32>
        %squeeze3A_1044 = vector.extract %slice3A_1043[0] : i32 from vector<1xi32>
        %add3A_1045 = arith.addi %add3A_1034, %squeeze3A_1044 : i32
        %add3A_1046 = arith.constant 80 : i32
        %add3A_1047 = arith.addi %mul3A_993, %add3A_1046 : i32
        %get3A_1048 = arith.index_cast %add3A_1047 : i32 to index
        %get3A_1049 = tpu.vector_load %arg4[%get3A_1048] {strides = array<i32>} : memref<32768xf32, #tpu.memory_space<vmem>>, vector<16xf32>,
        %ge3A_1050 = arith.cmpf oge, %get3A_1049, %bitcast_convert_type3A_657 : vector<16xf32>
        %swap3A_1051 = arith.index_cast %add3A_1045 : i32 to index
        %swap3A_1052 = tpu.vector_load %arg6[%swap3A_1051] masked %ge3A_1050 {strides = array<i32>} : memref<32784xf32, #tpu.memory_space<vmem>>, vector<16xf32>, vector<16xi1>
        tpu.vector_store %arg6[%swap3A_1051], %get3A_1049 masked %ge3A_1050 {strides = array<i32>} : memref<32784xf32, #tpu.memory_space<vmem>>, vector<16xf32>, vector<16xi1>
        %all_reduce_population_count3A_1053 = tpu.all_reduce %ge3A_1050 {dim = 0 : i64, kind = #tpu.reduction_kind<sum>} : vector<16xi1> -> vector<16xi32>
        %slice3A_1054 = vector.extract_strided_slice %all_reduce_population_count3A_1053 {offsets = [0], sizes = [1], strides = [1]} : vector<16xi32> to vector<1xi32>
        %squeeze3A_1055 = vector.extract %slice3A_1054[0] : i32 from vector<1xi32>
        %add3A_1056 = arith.addi %add3A_1045, %squeeze3A_1055 : i32
        %add3A_1057 = arith.constant 96 : i32
        %add3A_1058 = arith.addi %mul3A_993, %add3A_1057 : i32
        %get3A_1059 = arith.index_cast %add3A_1058 : i32 to index
        %get3A_1060 = tpu.vector_load %arg4[%get3A_1059] {strides = array<i32>} : memref<32768xf32, #tpu.memory_space<vmem>>, vector<16xf32>,
        %ge3A_1061 = arith.cmpf oge, %get3A_1060, %bitcast_convert_type3A_657 : vector<16xf32>
        %swap3A_1062 = arith.index_cast %add3A_1056 : i32 to index
        %swap3A_1063 = tpu.vector_load %arg6[%swap3A_1062] masked %ge3A_1061 {strides = array<i32>} : memref<32784xf32, #tpu.memory_space<vmem>>, vector<16xf32>, vector<16xi1>
        tpu.vector_store %arg6[%swap3A_1062], %get3A_1060 masked %ge3A_1061 {strides = array<i32>} : memref<32784xf32, #tpu.memory_space<vmem>>, vector<16xf32>, vector<16xi1>
        %all_reduce_population_count3A_1064 = tpu.all_reduce %ge3A_1061 {dim = 0 : i64, kind = #tpu.reduction_kind<sum>} : vector<16xi1> -> vector<16xi32>
        %slice3A_1065 = vector.extract_strided_slice %all_reduce_population_count3A_1064 {offsets = [0], sizes = [1], strides = [1]} : vector<16xi32> to vector<1xi32>
        %squeeze3A_1066 = vector.extract %slice3A_1065[0] : i32 from vector<1xi32>
        %add3A_1067 = arith.addi %add3A_1056, %squeeze3A_1066 : i32
        %add3A_1068 = arith.constant 112 : i32
        %add3A_1069 = arith.addi %mul3A_993, %add3A_1068 : i32
        %get3A_1070 = arith.index_cast %add3A_1069 : i32 to index
        %get3A_1071 = tpu.vector_load %arg4[%get3A_1070] {strides = array<i32>} : memref<32768xf32, #tpu.memory_space<vmem>>, vector<16xf32>,
        %ge3A_1072 = arith.cmpf oge, %get3A_1071, %bitcast_convert_type3A_657 : vector<16xf32>
        %swap3A_1073 = arith.index_cast %add3A_1067 : i32 to index
        %swap3A_1074 = tpu.vector_load %arg6[%swap3A_1073] masked %ge3A_1072 {strides = array<i32>} : memref<32784xf32, #tpu.memory_space<vmem>>, vector<16xf32>, vector<16xi1>
        tpu.vector_store %arg6[%swap3A_1073], %get3A_1071 masked %ge3A_1072 {strides = array<i32>} : memref<32784xf32, #tpu.memory_space<vmem>>, vector<16xf32>, vector<16xi1>
        %all_reduce_population_count3A_1075 = tpu.all_reduce %ge3A_1072 {dim = 0 : i64, kind = #tpu.reduction_kind<sum>} : vector<16xi1> -> vector<16xi32>
        %slice3A_1076 = vector.extract_strided_slice %all_reduce_population_count3A_1075 {offsets = [0], sizes = [1], strides = [1]} : vector<16xi32> to vector<1xi32>
        %squeeze3A_1077 = vector.extract %slice3A_1076[0] : i32 from vector<1xi32>
        %add3A_1078 = arith.addi %add3A_1067, %squeeze3A_1077 : i32
        scf.yield %add3A_1078 : i32
      }
      %while3A_675 = arith.constant 1 : i32
      %while3A_676 = scf.for %while3A_989 = %while3A_672 to %while3A_668 step %while3A_675 iter_args(%while3A_990 = %while3A_674) -> (i32)  : i32 {
        %get3A = arith.index_cast %while3A_989 : i32 to index
        %get3A_991 = memref.load %arg8[%get3A] : memref<257xi32, #tpu.memory_space<smem>>
        %mul3A_992 = arith.constant 128 : i32
        %mul3A_993 = arith.muli %get3A_991, %mul3A_992 : i32
        %add3A_994 = arith.constant 0 : i32
        %add3A_995 = arith.addi %mul3A_993, %add3A_994 : i32
        %get3A_996 = arith.index_cast %add3A_995 : i32 to index
        %get3A_997 = tpu.vector_load %arg4[%get3A_996] {strides = array<i32>} : memref<32768xf32, #tpu.memory_space<vmem>>, vector<16xf32>,
        %ge3A_998 = arith.cmpf oge, %get3A_997, %bitcast_convert_type3A_657 : vector<16xf32>
        %swap3A_999 = arith.index_cast %while3A_990 : i32 to index
        %swap3A_1000 = tpu.vector_load %arg6[%swap3A_999] masked %ge3A_998 {strides = array<i32>} : memref<32784xf32, #tpu.memory_space<vmem>>, vector<16xf32>, vector<16xi1>
        tpu.vector_store %arg6[%swap3A_999], %get3A_997 masked %ge3A_998 {strides = array<i32>} : memref<32784xf32, #tpu.memory_space<vmem>>, vector<16xf32>, vector<16xi1>
        %all_reduce_population_count3A = tpu.all_reduce %ge3A_998 {dim = 0 : i64, kind = #tpu.reduction_kind<sum>} : vector<16xi1> -> vector<16xi32>
        %slice3A = vector.extract_strided_slice %all_reduce_population_count3A {offsets = [0], sizes = [1], strides = [1]} : vector<16xi32> to vector<1xi32>
        %squeeze3A = vector.extract %slice3A[0] : i32 from vector<1xi32>
        %add3A_1001 = arith.addi %while3A_990, %squeeze3A : i32
        %add3A_1002 = arith.constant 16 : i32
        %add3A_1003 = arith.addi %mul3A_993, %add3A_1002 : i32
        %get3A_1004 = arith.index_cast %add3A_1003 : i32 to index
        %get3A_1005 = tpu.vector_load %arg4[%get3A_1004] {strides = array<i32>} : memref<32768xf32, #tpu.memory_space<vmem>>, vector<16xf32>,
        %ge3A_1006 = arith.cmpf oge, %get3A_1005, %bitcast_convert_type3A_657 : vector<16xf32>
        %swap3A_1007 = arith.index_cast %add3A_1001 : i32 to index
        %swap3A_1008 = tpu.vector_load %arg6[%swap3A_1007] masked %ge3A_1006 {strides = array<i32>} : memref<32784xf32, #tpu.memory_space<vmem>>, vector<16xf32>, vector<16xi1>
        tpu.vector_store %arg6[%swap3A_1007], %get3A_1005 masked %ge3A_1006 {strides = array<i32>} : memref<32784xf32, #tpu.memory_space<vmem>>, vector<16xf32>, vector<16xi1>
        %all_reduce_population_count3A_1009 = tpu.all_reduce %ge3A_1006 {dim = 0 : i64, kind = #tpu.reduction_kind<sum>} : vector<16xi1> -> vector<16xi32>
        %slice3A_1010 = vector.extract_strided_slice %all_reduce_population_count3A_1009 {offsets = [0], sizes = [1], strides = [1]} : vector<16xi32> to vector<1xi32>
        %squeeze3A_1011 = vector.extract %slice3A_1010[0] : i32 from vector<1xi32>
        %add3A_1012 = arith.addi %add3A_1001, %squeeze3A_1011 : i32
        %add3A_1013 = arith.constant 32 : i32
        %add3A_1014 = arith.addi %mul3A_993, %add3A_1013 : i32
        %get3A_1015 = arith.index_cast %add3A_1014 : i32 to index
        %get3A_1016 = tpu.vector_load %arg4[%get3A_1015] {strides = array<i32>} : memref<32768xf32, #tpu.memory_space<vmem>>, vector<16xf32>,
        %ge3A_1017 = arith.cmpf oge, %get3A_1016, %bitcast_convert_type3A_657 : vector<16xf32>
        %swap3A_1018 = arith.index_cast %add3A_1012 : i32 to index
        %swap3A_1019 = tpu.vector_load %arg6[%swap3A_1018] masked %ge3A_1017 {strides = array<i32>} : memref<32784xf32, #tpu.memory_space<vmem>>, vector<16xf32>, vector<16xi1>
        tpu.vector_store %arg6[%swap3A_1018], %get3A_1016 masked %ge3A_1017 {strides = array<i32>} : memref<32784xf32, #tpu.memory_space<vmem>>, vector<16xf32>, vector<16xi1>
        %all_reduce_population_count3A_1020 = tpu.all_reduce %ge3A_1017 {dim = 0 : i64, kind = #tpu.reduction_kind<sum>} : vector<16xi1> -> vector<16xi32>
        %slice3A_1021 = vector.extract_strided_slice %all_reduce_population_count3A_1020 {offsets = [0], sizes = [1], strides = [1]} : vector<16xi32> to vector<1xi32>
        %squeeze3A_1022 = vector.extract %slice3A_1021[0] : i32 from vector<1xi32>
        %add3A_1023 = arith.addi %add3A_1012, %squeeze3A_1022 : i32
        %add3A_1024 = arith.constant 48 : i32
        %add3A_1025 = arith.addi %mul3A_993, %add3A_1024 : i32
        %get3A_1026 = arith.index_cast %add3A_1025 : i32 to index
        %get3A_1027 = tpu.vector_load %arg4[%get3A_1026] {strides = array<i32>} : memref<32768xf32, #tpu.memory_space<vmem>>, vector<16xf32>,
        %ge3A_1028 = arith.cmpf oge, %get3A_1027, %bitcast_convert_type3A_657 : vector<16xf32>
        %swap3A_1029 = arith.index_cast %add3A_1023 : i32 to index
        %swap3A_1030 = tpu.vector_load %arg6[%swap3A_1029] masked %ge3A_1028 {strides = array<i32>} : memref<32784xf32, #tpu.memory_space<vmem>>, vector<16xf32>, vector<16xi1>
        tpu.vector_store %arg6[%swap3A_1029], %get3A_1027 masked %ge3A_1028 {strides = array<i32>} : memref<32784xf32, #tpu.memory_space<vmem>>, vector<16xf32>, vector<16xi1>
        %all_reduce_population_count3A_1031 = tpu.all_reduce %ge3A_1028 {dim = 0 : i64, kind = #tpu.reduction_kind<sum>} : vector<16xi1> -> vector<16xi32>
        %slice3A_1032 = vector.extract_strided_slice %all_reduce_population_count3A_1031 {offsets = [0], sizes = [1], strides = [1]} : vector<16xi32> to vector<1xi32>
        %squeeze3A_1033 = vector.extract %slice3A_1032[0] : i32 from vector<1xi32>
        %add3A_1034 = arith.addi %add3A_1023, %squeeze3A_1033 : i32
        %add3A_1035 = arith.constant 64 : i32
        %add3A_1036 = arith.addi %mul3A_993, %add3A_1035 : i32
        %get3A_1037 = arith.index_cast %add3A_1036 : i32 to index
        %get3A_1038 = tpu.vector_load %arg4[%get3A_1037] {strides = array<i32>} : memref<32768xf32, #tpu.memory_space<vmem>>, vector<16xf32>,
        %ge3A_1039 = arith.cmpf oge, %get3A_1038, %bitcast_convert_type3A_657 : vector<16xf32>
        %swap3A_1040 = arith.index_cast %add3A_1034 : i32 to index
        %swap3A_1041 = tpu.vector_load %arg6[%swap3A_1040] masked %ge3A_1039 {strides = array<i32>} : memref<32784xf32, #tpu.memory_space<vmem>>, vector<16xf32>, vector<16xi1>
        tpu.vector_store %arg6[%swap3A_1040], %get3A_1038 masked %ge3A_1039 {strides = array<i32>} : memref<32784xf32, #tpu.memory_space<vmem>>, vector<16xf32>, vector<16xi1>
        %all_reduce_population_count3A_1042 = tpu.all_reduce %ge3A_1039 {dim = 0 : i64, kind = #tpu.reduction_kind<sum>} : vector<16xi1> -> vector<16xi32>
        %slice3A_1043 = vector.extract_strided_slice %all_reduce_population_count3A_1042 {offsets = [0], sizes = [1], strides = [1]} : vector<16xi32> to vector<1xi32>
        %squeeze3A_1044 = vector.extract %slice3A_1043[0] : i32 from vector<1xi32>
        %add3A_1045 = arith.addi %add3A_1034, %squeeze3A_1044 : i32
        %add3A_1046 = arith.constant 80 : i32
        %add3A_1047 = arith.addi %mul3A_993, %add3A_1046 : i32
        %get3A_1048 = arith.index_cast %add3A_1047 : i32 to index
        %get3A_1049 = tpu.vector_load %arg4[%get3A_1048] {strides = array<i32>} : memref<32768xf32, #tpu.memory_space<vmem>>, vector<16xf32>,
        %ge3A_1050 = arith.cmpf oge, %get3A_1049, %bitcast_convert_type3A_657 : vector<16xf32>
        %swap3A_1051 = arith.index_cast %add3A_1045 : i32 to index
        %swap3A_1052 = tpu.vector_load %arg6[%swap3A_1051] masked %ge3A_1050 {strides = array<i32>} : memref<32784xf32, #tpu.memory_space<vmem>>, vector<16xf32>, vector<16xi1>
        tpu.vector_store %arg6[%swap3A_1051], %get3A_1049 masked %ge3A_1050 {strides = array<i32>} : memref<32784xf32, #tpu.memory_space<vmem>>, vector<16xf32>, vector<16xi1>
        %all_reduce_population_count3A_1053 = tpu.all_reduce %ge3A_1050 {dim = 0 : i64, kind = #tpu.reduction_kind<sum>} : vector<16xi1> -> vector<16xi32>
        %slice3A_1054 = vector.extract_strided_slice %all_reduce_population_count3A_1053 {offsets = [0], sizes = [1], strides = [1]} : vector<16xi32> to vector<1xi32>
        %squeeze3A_1055 = vector.extract %slice3A_1054[0] : i32 from vector<1xi32>
        %add3A_1056 = arith.addi %add3A_1045, %squeeze3A_1055 : i32
        %add3A_1057 = arith.constant 96 : i32
        %add3A_1058 = arith.addi %mul3A_993, %add3A_1057 : i32
        %get3A_1059 = arith.index_cast %add3A_1058 : i32 to index
        %get3A_1060 = tpu.vector_load %arg4[%get3A_1059] {strides = array<i32>} : memref<32768xf32, #tpu.memory_space<vmem>>, vector<16xf32>,
        %ge3A_1061 = arith.cmpf oge, %get3A_1060, %bitcast_convert_type3A_657 : vector<16xf32>
        %swap3A_1062 = arith.index_cast %add3A_1056 : i32 to index
        %swap3A_1063 = tpu.vector_load %arg6[%swap3A_1062] masked %ge3A_1061 {strides = array<i32>} : memref<32784xf32, #tpu.memory_space<vmem>>, vector<16xf32>, vector<16xi1>
        tpu.vector_store %arg6[%swap3A_1062], %get3A_1060 masked %ge3A_1061 {strides = array<i32>} : memref<32784xf32, #tpu.memory_space<vmem>>, vector<16xf32>, vector<16xi1>
        %all_reduce_population_count3A_1064 = tpu.all_reduce %ge3A_1061 {dim = 0 : i64, kind = #tpu.reduction_kind<sum>} : vector<16xi1> -> vector<16xi32>
        %slice3A_1065 = vector.extract_strided_slice %all_reduce_population_count3A_1064 {offsets = [0], sizes = [1], strides = [1]} : vector<16xi32> to vector<1xi32>
        %squeeze3A_1066 = vector.extract %slice3A_1065[0] : i32 from vector<1xi32>
        %add3A_1067 = arith.addi %add3A_1056, %squeeze3A_1066 : i32
        %add3A_1068 = arith.constant 112 : i32
        %add3A_1069 = arith.addi %mul3A_993, %add3A_1068 : i32
        %get3A_1070 = arith.index_cast %add3A_1069 : i32 to index
        %get3A_1071 = tpu.vector_load %arg4[%get3A_1070] {strides = array<i32>} : memref<32768xf32, #tpu.memory_space<vmem>>, vector<16xf32>,
        %ge3A_1072 = arith.cmpf oge, %get3A_1071, %bitcast_convert_type3A_657 : vector<16xf32>
        %swap3A_1073 = arith.index_cast %add3A_1067 : i32 to index
        %swap3A_1074 = tpu.vector_load %arg6[%swap3A_1073] masked %ge3A_1072 {strides = array<i32>} : memref<32784xf32, #tpu.memory_space<vmem>>, vector<16xf32>, vector<16xi1>
        tpu.vector_store %arg6[%swap3A_1073], %get3A_1071 masked %ge3A_1072 {strides = array<i32>} : memref<32784xf32, #tpu.memory_space<vmem>>, vector<16xf32>, vector<16xi1>
        %all_reduce_population_count3A_1075 = tpu.all_reduce %ge3A_1072 {dim = 0 : i64, kind = #tpu.reduction_kind<sum>} : vector<16xi1> -> vector<16xi32>
        %slice3A_1076 = vector.extract_strided_slice %all_reduce_population_count3A_1075 {offsets = [0], sizes = [1], strides = [1]} : vector<16xi32> to vector<1xi32>
        %squeeze3A_1077 = vector.extract %slice3A_1076[0] : i32 from vector<1xi32>
        %add3A_1078 = arith.addi %add3A_1067, %squeeze3A_1077 : i32
        scf.yield %add3A_1078 : i32
      }
      %broadcast_in_dim3A_677 = arith.constant 0xFF800000 : f32
      %broadcast_in_dim3A_678 = vector.broadcast %broadcast_in_dim3A_677 : f32 to vector<16xf32>
      %swap3A_679 = arith.index_cast %while3A_676 : i32 to index
      %swap3A_680 = tpu.vector_load %arg6[%swap3A_679] {strides = array<i32>} : memref<32784xf32, #tpu.memory_space<vmem>>, vector<16xf32>,
      tpu.vector_store %arg6[%swap3A_679], %broadcast_in_dim3A_678 {strides = array<i32>} : memref<32784xf32, #tpu.memory_space<vmem>>, vector<16xf32>,
      %add3A_681 = arith.constant 16 : i32
      %add3A_682 = arith.addi %while3A_676, %add3A_681 : i32
      %sub3A_683 = arith.constant 1 : i32
      %sub3A_684 = arith.subi %add3A_682, %sub3A_683 : i32
      %shift_right_arithmetic3A_685 = arith.constant 4 : i32
      %shift_right_arithmetic3A_686 = arith.shrsi %sub3A_684, %shift_right_arithmetic3A_685 : i32
      %while3A_687 = arith.constant 0 : i32
      %while3A_688 = arith.constant 0 : i32
      %while3A_689 = arith.subi %shift_right_arithmetic3A_686, %while3A_688 : i32
      %while3A_690 = arith.addi %while3A_688, %while3A_689 : i32
      %while3A_691 = arith.constant 1 : i32
      %while3A_692 = arith.divsi %while3A_689, %while3A_691 : i32
      %while3A_693 = arith.muli %while3A_692, %while3A_691 : i32
      %while3A_694 = arith.addi %while3A_688, %while3A_693 : i32
      %while3A_695 = arith.constant 1 : i32
      scf.for %while3A_989 = %while3A_688 to %while3A_694 step %while3A_695  : i32 {
        %mul3A_990 = arith.constant 16 : i32
        %mul3A_991 = arith.muli %while3A_989, %mul3A_990 : i32
        %get3A = arith.index_cast %mul3A_991 : i32 to index
        %get3A_992 = tpu.vector_load %arg6[%get3A] {strides = array<i32>} : memref<32784xf32, #tpu.memory_space<vmem>>, vector<16xf32>,
        %bitcast_convert_type3A_993 = tpu.bitcast %get3A_992 : vector<16xf32> -> vector<16xi32>
        %shift_right_logical3A_994 = arith.constant 31 : i32
        %shift_right_logical3A_995 = vector.broadcast %shift_right_logical3A_994 : i32 to vector<16xi32>
        %shift_right_logical3A_996 = arith.shrui %bitcast_convert_type3A_993, %shift_right_logical3A_995 : vector<16xi32>
        %convert_element_type3A_997 = arith.constant 0 : i32
        %convert_element_type3A_998 = vector.broadcast %convert_element_type3A_997 : i32 to vector<16xi32>
        %convert_element_type3A_999 = arith.cmpi ne, %shift_right_logical3A_996, %convert_element_type3A_998 : vector<16xi32>
        %not3A_1000 = arith.constant dense<-1> : vector<16xi32>
        %not3A_1001 = arith.xori %bitcast_convert_type3A_993, %not3A_1000 : vector<16xi32>
        %or3A_1002 = arith.constant -2147483648 : i32
        %or3A_1003 = vector.broadcast %or3A_1002 : i32 to vector<16xi32>
        %or3A_1004 = arith.ori %bitcast_convert_type3A_993, %or3A_1003 : vector<16xi32>
        %select_n3A_1005 = arith.select %convert_element_type3A_999, %not3A_1001, %or3A_1004 : vector<16xi1>, vector<16xi32>
        %bitcast_convert_type3A_1006 = tpu.bitcast %select_n3A_1005 : vector<16xi32> -> vector<16xf32>
        %mul3A_1007 = arith.constant 16 : i32
        %mul3A_1008 = arith.muli %while3A_989, %mul3A_1007 : i32
        %swap3A_1009 = arith.index_cast %mul3A_1008 : i32 to index
        %swap3A_1010 = tpu.vector_load %arg6[%swap3A_1009] {strides = array<i32>} : memref<32784xf32, #tpu.memory_space<vmem>>, vector<16xf32>,
        tpu.vector_store %arg6[%swap3A_1009], %bitcast_convert_type3A_1006 {strides = array<i32>} : memref<32784xf32, #tpu.memory_space<vmem>>, vector<16xf32>,
      }
      %while3A_696 = arith.constant 1 : i32
      scf.for %while3A_989 = %while3A_694 to %while3A_690 step %while3A_696  : i32 {
        %mul3A_990 = arith.constant 16 : i32
        %mul3A_991 = arith.muli %while3A_989, %mul3A_990 : i32
        %get3A = arith.index_cast %mul3A_991 : i32 to index
        %get3A_992 = tpu.vector_load %arg6[%get3A] {strides = array<i32>} : memref<32784xf32, #tpu.memory_space<vmem>>, vector<16xf32>,
        %bitcast_convert_type3A_993 = tpu.bitcast %get3A_992 : vector<16xf32> -> vector<16xi32>
        %shift_right_logical3A_994 = arith.constant 31 : i32
        %shift_right_logical3A_995 = vector.broadcast %shift_right_logical3A_994 : i32 to vector<16xi32>
        %shift_right_logical3A_996 = arith.shrui %bitcast_convert_type3A_993, %shift_right_logical3A_995 : vector<16xi32>
        %convert_element_type3A_997 = arith.constant 0 : i32
        %convert_element_type3A_998 = vector.broadcast %convert_element_type3A_997 : i32 to vector<16xi32>
        %convert_element_type3A_999 = arith.cmpi ne, %shift_right_logical3A_996, %convert_element_type3A_998 : vector<16xi32>
        %not3A_1000 = arith.constant dense<-1> : vector<16xi32>
        %not3A_1001 = arith.xori %bitcast_convert_type3A_993, %not3A_1000 : vector<16xi32>
        %or3A_1002 = arith.constant -2147483648 : i32
        %or3A_1003 = vector.broadcast %or3A_1002 : i32 to vector<16xi32>
        %or3A_1004 = arith.ori %bitcast_convert_type3A_993, %or3A_1003 : vector<16xi32>
        %select_n3A_1005 = arith.select %convert_element_type3A_999, %not3A_1001, %or3A_1004 : vector<16xi1>, vector<16xi32>
        %bitcast_convert_type3A_1006 = tpu.bitcast %select_n3A_1005 : vector<16xi32> -> vector<16xf32>
        %mul3A_1007 = arith.constant 16 : i32
        %mul3A_1008 = arith.muli %while3A_989, %mul3A_1007 : i32
        %swap3A_1009 = arith.index_cast %mul3A_1008 : i32 to index
        %swap3A_1010 = tpu.vector_load %arg6[%swap3A_1009] {strides = array<i32>} : memref<32784xf32, #tpu.memory_space<vmem>>, vector<16xf32>,
        tpu.vector_store %arg6[%swap3A_1009], %bitcast_convert_type3A_1006 {strides = array<i32>} : memref<32784xf32, #tpu.memory_space<vmem>>, vector<16xf32>,
      }
      %scan3A_697 = arith.constant 0 : i32
      %scan3A_698 = arith.constant 0 : i32
      %scan3A_699 = arith.constant 32 : i32
      %scan3A_700 = arith.addi %scan3A_698, %scan3A_699 : i32
      %scan3A_701 = arith.constant 1 : i32
      %scan3A_702 = scf.for %scan3A_989 = %scan3A_698 to %scan3A_700 step %scan3A_701 iter_args(%scan3A_990 = %scan3A_697) -> (i32)  : i32 {
        %sub3A_991 = arith.constant 31 : i32
        %sub3A_992 = arith.subi %sub3A_991, %scan3A_989 : i32
        %shift_left3A = arith.constant 1 : i32
        %shift_left3A_993 = arith.shli %shift_left3A, %sub3A_992 : i32
        %or3A_994 = arith.ori %scan3A_990, %shift_left3A_993 : i32
        %while3A_995 = arith.constant 0 : i32
        %while3A_996 = arith.constant 0 : i32
        %while3A_997 = arith.subi %shift_right_arithmetic3A_686, %while3A_995 : i32
        %while3A_998 = arith.addi %while3A_995, %while3A_997 : i32
        %while3A_999 = arith.constant 1 : i32
        %while3A_1000 = arith.divsi %while3A_997, %while3A_999 : i32
        %while3A_1001 = arith.muli %while3A_1000, %while3A_999 : i32
        %while3A_1002 = arith.addi %while3A_995, %while3A_1001 : i32
        %while3A_1003 = arith.constant 1 : i32
        %while3A_1004 = scf.for %while3A_1010 = %while3A_995 to %while3A_1002 step %while3A_1003 iter_args(%while3A_1011 = %while3A_996) -> (i32)  : i32 {
          %mul3A_1012 = arith.constant 16 : i32
          %mul3A_1013 = arith.muli %while3A_1010, %mul3A_1012 : i32
          %get3A = arith.index_cast %mul3A_1013 : i32 to index
          %get3A_1014 = tpu.vector_load %arg6[%get3A] {strides = array<i32>} : memref<32784xf32, #tpu.memory_space<vmem>>, vector<16xf32>,
          %bitcast_convert_type3A_1015 = tpu.bitcast %get3A_1014 : vector<16xf32> -> vector<16xi32>
          %ge3A_1016 = vector.broadcast %or3A_994 : i32 to vector<16xi32>
          %ge3A_1017 = arith.cmpi uge, %bitcast_convert_type3A_1015, %ge3A_1016 : vector<16xi32>
          %all_reduce_population_count3A = tpu.all_reduce %ge3A_1017 {dim = 0 : i64, kind = #tpu.reduction_kind<sum>} : vector<16xi1> -> vector<16xi32>
          %slice3A = vector.extract_strided_slice %all_reduce_population_count3A {offsets = [0], sizes = [1], strides = [1]} : vector<16xi32> to vector<1xi32>
          %squeeze3A = vector.extract %slice3A[0] : i32 from vector<1xi32>
          %add3A_1018 = arith.addi %while3A_1011, %squeeze3A : i32
          scf.yield %add3A_1018 : i32
        }
        %while3A_1005 = arith.constant 1 : i32
        %while3A_1006 = scf.for %while3A_1010 = %while3A_1002 to %while3A_998 step %while3A_1005 iter_args(%while3A_1011 = %while3A_1004) -> (i32)  : i32 {
          %mul3A_1012 = arith.constant 16 : i32
          %mul3A_1013 = arith.muli %while3A_1010, %mul3A_1012 : i32
          %get3A = arith.index_cast %mul3A_1013 : i32 to index
          %get3A_1014 = tpu.vector_load %arg6[%get3A] {strides = array<i32>} : memref<32784xf32, #tpu.memory_space<vmem>>, vector<16xf32>,
          %bitcast_convert_type3A_1015 = tpu.bitcast %get3A_1014 : vector<16xf32> -> vector<16xi32>
          %ge3A_1016 = vector.broadcast %or3A_994 : i32 to vector<16xi32>
          %ge3A_1017 = arith.cmpi uge, %bitcast_convert_type3A_1015, %ge3A_1016 : vector<16xi32>
          %all_reduce_population_count3A = tpu.all_reduce %ge3A_1017 {dim = 0 : i64, kind = #tpu.reduction_kind<sum>} : vector<16xi1> -> vector<16xi32>
          %slice3A = vector.extract_strided_slice %all_reduce_population_count3A {offsets = [0], sizes = [1], strides = [1]} : vector<16xi32> to vector<1xi32>
          %squeeze3A = vector.extract %slice3A[0] : i32 from vector<1xi32>
          %add3A_1018 = arith.addi %while3A_1011, %squeeze3A : i32
          scf.yield %add3A_1018 : i32
        }
        %ge3A_1007 = arith.constant 32 : i32
        %ge3A_1008 = arith.cmpi sge, %while3A_1006, %ge3A_1007 : i32
        %select_n3A_1009 = arith.select %ge3A_1008, %or3A_994, %scan3A_990 : i32
        scf.yield %select_n3A_1009 : i32
      }
      %scan3A_703 = arith.constant 32 : i32
      %while3A_704 = arith.constant 0 : i32
      %while3A_705 = arith.constant 0 : i32
      %while3A_706 = arith.constant 0 : i32
      %while3A_707 = arith.subi %shift_right_arithmetic3A_686, %while3A_704 : i32
      %while3A_708 = arith.addi %while3A_704, %while3A_707 : i32
      %while3A_709 = arith.constant 1 : i32
      %while3A_710 = arith.divsi %while3A_707, %while3A_709 : i32
      %while3A_711 = arith.muli %while3A_710, %while3A_709 : i32
      %while3A_712 = arith.addi %while3A_704, %while3A_711 : i32
      %while3A_713 = arith.constant 1 : i32
      %while3A_714:2 = scf.for %while3A_989 = %while3A_704 to %while3A_712 step %while3A_713 iter_args(%while3A_990 = %while3A_705, %while3A_991 = %while3A_706) -> (i32, i32)  : i32 {
        %mul3A_992 = arith.constant 16 : i32
        %mul3A_993 = arith.muli %while3A_989, %mul3A_992 : i32
        %get3A = arith.index_cast %mul3A_993 : i32 to index
        %get3A_994 = tpu.vector_load %arg6[%get3A] {strides = array<i32>} : memref<32784xf32, #tpu.memory_space<vmem>>, vector<16xf32>,
        %bitcast_convert_type3A_995 = tpu.bitcast %get3A_994 : vector<16xf32> -> vector<16xi32>
        %ge3A_996 = vector.broadcast %scan3A_702 : i32 to vector<16xi32>
        %ge3A_997 = arith.cmpi uge, %bitcast_convert_type3A_995, %ge3A_996 : vector<16xi32>
        %all_reduce_population_count3A = tpu.all_reduce %ge3A_997 {dim = 0 : i64, kind = #tpu.reduction_kind<sum>} : vector<16xi1> -> vector<16xi32>
        %slice3A = vector.extract_strided_slice %all_reduce_population_count3A {offsets = [0], sizes = [1], strides = [1]} : vector<16xi32> to vector<1xi32>
        %squeeze3A = vector.extract %slice3A[0] : i32 from vector<1xi32>
        %add3A_998 = arith.addi %while3A_990, %squeeze3A : i32
        %gt3A_999 = vector.broadcast %scan3A_702 : i32 to vector<16xi32>
        %gt3A_1000 = arith.cmpi ugt, %bitcast_convert_type3A_995, %gt3A_999 : vector<16xi32>
        %all_reduce_population_count3A_1001 = tpu.all_reduce %gt3A_1000 {dim = 0 : i64, kind = #tpu.reduction_kind<sum>} : vector<16xi1> -> vector<16xi32>
        %slice3A_1002 = vector.extract_strided_slice %all_reduce_population_count3A_1001 {offsets = [0], sizes = [1], strides = [1]} : vector<16xi32> to vector<1xi32>
        %squeeze3A_1003 = vector.extract %slice3A_1002[0] : i32 from vector<1xi32>
        %add3A_1004 = arith.addi %while3A_991, %squeeze3A_1003 : i32
        scf.yield %add3A_998, %add3A_1004 : i32, i32
      }
      %while3A_715 = arith.constant 1 : i32
      %while3A_716:2 = scf.for %while3A_989 = %while3A_712 to %while3A_708 step %while3A_715 iter_args(%while3A_990 = %while3A_714#0, %while3A_991 = %while3A_714#1) -> (i32, i32)  : i32 {
        %mul3A_992 = arith.constant 16 : i32
        %mul3A_993 = arith.muli %while3A_989, %mul3A_992 : i32
        %get3A = arith.index_cast %mul3A_993 : i32 to index
        %get3A_994 = tpu.vector_load %arg6[%get3A] {strides = array<i32>} : memref<32784xf32, #tpu.memory_space<vmem>>, vector<16xf32>,
        %bitcast_convert_type3A_995 = tpu.bitcast %get3A_994 : vector<16xf32> -> vector<16xi32>
        %ge3A_996 = vector.broadcast %scan3A_702 : i32 to vector<16xi32>
        %ge3A_997 = arith.cmpi uge, %bitcast_convert_type3A_995, %ge3A_996 : vector<16xi32>
        %all_reduce_population_count3A = tpu.all_reduce %ge3A_997 {dim = 0 : i64, kind = #tpu.reduction_kind<sum>} : vector<16xi1> -> vector<16xi32>
        %slice3A = vector.extract_strided_slice %all_reduce_population_count3A {offsets = [0], sizes = [1], strides = [1]} : vector<16xi32> to vector<1xi32>
        %squeeze3A = vector.extract %slice3A[0] : i32 from vector<1xi32>
        %add3A_998 = arith.addi %while3A_990, %squeeze3A : i32
        %gt3A_999 = vector.broadcast %scan3A_702 : i32 to vector<16xi32>
        %gt3A_1000 = arith.cmpi ugt, %bitcast_convert_type3A_995, %gt3A_999 : vector<16xi32>
        %all_reduce_population_count3A_1001 = tpu.all_reduce %gt3A_1000 {dim = 0 : i64, kind = #tpu.reduction_kind<sum>} : vector<16xi1> -> vector<16xi32>
        %slice3A_1002 = vector.extract_strided_slice %all_reduce_population_count3A_1001 {offsets = [0], sizes = [1], strides = [1]} : vector<16xi32> to vector<1xi32>
        %squeeze3A_1003 = vector.extract %slice3A_1002[0] : i32 from vector<1xi32>
        %add3A_1004 = arith.addi %while3A_991, %squeeze3A_1003 : i32
        scf.yield %add3A_998, %add3A_1004 : i32, i32
      }
      %sub3A_717 = arith.constant 32 : i32
      %sub3A_718 = arith.subi %sub3A_717, %while3A_716#1 : i32
      %ge3A_719 = arith.constant -2147483648 : i32
      %ge3A_720 = arith.cmpi uge, %scan3A_702, %ge3A_719 : i32
      %xor3A_721 = arith.constant -2147483648 : i32
      %xor3A_722 = arith.xori %scan3A_702, %xor3A_721 : i32
      %not3A_723 = arith.constant -1 : i32
      %not3A_724 = arith.xori %scan3A_702, %not3A_723 : i32
      %select_n3A_725 = arith.select %ge3A_720, %xor3A_722, %not3A_724 : i32
      %broadcast_in_dim3A_726 = vector.broadcast %select_n3A_725 : i32 to vector<16xi32>
      %bitcast_convert_type3A_727 = tpu.bitcast %broadcast_in_dim3A_726 : vector<16xi32> -> vector<16xf32>
      %gt3A_728 = arith.constant 32 : i32
      %gt3A_729 = arith.cmpi sgt, %while3A_716#0, %gt3A_728 : i32
      %convert_element_type3A_730 = arith.extui %gt3A_729 : i1 to i32
      %cond3A_731 = arith.constant 0 : i32
      %cond3A_732 = arith.constant 0 : i32
      %cond3A_733 = arith.cmpi ne, %convert_element_type3A_730, %cond3A_732 : i32
      %cond3A_734 = scf.if %cond3A_733 -> (i32) {
        %scan3A_989 = arith.constant 0 : i32
        %scan3A_990 = arith.constant 0 : i32
        %scan3A_991 = arith.constant 2048 : i32
        %scan3A_992 = arith.addi %scan3A_990, %scan3A_991 : i32
        %scan3A_993 = arith.constant 1 : i32
        %scan3A_994 = scf.for %scan3A_996 = %scan3A_990 to %scan3A_992 step %scan3A_993 iter_args(%scan3A_997 = %scan3A_989) -> (i32)  : i32 {
          %mul3A_998 = arith.constant 16 : i32
          %mul3A_999 = arith.muli %scan3A_996, %mul3A_998 : i32
          %get3A = arith.index_cast %mul3A_999 : i32 to index
          %get3A_1000 = tpu.vector_load %arg4[%get3A] {strides = array<i32>} : memref<32768xf32, #tpu.memory_space<vmem>>, vector<16xf32>,
          %gt3A_1001 = arith.cmpf ogt, %get3A_1000, %bitcast_convert_type3A_727 : vector<16xf32>
          %eq3A = arith.cmpf oeq, %get3A_1000, %bitcast_convert_type3A_727 : vector<16xf32>
          %convert_element_type3A_1002 = arith.extui %eq3A : vector<16xi1> to vector<16xi32>
          %cumsum3A = arith.constant true
          %cumsum3A_1003 = vector.broadcast %cumsum3A : i1 to vector<16xi1>
          %cumsum3A_1004 = tpu.scan <sum>, %convert_element_type3A_1002 masked %cumsum3A_1003 : vector<16xi32>, vector<16xi1> -> vector<16xi32>
          %sub3A_1005 = arith.subi %cumsum3A_1004, %convert_element_type3A_1002 : vector<16xi32>
          %add3A_1006 = vector.broadcast %scan3A_997 : i32 to vector<16xi32>
          %add3A_1007 = arith.addi %sub3A_1005, %add3A_1006 : vector<16xi32>
          %lt3A = vector.broadcast %sub3A_718 : i32 to vector<16xi32>
          %lt3A_1008 = arith.cmpi slt, %add3A_1007, %lt3A : vector<16xi32>
          %and3A = arith.andi %eq3A, %lt3A_1008 : vector<16xi1>
          %or3A_1009 = arith.ori %gt3A_1001, %and3A : vector<16xi1>
          %jit3A = arith.constant 0.000000e+00 : f32
          %broadcast_in_dim3A_1010 = vector.broadcast %jit3A : f32 to vector<16xf32>
          %select_n3A_1011 = arith.select %or3A_1009, %get3A_1000, %broadcast_in_dim3A_1010 : vector<16xi1>, vector<16xf32>
          %swap3A_1012 = arith.index_cast %mul3A_999 : i32 to index
          %swap3A_1013 = tpu.vector_load %arg4[%swap3A_1012] {strides = array<i32>} : memref<32768xf32, #tpu.memory_space<vmem>>, vector<16xf32>,
          tpu.vector_store %arg4[%swap3A_1012], %select_n3A_1011 {strides = array<i32>} : memref<32768xf32, #tpu.memory_space<vmem>>, vector<16xf32>,
          %reduce_sum3A = arith.constant true
          %reduce_sum3A_1014 = vector.broadcast %reduce_sum3A : i1 to vector<16xi1>
          %reduce_sum3A_1015 = tpu.scan <sum>, %convert_element_type3A_1002 masked %reduce_sum3A_1014 : vector<16xi32>, vector<16xi1> -> vector<16xi32>
          %reduce_sum3A_1016 = vector.extract %reduce_sum3A_1015[15] : i32 from vector<16xi32>
          %add3A_1017 = arith.addi %scan3A_997, %reduce_sum3A_1016 : i32
          scf.yield %add3A_1017 : i32
        }
        %scan3A_995 = arith.constant 2048 : i32
        scf.yield %scan3A_994 : i32
      } else {
        %parallel_loop3A_989 = arith.constant 0 : i32
        %parallel_loop3A_990 = arith.constant 2048 : i32
        %parallel_loop3A_991 = arith.constant 1 : i32
        scf.for %parallel_loop3A_993 = %parallel_loop3A_989 to %parallel_loop3A_990 step %parallel_loop3A_991  : i32 {
          %parallel_loop3A_994 = arith.constant 16 : i32
          %parallel_loop3A_995 = arith.muli %parallel_loop3A_993, %parallel_loop3A_994 : i32
          %parallel_loop3A_996 = arith.index_cast %parallel_loop3A_995 : i32 to index
          %parallel_loop3A_997 = tpu.vector_load %arg4[%parallel_loop3A_996] {strides = array<i32>} : memref<32768xf32, #tpu.memory_space<vmem>>, vector<16xf32>,
          %parallel_loop3A_998 = arith.cmpf oge, %parallel_loop3A_997, %bitcast_convert_type3A_727 : vector<16xf32>
          %parallel_loop3A_999 = arith.constant 0.000000e+00 : f32
          %parallel_loop3A_1000 = vector.broadcast %parallel_loop3A_999 : f32 to vector<16xf32>
          %parallel_loop3A_1001 = arith.select %parallel_loop3A_998, %parallel_loop3A_997, %parallel_loop3A_1000 : vector<16xi1>, vector<16xf32>
          %parallel_loop3A_1002 = arith.index_cast %parallel_loop3A_995 : i32 to index
          %parallel_loop3A_1003 = tpu.vector_load %arg4[%parallel_loop3A_1002] {strides = array<i32>} : memref<32768xf32, #tpu.memory_space<vmem>>, vector<16xf32>,
          tpu.vector_store %arg4[%parallel_loop3A_1002], %parallel_loop3A_1001 {strides = array<i32>} : memref<32768xf32, #tpu.memory_space<vmem>>, vector<16xf32>,
        } {sc.loop_unroll_factor = 8 : i64, sc.parallel_access}
        %cond3A_992 = arith.constant 0 : i32
        scf.yield %cond3A_992 : i32
      }
      %dma_start3A_735 = arith.constant 0 : i32
      %dma_start3A_736 = tpu.memref_slice %arg3[%add3A_495, %dma_start3A_735] : memref<1024x32768xf32, #tpu.memory_space<hbm>> -> memref<1x32768xf32, #tpu.memory_space<hbm>>
      %dma_start3A_737 = tpu.memref_squeeze %dma_start3A_736 : memref<1x32768xf32, #tpu.memory_space<hbm>> -> memref<32768xf32, #tpu.memory_space<hbm>>
      %dma_start3A_738 = arith.constant 0 : i32
      %dma_start3A_739 = tpu.memref_slice %arg3[%add3A_495, %dma_start3A_738] : memref<1024x32768xf32, #tpu.memory_space<hbm>> -> memref<1x32768xf32, #tpu.memory_space<hbm>>
      %dma_start3A_740 = tpu.memref_squeeze %dma_start3A_739 : memref<1x32768xf32, #tpu.memory_space<hbm>> -> memref<32768xf32, #tpu.memory_space<hbm>>
      tpu.enqueue_dma source(%arg4 : memref<32768xf32, #tpu.memory_space<vmem>>) target(%dma_start3A_740 : memref<32768xf32, #tpu.memory_space<hbm>>) target_semaphore(%arg11 : memref<!tpu.dma_semaphore, #tpu.memory_space<semaphore_mem>>)
      %add3A_741 = arith.constant 1 : i32
      %add3A_742 = arith.addi %add3A_495, %add3A_741 : i32
      %dma_wait3A_743 = arith.constant 0 : i32
      %dma_wait3A_744 = tpu.memref_slice %arg2[%add3A_742, %dma_wait3A_743] : memref<1024x32768xf32, #tpu.memory_space<hbm>> -> memref<1x32768xf32, #tpu.memory_space<hbm>>
      %dma_wait3A_745 = tpu.memref_squeeze %dma_wait3A_744 : memref<1x32768xf32, #tpu.memory_space<hbm>> -> memref<32768xf32, #tpu.memory_space<hbm>>
      %dma_wait3A_746 = arith.constant 0 : i32
      %dma_wait3A_747 = tpu.memref_slice %arg2[%add3A_742, %dma_wait3A_746] : memref<1024x32768xf32, #tpu.memory_space<hbm>> -> memref<1x32768xf32, #tpu.memory_space<hbm>>
      %dma_wait3A_748 = tpu.memref_squeeze %dma_wait3A_747 : memref<1x32768xf32, #tpu.memory_space<hbm>> -> memref<32768xf32, #tpu.memory_space<hbm>>
      tpu.wait_dma2 semaphore(%arg10 : memref<!tpu.dma_semaphore, #tpu.memory_space<semaphore_mem>>) src(%dma_wait3A_748 : memref<32768xf32, #tpu.memory_space<hbm>>) dst(%arg5 : memref<32768xf32, #tpu.memory_space<vmem>>)
      %broadcast_in_dim3A_749 = arith.constant 0xFF800000 : f32
      %broadcast_in_dim3A_750 = vector.broadcast %broadcast_in_dim3A_749 : f32 to vector<16xf32>
      %broadcast_in_dim3A_751 = arith.constant 0xFF800000 : f32
      %broadcast_in_dim3A_752 = vector.broadcast %broadcast_in_dim3A_751 : f32 to vector<16xf32>
      %broadcast_in_dim3A_753 = arith.constant 0xFF800000 : f32
      %broadcast_in_dim3A_754 = vector.broadcast %broadcast_in_dim3A_753 : f32 to vector<16xf32>
      %broadcast_in_dim3A_755 = arith.constant 0xFF800000 : f32
      %broadcast_in_dim3A_756 = vector.broadcast %broadcast_in_dim3A_755 : f32 to vector<16xf32>
      %broadcast_in_dim3A_757 = arith.constant 0xFF800000 : f32
      %broadcast_in_dim3A_758 = vector.broadcast %broadcast_in_dim3A_757 : f32 to vector<16xf32>
      %broadcast_in_dim3A_759 = arith.constant 0xFF800000 : f32
      %broadcast_in_dim3A_760 = vector.broadcast %broadcast_in_dim3A_759 : f32 to vector<16xf32>
      %broadcast_in_dim3A_761 = arith.constant 0xFF800000 : f32
      %broadcast_in_dim3A_762 = vector.broadcast %broadcast_in_dim3A_761 : f32 to vector<16xf32>
      %broadcast_in_dim3A_763 = arith.constant 0xFF800000 : f32
      %broadcast_in_dim3A_764 = vector.broadcast %broadcast_in_dim3A_763 : f32 to vector<16xf32>
      %parallel_loop3A_765 = arith.constant 0 : i32
      %parallel_loop3A_766 = arith.constant 256 : i32
      %parallel_loop3A_767 = arith.constant 1 : i32
      %parallel_loop3A_768:8 = scf.for %parallel_loop3A_989 = %parallel_loop3A_765 to %parallel_loop3A_766 step %parallel_loop3A_767 iter_args(%parallel_loop3A_990 = %broadcast_in_dim3A_750, %parallel_loop3A_991 = %broadcast_in_dim3A_752, %parallel_loop3A_992 = %broadcast_in_dim3A_754, %parallel_loop3A_993 = %broadcast_in_dim3A_756, %parallel_loop3A_994 = %broadcast_in_dim3A_758, %parallel_loop3A_995 = %broadcast_in_dim3A_760, %parallel_loop3A_996 = %broadcast_in_dim3A_762, %parallel_loop3A_997 = %broadcast_in_dim3A_764) -> (vector<16xf32>, vector<16xf32>, vector<16xf32>, vector<16xf32>, vector<16xf32>, vector<16xf32>, vector<16xf32>, vector<16xf32>)  : i32 {
        %parallel_loop3A_998 = arith.constant 128 : i32
        %parallel_loop3A_999 = arith.muli %parallel_loop3A_989, %parallel_loop3A_998 : i32
        %parallel_loop3A_1000 = arith.constant 0 : i32
        %parallel_loop3A_1001 = arith.addi %parallel_loop3A_999, %parallel_loop3A_1000 : i32
        %parallel_loop3A_1002 = arith.index_cast %parallel_loop3A_1001 : i32 to index
        %parallel_loop3A_1003 = tpu.vector_load %arg5[%parallel_loop3A_1002] {strides = array<i32>} : memref<32768xf32, #tpu.memory_space<vmem>>, vector<16xf32>,
        %parallel_loop3A_1004 = arith.constant 16 : i32
        %parallel_loop3A_1005 = arith.addi %parallel_loop3A_999, %parallel_loop3A_1004 : i32
        %parallel_loop3A_1006 = arith.index_cast %parallel_loop3A_1005 : i32 to index
        %parallel_loop3A_1007 = tpu.vector_load %arg5[%parallel_loop3A_1006] {strides = array<i32>} : memref<32768xf32, #tpu.memory_space<vmem>>, vector<16xf32>,
        %parallel_loop3A_1008 = arith.constant 32 : i32
        %parallel_loop3A_1009 = arith.addi %parallel_loop3A_999, %parallel_loop3A_1008 : i32
        %parallel_loop3A_1010 = arith.index_cast %parallel_loop3A_1009 : i32 to index
        %parallel_loop3A_1011 = tpu.vector_load %arg5[%parallel_loop3A_1010] {strides = array<i32>} : memref<32768xf32, #tpu.memory_space<vmem>>, vector<16xf32>,
        %parallel_loop3A_1012 = arith.constant 48 : i32
        %parallel_loop3A_1013 = arith.addi %parallel_loop3A_999, %parallel_loop3A_1012 : i32
        %parallel_loop3A_1014 = arith.index_cast %parallel_loop3A_1013 : i32 to index
        %parallel_loop3A_1015 = tpu.vector_load %arg5[%parallel_loop3A_1014] {strides = array<i32>} : memref<32768xf32, #tpu.memory_space<vmem>>, vector<16xf32>,
        %parallel_loop3A_1016 = arith.constant 64 : i32
        %parallel_loop3A_1017 = arith.addi %parallel_loop3A_999, %parallel_loop3A_1016 : i32
        %parallel_loop3A_1018 = arith.index_cast %parallel_loop3A_1017 : i32 to index
        %parallel_loop3A_1019 = tpu.vector_load %arg5[%parallel_loop3A_1018] {strides = array<i32>} : memref<32768xf32, #tpu.memory_space<vmem>>, vector<16xf32>,
        %parallel_loop3A_1020 = arith.constant 80 : i32
        %parallel_loop3A_1021 = arith.addi %parallel_loop3A_999, %parallel_loop3A_1020 : i32
        %parallel_loop3A_1022 = arith.index_cast %parallel_loop3A_1021 : i32 to index
        %parallel_loop3A_1023 = tpu.vector_load %arg5[%parallel_loop3A_1022] {strides = array<i32>} : memref<32768xf32, #tpu.memory_space<vmem>>, vector<16xf32>,
        %parallel_loop3A_1024 = arith.constant 96 : i32
        %parallel_loop3A_1025 = arith.addi %parallel_loop3A_999, %parallel_loop3A_1024 : i32
        %parallel_loop3A_1026 = arith.index_cast %parallel_loop3A_1025 : i32 to index
        %parallel_loop3A_1027 = tpu.vector_load %arg5[%parallel_loop3A_1026] {strides = array<i32>} : memref<32768xf32, #tpu.memory_space<vmem>>, vector<16xf32>,
        %parallel_loop3A_1028 = arith.constant 112 : i32
        %parallel_loop3A_1029 = arith.addi %parallel_loop3A_999, %parallel_loop3A_1028 : i32
        %parallel_loop3A_1030 = arith.index_cast %parallel_loop3A_1029 : i32 to index
        %parallel_loop3A_1031 = tpu.vector_load %arg5[%parallel_loop3A_1030] {strides = array<i32>} : memref<32768xf32, #tpu.memory_space<vmem>>, vector<16xf32>,
        %parallel_loop3A_1032 = arith.maximumf %parallel_loop3A_990, %parallel_loop3A_1003 : vector<16xf32>
        %parallel_loop3A_1033 = arith.maximumf %parallel_loop3A_991, %parallel_loop3A_1007 : vector<16xf32>
        %parallel_loop3A_1034 = arith.maximumf %parallel_loop3A_992, %parallel_loop3A_1011 : vector<16xf32>
        %parallel_loop3A_1035 = arith.maximumf %parallel_loop3A_993, %parallel_loop3A_1015 : vector<16xf32>
        %parallel_loop3A_1036 = arith.maximumf %parallel_loop3A_994, %parallel_loop3A_1019 : vector<16xf32>
        %parallel_loop3A_1037 = arith.maximumf %parallel_loop3A_995, %parallel_loop3A_1023 : vector<16xf32>
        %parallel_loop3A_1038 = arith.maximumf %parallel_loop3A_996, %parallel_loop3A_1027 : vector<16xf32>
        %parallel_loop3A_1039 = arith.maximumf %parallel_loop3A_997, %parallel_loop3A_1031 : vector<16xf32>
        %parallel_loop3A_1040 = arith.maximumf %parallel_loop3A_1003, %parallel_loop3A_1007 : vector<16xf32>
        %parallel_loop3A_1041 = arith.maximumf %parallel_loop3A_1040, %parallel_loop3A_1011 : vector<16xf32>
        %parallel_loop3A_1042 = arith.maximumf %parallel_loop3A_1041, %parallel_loop3A_1015 : vector<16xf32>
        %parallel_loop3A_1043 = arith.maximumf %parallel_loop3A_1042, %parallel_loop3A_1019 : vector<16xf32>
        %parallel_loop3A_1044 = arith.maximumf %parallel_loop3A_1043, %parallel_loop3A_1023 : vector<16xf32>
        %parallel_loop3A_1045 = arith.maximumf %parallel_loop3A_1044, %parallel_loop3A_1027 : vector<16xf32>
        %parallel_loop3A_1046 = arith.maximumf %parallel_loop3A_1045, %parallel_loop3A_1031 : vector<16xf32>
        %parallel_loop3A_1047 = arith.constant 16 : i32
        %parallel_loop3A_1048 = arith.muli %parallel_loop3A_989, %parallel_loop3A_1047 : i32
        %parallel_loop3A_1049 = arith.index_cast %parallel_loop3A_1048 : i32 to index
        %parallel_loop3A_1050 = tpu.vector_load %arg7[%parallel_loop3A_1049] {strides = array<i32>} : memref<4096xf32, #tpu.memory_space<vmem>>, vector<16xf32>,
        tpu.vector_store %arg7[%parallel_loop3A_1049], %parallel_loop3A_1046 {strides = array<i32>} : memref<4096xf32, #tpu.memory_space<vmem>>, vector<16xf32>,
        scf.yield %parallel_loop3A_1032, %parallel_loop3A_1033, %parallel_loop3A_1034, %parallel_loop3A_1035, %parallel_loop3A_1036, %parallel_loop3A_1037, %parallel_loop3A_1038, %parallel_loop3A_1039 : vector<16xf32>, vector<16xf32>, vector<16xf32>, vector<16xf32>, vector<16xf32>, vector<16xf32>, vector<16xf32>, vector<16xf32>
      } {sc.loop_unroll_factor = 1 : i64, sc.parallel_access}
      %bitcast_convert_type3A_769 = tpu.bitcast %parallel_loop3A_768#0 : vector<16xf32> -> vector<16xi32>
      %shift_right_logical3A_770 = arith.constant 31 : i32
      %shift_right_logical3A_771 = vector.broadcast %shift_right_logical3A_770 : i32 to vector<16xi32>
      %shift_right_logical3A_772 = arith.shrui %bitcast_convert_type3A_769, %shift_right_logical3A_771 : vector<16xi32>
      %convert_element_type3A_773 = arith.constant 0 : i32
      %convert_element_type3A_774 = vector.broadcast %convert_element_type3A_773 : i32 to vector<16xi32>
      %convert_element_type3A_775 = arith.cmpi ne, %shift_right_logical3A_772, %convert_element_type3A_774 : vector<16xi32>
      %not3A_776 = arith.constant dense<-1> : vector<16xi32>
      %not3A_777 = arith.xori %bitcast_convert_type3A_769, %not3A_776 : vector<16xi32>
      %or3A_778 = arith.constant -2147483648 : i32
      %or3A_779 = vector.broadcast %or3A_778 : i32 to vector<16xi32>
      %or3A_780 = arith.ori %bitcast_convert_type3A_769, %or3A_779 : vector<16xi32>
      %select_n3A_781 = arith.select %convert_element_type3A_775, %not3A_777, %or3A_780 : vector<16xi1>, vector<16xi32>
      %bitcast_convert_type3A_782 = tpu.bitcast %parallel_loop3A_768#1 : vector<16xf32> -> vector<16xi32>
      %shift_right_logical3A_783 = arith.constant 31 : i32
      %shift_right_logical3A_784 = vector.broadcast %shift_right_logical3A_783 : i32 to vector<16xi32>
      %shift_right_logical3A_785 = arith.shrui %bitcast_convert_type3A_782, %shift_right_logical3A_784 : vector<16xi32>
      %convert_element_type3A_786 = arith.constant 0 : i32
      %convert_element_type3A_787 = vector.broadcast %convert_element_type3A_786 : i32 to vector<16xi32>
      %convert_element_type3A_788 = arith.cmpi ne, %shift_right_logical3A_785, %convert_element_type3A_787 : vector<16xi32>
      %not3A_789 = arith.constant dense<-1> : vector<16xi32>
      %not3A_790 = arith.xori %bitcast_convert_type3A_782, %not3A_789 : vector<16xi32>
      %or3A_791 = arith.constant -2147483648 : i32
      %or3A_792 = vector.broadcast %or3A_791 : i32 to vector<16xi32>
      %or3A_793 = arith.ori %bitcast_convert_type3A_782, %or3A_792 : vector<16xi32>
      %select_n3A_794 = arith.select %convert_element_type3A_788, %not3A_790, %or3A_793 : vector<16xi1>, vector<16xi32>
      %bitcast_convert_type3A_795 = tpu.bitcast %parallel_loop3A_768#2 : vector<16xf32> -> vector<16xi32>
      %shift_right_logical3A_796 = arith.constant 31 : i32
      %shift_right_logical3A_797 = vector.broadcast %shift_right_logical3A_796 : i32 to vector<16xi32>
      %shift_right_logical3A_798 = arith.shrui %bitcast_convert_type3A_795, %shift_right_logical3A_797 : vector<16xi32>
      %convert_element_type3A_799 = arith.constant 0 : i32
      %convert_element_type3A_800 = vector.broadcast %convert_element_type3A_799 : i32 to vector<16xi32>
      %convert_element_type3A_801 = arith.cmpi ne, %shift_right_logical3A_798, %convert_element_type3A_800 : vector<16xi32>
      %not3A_802 = arith.constant dense<-1> : vector<16xi32>
      %not3A_803 = arith.xori %bitcast_convert_type3A_795, %not3A_802 : vector<16xi32>
      %or3A_804 = arith.constant -2147483648 : i32
      %or3A_805 = vector.broadcast %or3A_804 : i32 to vector<16xi32>
      %or3A_806 = arith.ori %bitcast_convert_type3A_795, %or3A_805 : vector<16xi32>
      %select_n3A_807 = arith.select %convert_element_type3A_801, %not3A_803, %or3A_806 : vector<16xi1>, vector<16xi32>
      %bitcast_convert_type3A_808 = tpu.bitcast %parallel_loop3A_768#3 : vector<16xf32> -> vector<16xi32>
      %shift_right_logical3A_809 = arith.constant 31 : i32
      %shift_right_logical3A_810 = vector.broadcast %shift_right_logical3A_809 : i32 to vector<16xi32>
      %shift_right_logical3A_811 = arith.shrui %bitcast_convert_type3A_808, %shift_right_logical3A_810 : vector<16xi32>
      %convert_element_type3A_812 = arith.constant 0 : i32
      %convert_element_type3A_813 = vector.broadcast %convert_element_type3A_812 : i32 to vector<16xi32>
      %convert_element_type3A_814 = arith.cmpi ne, %shift_right_logical3A_811, %convert_element_type3A_813 : vector<16xi32>
      %not3A_815 = arith.constant dense<-1> : vector<16xi32>
      %not3A_816 = arith.xori %bitcast_convert_type3A_808, %not3A_815 : vector<16xi32>
      %or3A_817 = arith.constant -2147483648 : i32
      %or3A_818 = vector.broadcast %or3A_817 : i32 to vector<16xi32>
      %or3A_819 = arith.ori %bitcast_convert_type3A_808, %or3A_818 : vector<16xi32>
      %select_n3A_820 = arith.select %convert_element_type3A_814, %not3A_816, %or3A_819 : vector<16xi1>, vector<16xi32>
      %bitcast_convert_type3A_821 = tpu.bitcast %parallel_loop3A_768#4 : vector<16xf32> -> vector<16xi32>
      %shift_right_logical3A_822 = arith.constant 31 : i32
      %shift_right_logical3A_823 = vector.broadcast %shift_right_logical3A_822 : i32 to vector<16xi32>
      %shift_right_logical3A_824 = arith.shrui %bitcast_convert_type3A_821, %shift_right_logical3A_823 : vector<16xi32>
      %convert_element_type3A_825 = arith.constant 0 : i32
      %convert_element_type3A_826 = vector.broadcast %convert_element_type3A_825 : i32 to vector<16xi32>
      %convert_element_type3A_827 = arith.cmpi ne, %shift_right_logical3A_824, %convert_element_type3A_826 : vector<16xi32>
      %not3A_828 = arith.constant dense<-1> : vector<16xi32>
      %not3A_829 = arith.xori %bitcast_convert_type3A_821, %not3A_828 : vector<16xi32>
      %or3A_830 = arith.constant -2147483648 : i32
      %or3A_831 = vector.broadcast %or3A_830 : i32 to vector<16xi32>
      %or3A_832 = arith.ori %bitcast_convert_type3A_821, %or3A_831 : vector<16xi32>
      %select_n3A_833 = arith.select %convert_element_type3A_827, %not3A_829, %or3A_832 : vector<16xi1>, vector<16xi32>
      %bitcast_convert_type3A_834 = tpu.bitcast %parallel_loop3A_768#5 : vector<16xf32> -> vector<16xi32>
      %shift_right_logical3A_835 = arith.constant 31 : i32
      %shift_right_logical3A_836 = vector.broadcast %shift_right_logical3A_835 : i32 to vector<16xi32>
      %shift_right_logical3A_837 = arith.shrui %bitcast_convert_type3A_834, %shift_right_logical3A_836 : vector<16xi32>
      %convert_element_type3A_838 = arith.constant 0 : i32
      %convert_element_type3A_839 = vector.broadcast %convert_element_type3A_838 : i32 to vector<16xi32>
      %convert_element_type3A_840 = arith.cmpi ne, %shift_right_logical3A_837, %convert_element_type3A_839 : vector<16xi32>
      %not3A_841 = arith.constant dense<-1> : vector<16xi32>
      %not3A_842 = arith.xori %bitcast_convert_type3A_834, %not3A_841 : vector<16xi32>
      %or3A_843 = arith.constant -2147483648 : i32
      %or3A_844 = vector.broadcast %or3A_843 : i32 to vector<16xi32>
      %or3A_845 = arith.ori %bitcast_convert_type3A_834, %or3A_844 : vector<16xi32>
      %select_n3A_846 = arith.select %convert_element_type3A_840, %not3A_842, %or3A_845 : vector<16xi1>, vector<16xi32>
      %bitcast_convert_type3A_847 = tpu.bitcast %parallel_loop3A_768#6 : vector<16xf32> -> vector<16xi32>
      %shift_right_logical3A_848 = arith.constant 31 : i32
      %shift_right_logical3A_849 = vector.broadcast %shift_right_logical3A_848 : i32 to vector<16xi32>
      %shift_right_logical3A_850 = arith.shrui %bitcast_convert_type3A_847, %shift_right_logical3A_849 : vector<16xi32>
      %convert_element_type3A_851 = arith.constant 0 : i32
      %convert_element_type3A_852 = vector.broadcast %convert_element_type3A_851 : i32 to vector<16xi32>
      %convert_element_type3A_853 = arith.cmpi ne, %shift_right_logical3A_850, %convert_element_type3A_852 : vector<16xi32>
      %not3A_854 = arith.constant dense<-1> : vector<16xi32>
      %not3A_855 = arith.xori %bitcast_convert_type3A_847, %not3A_854 : vector<16xi32>
      %or3A_856 = arith.constant -2147483648 : i32
      %or3A_857 = vector.broadcast %or3A_856 : i32 to vector<16xi32>
      %or3A_858 = arith.ori %bitcast_convert_type3A_847, %or3A_857 : vector<16xi32>
      %select_n3A_859 = arith.select %convert_element_type3A_853, %not3A_855, %or3A_858 : vector<16xi1>, vector<16xi32>
      %bitcast_convert_type3A_860 = tpu.bitcast %parallel_loop3A_768#7 : vector<16xf32> -> vector<16xi32>
      %shift_right_logical3A_861 = arith.constant 31 : i32
      %shift_right_logical3A_862 = vector.broadcast %shift_right_logical3A_861 : i32 to vector<16xi32>
      %shift_right_logical3A_863 = arith.shrui %bitcast_convert_type3A_860, %shift_right_logical3A_862 : vector<16xi32>
      %convert_element_type3A_864 = arith.constant 0 : i32
      %convert_element_type3A_865 = vector.broadcast %convert_element_type3A_864 : i32 to vector<16xi32>
      %convert_element_type3A_866 = arith.cmpi ne, %shift_right_logical3A_863, %convert_element_type3A_865 : vector<16xi32>
      %not3A_867 = arith.constant dense<-1> : vector<16xi32>
      %not3A_868 = arith.xori %bitcast_convert_type3A_860, %not3A_867 : vector<16xi32>
      %or3A_869 = arith.constant -2147483648 : i32
      %or3A_870 = vector.broadcast %or3A_869 : i32 to vector<16xi32>
      %or3A_871 = arith.ori %bitcast_convert_type3A_860, %or3A_870 : vector<16xi32>
      %select_n3A_872 = arith.select %convert_element_type3A_866, %not3A_868, %or3A_871 : vector<16xi1>, vector<16xi32>
      %scan3A_873 = arith.constant 0 : i32
      %scan3A_874 = arith.constant 0 : i32
      %scan3A_875 = arith.constant 16 : i32
      %scan3A_876 = arith.addi %scan3A_874, %scan3A_875 : i32
      %scan3A_877 = arith.constant 1 : i32
      %scan3A_878 = scf.for %scan3A_989 = %scan3A_874 to %scan3A_876 step %scan3A_877 iter_args(%scan3A_990 = %scan3A_873) -> (i32)  : i32 {
        %sub3A_991 = arith.constant 31 : i32
        %sub3A_992 = arith.subi %sub3A_991, %scan3A_989 : i32
        %shift_left3A = arith.constant 1 : i32
        %shift_left3A_993 = arith.shli %shift_left3A, %sub3A_992 : i32
        %or3A_994 = arith.ori %scan3A_990, %shift_left3A_993 : i32
        %ge3A_995 = vector.broadcast %or3A_994 : i32 to vector<16xi32>
        %ge3A_996 = arith.cmpi uge, %select_n3A_781, %ge3A_995 : vector<16xi32>
        %all_reduce_population_count3A = tpu.all_reduce %ge3A_996 {dim = 0 : i64, kind = #tpu.reduction_kind<sum>} : vector<16xi1> -> vector<16xi32>
        %slice3A = vector.extract_strided_slice %all_reduce_population_count3A {offsets = [0], sizes = [1], strides = [1]} : vector<16xi32> to vector<1xi32>
        %squeeze3A = vector.extract %slice3A[0] : i32 from vector<1xi32>
        %ge3A_997 = vector.broadcast %or3A_994 : i32 to vector<16xi32>
        %ge3A_998 = arith.cmpi uge, %select_n3A_794, %ge3A_997 : vector<16xi32>
        %all_reduce_population_count3A_999 = tpu.all_reduce %ge3A_998 {dim = 0 : i64, kind = #tpu.reduction_kind<sum>} : vector<16xi1> -> vector<16xi32>
        %slice3A_1000 = vector.extract_strided_slice %all_reduce_population_count3A_999 {offsets = [0], sizes = [1], strides = [1]} : vector<16xi32> to vector<1xi32>
        %squeeze3A_1001 = vector.extract %slice3A_1000[0] : i32 from vector<1xi32>
        %add3A_1002 = arith.addi %squeeze3A, %squeeze3A_1001 : i32
        %ge3A_1003 = vector.broadcast %or3A_994 : i32 to vector<16xi32>
        %ge3A_1004 = arith.cmpi uge, %select_n3A_807, %ge3A_1003 : vector<16xi32>
        %all_reduce_population_count3A_1005 = tpu.all_reduce %ge3A_1004 {dim = 0 : i64, kind = #tpu.reduction_kind<sum>} : vector<16xi1> -> vector<16xi32>
        %slice3A_1006 = vector.extract_strided_slice %all_reduce_population_count3A_1005 {offsets = [0], sizes = [1], strides = [1]} : vector<16xi32> to vector<1xi32>
        %squeeze3A_1007 = vector.extract %slice3A_1006[0] : i32 from vector<1xi32>
        %add3A_1008 = arith.addi %add3A_1002, %squeeze3A_1007 : i32
        %ge3A_1009 = vector.broadcast %or3A_994 : i32 to vector<16xi32>
        %ge3A_1010 = arith.cmpi uge, %select_n3A_820, %ge3A_1009 : vector<16xi32>
        %all_reduce_population_count3A_1011 = tpu.all_reduce %ge3A_1010 {dim = 0 : i64, kind = #tpu.reduction_kind<sum>} : vector<16xi1> -> vector<16xi32>
        %slice3A_1012 = vector.extract_strided_slice %all_reduce_population_count3A_1011 {offsets = [0], sizes = [1], strides = [1]} : vector<16xi32> to vector<1xi32>
        %squeeze3A_1013 = vector.extract %slice3A_1012[0] : i32 from vector<1xi32>
        %add3A_1014 = arith.addi %add3A_1008, %squeeze3A_1013 : i32
        %ge3A_1015 = vector.broadcast %or3A_994 : i32 to vector<16xi32>
        %ge3A_1016 = arith.cmpi uge, %select_n3A_833, %ge3A_1015 : vector<16xi32>
        %all_reduce_population_count3A_1017 = tpu.all_reduce %ge3A_1016 {dim = 0 : i64, kind = #tpu.reduction_kind<sum>} : vector<16xi1> -> vector<16xi32>
        %slice3A_1018 = vector.extract_strided_slice %all_reduce_population_count3A_1017 {offsets = [0], sizes = [1], strides = [1]} : vector<16xi32> to vector<1xi32>
        %squeeze3A_1019 = vector.extract %slice3A_1018[0] : i32 from vector<1xi32>
        %add3A_1020 = arith.addi %add3A_1014, %squeeze3A_1019 : i32
        %ge3A_1021 = vector.broadcast %or3A_994 : i32 to vector<16xi32>
        %ge3A_1022 = arith.cmpi uge, %select_n3A_846, %ge3A_1021 : vector<16xi32>
        %all_reduce_population_count3A_1023 = tpu.all_reduce %ge3A_1022 {dim = 0 : i64, kind = #tpu.reduction_kind<sum>} : vector<16xi1> -> vector<16xi32>
        %slice3A_1024 = vector.extract_strided_slice %all_reduce_population_count3A_1023 {offsets = [0], sizes = [1], strides = [1]} : vector<16xi32> to vector<1xi32>
        %squeeze3A_1025 = vector.extract %slice3A_1024[0] : i32 from vector<1xi32>
        %add3A_1026 = arith.addi %add3A_1020, %squeeze3A_1025 : i32
        %ge3A_1027 = vector.broadcast %or3A_994 : i32 to vector<16xi32>
        %ge3A_1028 = arith.cmpi uge, %select_n3A_859, %ge3A_1027 : vector<16xi32>
        %all_reduce_population_count3A_1029 = tpu.all_reduce %ge3A_1028 {dim = 0 : i64, kind = #tpu.reduction_kind<sum>} : vector<16xi1> -> vector<16xi32>
        %slice3A_1030 = vector.extract_strided_slice %all_reduce_population_count3A_1029 {offsets = [0], sizes = [1], strides = [1]} : vector<16xi32> to vector<1xi32>
        %squeeze3A_1031 = vector.extract %slice3A_1030[0] : i32 from vector<1xi32>
        %add3A_1032 = arith.addi %add3A_1026, %squeeze3A_1031 : i32
        %ge3A_1033 = vector.broadcast %or3A_994 : i32 to vector<16xi32>
        %ge3A_1034 = arith.cmpi uge, %select_n3A_872, %ge3A_1033 : vector<16xi32>
        %all_reduce_population_count3A_1035 = tpu.all_reduce %ge3A_1034 {dim = 0 : i64, kind = #tpu.reduction_kind<sum>} : vector<16xi1> -> vector<16xi32>
        %slice3A_1036 = vector.extract_strided_slice %all_reduce_population_count3A_1035 {offsets = [0], sizes = [1], strides = [1]} : vector<16xi32> to vector<1xi32>
        %squeeze3A_1037 = vector.extract %slice3A_1036[0] : i32 from vector<1xi32>
        %add3A_1038 = arith.addi %add3A_1032, %squeeze3A_1037 : i32
        %ge3A_1039 = arith.constant 32 : i32
        %ge3A_1040 = arith.cmpi sge, %add3A_1038, %ge3A_1039 : i32
        %select_n3A_1041 = arith.select %ge3A_1040, %or3A_994, %scan3A_990 : i32
        scf.yield %select_n3A_1041 : i32
      }
      %scan3A_879 = arith.constant 16 : i32
      %ge3A_880 = arith.constant -2147483648 : i32
      %ge3A_881 = arith.cmpi uge, %scan3A_878, %ge3A_880 : i32
      %xor3A_882 = arith.constant -2147483648 : i32
      %xor3A_883 = arith.xori %scan3A_878, %xor3A_882 : i32
      %not3A_884 = arith.constant -1 : i32
      %not3A_885 = arith.xori %scan3A_878, %not3A_884 : i32
      %select_n3A_886 = arith.select %ge3A_881, %xor3A_883, %not3A_885 : i32
      %broadcast_in_dim3A_887 = vector.broadcast %select_n3A_886 : i32 to vector<16xi32>
      %bitcast_convert_type3A_888 = tpu.bitcast %broadcast_in_dim3A_887 : vector<16xi32> -> vector<16xf32>
      %scan3A_889 = arith.constant 0 : i32
      %scan3A_890 = arith.constant 0 : i32
      %scan3A_891 = arith.constant 256 : i32
      %scan3A_892 = arith.addi %scan3A_890, %scan3A_891 : i32
      %scan3A_893 = arith.constant 1 : i32
      %scan3A_894 = scf.for %scan3A_989 = %scan3A_890 to %scan3A_892 step %scan3A_893 iter_args(%scan3A_990 = %scan3A_889) -> (i32)  : i32 {
        %mul3A_991 = arith.constant 16 : i32
        %mul3A_992 = arith.muli %scan3A_989, %mul3A_991 : i32
        %get3A = arith.index_cast %mul3A_992 : i32 to index
        %get3A_993 = tpu.vector_load %arg7[%get3A] {strides = array<i32>} : memref<4096xf32, #tpu.memory_space<vmem>>, vector<16xf32>,
        %ge3A_994 = arith.cmpf oge, %get3A_993, %bitcast_convert_type3A_888 : vector<16xf32>
        %all_reduce_population_count3A = tpu.all_reduce %ge3A_994 {dim = 0 : i64, kind = #tpu.reduction_kind<sum>} : vector<16xi1> -> vector<16xi32>
        %slice3A = vector.extract_strided_slice %all_reduce_population_count3A {offsets = [0], sizes = [1], strides = [1]} : vector<16xi32> to vector<1xi32>
        %squeeze3A = vector.extract %slice3A[0] : i32 from vector<1xi32>
        %swap3A_995 = arith.index_cast %scan3A_990 : i32 to index
        %swap3A_996 = memref.load %arg8[%swap3A_995] : memref<257xi32, #tpu.memory_space<smem>>
        memref.store %scan3A_989, %arg8[%swap3A_995] : memref<257xi32, #tpu.memory_space<smem>>
        %gt3A_997 = arith.constant 0 : i32
        %gt3A_998 = arith.cmpi sgt, %squeeze3A, %gt3A_997 : i32
        %convert_element_type3A_999 = arith.extui %gt3A_998 : i1 to i32
        %add3A_1000 = arith.addi %scan3A_990, %convert_element_type3A_999 : i32
        scf.yield %add3A_1000 : i32
      }
      %scan3A_895 = arith.constant 256 : i32
      %while3A_896 = arith.constant 0 : i32
      %while3A_897 = arith.constant 0 : i32
      %while3A_898 = arith.subi %scan3A_894, %while3A_896 : i32
      %while3A_899 = arith.addi %while3A_896, %while3A_898 : i32
      %while3A_900 = arith.constant 1 : i32
      %while3A_901 = arith.divsi %while3A_898, %while3A_900 : i32
      %while3A_902 = arith.muli %while3A_901, %while3A_900 : i32
      %while3A_903 = arith.addi %while3A_896, %while3A_902 : i32
      %while3A_904 = arith.constant 1 : i32
      %while3A_905 = scf.for %while3A_989 = %while3A_896 to %while3A_903 step %while3A_904 iter_args(%while3A_990 = %while3A_897) -> (i32)  : i32 {
        %get3A = arith.index_cast %while3A_989 : i32 to index
        %get3A_991 = memref.load %arg8[%get3A] : memref<257xi32, #tpu.memory_space<smem>>
        %mul3A_992 = arith.constant 128 : i32
        %mul3A_993 = arith.muli %get3A_991, %mul3A_992 : i32
        %add3A_994 = arith.constant 0 : i32
        %add3A_995 = arith.addi %mul3A_993, %add3A_994 : i32
        %get3A_996 = arith.index_cast %add3A_995 : i32 to index
        %get3A_997 = tpu.vector_load %arg5[%get3A_996] {strides = array<i32>} : memref<32768xf32, #tpu.memory_space<vmem>>, vector<16xf32>,
        %ge3A_998 = arith.cmpf oge, %get3A_997, %bitcast_convert_type3A_888 : vector<16xf32>
        %swap3A_999 = arith.index_cast %while3A_990 : i32 to index
        %swap3A_1000 = tpu.vector_load %arg6[%swap3A_999] masked %ge3A_998 {strides = array<i32>} : memref<32784xf32, #tpu.memory_space<vmem>>, vector<16xf32>, vector<16xi1>
        tpu.vector_store %arg6[%swap3A_999], %get3A_997 masked %ge3A_998 {strides = array<i32>} : memref<32784xf32, #tpu.memory_space<vmem>>, vector<16xf32>, vector<16xi1>
        %all_reduce_population_count3A = tpu.all_reduce %ge3A_998 {dim = 0 : i64, kind = #tpu.reduction_kind<sum>} : vector<16xi1> -> vector<16xi32>
        %slice3A = vector.extract_strided_slice %all_reduce_population_count3A {offsets = [0], sizes = [1], strides = [1]} : vector<16xi32> to vector<1xi32>
        %squeeze3A = vector.extract %slice3A[0] : i32 from vector<1xi32>
        %add3A_1001 = arith.addi %while3A_990, %squeeze3A : i32
        %add3A_1002 = arith.constant 16 : i32
        %add3A_1003 = arith.addi %mul3A_993, %add3A_1002 : i32
        %get3A_1004 = arith.index_cast %add3A_1003 : i32 to index
        %get3A_1005 = tpu.vector_load %arg5[%get3A_1004] {strides = array<i32>} : memref<32768xf32, #tpu.memory_space<vmem>>, vector<16xf32>,
        %ge3A_1006 = arith.cmpf oge, %get3A_1005, %bitcast_convert_type3A_888 : vector<16xf32>
        %swap3A_1007 = arith.index_cast %add3A_1001 : i32 to index
        %swap3A_1008 = tpu.vector_load %arg6[%swap3A_1007] masked %ge3A_1006 {strides = array<i32>} : memref<32784xf32, #tpu.memory_space<vmem>>, vector<16xf32>, vector<16xi1>
        tpu.vector_store %arg6[%swap3A_1007], %get3A_1005 masked %ge3A_1006 {strides = array<i32>} : memref<32784xf32, #tpu.memory_space<vmem>>, vector<16xf32>, vector<16xi1>
        %all_reduce_population_count3A_1009 = tpu.all_reduce %ge3A_1006 {dim = 0 : i64, kind = #tpu.reduction_kind<sum>} : vector<16xi1> -> vector<16xi32>
        %slice3A_1010 = vector.extract_strided_slice %all_reduce_population_count3A_1009 {offsets = [0], sizes = [1], strides = [1]} : vector<16xi32> to vector<1xi32>
        %squeeze3A_1011 = vector.extract %slice3A_1010[0] : i32 from vector<1xi32>
        %add3A_1012 = arith.addi %add3A_1001, %squeeze3A_1011 : i32
        %add3A_1013 = arith.constant 32 : i32
        %add3A_1014 = arith.addi %mul3A_993, %add3A_1013 : i32
        %get3A_1015 = arith.index_cast %add3A_1014 : i32 to index
        %get3A_1016 = tpu.vector_load %arg5[%get3A_1015] {strides = array<i32>} : memref<32768xf32, #tpu.memory_space<vmem>>, vector<16xf32>,
        %ge3A_1017 = arith.cmpf oge, %get3A_1016, %bitcast_convert_type3A_888 : vector<16xf32>
        %swap3A_1018 = arith.index_cast %add3A_1012 : i32 to index
        %swap3A_1019 = tpu.vector_load %arg6[%swap3A_1018] masked %ge3A_1017 {strides = array<i32>} : memref<32784xf32, #tpu.memory_space<vmem>>, vector<16xf32>, vector<16xi1>
        tpu.vector_store %arg6[%swap3A_1018], %get3A_1016 masked %ge3A_1017 {strides = array<i32>} : memref<32784xf32, #tpu.memory_space<vmem>>, vector<16xf32>, vector<16xi1>
        %all_reduce_population_count3A_1020 = tpu.all_reduce %ge3A_1017 {dim = 0 : i64, kind = #tpu.reduction_kind<sum>} : vector<16xi1> -> vector<16xi32>
        %slice3A_1021 = vector.extract_strided_slice %all_reduce_population_count3A_1020 {offsets = [0], sizes = [1], strides = [1]} : vector<16xi32> to vector<1xi32>
        %squeeze3A_1022 = vector.extract %slice3A_1021[0] : i32 from vector<1xi32>
        %add3A_1023 = arith.addi %add3A_1012, %squeeze3A_1022 : i32
        %add3A_1024 = arith.constant 48 : i32
        %add3A_1025 = arith.addi %mul3A_993, %add3A_1024 : i32
        %get3A_1026 = arith.index_cast %add3A_1025 : i32 to index
        %get3A_1027 = tpu.vector_load %arg5[%get3A_1026] {strides = array<i32>} : memref<32768xf32, #tpu.memory_space<vmem>>, vector<16xf32>,
        %ge3A_1028 = arith.cmpf oge, %get3A_1027, %bitcast_convert_type3A_888 : vector<16xf32>
        %swap3A_1029 = arith.index_cast %add3A_1023 : i32 to index
        %swap3A_1030 = tpu.vector_load %arg6[%swap3A_1029] masked %ge3A_1028 {strides = array<i32>} : memref<32784xf32, #tpu.memory_space<vmem>>, vector<16xf32>, vector<16xi1>
        tpu.vector_store %arg6[%swap3A_1029], %get3A_1027 masked %ge3A_1028 {strides = array<i32>} : memref<32784xf32, #tpu.memory_space<vmem>>, vector<16xf32>, vector<16xi1>
        %all_reduce_population_count3A_1031 = tpu.all_reduce %ge3A_1028 {dim = 0 : i64, kind = #tpu.reduction_kind<sum>} : vector<16xi1> -> vector<16xi32>
        %slice3A_1032 = vector.extract_strided_slice %all_reduce_population_count3A_1031 {offsets = [0], sizes = [1], strides = [1]} : vector<16xi32> to vector<1xi32>
        %squeeze3A_1033 = vector.extract %slice3A_1032[0] : i32 from vector<1xi32>
        %add3A_1034 = arith.addi %add3A_1023, %squeeze3A_1033 : i32
        %add3A_1035 = arith.constant 64 : i32
        %add3A_1036 = arith.addi %mul3A_993, %add3A_1035 : i32
        %get3A_1037 = arith.index_cast %add3A_1036 : i32 to index
        %get3A_1038 = tpu.vector_load %arg5[%get3A_1037] {strides = array<i32>} : memref<32768xf32, #tpu.memory_space<vmem>>, vector<16xf32>,
        %ge3A_1039 = arith.cmpf oge, %get3A_1038, %bitcast_convert_type3A_888 : vector<16xf32>
        %swap3A_1040 = arith.index_cast %add3A_1034 : i32 to index
        %swap3A_1041 = tpu.vector_load %arg6[%swap3A_1040] masked %ge3A_1039 {strides = array<i32>} : memref<32784xf32, #tpu.memory_space<vmem>>, vector<16xf32>, vector<16xi1>
        tpu.vector_store %arg6[%swap3A_1040], %get3A_1038 masked %ge3A_1039 {strides = array<i32>} : memref<32784xf32, #tpu.memory_space<vmem>>, vector<16xf32>, vector<16xi1>
        %all_reduce_population_count3A_1042 = tpu.all_reduce %ge3A_1039 {dim = 0 : i64, kind = #tpu.reduction_kind<sum>} : vector<16xi1> -> vector<16xi32>
        %slice3A_1043 = vector.extract_strided_slice %all_reduce_population_count3A_1042 {offsets = [0], sizes = [1], strides = [1]} : vector<16xi32> to vector<1xi32>
        %squeeze3A_1044 = vector.extract %slice3A_1043[0] : i32 from vector<1xi32>
        %add3A_1045 = arith.addi %add3A_1034, %squeeze3A_1044 : i32
        %add3A_1046 = arith.constant 80 : i32
        %add3A_1047 = arith.addi %mul3A_993, %add3A_1046 : i32
        %get3A_1048 = arith.index_cast %add3A_1047 : i32 to index
        %get3A_1049 = tpu.vector_load %arg5[%get3A_1048] {strides = array<i32>} : memref<32768xf32, #tpu.memory_space<vmem>>, vector<16xf32>,
        %ge3A_1050 = arith.cmpf oge, %get3A_1049, %bitcast_convert_type3A_888 : vector<16xf32>
        %swap3A_1051 = arith.index_cast %add3A_1045 : i32 to index
        %swap3A_1052 = tpu.vector_load %arg6[%swap3A_1051] masked %ge3A_1050 {strides = array<i32>} : memref<32784xf32, #tpu.memory_space<vmem>>, vector<16xf32>, vector<16xi1>
        tpu.vector_store %arg6[%swap3A_1051], %get3A_1049 masked %ge3A_1050 {strides = array<i32>} : memref<32784xf32, #tpu.memory_space<vmem>>, vector<16xf32>, vector<16xi1>
        %all_reduce_population_count3A_1053 = tpu.all_reduce %ge3A_1050 {dim = 0 : i64, kind = #tpu.reduction_kind<sum>} : vector<16xi1> -> vector<16xi32>
        %slice3A_1054 = vector.extract_strided_slice %all_reduce_population_count3A_1053 {offsets = [0], sizes = [1], strides = [1]} : vector<16xi32> to vector<1xi32>
        %squeeze3A_1055 = vector.extract %slice3A_1054[0] : i32 from vector<1xi32>
        %add3A_1056 = arith.addi %add3A_1045, %squeeze3A_1055 : i32
        %add3A_1057 = arith.constant 96 : i32
        %add3A_1058 = arith.addi %mul3A_993, %add3A_1057 : i32
        %get3A_1059 = arith.index_cast %add3A_1058 : i32 to index
        %get3A_1060 = tpu.vector_load %arg5[%get3A_1059] {strides = array<i32>} : memref<32768xf32, #tpu.memory_space<vmem>>, vector<16xf32>,
        %ge3A_1061 = arith.cmpf oge, %get3A_1060, %bitcast_convert_type3A_888 : vector<16xf32>
        %swap3A_1062 = arith.index_cast %add3A_1056 : i32 to index
        %swap3A_1063 = tpu.vector_load %arg6[%swap3A_1062] masked %ge3A_1061 {strides = array<i32>} : memref<32784xf32, #tpu.memory_space<vmem>>, vector<16xf32>, vector<16xi1>
        tpu.vector_store %arg6[%swap3A_1062], %get3A_1060 masked %ge3A_1061 {strides = array<i32>} : memref<32784xf32, #tpu.memory_space<vmem>>, vector<16xf32>, vector<16xi1>
        %all_reduce_population_count3A_1064 = tpu.all_reduce %ge3A_1061 {dim = 0 : i64, kind = #tpu.reduction_kind<sum>} : vector<16xi1> -> vector<16xi32>
        %slice3A_1065 = vector.extract_strided_slice %all_reduce_population_count3A_1064 {offsets = [0], sizes = [1], strides = [1]} : vector<16xi32> to vector<1xi32>
        %squeeze3A_1066 = vector.extract %slice3A_1065[0] : i32 from vector<1xi32>
        %add3A_1067 = arith.addi %add3A_1056, %squeeze3A_1066 : i32
        %add3A_1068 = arith.constant 112 : i32
        %add3A_1069 = arith.addi %mul3A_993, %add3A_1068 : i32
        %get3A_1070 = arith.index_cast %add3A_1069 : i32 to index
        %get3A_1071 = tpu.vector_load %arg5[%get3A_1070] {strides = array<i32>} : memref<32768xf32, #tpu.memory_space<vmem>>, vector<16xf32>,
        %ge3A_1072 = arith.cmpf oge, %get3A_1071, %bitcast_convert_type3A_888 : vector<16xf32>
        %swap3A_1073 = arith.index_cast %add3A_1067 : i32 to index
        %swap3A_1074 = tpu.vector_load %arg6[%swap3A_1073] masked %ge3A_1072 {strides = array<i32>} : memref<32784xf32, #tpu.memory_space<vmem>>, vector<16xf32>, vector<16xi1>
        tpu.vector_store %arg6[%swap3A_1073], %get3A_1071 masked %ge3A_1072 {strides = array<i32>} : memref<32784xf32, #tpu.memory_space<vmem>>, vector<16xf32>, vector<16xi1>
        %all_reduce_population_count3A_1075 = tpu.all_reduce %ge3A_1072 {dim = 0 : i64, kind = #tpu.reduction_kind<sum>} : vector<16xi1> -> vector<16xi32>
        %slice3A_1076 = vector.extract_strided_slice %all_reduce_population_count3A_1075 {offsets = [0], sizes = [1], strides = [1]} : vector<16xi32> to vector<1xi32>
        %squeeze3A_1077 = vector.extract %slice3A_1076[0] : i32 from vector<1xi32>
        %add3A_1078 = arith.addi %add3A_1067, %squeeze3A_1077 : i32
        scf.yield %add3A_1078 : i32
      }
      %while3A_906 = arith.constant 1 : i32
      %while3A_907 = scf.for %while3A_989 = %while3A_903 to %while3A_899 step %while3A_906 iter_args(%while3A_990 = %while3A_905) -> (i32)  : i32 {
        %get3A = arith.index_cast %while3A_989 : i32 to index
        %get3A_991 = memref.load %arg8[%get3A] : memref<257xi32, #tpu.memory_space<smem>>
        %mul3A_992 = arith.constant 128 : i32
        %mul3A_993 = arith.muli %get3A_991, %mul3A_992 : i32
        %add3A_994 = arith.constant 0 : i32
        %add3A_995 = arith.addi %mul3A_993, %add3A_994 : i32
        %get3A_996 = arith.index_cast %add3A_995 : i32 to index
        %get3A_997 = tpu.vector_load %arg5[%get3A_996] {strides = array<i32>} : memref<32768xf32, #tpu.memory_space<vmem>>, vector<16xf32>,
        %ge3A_998 = arith.cmpf oge, %get3A_997, %bitcast_convert_type3A_888 : vector<16xf32>
        %swap3A_999 = arith.index_cast %while3A_990 : i32 to index
        %swap3A_1000 = tpu.vector_load %arg6[%swap3A_999] masked %ge3A_998 {strides = array<i32>} : memref<32784xf32, #tpu.memory_space<vmem>>, vector<16xf32>, vector<16xi1>
        tpu.vector_store %arg6[%swap3A_999], %get3A_997 masked %ge3A_998 {strides = array<i32>} : memref<32784xf32, #tpu.memory_space<vmem>>, vector<16xf32>, vector<16xi1>
        %all_reduce_population_count3A = tpu.all_reduce %ge3A_998 {dim = 0 : i64, kind = #tpu.reduction_kind<sum>} : vector<16xi1> -> vector<16xi32>
        %slice3A = vector.extract_strided_slice %all_reduce_population_count3A {offsets = [0], sizes = [1], strides = [1]} : vector<16xi32> to vector<1xi32>
        %squeeze3A = vector.extract %slice3A[0] : i32 from vector<1xi32>
        %add3A_1001 = arith.addi %while3A_990, %squeeze3A : i32
        %add3A_1002 = arith.constant 16 : i32
        %add3A_1003 = arith.addi %mul3A_993, %add3A_1002 : i32
        %get3A_1004 = arith.index_cast %add3A_1003 : i32 to index
        %get3A_1005 = tpu.vector_load %arg5[%get3A_1004] {strides = array<i32>} : memref<32768xf32, #tpu.memory_space<vmem>>, vector<16xf32>,
        %ge3A_1006 = arith.cmpf oge, %get3A_1005, %bitcast_convert_type3A_888 : vector<16xf32>
        %swap3A_1007 = arith.index_cast %add3A_1001 : i32 to index
        %swap3A_1008 = tpu.vector_load %arg6[%swap3A_1007] masked %ge3A_1006 {strides = array<i32>} : memref<32784xf32, #tpu.memory_space<vmem>>, vector<16xf32>, vector<16xi1>
        tpu.vector_store %arg6[%swap3A_1007], %get3A_1005 masked %ge3A_1006 {strides = array<i32>} : memref<32784xf32, #tpu.memory_space<vmem>>, vector<16xf32>, vector<16xi1>
        %all_reduce_population_count3A_1009 = tpu.all_reduce %ge3A_1006 {dim = 0 : i64, kind = #tpu.reduction_kind<sum>} : vector<16xi1> -> vector<16xi32>
        %slice3A_1010 = vector.extract_strided_slice %all_reduce_population_count3A_1009 {offsets = [0], sizes = [1], strides = [1]} : vector<16xi32> to vector<1xi32>
        %squeeze3A_1011 = vector.extract %slice3A_1010[0] : i32 from vector<1xi32>
        %add3A_1012 = arith.addi %add3A_1001, %squeeze3A_1011 : i32
        %add3A_1013 = arith.constant 32 : i32
        %add3A_1014 = arith.addi %mul3A_993, %add3A_1013 : i32
        %get3A_1015 = arith.index_cast %add3A_1014 : i32 to index
        %get3A_1016 = tpu.vector_load %arg5[%get3A_1015] {strides = array<i32>} : memref<32768xf32, #tpu.memory_space<vmem>>, vector<16xf32>,
        %ge3A_1017 = arith.cmpf oge, %get3A_1016, %bitcast_convert_type3A_888 : vector<16xf32>
        %swap3A_1018 = arith.index_cast %add3A_1012 : i32 to index
        %swap3A_1019 = tpu.vector_load %arg6[%swap3A_1018] masked %ge3A_1017 {strides = array<i32>} : memref<32784xf32, #tpu.memory_space<vmem>>, vector<16xf32>, vector<16xi1>
        tpu.vector_store %arg6[%swap3A_1018], %get3A_1016 masked %ge3A_1017 {strides = array<i32>} : memref<32784xf32, #tpu.memory_space<vmem>>, vector<16xf32>, vector<16xi1>
        %all_reduce_population_count3A_1020 = tpu.all_reduce %ge3A_1017 {dim = 0 : i64, kind = #tpu.reduction_kind<sum>} : vector<16xi1> -> vector<16xi32>
        %slice3A_1021 = vector.extract_strided_slice %all_reduce_population_count3A_1020 {offsets = [0], sizes = [1], strides = [1]} : vector<16xi32> to vector<1xi32>
        %squeeze3A_1022 = vector.extract %slice3A_1021[0] : i32 from vector<1xi32>
        %add3A_1023 = arith.addi %add3A_1012, %squeeze3A_1022 : i32
        %add3A_1024 = arith.constant 48 : i32
        %add3A_1025 = arith.addi %mul3A_993, %add3A_1024 : i32
        %get3A_1026 = arith.index_cast %add3A_1025 : i32 to index
        %get3A_1027 = tpu.vector_load %arg5[%get3A_1026] {strides = array<i32>} : memref<32768xf32, #tpu.memory_space<vmem>>, vector<16xf32>,
        %ge3A_1028 = arith.cmpf oge, %get3A_1027, %bitcast_convert_type3A_888 : vector<16xf32>
        %swap3A_1029 = arith.index_cast %add3A_1023 : i32 to index
        %swap3A_1030 = tpu.vector_load %arg6[%swap3A_1029] masked %ge3A_1028 {strides = array<i32>} : memref<32784xf32, #tpu.memory_space<vmem>>, vector<16xf32>, vector<16xi1>
        tpu.vector_store %arg6[%swap3A_1029], %get3A_1027 masked %ge3A_1028 {strides = array<i32>} : memref<32784xf32, #tpu.memory_space<vmem>>, vector<16xf32>, vector<16xi1>
        %all_reduce_population_count3A_1031 = tpu.all_reduce %ge3A_1028 {dim = 0 : i64, kind = #tpu.reduction_kind<sum>} : vector<16xi1> -> vector<16xi32>
        %slice3A_1032 = vector.extract_strided_slice %all_reduce_population_count3A_1031 {offsets = [0], sizes = [1], strides = [1]} : vector<16xi32> to vector<1xi32>
        %squeeze3A_1033 = vector.extract %slice3A_1032[0] : i32 from vector<1xi32>
        %add3A_1034 = arith.addi %add3A_1023, %squeeze3A_1033 : i32
        %add3A_1035 = arith.constant 64 : i32
        %add3A_1036 = arith.addi %mul3A_993, %add3A_1035 : i32
        %get3A_1037 = arith.index_cast %add3A_1036 : i32 to index
        %get3A_1038 = tpu.vector_load %arg5[%get3A_1037] {strides = array<i32>} : memref<32768xf32, #tpu.memory_space<vmem>>, vector<16xf32>,
        %ge3A_1039 = arith.cmpf oge, %get3A_1038, %bitcast_convert_type3A_888 : vector<16xf32>
        %swap3A_1040 = arith.index_cast %add3A_1034 : i32 to index
        %swap3A_1041 = tpu.vector_load %arg6[%swap3A_1040] masked %ge3A_1039 {strides = array<i32>} : memref<32784xf32, #tpu.memory_space<vmem>>, vector<16xf32>, vector<16xi1>
        tpu.vector_store %arg6[%swap3A_1040], %get3A_1038 masked %ge3A_1039 {strides = array<i32>} : memref<32784xf32, #tpu.memory_space<vmem>>, vector<16xf32>, vector<16xi1>
        %all_reduce_population_count3A_1042 = tpu.all_reduce %ge3A_1039 {dim = 0 : i64, kind = #tpu.reduction_kind<sum>} : vector<16xi1> -> vector<16xi32>
        %slice3A_1043 = vector.extract_strided_slice %all_reduce_population_count3A_1042 {offsets = [0], sizes = [1], strides = [1]} : vector<16xi32> to vector<1xi32>
        %squeeze3A_1044 = vector.extract %slice3A_1043[0] : i32 from vector<1xi32>
        %add3A_1045 = arith.addi %add3A_1034, %squeeze3A_1044 : i32
        %add3A_1046 = arith.constant 80 : i32
        %add3A_1047 = arith.addi %mul3A_993, %add3A_1046 : i32
        %get3A_1048 = arith.index_cast %add3A_1047 : i32 to index
        %get3A_1049 = tpu.vector_load %arg5[%get3A_1048] {strides = array<i32>} : memref<32768xf32, #tpu.memory_space<vmem>>, vector<16xf32>,
        %ge3A_1050 = arith.cmpf oge, %get3A_1049, %bitcast_convert_type3A_888 : vector<16xf32>
        %swap3A_1051 = arith.index_cast %add3A_1045 : i32 to index
        %swap3A_1052 = tpu.vector_load %arg6[%swap3A_1051] masked %ge3A_1050 {strides = array<i32>} : memref<32784xf32, #tpu.memory_space<vmem>>, vector<16xf32>, vector<16xi1>
        tpu.vector_store %arg6[%swap3A_1051], %get3A_1049 masked %ge3A_1050 {strides = array<i32>} : memref<32784xf32, #tpu.memory_space<vmem>>, vector<16xf32>, vector<16xi1>
        %all_reduce_population_count3A_1053 = tpu.all_reduce %ge3A_1050 {dim = 0 : i64, kind = #tpu.reduction_kind<sum>} : vector<16xi1> -> vector<16xi32>
        %slice3A_1054 = vector.extract_strided_slice %all_reduce_population_count3A_1053 {offsets = [0], sizes = [1], strides = [1]} : vector<16xi32> to vector<1xi32>
        %squeeze3A_1055 = vector.extract %slice3A_1054[0] : i32 from vector<1xi32>
        %add3A_1056 = arith.addi %add3A_1045, %squeeze3A_1055 : i32
        %add3A_1057 = arith.constant 96 : i32
        %add3A_1058 = arith.addi %mul3A_993, %add3A_1057 : i32
        %get3A_1059 = arith.index_cast %add3A_1058 : i32 to index
        %get3A_1060 = tpu.vector_load %arg5[%get3A_1059] {strides = array<i32>} : memref<32768xf32, #tpu.memory_space<vmem>>, vector<16xf32>,
        %ge3A_1061 = arith.cmpf oge, %get3A_1060, %bitcast_convert_type3A_888 : vector<16xf32>
        %swap3A_1062 = arith.index_cast %add3A_1056 : i32 to index
        %swap3A_1063 = tpu.vector_load %arg6[%swap3A_1062] masked %ge3A_1061 {strides = array<i32>} : memref<32784xf32, #tpu.memory_space<vmem>>, vector<16xf32>, vector<16xi1>
        tpu.vector_store %arg6[%swap3A_1062], %get3A_1060 masked %ge3A_1061 {strides = array<i32>} : memref<32784xf32, #tpu.memory_space<vmem>>, vector<16xf32>, vector<16xi1>
        %all_reduce_population_count3A_1064 = tpu.all_reduce %ge3A_1061 {dim = 0 : i64, kind = #tpu.reduction_kind<sum>} : vector<16xi1> -> vector<16xi32>
        %slice3A_1065 = vector.extract_strided_slice %all_reduce_population_count3A_1064 {offsets = [0], sizes = [1], strides = [1]} : vector<16xi32> to vector<1xi32>
        %squeeze3A_1066 = vector.extract %slice3A_1065[0] : i32 from vector<1xi32>
        %add3A_1067 = arith.addi %add3A_1056, %squeeze3A_1066 : i32
        %add3A_1068 = arith.constant 112 : i32
        %add3A_1069 = arith.addi %mul3A_993, %add3A_1068 : i32
        %get3A_1070 = arith.index_cast %add3A_1069 : i32 to index
        %get3A_1071 = tpu.vector_load %arg5[%get3A_1070] {strides = array<i32>} : memref<32768xf32, #tpu.memory_space<vmem>>, vector<16xf32>,
        %ge3A_1072 = arith.cmpf oge, %get3A_1071, %bitcast_convert_type3A_888 : vector<16xf32>
        %swap3A_1073 = arith.index_cast %add3A_1067 : i32 to index
        %swap3A_1074 = tpu.vector_load %arg6[%swap3A_1073] masked %ge3A_1072 {strides = array<i32>} : memref<32784xf32, #tpu.memory_space<vmem>>, vector<16xf32>, vector<16xi1>
        tpu.vector_store %arg6[%swap3A_1073], %get3A_1071 masked %ge3A_1072 {strides = array<i32>} : memref<32784xf32, #tpu.memory_space<vmem>>, vector<16xf32>, vector<16xi1>
        %all_reduce_population_count3A_1075 = tpu.all_reduce %ge3A_1072 {dim = 0 : i64, kind = #tpu.reduction_kind<sum>} : vector<16xi1> -> vector<16xi32>
        %slice3A_1076 = vector.extract_strided_slice %all_reduce_population_count3A_1075 {offsets = [0], sizes = [1], strides = [1]} : vector<16xi32> to vector<1xi32>
        %squeeze3A_1077 = vector.extract %slice3A_1076[0] : i32 from vector<1xi32>
        %add3A_1078 = arith.addi %add3A_1067, %squeeze3A_1077 : i32
        scf.yield %add3A_1078 : i32
      }
      %broadcast_in_dim3A_908 = arith.constant 0xFF800000 : f32
      %broadcast_in_dim3A_909 = vector.broadcast %broadcast_in_dim3A_908 : f32 to vector<16xf32>
      %swap3A_910 = arith.index_cast %while3A_907 : i32 to index
      %swap3A_911 = tpu.vector_load %arg6[%swap3A_910] {strides = array<i32>} : memref<32784xf32, #tpu.memory_space<vmem>>, vector<16xf32>,
      tpu.vector_store %arg6[%swap3A_910], %broadcast_in_dim3A_909 {strides = array<i32>} : memref<32784xf32, #tpu.memory_space<vmem>>, vector<16xf32>,
      %add3A_912 = arith.constant 16 : i32
      %add3A_913 = arith.addi %while3A_907, %add3A_912 : i32
      %sub3A_914 = arith.constant 1 : i32
      %sub3A_915 = arith.subi %add3A_913, %sub3A_914 : i32
      %shift_right_arithmetic3A_916 = arith.constant 4 : i32
      %shift_right_arithmetic3A_917 = arith.shrsi %sub3A_915, %shift_right_arithmetic3A_916 : i32
      %while3A_918 = arith.constant 0 : i32
      %while3A_919 = arith.constant 0 : i32
      %while3A_920 = arith.subi %shift_right_arithmetic3A_917, %while3A_919 : i32
      %while3A_921 = arith.addi %while3A_919, %while3A_920 : i32
      %while3A_922 = arith.constant 1 : i32
      %while3A_923 = arith.divsi %while3A_920, %while3A_922 : i32
      %while3A_924 = arith.muli %while3A_923, %while3A_922 : i32
      %while3A_925 = arith.addi %while3A_919, %while3A_924 : i32
      %while3A_926 = arith.constant 1 : i32
      scf.for %while3A_989 = %while3A_919 to %while3A_925 step %while3A_926  : i32 {
        %mul3A_990 = arith.constant 16 : i32
        %mul3A_991 = arith.muli %while3A_989, %mul3A_990 : i32
        %get3A = arith.index_cast %mul3A_991 : i32 to index
        %get3A_992 = tpu.vector_load %arg6[%get3A] {strides = array<i32>} : memref<32784xf32, #tpu.memory_space<vmem>>, vector<16xf32>,
        %bitcast_convert_type3A_993 = tpu.bitcast %get3A_992 : vector<16xf32> -> vector<16xi32>
        %shift_right_logical3A_994 = arith.constant 31 : i32
        %shift_right_logical3A_995 = vector.broadcast %shift_right_logical3A_994 : i32 to vector<16xi32>
        %shift_right_logical3A_996 = arith.shrui %bitcast_convert_type3A_993, %shift_right_logical3A_995 : vector<16xi32>
        %convert_element_type3A_997 = arith.constant 0 : i32
        %convert_element_type3A_998 = vector.broadcast %convert_element_type3A_997 : i32 to vector<16xi32>
        %convert_element_type3A_999 = arith.cmpi ne, %shift_right_logical3A_996, %convert_element_type3A_998 : vector<16xi32>
        %not3A_1000 = arith.constant dense<-1> : vector<16xi32>
        %not3A_1001 = arith.xori %bitcast_convert_type3A_993, %not3A_1000 : vector<16xi32>
        %or3A_1002 = arith.constant -2147483648 : i32
        %or3A_1003 = vector.broadcast %or3A_1002 : i32 to vector<16xi32>
        %or3A_1004 = arith.ori %bitcast_convert_type3A_993, %or3A_1003 : vector<16xi32>
        %select_n3A_1005 = arith.select %convert_element_type3A_999, %not3A_1001, %or3A_1004 : vector<16xi1>, vector<16xi32>
        %bitcast_convert_type3A_1006 = tpu.bitcast %select_n3A_1005 : vector<16xi32> -> vector<16xf32>
        %mul3A_1007 = arith.constant 16 : i32
        %mul3A_1008 = arith.muli %while3A_989, %mul3A_1007 : i32
        %swap3A_1009 = arith.index_cast %mul3A_1008 : i32 to index
        %swap3A_1010 = tpu.vector_load %arg6[%swap3A_1009] {strides = array<i32>} : memref<32784xf32, #tpu.memory_space<vmem>>, vector<16xf32>,
        tpu.vector_store %arg6[%swap3A_1009], %bitcast_convert_type3A_1006 {strides = array<i32>} : memref<32784xf32, #tpu.memory_space<vmem>>, vector<16xf32>,
      }
      %while3A_927 = arith.constant 1 : i32
      scf.for %while3A_989 = %while3A_925 to %while3A_921 step %while3A_927  : i32 {
        %mul3A_990 = arith.constant 16 : i32
        %mul3A_991 = arith.muli %while3A_989, %mul3A_990 : i32
        %get3A = arith.index_cast %mul3A_991 : i32 to index
        %get3A_992 = tpu.vector_load %arg6[%get3A] {strides = array<i32>} : memref<32784xf32, #tpu.memory_space<vmem>>, vector<16xf32>,
        %bitcast_convert_type3A_993 = tpu.bitcast %get3A_992 : vector<16xf32> -> vector<16xi32>
        %shift_right_logical3A_994 = arith.constant 31 : i32
        %shift_right_logical3A_995 = vector.broadcast %shift_right_logical3A_994 : i32 to vector<16xi32>
        %shift_right_logical3A_996 = arith.shrui %bitcast_convert_type3A_993, %shift_right_logical3A_995 : vector<16xi32>
        %convert_element_type3A_997 = arith.constant 0 : i32
        %convert_element_type3A_998 = vector.broadcast %convert_element_type3A_997 : i32 to vector<16xi32>
        %convert_element_type3A_999 = arith.cmpi ne, %shift_right_logical3A_996, %convert_element_type3A_998 : vector<16xi32>
        %not3A_1000 = arith.constant dense<-1> : vector<16xi32>
        %not3A_1001 = arith.xori %bitcast_convert_type3A_993, %not3A_1000 : vector<16xi32>
        %or3A_1002 = arith.constant -2147483648 : i32
        %or3A_1003 = vector.broadcast %or3A_1002 : i32 to vector<16xi32>
        %or3A_1004 = arith.ori %bitcast_convert_type3A_993, %or3A_1003 : vector<16xi32>
        %select_n3A_1005 = arith.select %convert_element_type3A_999, %not3A_1001, %or3A_1004 : vector<16xi1>, vector<16xi32>
        %bitcast_convert_type3A_1006 = tpu.bitcast %select_n3A_1005 : vector<16xi32> -> vector<16xf32>
        %mul3A_1007 = arith.constant 16 : i32
        %mul3A_1008 = arith.muli %while3A_989, %mul3A_1007 : i32
        %swap3A_1009 = arith.index_cast %mul3A_1008 : i32 to index
        %swap3A_1010 = tpu.vector_load %arg6[%swap3A_1009] {strides = array<i32>} : memref<32784xf32, #tpu.memory_space<vmem>>, vector<16xf32>,
        tpu.vector_store %arg6[%swap3A_1009], %bitcast_convert_type3A_1006 {strides = array<i32>} : memref<32784xf32, #tpu.memory_space<vmem>>, vector<16xf32>,
      }
      %scan3A_928 = arith.constant 0 : i32
      %scan3A_929 = arith.constant 0 : i32
      %scan3A_930 = arith.constant 32 : i32
      %scan3A_931 = arith.addi %scan3A_929, %scan3A_930 : i32
      %scan3A_932 = arith.constant 1 : i32
      %scan3A_933 = scf.for %scan3A_989 = %scan3A_929 to %scan3A_931 step %scan3A_932 iter_args(%scan3A_990 = %scan3A_928) -> (i32)  : i32 {
        %sub3A_991 = arith.constant 31 : i32
        %sub3A_992 = arith.subi %sub3A_991, %scan3A_989 : i32
        %shift_left3A = arith.constant 1 : i32
        %shift_left3A_993 = arith.shli %shift_left3A, %sub3A_992 : i32
        %or3A_994 = arith.ori %scan3A_990, %shift_left3A_993 : i32
        %while3A_995 = arith.constant 0 : i32
        %while3A_996 = arith.constant 0 : i32
        %while3A_997 = arith.subi %shift_right_arithmetic3A_917, %while3A_995 : i32
        %while3A_998 = arith.addi %while3A_995, %while3A_997 : i32
        %while3A_999 = arith.constant 1 : i32
        %while3A_1000 = arith.divsi %while3A_997, %while3A_999 : i32
        %while3A_1001 = arith.muli %while3A_1000, %while3A_999 : i32
        %while3A_1002 = arith.addi %while3A_995, %while3A_1001 : i32
        %while3A_1003 = arith.constant 1 : i32
        %while3A_1004 = scf.for %while3A_1010 = %while3A_995 to %while3A_1002 step %while3A_1003 iter_args(%while3A_1011 = %while3A_996) -> (i32)  : i32 {
          %mul3A_1012 = arith.constant 16 : i32
          %mul3A_1013 = arith.muli %while3A_1010, %mul3A_1012 : i32
          %get3A = arith.index_cast %mul3A_1013 : i32 to index
          %get3A_1014 = tpu.vector_load %arg6[%get3A] {strides = array<i32>} : memref<32784xf32, #tpu.memory_space<vmem>>, vector<16xf32>,
          %bitcast_convert_type3A_1015 = tpu.bitcast %get3A_1014 : vector<16xf32> -> vector<16xi32>
          %ge3A_1016 = vector.broadcast %or3A_994 : i32 to vector<16xi32>
          %ge3A_1017 = arith.cmpi uge, %bitcast_convert_type3A_1015, %ge3A_1016 : vector<16xi32>
          %all_reduce_population_count3A = tpu.all_reduce %ge3A_1017 {dim = 0 : i64, kind = #tpu.reduction_kind<sum>} : vector<16xi1> -> vector<16xi32>
          %slice3A = vector.extract_strided_slice %all_reduce_population_count3A {offsets = [0], sizes = [1], strides = [1]} : vector<16xi32> to vector<1xi32>
          %squeeze3A = vector.extract %slice3A[0] : i32 from vector<1xi32>
          %add3A_1018 = arith.addi %while3A_1011, %squeeze3A : i32
          scf.yield %add3A_1018 : i32
        }
        %while3A_1005 = arith.constant 1 : i32
        %while3A_1006 = scf.for %while3A_1010 = %while3A_1002 to %while3A_998 step %while3A_1005 iter_args(%while3A_1011 = %while3A_1004) -> (i32)  : i32 {
          %mul3A_1012 = arith.constant 16 : i32
          %mul3A_1013 = arith.muli %while3A_1010, %mul3A_1012 : i32
          %get3A = arith.index_cast %mul3A_1013 : i32 to index
          %get3A_1014 = tpu.vector_load %arg6[%get3A] {strides = array<i32>} : memref<32784xf32, #tpu.memory_space<vmem>>, vector<16xf32>,
          %bitcast_convert_type3A_1015 = tpu.bitcast %get3A_1014 : vector<16xf32> -> vector<16xi32>
          %ge3A_1016 = vector.broadcast %or3A_994 : i32 to vector<16xi32>
          %ge3A_1017 = arith.cmpi uge, %bitcast_convert_type3A_1015, %ge3A_1016 : vector<16xi32>
          %all_reduce_population_count3A = tpu.all_reduce %ge3A_1017 {dim = 0 : i64, kind = #tpu.reduction_kind<sum>} : vector<16xi1> -> vector<16xi32>
          %slice3A = vector.extract_strided_slice %all_reduce_population_count3A {offsets = [0], sizes = [1], strides = [1]} : vector<16xi32> to vector<1xi32>
          %squeeze3A = vector.extract %slice3A[0] : i32 from vector<1xi32>
          %add3A_1018 = arith.addi %while3A_1011, %squeeze3A : i32
          scf.yield %add3A_1018 : i32
        }
        %ge3A_1007 = arith.constant 32 : i32
        %ge3A_1008 = arith.cmpi sge, %while3A_1006, %ge3A_1007 : i32
        %select_n3A_1009 = arith.select %ge3A_1008, %or3A_994, %scan3A_990 : i32
        scf.yield %select_n3A_1009 : i32
      }
      %scan3A_934 = arith.constant 32 : i32
      %while3A_935 = arith.constant 0 : i32
      %while3A_936 = arith.constant 0 : i32
      %while3A_937 = arith.constant 0 : i32
      %while3A_938 = arith.subi %shift_right_arithmetic3A_917, %while3A_935 : i32
      %while3A_939 = arith.addi %while3A_935, %while3A_938 : i32
      %while3A_940 = arith.constant 1 : i32
      %while3A_941 = arith.divsi %while3A_938, %while3A_940 : i32
      %while3A_942 = arith.muli %while3A_941, %while3A_940 : i32
      %while3A_943 = arith.addi %while3A_935, %while3A_942 : i32
      %while3A_944 = arith.constant 1 : i32
      %while3A_945:2 = scf.for %while3A_989 = %while3A_935 to %while3A_943 step %while3A_944 iter_args(%while3A_990 = %while3A_936, %while3A_991 = %while3A_937) -> (i32, i32)  : i32 {
        %mul3A_992 = arith.constant 16 : i32
        %mul3A_993 = arith.muli %while3A_989, %mul3A_992 : i32
        %get3A = arith.index_cast %mul3A_993 : i32 to index
        %get3A_994 = tpu.vector_load %arg6[%get3A] {strides = array<i32>} : memref<32784xf32, #tpu.memory_space<vmem>>, vector<16xf32>,
        %bitcast_convert_type3A_995 = tpu.bitcast %get3A_994 : vector<16xf32> -> vector<16xi32>
        %ge3A_996 = vector.broadcast %scan3A_933 : i32 to vector<16xi32>
        %ge3A_997 = arith.cmpi uge, %bitcast_convert_type3A_995, %ge3A_996 : vector<16xi32>
        %all_reduce_population_count3A = tpu.all_reduce %ge3A_997 {dim = 0 : i64, kind = #tpu.reduction_kind<sum>} : vector<16xi1> -> vector<16xi32>
        %slice3A = vector.extract_strided_slice %all_reduce_population_count3A {offsets = [0], sizes = [1], strides = [1]} : vector<16xi32> to vector<1xi32>
        %squeeze3A = vector.extract %slice3A[0] : i32 from vector<1xi32>
        %add3A_998 = arith.addi %while3A_990, %squeeze3A : i32
        %gt3A_999 = vector.broadcast %scan3A_933 : i32 to vector<16xi32>
        %gt3A_1000 = arith.cmpi ugt, %bitcast_convert_type3A_995, %gt3A_999 : vector<16xi32>
        %all_reduce_population_count3A_1001 = tpu.all_reduce %gt3A_1000 {dim = 0 : i64, kind = #tpu.reduction_kind<sum>} : vector<16xi1> -> vector<16xi32>
        %slice3A_1002 = vector.extract_strided_slice %all_reduce_population_count3A_1001 {offsets = [0], sizes = [1], strides = [1]} : vector<16xi32> to vector<1xi32>
        %squeeze3A_1003 = vector.extract %slice3A_1002[0] : i32 from vector<1xi32>
        %add3A_1004 = arith.addi %while3A_991, %squeeze3A_1003 : i32
        scf.yield %add3A_998, %add3A_1004 : i32, i32
      }
      %while3A_946 = arith.constant 1 : i32
      %while3A_947:2 = scf.for %while3A_989 = %while3A_943 to %while3A_939 step %while3A_946 iter_args(%while3A_990 = %while3A_945#0, %while3A_991 = %while3A_945#1) -> (i32, i32)  : i32 {
        %mul3A_992 = arith.constant 16 : i32
        %mul3A_993 = arith.muli %while3A_989, %mul3A_992 : i32
        %get3A = arith.index_cast %mul3A_993 : i32 to index
        %get3A_994 = tpu.vector_load %arg6[%get3A] {strides = array<i32>} : memref<32784xf32, #tpu.memory_space<vmem>>, vector<16xf32>,
        %bitcast_convert_type3A_995 = tpu.bitcast %get3A_994 : vector<16xf32> -> vector<16xi32>
        %ge3A_996 = vector.broadcast %scan3A_933 : i32 to vector<16xi32>
        %ge3A_997 = arith.cmpi uge, %bitcast_convert_type3A_995, %ge3A_996 : vector<16xi32>
        %all_reduce_population_count3A = tpu.all_reduce %ge3A_997 {dim = 0 : i64, kind = #tpu.reduction_kind<sum>} : vector<16xi1> -> vector<16xi32>
        %slice3A = vector.extract_strided_slice %all_reduce_population_count3A {offsets = [0], sizes = [1], strides = [1]} : vector<16xi32> to vector<1xi32>
        %squeeze3A = vector.extract %slice3A[0] : i32 from vector<1xi32>
        %add3A_998 = arith.addi %while3A_990, %squeeze3A : i32
        %gt3A_999 = vector.broadcast %scan3A_933 : i32 to vector<16xi32>
        %gt3A_1000 = arith.cmpi ugt, %bitcast_convert_type3A_995, %gt3A_999 : vector<16xi32>
        %all_reduce_population_count3A_1001 = tpu.all_reduce %gt3A_1000 {dim = 0 : i64, kind = #tpu.reduction_kind<sum>} : vector<16xi1> -> vector<16xi32>
        %slice3A_1002 = vector.extract_strided_slice %all_reduce_population_count3A_1001 {offsets = [0], sizes = [1], strides = [1]} : vector<16xi32> to vector<1xi32>
        %squeeze3A_1003 = vector.extract %slice3A_1002[0] : i32 from vector<1xi32>
        %add3A_1004 = arith.addi %while3A_991, %squeeze3A_1003 : i32
        scf.yield %add3A_998, %add3A_1004 : i32, i32
      }
      %sub3A_948 = arith.constant 32 : i32
      %sub3A_949 = arith.subi %sub3A_948, %while3A_947#1 : i32
      %ge3A_950 = arith.constant -2147483648 : i32
      %ge3A_951 = arith.cmpi uge, %scan3A_933, %ge3A_950 : i32
      %xor3A_952 = arith.constant -2147483648 : i32
      %xor3A_953 = arith.xori %scan3A_933, %xor3A_952 : i32
      %not3A_954 = arith.constant -1 : i32
      %not3A_955 = arith.xori %scan3A_933, %not3A_954 : i32
      %select_n3A_956 = arith.select %ge3A_951, %xor3A_953, %not3A_955 : i32
      %broadcast_in_dim3A_957 = vector.broadcast %select_n3A_956 : i32 to vector<16xi32>
      %bitcast_convert_type3A_958 = tpu.bitcast %broadcast_in_dim3A_957 : vector<16xi32> -> vector<16xf32>
      %gt3A_959 = arith.constant 32 : i32
      %gt3A_960 = arith.cmpi sgt, %while3A_947#0, %gt3A_959 : i32
      %convert_element_type3A_961 = arith.extui %gt3A_960 : i1 to i32
      %cond3A_962 = arith.constant 0 : i32
      %cond3A_963 = arith.constant 0 : i32
      %cond3A_964 = arith.cmpi ne, %convert_element_type3A_961, %cond3A_963 : i32
      %cond3A_965 = scf.if %cond3A_964 -> (i32) {
        %scan3A_989 = arith.constant 0 : i32
        %scan3A_990 = arith.constant 0 : i32
        %scan3A_991 = arith.constant 2048 : i32
        %scan3A_992 = arith.addi %scan3A_990, %scan3A_991 : i32
        %scan3A_993 = arith.constant 1 : i32
        %scan3A_994 = scf.for %scan3A_996 = %scan3A_990 to %scan3A_992 step %scan3A_993 iter_args(%scan3A_997 = %scan3A_989) -> (i32)  : i32 {
          %mul3A_998 = arith.constant 16 : i32
          %mul3A_999 = arith.muli %scan3A_996, %mul3A_998 : i32
          %get3A = arith.index_cast %mul3A_999 : i32 to index
          %get3A_1000 = tpu.vector_load %arg5[%get3A] {strides = array<i32>} : memref<32768xf32, #tpu.memory_space<vmem>>, vector<16xf32>,
          %gt3A_1001 = arith.cmpf ogt, %get3A_1000, %bitcast_convert_type3A_958 : vector<16xf32>
          %eq3A = arith.cmpf oeq, %get3A_1000, %bitcast_convert_type3A_958 : vector<16xf32>
          %convert_element_type3A_1002 = arith.extui %eq3A : vector<16xi1> to vector<16xi32>
          %cumsum3A = arith.constant true
          %cumsum3A_1003 = vector.broadcast %cumsum3A : i1 to vector<16xi1>
          %cumsum3A_1004 = tpu.scan <sum>, %convert_element_type3A_1002 masked %cumsum3A_1003 : vector<16xi32>, vector<16xi1> -> vector<16xi32>
          %sub3A_1005 = arith.subi %cumsum3A_1004, %convert_element_type3A_1002 : vector<16xi32>
          %add3A_1006 = vector.broadcast %scan3A_997 : i32 to vector<16xi32>
          %add3A_1007 = arith.addi %sub3A_1005, %add3A_1006 : vector<16xi32>
          %lt3A = vector.broadcast %sub3A_949 : i32 to vector<16xi32>
          %lt3A_1008 = arith.cmpi slt, %add3A_1007, %lt3A : vector<16xi32>
          %and3A = arith.andi %eq3A, %lt3A_1008 : vector<16xi1>
          %or3A_1009 = arith.ori %gt3A_1001, %and3A : vector<16xi1>
          %jit3A = arith.constant 0.000000e+00 : f32
          %broadcast_in_dim3A_1010 = vector.broadcast %jit3A : f32 to vector<16xf32>
          %select_n3A_1011 = arith.select %or3A_1009, %get3A_1000, %broadcast_in_dim3A_1010 : vector<16xi1>, vector<16xf32>
          %swap3A_1012 = arith.index_cast %mul3A_999 : i32 to index
          %swap3A_1013 = tpu.vector_load %arg5[%swap3A_1012] {strides = array<i32>} : memref<32768xf32, #tpu.memory_space<vmem>>, vector<16xf32>,
          tpu.vector_store %arg5[%swap3A_1012], %select_n3A_1011 {strides = array<i32>} : memref<32768xf32, #tpu.memory_space<vmem>>, vector<16xf32>,
          %reduce_sum3A = arith.constant true
          %reduce_sum3A_1014 = vector.broadcast %reduce_sum3A : i1 to vector<16xi1>
          %reduce_sum3A_1015 = tpu.scan <sum>, %convert_element_type3A_1002 masked %reduce_sum3A_1014 : vector<16xi32>, vector<16xi1> -> vector<16xi32>
          %reduce_sum3A_1016 = vector.extract %reduce_sum3A_1015[15] : i32 from vector<16xi32>
          %add3A_1017 = arith.addi %scan3A_997, %reduce_sum3A_1016 : i32
          scf.yield %add3A_1017 : i32
        }
        %scan3A_995 = arith.constant 2048 : i32
        scf.yield %scan3A_994 : i32
      } else {
        %parallel_loop3A_989 = arith.constant 0 : i32
        %parallel_loop3A_990 = arith.constant 2048 : i32
        %parallel_loop3A_991 = arith.constant 1 : i32
        scf.for %parallel_loop3A_993 = %parallel_loop3A_989 to %parallel_loop3A_990 step %parallel_loop3A_991  : i32 {
          %parallel_loop3A_994 = arith.constant 16 : i32
          %parallel_loop3A_995 = arith.muli %parallel_loop3A_993, %parallel_loop3A_994 : i32
          %parallel_loop3A_996 = arith.index_cast %parallel_loop3A_995 : i32 to index
          %parallel_loop3A_997 = tpu.vector_load %arg5[%parallel_loop3A_996] {strides = array<i32>} : memref<32768xf32, #tpu.memory_space<vmem>>, vector<16xf32>,
          %parallel_loop3A_998 = arith.cmpf oge, %parallel_loop3A_997, %bitcast_convert_type3A_958 : vector<16xf32>
          %parallel_loop3A_999 = arith.constant 0.000000e+00 : f32
          %parallel_loop3A_1000 = vector.broadcast %parallel_loop3A_999 : f32 to vector<16xf32>
          %parallel_loop3A_1001 = arith.select %parallel_loop3A_998, %parallel_loop3A_997, %parallel_loop3A_1000 : vector<16xi1>, vector<16xf32>
          %parallel_loop3A_1002 = arith.index_cast %parallel_loop3A_995 : i32 to index
          %parallel_loop3A_1003 = tpu.vector_load %arg5[%parallel_loop3A_1002] {strides = array<i32>} : memref<32768xf32, #tpu.memory_space<vmem>>, vector<16xf32>,
          tpu.vector_store %arg5[%parallel_loop3A_1002], %parallel_loop3A_1001 {strides = array<i32>} : memref<32768xf32, #tpu.memory_space<vmem>>, vector<16xf32>,
        } {sc.loop_unroll_factor = 8 : i64, sc.parallel_access}
        %cond3A_992 = arith.constant 0 : i32
        scf.yield %cond3A_992 : i32
      }
      %add3A_966 = arith.constant 1 : i32
      %add3A_967 = arith.addi %add3A_495, %add3A_966 : i32
      %dma_start3A_968 = arith.constant 0 : i32
      %dma_start3A_969 = tpu.memref_slice %arg3[%add3A_967, %dma_start3A_968] : memref<1024x32768xf32, #tpu.memory_space<hbm>> -> memref<1x32768xf32, #tpu.memory_space<hbm>>
      %dma_start3A_970 = tpu.memref_squeeze %dma_start3A_969 : memref<1x32768xf32, #tpu.memory_space<hbm>> -> memref<32768xf32, #tpu.memory_space<hbm>>
      %dma_start3A_971 = arith.constant 0 : i32
      %dma_start3A_972 = tpu.memref_slice %arg3[%add3A_967, %dma_start3A_971] : memref<1024x32768xf32, #tpu.memory_space<hbm>> -> memref<1x32768xf32, #tpu.memory_space<hbm>>
      %dma_start3A_973 = tpu.memref_squeeze %dma_start3A_972 : memref<1x32768xf32, #tpu.memory_space<hbm>> -> memref<32768xf32, #tpu.memory_space<hbm>>
      tpu.enqueue_dma source(%arg5 : memref<32768xf32, #tpu.memory_space<vmem>>) target(%dma_start3A_973 : memref<32768xf32, #tpu.memory_space<hbm>>) target_semaphore(%arg12 : memref<!tpu.dma_semaphore, #tpu.memory_space<semaphore_mem>>)
      %dma_wait3A_974 = arith.constant 0 : i32
      %dma_wait3A_975 = tpu.memref_slice %arg3[%add3A_495, %dma_wait3A_974] : memref<1024x32768xf32, #tpu.memory_space<hbm>> -> memref<1x32768xf32, #tpu.memory_space<hbm>>
      %dma_wait3A_976 = tpu.memref_squeeze %dma_wait3A_975 : memref<1x32768xf32, #tpu.memory_space<hbm>> -> memref<32768xf32, #tpu.memory_space<hbm>>
      %dma_wait3A_977 = arith.constant 0 : i32
      %dma_wait3A_978 = tpu.memref_slice %arg3[%add3A_495, %dma_wait3A_977] : memref<1024x32768xf32, #tpu.memory_space<hbm>> -> memref<1x32768xf32, #tpu.memory_space<hbm>>
      %dma_wait3A_979 = tpu.memref_squeeze %dma_wait3A_978 : memref<1x32768xf32, #tpu.memory_space<hbm>> -> memref<32768xf32, #tpu.memory_space<hbm>>
      tpu.wait_dma2 semaphore(%arg11 : memref<!tpu.dma_semaphore, #tpu.memory_space<semaphore_mem>>) src(%arg4 : memref<32768xf32, #tpu.memory_space<vmem>>) dst(%dma_wait3A_979 : memref<32768xf32, #tpu.memory_space<hbm>>)
      %add3A_980 = arith.constant 2 : i32
      %add3A_981 = arith.addi %add3A_495, %add3A_980 : i32
      %min3A = arith.constant 1023 : i32
      %min3A_982 = arith.minsi %add3A_981, %min3A : i32
      %dma_start3A_983 = arith.constant 0 : i32
      %dma_start3A_984 = tpu.memref_slice %arg2[%min3A_982, %dma_start3A_983] : memref<1024x32768xf32, #tpu.memory_space<hbm>> -> memref<1x32768xf32, #tpu.memory_space<hbm>>
      %dma_start3A_985 = tpu.memref_squeeze %dma_start3A_984 : memref<1x32768xf32, #tpu.memory_space<hbm>> -> memref<32768xf32, #tpu.memory_space<hbm>>
      %dma_start3A_986 = arith.constant 0 : i32
      %dma_start3A_987 = tpu.memref_slice %arg2[%min3A_982, %dma_start3A_986] : memref<1024x32768xf32, #tpu.memory_space<hbm>> -> memref<1x32768xf32, #tpu.memory_space<hbm>>
      %dma_start3A_988 = tpu.memref_squeeze %dma_start3A_987 : memref<1x32768xf32, #tpu.memory_space<hbm>> -> memref<32768xf32, #tpu.memory_space<hbm>>
      tpu.enqueue_dma source(%dma_start3A_988 : memref<32768xf32, #tpu.memory_space<hbm>>) target(%arg4 : memref<32768xf32, #tpu.memory_space<vmem>>) target_semaphore(%arg9 : memref<!tpu.dma_semaphore, #tpu.memory_space<semaphore_mem>>)
    }
    %scan3A_479 = arith.constant 15 : i32
    %dma_wait3A_480 = arith.constant 0 : i32
    %dma_wait3A_481 = tpu.memref_slice %arg3[%mul3A_2, %dma_wait3A_480] : memref<1024x32768xf32, #tpu.memory_space<hbm>> -> memref<1x32768xf32, #tpu.memory_space<hbm>>
    %dma_wait3A_482 = tpu.memref_squeeze %dma_wait3A_481 : memref<1x32768xf32, #tpu.memory_space<hbm>> -> memref<32768xf32, #tpu.memory_space<hbm>>
    %dma_wait3A_483 = arith.constant 0 : i32
    %dma_wait3A_484 = tpu.memref_slice %arg3[%mul3A_2, %dma_wait3A_483] : memref<1024x32768xf32, #tpu.memory_space<hbm>> -> memref<1x32768xf32, #tpu.memory_space<hbm>>
    %dma_wait3A_485 = tpu.memref_squeeze %dma_wait3A_484 : memref<1x32768xf32, #tpu.memory_space<hbm>> -> memref<32768xf32, #tpu.memory_space<hbm>>
    tpu.wait_dma2 semaphore(%arg12 : memref<!tpu.dma_semaphore, #tpu.memory_space<semaphore_mem>>) src(%arg5 : memref<32768xf32, #tpu.memory_space<vmem>>) dst(%dma_wait3A_485 : memref<32768xf32, #tpu.memory_space<hbm>>)
    %dma_wait3A_486 = arith.constant 0 : i32
    %dma_wait3A_487 = tpu.memref_slice %arg2[%mul3A_2, %dma_wait3A_486] : memref<1024x32768xf32, #tpu.memory_space<hbm>> -> memref<1x32768xf32, #tpu.memory_space<hbm>>
    %dma_wait3A_488 = tpu.memref_squeeze %dma_wait3A_487 : memref<1x32768xf32, #tpu.memory_space<hbm>> -> memref<32768xf32, #tpu.memory_space<hbm>>
    %dma_wait3A_489 = arith.constant 0 : i32
    %dma_wait3A_490 = tpu.memref_slice %arg2[%mul3A_2, %dma_wait3A_489] : memref<1024x32768xf32, #tpu.memory_space<hbm>> -> memref<1x32768xf32, #tpu.memory_space<hbm>>
    %dma_wait3A_491 = tpu.memref_squeeze %dma_wait3A_490 : memref<1x32768xf32, #tpu.memory_space<hbm>> -> memref<32768xf32, #tpu.memory_space<hbm>>
    tpu.wait_dma2 semaphore(%arg9 : memref<!tpu.dma_semaphore, #tpu.memory_space<semaphore_mem>>) src(%dma_wait3A_491 : memref<32768xf32, #tpu.memory_space<hbm>>) dst(%arg4 : memref<32768xf32, #tpu.memory_space<vmem>>)
    return
  }
}

</mosaic_0001>

<sc_bundles>
// kernel: kernel.3.cloned.1.call-start
scs
__scs_entry_jumppad:
0x0: {  	(pc) =	sbr.rel $0x88, $3  }
0x1: {  	(tag) =	ssettag $0x0;
	lr =	simm.s32 $0x1  }
0x2: {  	[smem:$0x3FA0] =	sst lr;
	_ =	strace $0xD0000000  }
0x3: {  	_ = 	snop  }
0x4: {  	_ = 	snop  }
0x5: {  	_ = 	snop  }
0x6: {  	_ = 	snop  }
0x7: {  	_ = 	snop  }
__scs_overlays_trampoline_lowered:
0x8: {  	[smem:$0x3FAF] =	sst s0  }
0x9: {  	[smem:$0x3FB0] =	sst s1  }
0xa: {  	[smem:$0x3FB1] =	sst s2  }
0xb: {  	[smem:$0x3FB2] =	sst s3  }
0xc: {  	[smem:$0x3FB3] =	sst s4  }
0xd: {  	[smem:$0x3FB4] =	sst s5  }
0xe: {  	[smem:$0x3FB5] =	sst s6  }
0xf: {  	[smem:$0x3FB6] =	sst s7  }
0x10: {  	[smem:$0x3FB7] =	sst s8  }
0x11: {  	[smem:$0x3FB8] =	sst s9;
	s0 =	simm.s32 @!p0 $0x0  }
0x12: {  	s1 =	sld [smem:$0x3F9E];
	s0 =	simm.s32 @p0 $0x1  }
0x13: {  	[smem:$0x3FB9] =	sst s0;
	s0 =	simm.s32 @!p1 $0x0  }
0x14: {  	s2 =	sld [smem:$0x3F9D];
	s0 =	simm.s32 @p1 $0x1  }
0x15: {  	[smem:$0x3FBA] =	sst s0;
	s0 =	simm.s32 @!p2 $0x0  }
0x16: {  	s3 =	sld [smem:$0x3FDB];
	s0 =	simm.s32 @p2 $0x1  }
0x17: {  	s4 =	simm.s32 $0x1BF5;
	[smem:$0x3FBC] =	sst s0  }
0x18: {  	s0 =	sld [smem:$0x3F9F];
	_ =	swait.ge [sflag:s4], $0x0  }
0x19: {  	s7 =	sld [smem:$0x3FA0]  }
0x1a: {  	s8 =	sadd.s32 $0xFFFFE003, lr  }
0x1b: {  	s9 =	sadd.s32 $0xFFFFFEF7, lr;
	s5 =	simm.s32 $0xFFFFFFFF;
	p2 =	slt.u32 s8, $0xFFFFF086  }
0x1c: {  	p1 =	slt.u32 s9, $0xF7A;
	s5 =	simm.s32 @!p2 $0x0  }
0x1d: {  	s5 =	simm.s32 @p1 $0x1;
	p0 =	seq.s32 s7, s2  }
0x1e: {  	s7 =	smul.u32 @!p0 $0xF7A, s2;
	p2 =	seq.s32 @!p0 s5, $0x0  }
0x1f: {  	s9 =	smul.u32 $0xF7A, s1;
	s8 =	simm.s32 @!p0 $0x1BF5;
	p2 =	por !p2, p0  }
0x20: {  	[sflag:s8] =	ssyncset.s32 @!p0 $0xFFFFF086;
	s6 =	sadd.s32 @!p0 s3, s7;
	s7 =	simm.s32 @!p0 $0x108  }
0x21: {  	s3 =	sadd.s32 s3, s9;
	s6 =	sadd.s32 @!p0 $0x88, s6;
	s7 =	simm.s32 @p2 $0x1082  }
0x22: {  	[simem:s7], [sflag:s8] =	dma.local @!p0 [hbm:s6], $0xF7A  }
0x23: {  	s9 =	sor.u32 $0xD0000000, s2;
	s6 =	simm.s32 $0x108;
	_ =	swait.ge @!p0 [sflag:s8], $0x0  }
0x24: {  	s3 =	sadd.s32 $0x88, s3;
	s6 =	simm.s32 @!p1 $0x1082;
	[sflag:s4] =	ssyncset.s32 $0xFFFFF086  }
0x25: {  	[simem:s6], [sflag:s4] =	dma.local [hbm:s3], $0xF7A  }
0x26: {  	[smem:$0x3FA0] =	sst s1;
	(tag) =	ssettag s2;
	_ =	strace s9  }
0x27: {  	s1 =	sld [smem:$0x3FB0]  }
0x28: {  	s2 =	sld [smem:$0x3FB1]  }
0x29: {  	s4 =	sld [smem:$0x3FB3]  }
0x2a: {  	p0 =	seq.s32 s5, $0x0;
	s5 =	sld [smem:$0x3FB4]  }
0x2b: {  	s6 =	sld [smem:$0x3FB5]  }
0x2c: {  	s7 =	sld [smem:$0x3FB6]  }
0x2d: {  	s3 =	simm.s32 $0x108;
	s8 =	sld [smem:$0x3FB7]  }
0x2e: {  	s3 =	simm.s32 @!p0 $0x1082;
	s9 =	sld [smem:$0x3FB8]  }
0x2f: {  	lr =	sadd.s32 s0, s3;
	s0 =	sld [smem:$0x3FAF]  }
0x30: {  	s3 =	sld [smem:$0x3FB2]  }
0x31: {  	[smem:$0x3FBB] =	sst s10  }
0x32: {  	s10 =	sld [smem:$0x3FB9];
	_ =	sdelay $0x3  }
0x33: {  	p0 =	seq.s32 s10, $0x1;
	s10 =	sld [smem:$0x3FBB];
	_ =	sdelay $0x3  }
0x34: {  	[smem:$0x3FBB] =	sst s10  }
0x35: {  	s10 =	sld [smem:$0x3FBA];
	_ =	sdelay $0x3  }
0x36: {  	p1 =	seq.s32 s10, $0x1;
	s10 =	sld [smem:$0x3FBB];
	_ =	sdelay $0x3  }
0x37: {  	[smem:$0x3FBB] =	sst s10  }
0x38: {  	s10 =	sld [smem:$0x3FBC]  }
0x39: {  	_ = 	snop;
	(pc) =	sbr.ind lr, $3  }
0x3a: {  	_ = 	snop  }
0x3b: {  	_ = 	snop  }
0x3c: {  	p2 =	seq.s32 s10, $0x1;
	s10 =	sld [smem:$0x3FBB]  }
0x3d: {  	_ =	shalt  }
0x3e: {  	_ =	shalt  }
0x3f: {  	_ =	shalt  }
0x40: {  	_ =	shalt  }
0x41: {  	_ =	shalt  }
0x42: {  	_ =	shalt  }
0x43: {  	_ =	shalt  }
0x44: {  	_ =	shalt  }
0x45: {  	_ =	shalt  }
0x46: {  	_ =	shalt  }
0x47: {  	_ =	shalt  }
0x48: {  	_ =	shalt  }
0x49: {  	_ =	shalt  }
0x4a: {  	_ =	shalt  }
0x4b: {  	_ =	shalt  }
0x4c: {  	_ =	shalt  }
0x4d: {  	_ =	shalt  }
0x4e: {  	_ =	shalt  }
0x4f: {  	_ =	shalt  }
0x50: {  	_ =	shalt  }
0x51: {  	_ =	shalt  }
0x52: {  	_ =	shalt  }
0x53: {  	_ =	shalt  }
0x54: {  	_ =	shalt  }
0x55: {  	_ =	shalt  }
0x56: {  	_ =	shalt  }
0x57: {  	_ =	shalt  }
0x58: {  	_ =	shalt  }
0x59: {  	_ =	shalt  }
0x5a: {  	_ =	shalt  }
0x5b: {  	_ =	shalt  }
0x5c: {  	_ =	shalt  }
0x5d: {  	_ =	shalt  }
0x5e: {  	_ =	shalt  }
0x5f: {  	_ =	shalt  }
0x60: {  	_ =	shalt  }
0x61: {  	_ =	shalt  }
0x62: {  	_ =	shalt  }
0x63: {  	_ =	shalt  }
0x64: {  	_ =	shalt  }
0x65: {  	_ =	shalt  }
0x66: {  	_ =	shalt  }
0x67: {  	_ =	shalt  }
0x68: {  	_ =	shalt  }
0x69: {  	_ =	shalt  }
0x6a: {  	_ =	shalt  }
0x6b: {  	_ =	shalt  }
0x6c: {  	_ =	shalt  }
0x6d: {  	_ =	shalt  }
0x6e: {  	_ =	shalt  }
0x6f: {  	_ =	shalt  }
0x70: {  	_ =	shalt  }
0x71: {  	_ =	shalt  }
0x72: {  	_ =	shalt  }
0x73: {  	_ =	shalt  }
0x74: {  	_ =	shalt  }
0x75: {  	_ =	shalt  }
0x76: {  	_ =	shalt  }
0x77: {  	_ =	shalt  }
0x78: {  	_ =	shalt  }
0x79: {  	_ =	shalt  }
0x7a: {  	_ =	shalt  }
0x7b: {  	_ =	shalt  }
0x7c: {  	_ =	shalt  }
0x7d: {  	_ =	shalt  }
0x7e: {  	_ =	shalt  }
0x7f: {  	_ =	shalt  }
0x80: {  	_ =	shalt  }
0x81: {  	_ =	shalt  }
0x82: {  	_ =	shalt  }
0x83: {  	_ =	shalt  }
0x84: {  	_ =	shalt  }
0x85: {  	_ =	shalt  }
0x86: {  	_ =	shalt  }
0x87: {  	_ =	shalt  }
.Lfunc_end0:
.L_simem_size_0:
called_computation_lowered:
.L_overlay_start_0:
0x88: {  	s2 =	sld [smem:$0x3FD9]  }
0x89: {  	s3 =	sld [smem:$0x3FFE];
	_ =	sdelay $0x1  }
0x8a: {  	s1 =	srdreg.scid  }
0x8b: {  	s0 =	sand.u32 $0x1, s1  }
0x8c: {  	s18 =	sshll.u32 s0, $0xA;
	s2 =	sadd.s32 s3, s2  }
0x8d: {  	s2 =	sadd.s32 s2, s18  }
0x8e: {  	[smem:$0x3FC7] =	sst s2  }
0x8f: {  	_ = 	snop  }
0x90: {  	s2 =	sld [smem:$0x3FC9]  }
0x91: {  	s19 =	sld [smem:$0x3FD0];
	(tm) =	ssettm $0x1  }
0x92: {  	s4 =	sld [smem:$0x3FFB];
	_ =	sdelay $0x3  }
0x93: {  	_ =	strace s4  }
0x94: {  	s4 =	sld [smem:$0x3FFC];
	_ =	sdelay $0x3  }
0x95: {  	_ =	strace s4  }
0x96: {  	s4 =	sld [smem:$0x3FFD];
	_ =	sdelay $0x3  }
0x97: {  	_ =	strace s4  }
0x98: {  	_ =	strace $0x8FFFFFFF  }
0x99: {  	s20 =	sld [smem:$0x3FDB];
	_ =	sdelay $0x1  }
0x9a: {  	s5 =	simm.s32 $_scs_section_size  }
0x9b: {  	s6 =	simm.s32 $_size__tile_overlayer_lowered;
	s7 =	simm.s32 $_tile_overlayer_lowered  }
0x9c: {  	s23 =	simm.s32 $0x1BFF;
	s22 =	sshll.u32 s7, $0x1;
	s4 =	sadd.s32 s5, s20  }
0x9d: {  	s8 =	simm.s32 $0x0;
	s21 =	sshll.u32 s6, $0x1;
	s6 =	sadd.s32 s22, s4  }
0x9e: {  	[timem:s8], [sflag:s23] =	dma.local [hbm:s6], s21  }
0x9f: {  	_ =	swait.ge [sflag:s23], s21  }
0xa0: {  	s5 =	ssub.s32 $0x0, s21;
	[sflag:s23] =	ssyncset.done $0x0  }
0xa1: {  	[sflag:s23] =	ssyncadd.s32 s5;
	_ =	sdelay $0x1  }
0xa2: {  	s24 =	simm.s32 $0x1B8B  }
0xa3: {  	_ =	swait.ge [sflag:s24], $0x1  }
0xa4: {  	[sflag:s24] =	ssyncset.done $0x0  }
0xa5: {  	s25 =	simm.s32 $0x1B8E;
	[sflag:s24] =	ssyncadd.s32 $0xFFFFFFFF  }
0xa6: {  	s26 =	simm.s32 $execute0_lowered;
	[smem:$0x3FD2] =	sst s25  }
0xa7: {  	s5 =	sshll.u32 s26, $0x1;
	_ =	strace $0x80000046;
	[dreg:$0x1] =	wrdreg $0xFFFFFFFF  }
0xa8: {  	s28 =	simm.s32 $_size_execute0_lowered;
	s4 =	sadd.s32 s4, s5;
	[dreg:$0x0] =	wrdreg $0x0  }
0xa9: {  	s5 =	sshll.u32 s28, $0x1;
	[dreg:$0x2] =	wrdreg s4  }
0xaa: {  	[dreg:$0x3] =	wrdreg s5  }
0xab: {  	[dreg:$0x4] =	wrdreg $0xC0  }
0xac: {  	_ =	task [dreg:s8], $0x5FFFF  }
0xad: {  	[dreg:$0x1] =	wrdreg $0xFFFFFFFF  }
0xae: {  	[dreg:$0x0] =	wrdreg $0x60  }
0xaf: {  	[dreg:$0x2] =	wrdreg s2  }
0xb0: {  	[dreg:$0x3] =	wrdreg s19  }
0xb1: {  	[dreg:$0x4] =	wrdreg $0x9  }
0xb2: {  	_ =	task.clear_ibuf [dreg:s8], $0x5FFFF;
	_ =	strace $0x90000046  }
0xb3: {  	s29 =	simm.s32 $0x9;
	_ =	strace $0x80000048  }
0xb4: {  	_ =	swait.ge [sflag:s29], $0x1  }
0xb5: {  	[sflag:s29] =	ssyncadd.s32 $0xFFFFFFFF  }
0xb6: {  	_ =	strace $0x90000048  }
0xb7: {  	_ =	sfence  }
0xb8: {  	s30 =	sld [smem:$0x0];
	_ =	sdelay $0x2  }
0xb9: {  	s31 =	sshll.u32 s1, $0xD;
	s1 =	sshrl.u32 s1, $0x2  }
0xba: {  	s3 =	sand.u32 $0x4000, s31;
	s1 =	sadd.s32 s1, s30  }
0xbb: {  	s0 =	sor.u32 s3, s0;
	s1 =	sshll.u32 s1, $0x11  }
0xbc: {  	s0 =	sor.u32 s1, s0  }
0xbd: {  	s0 =	sadd.s32 $0x8F2B, s0  }
0xbe: {  	[sflag:s0] =	ssyncadd.remote.s32 $0x1  }
0xbf: {  	_ =	sfence.sel $0xFFFF  }
0xc0: {  	[dreg:$0x0] =	wrdreg $0xFFFFFFFF;
	(pc) =	sbr.abs _section_cstart, $3  }
0xc1: {  	[dreg:$0x1] =	wrdreg $0xFFFFFFFF  }
0xc2: {  	_ =	task.clear_ibuf [dreg:s8], $0x2FFFF;
	_ =	strace $0x9FFFFFFF  }
0xc3: {  	(tm) =	ssettm $0x7FFFFFFF  }
tec
execute0_lowered:
.L_overlay_start_1:
0x0: {  	(tag) =	ssettag $0x1  }
0x1: {  	s2 =	rddreg [dreg:$0x0];
	s0 =	srdreg.scid  }
0x2: {  	s3 =	rddreg [dreg:$0x1];
	s1 =	stileid.u32;
	s4 =	simm.s32 $0x0  }
0x3: {  	s12 =	simm.s32 $0x80;
	s13 =	simm.s32 $0x400;
	s14 =	simm.s32 $0x8000  }
0x4: {  	s15 =	simm.s32 $0x1;
	s16 =	simm.s32 $0x80000000;
	s17 =	simm.s32 $0x2  }
0x5: {  	s18 =	simm.s32 $0x3;
	s19 =	simm.s32 $0x4;
	s0 =	sand.u32 $0x1, s0  }
0x6: {  	s20 =	simm.s32 $0x0;
	s1 =	sshll.u32 s1, $0x6;
	s5 =	sshll.u32 s0, $0x5  }
0x7: {  	[smem:$0x7FF] =	sst s4;
	s0 =	ssub.s32 $0x2, s0;
	s5 =	sor.u32 s5, s1  }
.Ltmp0:
0x8: {  	_ =	strace $0x80000047;
	s7 =	sshll.u32 s5, $0xC;
	(pc) =	sbr.rel .LBB2_1-.Ltmp0, $4  }
0x9: {  	s31 =	sor.u32 $0x10, s7;
	s6 =	sadd.s32 s2, s7;
	s7 =	sadd.s32 s3, s7  }
0xa: {  	s30 =	sshrl.u32 s0, $0x1;
	s8 =	sadd.s32 s2, s31;
	[dreg:$0x4] =	wrdreg s7  }
0xb: {  	s0 =	ssub.s32 s0, s30;
	s1 =	sadd.s32 s3, s31;
	[dreg:$0x3] =	wrdreg s8  }
0xc: {  	v0 =	vimm.f32 $-Inf;
	v1 =	vimm.s32 $0x0;
	s11 =	smax.u32 s0, $0x1;
	s10 =	sadd.s32 $0x20, s6;
	[dreg:$0x5] =	wrdreg s1  }
.LBB2_195:
0xd: {  	s20 =	sadd.s32 $0x1, s20  }
0xe: {  	_ =	swait.ge [sflag:s19], $0x8000;
	p0 =	sne.s32 s20, s11  }
.Ltmp1:
0xf: {  	[sflag:s19] =	ssyncset.done $0x0;
	(pc) =	sbr.rel @!p0 .LBB2_196-.Ltmp1, $4  }
0x10: {  	[sflag:s19] =	ssyncadd.s32 $0xFFFF8000  }
0x11: {  	_ =	swait.ge [sflag:s15], $0x8000  }
0x12: {  	[sflag:s15] =	ssyncset.done $0x0  }
0x13: {  	[sflag:s15] =	ssyncadd.s32 $0xFFFF8000  }
.LBB2_1:
0x14: {  	[tilespmem:s4], [sflag:$0x1] =	stream.strided.gather [hbm4b:s6+s12], $0x8000, s13, s12, $0x38;
	[tilespmem:$0x19080] =	vst v63  }
0x15: {  	s0 =	rddreg [dreg:$0x3]  }
0x16: {  	[tilespmem:s14], [sflag:$0x2] =	stream.strided.gather [hbm4b:s0+s12], $0x8000, s13, s12, $0x38;
	[tilespmem:$0x19080] =	vst v63  }
0x17: {  	_ =	swait.ge [sflag:s15], $0x8000  }
0x18: {  	[sflag:s15] =	ssyncset.done $0x0  }
0x19: {  	s31 =	simm.s32 $0x40;
	[sflag:s15] =	ssyncadd.s32 $0xFFFF8000  }
0x1a: {  	v2 =	vld [tilespmem:s31+$0xFFFFFFC0]  }
0x1b: {  	v3 =	vld [tilespmem:s31+$0xFFFFFFD0]  }
0x1c: {  	v4 =	vld [tilespmem:s31+$0xFFFFFFE0]  }
0x1d: {  	v5 =	vld [tilespmem:s31+$0xFFFFFFF0]  }
0x1e: {  	v11 =	vld [tilespmem:s31+$0x0]  }
0x1f: {  	v10 =	vld [tilespmem:s31+$0x10]  }
0x20: {  	v14 =	vimm.f32 $-Inf;
	v13 =	vimm.f32 $-Inf;
	v9 =	vld [tilespmem:s31+$0x20];
	v6 =	vmax.f32 v2, v3  }
0x21: {  	s0 =	simm.s32 $0xC0;
	v8 =	vld [tilespmem:s31+$0x30];
	v2 =	vmax.f32 v0, v2;
	v3 =	vmax.f32 v0, v3;
	v6 =	vmax.f32 v6, v4  }
0x22: {  	v7 =	vld [tilespmem:s0+$0xFFFFFFC0];
	v4 =	vmax.f32 v0, v4;
	v12 =	vmax.f32 v6, v5;
	v5 =	vmax.f32 v0, v5  }
0x23: {  	s21 =	simm.s32 $0x40;
	s23 =	simm.s32 $0x80;
	s22 =	simm.s32 $0x0;
	v6 =	vmax.f32 v0, v11;
	v15 =	vmax.f32 v12, v11;
	v12 =	vld [tilespmem:s0+$0xFFFFFFD0];
	v11 =	vimm.f32 $-Inf  }
.LBB2_2:
0x24: {  	p0 =	sne.s32 s23, $0x3FC0;
	v16 =	vld [tilespmem:s0+$0xFFFFFFE0];
	v14 =	vmax.f32 v14, v10;
	v10 =	vmax.f32 v15, v10  }
0x25: {  	v15 =	vld [tilespmem:s0+$0xFFFFFFF0];
	v13 =	vmax.f32 v13, v9;
	v9 =	vmax.f32 v10, v9  }
0x26: {  	s1 =	sshra.s32 s22, $0x2;
	s22 =	smov.u32 s21;
	s21 =	smov.u32 s23;
	v17 =	vld [tilespmem:s0+$0x0];
	v11 =	vmax.f32 v11, v8;
	v8 =	vmax.f32 v9, v8  }
.Ltmp2:
0x27: {  	v10 =	vld [tilespmem:s0+$0x10];
	v2 =	vmax.f32 v2, v7;
	[tilespmem:s1+$0x18080] =	vst v8;
	(pc) =	sbr.rel @p0 .LBB2_2-.Ltmp2, $4  }
0x28: {  	v9 =	vld [tilespmem:s0+$0x20];
	v3 =	vmax.f32 v3, v12;
	v7 =	vmax.f32 v7, v12  }
0x29: {  	v8 =	vld [tilespmem:s0+$0x30];
	v4 =	vmax.f32 v4, v16;
	v12 =	vmax.f32 v7, v16;
	s0 =	sadd.s32 $0x80, s0  }
0x2a: {  	v7 =	vld [tilespmem:s0+$0xFFFFFFC0];
	v5 =	vmax.f32 v5, v15;
	v15 =	vmax.f32 v12, v15  }
0x2b: {  	s23 =	sadd.s32 $0x40, s23;
	v12 =	vld [tilespmem:s0+$0xFFFFFFD0];
	v6 =	vmax.f32 v6, v17;
	v15 =	vmax.f32 v15, v17  }
0x2c: {  	v16 =	vld [tilespmem:s0+$0xFFFFFFE0]  }
0x2d: {  	v17 =	vld [tilespmem:s0+$0xFFFFFFF0]  }
0x2e: {  	v18 =	vld [tilespmem:s0+$0x0]  }
0x2f: {  	v14 =	vmax.f32 v14, v10;
	v19 =	vld [tilespmem:s0+$0x10];
	v10 =	vmax.f32 v15, v10  }
0x30: {  	v51 =	vld [tilespmem:s0+$0x20];
	v13 =	vmax.f32 v13, v9;
	v9 =	vmax.f32 v10, v9  }
0x31: {  	v10 =	vmax.f32 v11, v8;
	v8 =	vmax.f32 v9, v8;
	v2 =	vmax.f32 v2, v7  }
0x32: {  	v20 =	vmax.f32 v7, v12;
	v3 =	vmax.f32 v3, v12;
	v53 =	vxor.u32 $0xFFFFFFFF, v2  }
0x33: {  	vm0 =	vlt.s32 v2, $0x0;
	v20 =	vmax.f32 v20, v16;
	v4 =	vmax.f32 v4, v16  }
0x34: {  	v5 =	vmax.f32 v5, v17;
	v6 =	vmax.f32 v6, v18;
	v9 =	vmax.f32 v14, v19  }
0x35: {  	v11 =	vld [tilespmem:s0+$0x30];
	v52 =	vmax.f32 v13, v51;
	v54 =	vand.u32 $0x7FFFFFFF, v3;
	vm11 =	vlt.s32 v3, $0x0  }
0x36: {  	v7 =	vmax.f32 v20, v17;
	v13 =	vxor.u32 $0x80000000, v54;
	v55 =	vxor.u32 $0xFFFFFFFF, v4  }
0x37: {  	vm1 =	vlt.s32 v4, $0x0;
	v56 =	vxor.u32 $0xFFFFFFFF, v5;
	v7 =	vmax.f32 v7, v18  }
0x38: {  	vm12 =	vlt.s32 v5, $0x0;
	v57 =	vand.u32 $0x7FFFFFFF, v6;
	v7 =	vmax.f32 v7, v19  }
0x39: {  	vm13 =	vlt.s32 v6, $0x0;
	v58 =	vand.u32 $0x7FFFFFFF, v9;
	v7 =	vmax.f32 v7, v51  }
0x3a: {  	v10 =	vmax.f32 v10, v11;
	v7 =	vmax.f32 v7, v11;
	v11 =	vand.u32 $0x7FFFFFFF, v2  }
0x3b: {  	vm14 =	vlt.s32 v9, $0x0;
	v60 =	vxor.u32 $0xFFFFFFFF, v52;
	v11 =	vxor.u32 $0x80000000, v11  }
0x3c: {  	vm15 =	vlt.s32 v52, $0x0;
	v2 =	vsel vm0, v53, v11;
	v11 =	vxor.u32 $0xFFFFFFFF, v3  }
0x3d: {  	v3 =	vand.u32 $0x7FFFFFFF, v4;
	v4 =	vsel vm11, v11, v13;
	v11 =	vand.u32 $0x7FFFFFFF, v5  }
0x3e: {  	v59 =	vxor.u32 $0x80000000, v58;
	v62 =	vxor.u32 $0xFFFFFFFF, v10;
	v11 =	vxor.u32 $0x80000000, v11  }
0x3f: {  	v13 =	vxor.u32 $0x80000000, v57;
	v5 =	vsel vm12, v56, v11;
	v11 =	vxor.u32 $0xFFFFFFFF, v6  }
0x40: {  	v6 =	vsel vm13, v11, v13;
	v11 =	vxor.u32 $0xFFFFFFFF, v9;
	v9 =	vand.u32 $0x7FFFFFFF, v52  }
0x41: {  	s30 =	sshra.s32 s22, $0x2;
	v3 =	vxor.u32 $0x80000000, v3;
	v61 =	vxor.u32 $0x80000000, v9;
	v9 =	vand.u32 $0x7FFFFFFF, v10  }
0x42: {  	s31 =	sshra.s32 s21, $0x2;
	s21 =	simm.s32 $0x0;
	s1 =	simm.s32 $0x80000000;
	[tilespmem:s30+$0x18080] =	vst v8;
	vm2 =	vlt.s32 v10, $0x0;
	v3 =	vsel vm1, v55, v3;
	v63 =	vxor.u32 $0x80000000, v9  }
0x43: {  	s22 =	sor.u32 s1, s21;
	s0 =	simm.s32 $0x1;
	[tilespmem:s31+$0x18080] =	vst v7;
	v9 =	vsel vm14, v11, v59;
	v8 =	vsel vm15, v60, v61;
	v7 =	vsel vm2, v62, v63  }
.LBB2_4:
0x44: {  	p0 =	sne.s32 s0, $0xF;
	vm0 =	vge.u32 v2, s22  }
0x45: {  	v10 =	vmpcnt.ones.xlane vm0;
	vm0 =	vge.u32 v4, s22  }
0x46: {  	v11 =	vmpcnt.ones.xlane vm0;
	vm0 =	vge.u32 v3, s22  }
0x47: {  	v12 =	vmpcnt.ones.xlane vm0;
	vm0 =	vge.u32 v5, s22;
	(v2sf) =	vpush v10, $0x0  }
0x48: {  	v10 =	vmpcnt.ones.xlane vm0;
	vm0 =	vge.u32 v6, s22;
	(v2sf) =	vpush v11, $0x0  }
0x49: {  	v11 =	vmpcnt.ones.xlane vm0;
	vm0 =	vge.u32 v9, s22;
	(v2sf) =	vpush v12, $0x0  }
0x4a: {  	v12 =	vmpcnt.ones.xlane vm0;
	vm0 =	vge.u32 v8, s22;
	(v2sf) =	vpush v10, $0x0  }
0x4b: {  	v10 =	vmpcnt.ones.xlane vm0;
	vm0 =	vge.u32 v7, s22;
	(v2sf) =	vpush v11, $0x0  }
0x4c: {  	v11 =	vmpcnt.ones.xlane vm0;
	(v2sf) =	vpush v12, $0x0  }
0x4d: {  	(v2sf) =	vpush v10, $0x0  }
0x4e: {  	(v2sf) =	vpush v11, $0x0;
	_ =	sdelay $0x7  }
0x4f: {  	s1 =	spop (v2sf)  }
0x50: {  	s7 =	spop (v2sf)  }
0x51: {  	s1 =	sadd.s32 s1, s7;
	s7 =	spop (v2sf)  }
0x52: {  	s1 =	sadd.s32 s7, s1;
	s7 =	spop (v2sf)  }
0x53: {  	s1 =	sadd.s32 s7, s1;
	s7 =	spop (v2sf)  }
0x54: {  	s1 =	sadd.s32 s7, s1;
	s7 =	spop (v2sf)  }
0x55: {  	s1 =	sadd.s32 s7, s1;
	s7 =	spop (v2sf)  }
.Ltmp3:
0x56: {  	s1 =	sadd.s32 s7, s1;
	s7 =	spop (v2sf);
	(pc) =	sbr.rel @p0 .LBB2_4-.Ltmp3, $4  }
0x57: {  	s1 =	sadd.s32 s7, s1  }
0x58: {  	p1 =	sgt.s32 s1, $0x1F  }
0x59: {  	s1 =	sshrl.u32 s16, s0;
	s21 =	smov.u32 @p1 s22  }
0x5a: {  	s0 =	sadd.s32 $0x1, s0;
	s22 =	sor.u32 s1, s21  }
0x5b: {  	vm0 =	vge.u32 v2, s22  }
0x5c: {  	v2 =	vmpcnt.ones.xlane vm0;
	vm0 =	vge.u32 v4, s22  }
0x5d: {  	v4 =	vmpcnt.ones.xlane vm0;
	vm0 =	vge.u32 v3, s22  }
0x5e: {  	v3 =	vmpcnt.ones.xlane vm0;
	vm0 =	vge.u32 v5, s22;
	(v2sf) =	vpush v2, $0x0  }
0x5f: {  	v2 =	vmpcnt.ones.xlane vm0;
	vm0 =	vge.u32 v6, s22;
	(v2sf) =	vpush v4, $0x0  }
0x60: {  	v60 =	vmpcnt.ones.xlane vm0;
	vm0 =	vge.u32 v9, s22;
	(v2sf) =	vpush v3, $0x0  }
0x61: {  	v3 =	vmpcnt.ones.xlane vm0;
	vm0 =	vge.u32 v8, s22;
	(v2sf) =	vpush v2, $0x0  }
0x62: {  	v2 =	vmpcnt.ones.xlane vm0;
	vm0 =	vge.u32 v7, s22;
	(v2sf) =	vpush v60, $0x0  }
0x63: {  	v61 =	vmpcnt.ones.xlane vm0;
	(v2sf) =	vpush v3, $0x0  }
0x64: {  	(v2sf) =	vpush v2, $0x0  }
0x65: {  	(v2sf) =	vpush v61, $0x0;
	_ =	sdelay $0x7  }
0x66: {  	s0 =	spop (v2sf)  }
0x67: {  	s1 =	spop (v2sf)  }
0x68: {  	s0 =	sadd.s32 s0, s1;
	s8 =	spop (v2sf)  }
0x69: {  	s0 =	sadd.s32 s8, s0;
	s9 =	spop (v2sf)  }
0x6a: {  	s0 =	sadd.s32 s9, s0;
	s23 =	spop (v2sf)  }
0x6b: {  	s0 =	sadd.s32 s23, s0;
	s24 =	spop (v2sf)  }
0x6c: {  	s0 =	sadd.s32 s24, s0;
	s25 =	spop (v2sf)  }
0x6d: {  	s0 =	sadd.s32 s25, s0;
	s26 =	spop (v2sf)  }
0x6e: {  	s0 =	sadd.s32 s26, s0  }
0x6f: {  	p0 =	sgt.s32 s0, $0x1F  }
0x70: {  	s21 =	smov.u32 @p0 s22  }
0x71: {  	s28 =	simm.s32 $0x18080;
	s0 =	simm.s32 $0xFFFFFFFF;
	p0 =	sgt.s32 s21, $0xFFFFFFFF  }
0x72: {  	v3 =	vld [tilespmem:s28+$0x0];
	s0 =	simm.s32 @!p0 $0x80000000  }
0x73: {  	s0 =	sxor.u32 s21, s0  }
0x74: {  	v2 =	vmov s0  }
0x75: {  	v2 =	vbroadcast v2, $0x0;
	_ =	sdelay $0x1  }
0x76: {  	vm0 =	vge.f32 v3, v2  }
0x77: {  	v3 =	vmpcnt.ones.xlane vm0  }
0x78: {  	s29 =	simm.s32 $0x18090  }
0x79: {  	s30 =	simm.s32 $0x180A0;
	(v2sf) =	vpush v3, $0x0;
	v3 =	vld [tilespmem:s29+$0x0]  }
0x7a: {  	v62 =	vld [tilespmem:s30+$0x0];
	_ =	sdelay $0x3  }
0x7b: {  	vm0 =	vge.f32 v3, v2  }
0x7c: {  	v3 =	vmpcnt.ones.xlane vm0;
	vm0 =	vge.f32 v62, v2  }
0x7d: {  	v4 =	vmpcnt.ones.xlane vm0  }
0x7e: {  	(v2sf) =	vpush v3, $0x0  }
0x7f: {  	(v2sf) =	vpush v4, $0x0  }
0x80: {  	s31 =	simm.s32 $0x180B0  }
0x81: {  	v63 =	vld [tilespmem:s31+$0x0];
	_ =	sdelay $0x2  }
0x82: {  	s7 =	simm.s32 $0x180C0;
	s1 =	simm.s32 $0x4  }
0x83: {  	s23 =	simm.s32 $0x1;
	s22 =	simm.s32 $0x2;
	s0 =	simm.s32 $0x0  }
0x84: {  	s21 =	simm.s32 $0x3;
	[smem:s0] =	sst s0;
	vm0 =	vge.f32 v63, v2;
	s8 =	spop (v2sf)  }
.LBB2_6:
0x85: {  	p0 =	seq.s32 s1, $0xFF;
	p1 =	sgt.s32 s8, $0x0  }
0x86: {  	v3 =	vld [tilespmem:s7+$0x0];
	v4 =	vmpcnt.ones.xlane vm0;
	s8 =	smov.u32 s1;
	s1 =	sadd.s32 $0x1, s1;
	s9 =	simm.s32 $0x1  }
.Ltmp4:
0x87: {  	s9 =	simm.s32 @!p1 $0x0;
	(pc) =	sbr.rel @!p0 .LBB2_6-.Ltmp4, $4  }
0x88: {  	(v2sf) =	vpush v4, $0x0;
	s0 =	sadd.s32 s9, s0  }
0x89: {  	[smem:s0] =	sst s23;
	s23 =	smov.u32 s22;
	s22 =	smov.u32 s21  }
0x8a: {  	s21 =	smov.u32 s8;
	_ =	sdelay $0x1  }
0x8b: {  	s7 =	sadd.s32 $0x10, s7;
	vm0 =	vge.f32 v3, v2;
	s8 =	spop (v2sf)  }
0x8c: {  	v3 =	vmpcnt.ones.xlane vm0;
	_ =	sdelay $0x1  }
0x8d: {  	(v2sf) =	vpush v3, $0x0;
	_ =	sdelay $0xa  }
0x8e: {  	p0 =	sgt.s32 s8, $0x0;
	s1 =	simm.s32 $0x1;
	s7 =	spop (v2sf)  }
0x8f: {  	s1 =	simm.s32 @!p0 $0x0;
	p0 =	sgt.s32 s7, $0x0;
	s7 =	simm.s32 $0x1  }
0x90: {  	s0 =	sadd.s32 s1, s0;
	s7 =	simm.s32 @!p0 $0x0  }
0x91: {  	[smem:s0] =	sst s23;
	s1 =	sadd.s32 s7, s0;
	s30 =	spop (v2sf)  }
0x92: {  	s7 =	simm.s32 $0x1;
	p0 =	sgt.s32 s30, $0x0;
	s31 =	spop (v2sf)  }
0x93: {  	s0 =	simm.s32 $0x1;
	s7 =	simm.s32 @!p0 $0x0;
	p0 =	sgt.s32 s31, $0x0  }
0x94: {  	[smem:s1] =	sst s22;
	s1 =	sadd.s32 s7, s1;
	s0 =	simm.s32 @!p0 $0x0  }
0x95: {  	s7 =	sadd.s32 s0, s1  }
0x96: {  	p0 =	slt.s32 s7, $0x1  }
.Ltmp5:
0x97: {  	_ = 	snop;
	(pc) =	sbr.rel @p0 .LBB2_10-.Ltmp5, $2  }
0x98: {  	_ =	sdelay $0x2  }
0x99: {  	[smem:s1] =	sst s21  }
0x9a: {  	s0 =	sadd.s32 s0, s1  }
0x9b: {  	s31 =	sld [smem:$0x0];
	p1 =	sne.s32 s0, $0x1  }
.Ltmp6:
0x9c: {  	_ = 	snop;
	(pc) =	sbr.rel @!p1 .LBB2_9-.Ltmp6, $4  }
0x9d: {  	_ = 	snop  }
0x9e: {  	s1 =	sshll.u32 s31, $0x9  }
0x9f: {  	s22 =	sshra.s32 s1, $0x2  }
0xa0: {  	s21 =	simm.s32 $0x0;
	p0 =	por $0x0, $0x0;
	s0 =	sadd.s32 $0xFFFFFFFF, s0;
	v3 =	vld [tilespmem:s22+$0x0]  }
0xa1: {  	_ =	sdelay $0x3  }
0xa2: {  	vm0 =	vge.f32 v3, v2  }
0xa3: {  	[tilespmem:s21+$0x10000] =	vst.msk vm0, v3;
	v3 =	vmpcnt.ones.xlane vm0  }
0xa4: {  	v4 =	vld [tilespmem:s22+$0x10]  }
0xa5: {  	(v2sf) =	vpush v3, $0x0;
	_ =	sdelay $0x3  }
0xa6: {  	vm9 =	vge.f32 v4, v2  }
0xa7: {  	v3 =	vmpcnt.ones.xlane vm9;
	_ =	sdelay $0x1  }
0xa8: {  	(v2sf) =	vpush v3, $0x0;
	_ =	sdelay $0x7  }
0xa9: {  	s1 =	spop (v2sf)  }
0xaa: {  	s1 =	sadd.s32 $0x0, s1  }
0xab: {  	[tilespmem:s1+$0x10000] =	vst.msk vm9, v4  }
0xac: {  	v3 =	vld [tilespmem:s22+$0x20];
	_ =	sdelay $0x3  }
0xad: {  	s7 =	spop (v2sf)  }
0xae: {  	s1 =	sadd.s32 s1, s7;
	vm10 =	vge.f32 v3, v2  }
0xaf: {  	[tilespmem:s1+$0x10000] =	vst.msk vm10, v3;
	v3 =	vmpcnt.ones.xlane vm10  }
0xb0: {  	v4 =	vld [tilespmem:s22+$0x30]  }
0xb1: {  	(v2sf) =	vpush v3, $0x0;
	_ =	sdelay $0x3  }
0xb2: {  	vm11 =	vge.f32 v4, v2  }
0xb3: {  	v3 =	vmpcnt.ones.xlane vm11;
	_ =	sdelay $0x1  }
0xb4: {  	(v2sf) =	vpush v3, $0x0;
	_ =	sdelay $0x7  }
0xb5: {  	s26 =	spop (v2sf)  }
0xb6: {  	s1 =	sadd.s32 s1, s26  }
0xb7: {  	[tilespmem:s1+$0x10000] =	vst.msk vm11, v4  }
0xb8: {  	v3 =	vld [tilespmem:s22+$0x40];
	_ =	sdelay $0x3  }
0xb9: {  	s28 =	spop (v2sf)  }
0xba: {  	s1 =	sadd.s32 s1, s28;
	vm12 =	vge.f32 v3, v2  }
0xbb: {  	[tilespmem:s1+$0x10000] =	vst.msk vm12, v3;
	v3 =	vmpcnt.ones.xlane vm12  }
0xbc: {  	v4 =	vld [tilespmem:s22+$0x50]  }
0xbd: {  	(v2sf) =	vpush v3, $0x0;
	_ =	sdelay $0x3  }
0xbe: {  	vm13 =	vge.f32 v4, v2  }
0xbf: {  	v3 =	vmpcnt.ones.xlane vm13;
	_ =	sdelay $0x1  }
0xc0: {  	(v2sf) =	vpush v3, $0x0;
	_ =	sdelay $0x7  }
0xc1: {  	s29 =	spop (v2sf)  }
0xc2: {  	s1 =	sadd.s32 s1, s29  }
0xc3: {  	[tilespmem:s1+$0x10000] =	vst.msk vm13, v4  }
0xc4: {  	v3 =	vld [tilespmem:s22+$0x60];
	_ =	sdelay $0x3  }
0xc5: {  	s30 =	spop (v2sf)  }
0xc6: {  	s1 =	sadd.s32 s1, s30;
	vm14 =	vge.f32 v3, v2  }
0xc7: {  	[tilespmem:s1+$0x10000] =	vst.msk vm14, v3;
	v4 =	vmpcnt.ones.xlane vm14  }
0xc8: {  	v3 =	vld [tilespmem:s22+$0x70]  }
0xc9: {  	(v2sf) =	vpush v4, $0x0;
	_ =	sdelay $0x3  }
0xca: {  	vm15 =	vge.f32 v3, v2  }
0xcb: {  	v4 =	vmpcnt.ones.xlane vm15;
	_ =	sdelay $0x1  }
0xcc: {  	(v2sf) =	vpush v4, $0x0;
	_ =	sdelay $0x5  }
0xcd: {  	s31 =	sld [smem:$0x1];
	_ =	sdelay $0x1  }
0xce: {  	s8 =	spop (v2sf)  }
0xcf: {  	s7 =	sshll.u32 s31, $0x9;
	s1 =	sadd.s32 s1, s8  }
0xd0: {  	p1 =	sne.s32 s0, $0x1;
	s22 =	sshra.s32 s7, $0x2;
	[tilespmem:s1+$0x10000] =	vst.msk vm15, v3  }
.Ltmp7:
0xd1: {  	v3 =	vld [tilespmem:s22+$0x0];
	(pc) =	sbr.rel @!p1 .LBB2_13-.Ltmp7, $3  }
0xd2: {  	_ =	sdelay $0x1  }
0xd3: {  	s23 =	sadd.s32 $0xFFFFFFFF, s0  }
0xd4: {  	s24 =	simm.s32 $0x1;
	p0 =	por $0x1, $0x1;
	s0 =	spop (v2sf)  }
.LBB2_12:
0xd5: {  	p1 =	sne.s32 s23, $0x1;
	s23 =	sadd.s32 $0xFFFFFFFF, s23;
	vm0 =	vge.f32 v3, v2;
	s0 =	sadd.s32 s1, s0  }
0xd6: {  	[tilespmem:s0+$0x10000] =	vst.msk vm0, v3;
	v3 =	vmpcnt.ones.xlane vm0  }
0xd7: {  	v4 =	vld [tilespmem:s22+$0x10]  }
0xd8: {  	(v2sf) =	vpush v3, $0x0;
	_ =	sdelay $0x3  }
0xd9: {  	vm0 =	vge.f32 v4, v2  }
0xda: {  	v3 =	vmpcnt.ones.xlane vm0;
	_ =	sdelay $0x1  }
0xdb: {  	(v2sf) =	vpush v3, $0x0;
	_ =	sdelay $0x7  }
0xdc: {  	s1 =	spop (v2sf)  }
0xdd: {  	s0 =	sadd.s32 s0, s1  }
0xde: {  	[tilespmem:s0+$0x10000] =	vst.msk vm0, v4  }
0xdf: {  	v3 =	vld [tilespmem:s22+$0x20];
	_ =	sdelay $0x3  }
0xe0: {  	s1 =	spop (v2sf)  }
0xe1: {  	s0 =	sadd.s32 s0, s1;
	vm0 =	vge.f32 v3, v2  }
0xe2: {  	[tilespmem:s0+$0x10000] =	vst.msk vm0, v3;
	v3 =	vmpcnt.ones.xlane vm0  }
0xe3: {  	v4 =	vld [tilespmem:s22+$0x30]  }
0xe4: {  	(v2sf) =	vpush v3, $0x0;
	_ =	sdelay $0x3  }
0xe5: {  	vm0 =	vge.f32 v4, v2  }
0xe6: {  	v3 =	vmpcnt.ones.xlane vm0;
	_ =	sdelay $0x1  }
0xe7: {  	(v2sf) =	vpush v3, $0x0;
	_ =	sdelay $0x7  }
0xe8: {  	s1 =	spop (v2sf)  }
0xe9: {  	s0 =	sadd.s32 s0, s1  }
0xea: {  	[tilespmem:s0+$0x10000] =	vst.msk vm0, v4  }
0xeb: {  	v3 =	vld [tilespmem:s22+$0x40];
	_ =	sdelay $0x3  }
0xec: {  	s1 =	spop (v2sf)  }
0xed: {  	s0 =	sadd.s32 s0, s1;
	vm0 =	vge.f32 v3, v2  }
0xee: {  	[tilespmem:s0+$0x10000] =	vst.msk vm0, v3;
	v3 =	vmpcnt.ones.xlane vm0  }
0xef: {  	v4 =	vld [tilespmem:s22+$0x50]  }
0xf0: {  	(v2sf) =	vpush v3, $0x0;
	_ =	sdelay $0x3  }
0xf1: {  	vm0 =	vge.f32 v4, v2  }
0xf2: {  	v3 =	vmpcnt.ones.xlane vm0;
	_ =	sdelay $0x1  }
0xf3: {  	(v2sf) =	vpush v3, $0x0;
	_ =	sdelay $0x7  }
0xf4: {  	s1 =	spop (v2sf)  }
0xf5: {  	s0 =	sadd.s32 s0, s1  }
0xf6: {  	[tilespmem:s0+$0x10000] =	vst.msk vm0, v4  }
0xf7: {  	v3 =	vld [tilespmem:s22+$0x60];
	_ =	sdelay $0x3  }
0xf8: {  	s1 =	spop (v2sf)  }
0xf9: {  	s0 =	sadd.s32 s0, s1;
	vm0 =	vge.f32 v3, v2  }
0xfa: {  	[tilespmem:s0+$0x10000] =	vst.msk vm0, v3;
	v3 =	vmpcnt.ones.xlane vm0  }
0xfb: {  	v4 =	vld [tilespmem:s22+$0x70]  }
0xfc: {  	(v2sf) =	vpush v3, $0x0;
	_ =	sdelay $0x3  }
0xfd: {  	vm0 =	vge.f32 v4, v2  }
0xfe: {  	v3 =	vmpcnt.ones.xlane vm0;
	_ =	sdelay $0x1  }
0xff: {  	(v2sf) =	vpush v3, $0x0;
	_ =	sdelay $0x4  }
0x100: {  	s24 =	sadd.s32 $0x1, s24  }
0x101: {  	s1 =	sld [smem:s24+$0x0];
	_ =	sdelay $0x1  }
0x102: {  	s7 =	spop (v2sf)  }
0x103: {  	s8 =	sshll.u32 s1, $0x9;
	s1 =	sadd.s32 s0, s7  }
0x104: {  	s22 =	sshra.s32 s8, $0x2;
	[tilespmem:s1+$0x10000] =	vst.msk vm0, v4  }
.Ltmp8:
0x105: {  	v3 =	vld [tilespmem:s22+$0x0];
	(pc) =	sbr.rel @p1 .LBB2_12-.Ltmp8, $2  }
0x106: {  	_ =	sdelay $0x2  }
0x107: {  	s0 =	spop (v2sf)  }
.LBB2_13:
0x108: {  	s0 =	sadd.s32 @p0 s1, s0  }
0x109: {  	vm0 =	vge.f32 v3, v2;
	s21 =	smov.u32 @p0 s0  }
0x10a: {  	[tilespmem:s21+$0x10000] =	vst.msk vm0, v3;
	v3 =	vmpcnt.ones.xlane vm0  }
0x10b: {  	v4 =	vld [tilespmem:s22+$0x10]  }
0x10c: {  	(v2sf) =	vpush v3, $0x0;
	_ =	sdelay $0x3  }
0x10d: {  	vm9 =	vge.f32 v4, v2  }
0x10e: {  	v3 =	vmpcnt.ones.xlane vm9;
	_ =	sdelay $0x1  }
0x10f: {  	(v2sf) =	vpush v3, $0x0;
	_ =	sdelay $0x7  }
0x110: {  	s23 =	spop (v2sf)  }
0x111: {  	s0 =	sadd.s32 s21, s23  }
0x112: {  	[tilespmem:s0+$0x10000] =	vst.msk vm9, v4  }
0x113: {  	v3 =	vld [tilespmem:s22+$0x20];
	_ =	sdelay $0x3  }
0x114: {  	s24 =	spop (v2sf)  }
0x115: {  	s0 =	sadd.s32 s0, s24;
	vm10 =	vge.f32 v3, v2  }
0x116: {  	[tilespmem:s0+$0x10000] =	vst.msk vm10, v3;
	v3 =	vmpcnt.ones.xlane vm10  }
0x117: {  	v4 =	vld [tilespmem:s22+$0x30]  }
0x118: {  	(v2sf) =	vpush v3, $0x0;
	_ =	sdelay $0x3  }
0x119: {  	vm11 =	vge.f32 v4, v2  }
0x11a: {  	v3 =	vmpcnt.ones.xlane vm11;
	_ =	sdelay $0x1  }
0x11b: {  	(v2sf) =	vpush v3, $0x0;
	_ =	sdelay $0x7  }
0x11c: {  	s25 =	spop (v2sf)  }
0x11d: {  	s0 =	sadd.s32 s0, s25  }
0x11e: {  	[tilespmem:s0+$0x10000] =	vst.msk vm11, v4  }
0x11f: {  	v3 =	vld [tilespmem:s22+$0x40];
	_ =	sdelay $0x3  }
0x120: {  	s26 =	spop (v2sf)  }
0x121: {  	s0 =	sadd.s32 s0, s26;
	vm12 =	vge.f32 v3, v2  }
0x122: {  	[tilespmem:s0+$0x10000] =	vst.msk vm12, v3;
	v3 =	vmpcnt.ones.xlane vm12  }
0x123: {  	v4 =	vld [tilespmem:s22+$0x50]  }
0x124: {  	(v2sf) =	vpush v3, $0x0;
	_ =	sdelay $0x3  }
0x125: {  	vm13 =	vge.f32 v4, v2  }
0x126: {  	v3 =	vmpcnt.ones.xlane vm13;
	_ =	sdelay $0x1  }
0x127: {  	(v2sf) =	vpush v3, $0x0;
	_ =	sdelay $0x7  }
0x128: {  	s28 =	spop (v2sf)  }
0x129: {  	s0 =	sadd.s32 s0, s28  }
0x12a: {  	[tilespmem:s0+$0x10000] =	vst.msk vm13, v4  }
0x12b: {  	v3 =	vld [tilespmem:s22+$0x60];
	_ =	sdelay $0x3  }
0x12c: {  	s29 =	spop (v2sf)  }
0x12d: {  	s0 =	sadd.s32 s0, s29;
	vm14 =	vge.f32 v3, v2  }
0x12e: {  	[tilespmem:s0+$0x10000] =	vst.msk vm14, v3  }
0x12f: {  	v3 =	vld [tilespmem:s22+$0x70];
	_ =	sdelay $0x4  }
0x130: {  	v63 =	vmpcnt.ones.xlane vm14;
	vm15 =	vge.f32 v3, v2  }
0x131: {  	v2 =	vmpcnt.ones.xlane vm15  }
0x132: {  	(v2sf) =	vpush v63, $0x0  }
0x133: {  	(v2sf) =	vpush v2, $0x0;
	_ =	sdelay $0xd  }
0x134: {  	s30 =	spop (v2sf)  }
0x135: {  	s0 =	sadd.s32 s0, s30;
	s31 =	spop (v2sf)  }
0x136: {  	s1 =	sadd.s32 s0, s31  }
0x137: {  	s7 =	sadd.s32 $0xF, s1  }
0x138: {  	s22 =	sshra.s32 s7, $0x4  }
0x139: {  	p0 =	sgt.s32 s22, $0x0  }
.Ltmp9:
0x13a: {  	_ = 	snop;
	(pc) =	sbr.rel @!p0 .LBB2_14-.Ltmp9, $3  }
0x13b: {  	_ =	sdelay $0x1  }
0x13c: {  	[tilespmem:s0+$0x10000] =	vst.msk vm15, v3  }
0x13d: {  	s0 =	simm.s32 $0x10000;
	[tilespmem:s1+$0x10000] =	vst v0  }
0x13e: {  	p0 =	seq.s32 s22, $0x1  }
.Ltmp10:
0x13f: {  	_ = 	snop;
	(pc) =	sbr.rel @p0 .LBB2_18-.Ltmp10, $2  }
0x140: {  	_ =	sdelay $0x2  }
0x141: {  	v2 =	vld [tilespmem:s0+$0x0];
	s1 =	sadd.s32 $0xFFFFFFFF, s22  }
.LBB2_17:
0x142: {  	p0 =	seq.s32 s1, $0x1;
	_ =	sdelay $0x2  }
.Ltmp11:
0x143: {  	(pc) =	sbr.rel @!p0 .LBB2_17-.Ltmp11, $4  }
0x144: {  	v3 =	vxor.u32 $0xFFFFFFFF, v2;
	v4 =	vor.u32 $0x80000000, v2;
	vm0 =	vlt.s32 v2, $0x0  }
0x145: {  	v2 =	vsel vm0, v3, v4  }
0x146: {  	[tilespmem:s0+$0x0] =	vst v2;
	s0 =	sadd.s32 $0x10, s0  }
0x147: {  	s1 =	sadd.s32 $0xFFFFFFFF, s1;
	v2 =	vld [tilespmem:s0+$0x0]  }
.LBB2_18:
0x148: {  	_ =	sdelay $0x1  }
.Ltmp12:
0x149: {  	_ = 	snop;
	(pc) =	sbr.rel .LBB2_15-.Ltmp12, $4  }
0x14a: {  	_ = 	snop  }
0x14b: {  	v3 =	vxor.u32 $0xFFFFFFFF, v2;
	v4 =	vor.u32 $0x80000000, v2;
	vm0 =	vlt.s32 v2, $0x0  }
0x14c: {  	v2 =	vsel vm0, v3, v4  }
0x14d: {  	p0 =	por $0x1, $0x1;
	[tilespmem:s0+$0x0] =	vst v2  }
.LBB2_10:
.Ltmp13:
0x14e: {  	(pc) =	sbr.rel .LBB2_15-.Ltmp13, $2  }
0x14f: {  	_ =	sdelay $0x2  }
0x150: {  	[tilespmem:$0x10000] =	vst v0;
	s22 =	simm.s32 $0x0;
	p0 =	por $0x0, $0x0  }
.LBB2_14:
0x151: {  	p0 =	por $0x0, $0x0  }
.LBB2_15:
0x152: {  	s23 =	simm.s32 $0x0;
	s21 =	simm.s32 $0x0  }
.LBB2_20:
.Ltmp14:
0x153: {  	(pc) =	sbr.rel @p0 .LBB2_21-.Ltmp14, $1  }
0x154: {  	_ =	sdelay $0x3  }
0x155: {  	s23 =	sadd.s32 $0x1, s23  }
0x156: {  	p1 =	seq.s32 s23, $0x20  }
.Ltmp15:
0x157: {  	_ = 	snop;
	(pc) =	sbr.rel @!p1 .LBB2_20-.Ltmp15, $4  }
.Ltmp16:
0x158: {  	_ = 	snop;
	(pc) =	sbr.rel @p1 .LBB2_197-.Ltmp16, $4  }
0x159: {  	_ = 	snop  }
0x15a: {  	_ = 	snop  }
0x15b: {  	_ = 	snop  }
0x15c: {  	_ = 	snop  }
.LBB2_21:
0x15d: {  	s0 =	simm.s32 $0x10000  }
0x15e: {  	p4 =	sne.s32 s22, $0x1;
	v3 =	vld [tilespmem:s0+$0x0]  }
.Ltmp17:
0x15f: {  	_ = 	snop;
	(pc) =	sbr.rel @!p4 .LBB2_22-.Ltmp17, $4  }
0x160: {  	s31 =	sshrl.u32 s16, s23  }
0x161: {  	s25 =	sor.u32 s31, s21  }
0x162: {  	s26 =	simm.s32 $0x0;
	s24 =	sadd.s32 $0xFFFFFFFF, s22;
	p1 =	por $0x0, $0x0;
	v2 =	vmov s25  }
0x163: {  	p2 =	por $0x0, $0x0;
	p3 =	por $0x0, $0x0;
	s0 =	simm.s32 $0x10010;
	vm0 =	vge.u32 v3, v2  }
0x164: {  	v3 =	vld [tilespmem:s0+$0x0];
	p4 =	sne.s32 s24, $0x1  }
.Ltmp18:
0x165: {  	_ = 	snop;
	(pc) =	sbr.rel @!p4 .LBB2_24-.Ltmp18, $3  }
0x166: {  	_ = 	snop  }
0x167: {  	v4 =	vmpcnt.ones.xlane vm0;
	_ =	sdelay $0x1  }
0x168: {  	s0 =	sadd.s32 $0xFFFFFFFF, s24;
	s1 =	simm.s32 $0x10020;
	p1 =	por $0x1, $0x1;
	(v2sf) =	vpush v4, $0x0;
	vm0 =	vge.u32 v3, v2  }
0x169: {  	v4 =	vmpcnt.ones.xlane vm0;
	_ =	sdelay $0x1  }
0x16a: {  	(v2sf) =	vpush v4, $0x0;
	_ =	sdelay $0x3  }
0x16b: {  	v3 =	vld [tilespmem:s1+$0x0];
	p4 =	sne.s32 s0, $0x1  }
.Ltmp19:
0x16c: {  	_ = 	snop;
	(pc) =	sbr.rel @!p4 .LBB2_26-.Ltmp19, $2  }
0x16d: {  	_ =	sdelay $0x2  }
0x16e: {  	s0 =	sadd.s32 $0xFFFFFFFF, s0;
	s1 =	simm.s32 $0x10030;
	p2 =	por $0x1, $0x1;
	vm0 =	vge.u32 v3, v2  }
0x16f: {  	v4 =	vmpcnt.ones.xlane vm0;
	_ =	sdelay $0x1  }
0x170: {  	(v2sf) =	vpush v4, $0x0;
	_ =	sdelay $0x2  }
0x171: {  	v3 =	vld [tilespmem:s1+$0x0];
	p4 =	sne.s32 s0, $0x1  }
.Ltmp20:
0x172: {  	_ = 	snop;
	(pc) =	sbr.rel @!p4 .LBB2_28-.Ltmp20, $3  }
0x173: {  	_ =	sdelay $0x1  }
0x174: {  	s7 =	sadd.s32 $0xFFFFFFFF, s0;
	s8 =	simm.s32 $0x10040  }
0x175: {  	p3 =	por $0x1, $0x1;
	s0 =	simm.s32 $0x0;
	s1 =	spop (v2sf);
	vm0 =	vge.u32 v3, v2  }
.LBB2_29:
0x176: {  	v3 =	vld [tilespmem:s8+$0x0];
	p4 =	sne.s32 s7, $0x1;
	s7 =	sadd.s32 $0xFFFFFFFF, s7;
	v4 =	vmpcnt.ones.xlane vm0;
	s0 =	sadd.s32 s0, s1  }
.Ltmp21:
0x177: {  	(pc) =	sbr.rel @p4 .LBB2_29-.Ltmp21, $2  }
0x178: {  	(v2sf) =	vpush v4, $0x0;
	_ =	sdelay $0x3  }
0x179: {  	s8 =	sadd.s32 $0x10, s8;
	vm0 =	vge.u32 v3, v2;
	s1 =	spop (v2sf)  }
0x17a: {  	_ = 	snop  }
.LBB2_31:
0x17b: {  	v2 =	vmpcnt.ones.xlane vm0;
	_ =	sdelay $0x1  }
0x17c: {  	(v2sf) =	vpush v2, $0x0;
	_ =	sdelay $0x9  }
0x17d: {  	s0 =	sadd.s32 @p3 s0, s1;
	s1 =	spop @p2 (v2sf);
	s7 =	simm.s32 $0x0  }
0x17e: {  	s1 =	smov.u32 @p2 s1;
	s7 =	smov.u32 @p3 s0  }
0x17f: {  	s0 =	sadd.s32 @p2 s7, s1;
	s7 =	simm.s32 $0x0;
	s1 =	spop @p1 (v2sf)  }
0x180: {  	s7 =	smov.u32 @p2 s0;
	p2 =	seq.s32 s23, $0x1F;
	s1 =	smov.u32 @p1 s1  }
.Ltmp22:
0x181: {  	s0 =	sadd.s32 @p1 s7, s1;
	(pc) =	sbr.rel @!p2 .LBB2_20-.Ltmp22, $4  }
.Ltmp23:
0x182: {  	s26 =	smov.u32 @p1 s0;
	s31 =	spop (v2sf);
	(pc) =	sbr.rel @p2 .LBB2_32-.Ltmp23, $4  }
0x183: {  	s0 =	sadd.s32 s26, s31  }
0x184: {  	p1 =	sgt.s32 s0, $0x1F  }
0x185: {  	s23 =	sadd.s32 $0x1, s23;
	s21 =	smov.u32 @p1 s25  }
0x186: {  	_ = 	snop  }
.LBB2_22:
.Ltmp24:
0x187: {  	(pc) =	sbr.rel .LBB2_31-.Ltmp24, $2  }
0x188: {  	_ =	sdelay $0x2  }
0x189: {  	s0 =	simm.s32 $0x0  }
.LBB2_24:
.Ltmp25:
0x18a: {  	(pc) =	sbr.rel .LBB2_31-.Ltmp25, $2  }
0x18b: {  	_ =	sdelay $0x2  }
0x18c: {  	s0 =	simm.s32 $0x0  }
.LBB2_26:
.Ltmp26:
0x18d: {  	(pc) =	sbr.rel .LBB2_31-.Ltmp26, $2  }
0x18e: {  	_ =	sdelay $0x2  }
0x18f: {  	s0 =	simm.s32 $0x0  }
.LBB2_28:
.Ltmp27:
0x190: {  	(pc) =	sbr.rel .LBB2_31-.Ltmp27, $2  }
0x191: {  	_ =	sdelay $0x2  }
0x192: {  	s0 =	simm.s32 $0x0  }
.LBB2_197:
0x193: {  	p0 =	sgt.s32 s21, $0xFFFFFFFF;
	s0 =	simm.s32 $0xFFFFFFFF  }
0x194: {  	s0 =	simm.s32 @!p0 $0x80000000  }
0x195: {  	s0 =	sxor.u32 s21, s0  }
0x196: {  	v2 =	vmov s0  }
0x197: {  	v2 =	vbroadcast v2, $0x0  }
.LBB2_43:
0x198: {  	s0 =	simm.s32 $0x40  }
0x199: {  	v6 =	vld [tilespmem:s0+$0x30]  }
0x19a: {  	v9 =	vld [tilespmem:s0+$0xFFFFFFD0]  }
0x19b: {  	v8 =	vld [tilespmem:s0+$0xFFFFFFE0]  }
0x19c: {  	v7 =	vld [tilespmem:s0+$0xFFFFFFF0]  }
0x19d: {  	v5 =	vld [tilespmem:s0+$0x0]  }
0x19e: {  	v4 =	vld [tilespmem:s0+$0x10];
	vm0 =	vge.f32 v6, v2  }
0x19f: {  	v3 =	vld [tilespmem:s0+$0x20];
	vm1 =	vge.f32 v9, v2;
	v10 =	vnsel vm0, $0x0, v6  }
0x1a0: {  	s21 =	simm.s32 $0x0;
	s22 =	simm.s32 $0xC0;
	v6 =	vld [tilespmem:s0+$0xFFFFFFC0];
	v9 =	vnsel vm1, $0x0, v9;
	vm0 =	vge.f32 v8, v2;
	[tilespmem:s0+$0x30] =	vst v10  }
.LBB2_44:
0x1a1: {  	v10 =	vld [tilespmem:s22+$0x30];
	s21 =	sadd.s32 $0x8, s21;
	[tilespmem:s0+$0xFFFFFFD0] =	vst v9;
	v8 =	vnsel vm0, $0x0, v8;
	vm0 =	vge.f32 v7, v2  }
0x1a2: {  	v9 =	vld [tilespmem:s22+$0xFFFFFFD0];
	p0 =	slt.u32 s21, $0x7F8;
	[tilespmem:s0+$0xFFFFFFE0] =	vst v8;
	v7 =	vnsel vm0, $0x0, v7;
	vm0 =	vge.f32 v5, v2  }
0x1a3: {  	v8 =	vld [tilespmem:s22+$0xFFFFFFE0];
	[tilespmem:s0+$0xFFFFFFF0] =	vst v7;
	v5 =	vnsel vm0, $0x0, v5;
	vm0 =	vge.f32 v4, v2  }
.Ltmp28:
0x1a4: {  	v7 =	vld [tilespmem:s22+$0xFFFFFFF0];
	[tilespmem:s0+$0x0] =	vst v5;
	v4 =	vnsel vm0, $0x0, v4;
	vm0 =	vge.f32 v3, v2;
	(pc) =	sbr.rel @p0 .LBB2_44-.Ltmp28, $4  }
0x1a5: {  	v5 =	vld [tilespmem:s22+$0x0];
	vm1 =	vge.f32 v6, v2;
	[tilespmem:s0+$0x10] =	vst v4;
	v3 =	vnsel vm0, $0x0, v3  }
0x1a6: {  	v4 =	vld [tilespmem:s22+$0x10];
	vm0 =	vge.f32 v10, v2;
	v6 =	vnsel vm1, $0x0, v6;
	[tilespmem:s0+$0x20] =	vst v3  }
0x1a7: {  	vm1 =	vge.f32 v9, v2;
	v3 =	vld [tilespmem:s22+$0x20];
	v10 =	vnsel vm0, $0x0, v10;
	[tilespmem:s0+$0xFFFFFFC0] =	vst v6;
	s0 =	smov.u32 s22  }
0x1a8: {  	s22 =	sadd.s32 $0x80, s22;
	v6 =	vld [tilespmem:s0+$0xFFFFFFC0];
	v9 =	vnsel vm1, $0x0, v9;
	vm0 =	vge.f32 v8, v2;
	[tilespmem:s0+$0x30] =	vst v10  }
0x1a9: {  	[tilespmem:s0+$0xFFFFFFD0] =	vst v9;
	v8 =	vnsel vm0, $0x0, v8;
	vm12 =	vge.f32 v7, v2  }
0x1aa: {  	[tilespmem:s0+$0xFFFFFFE0] =	vst v8;
	v7 =	vnsel vm12, $0x0, v7;
	vm13 =	vge.f32 v5, v2  }
0x1ab: {  	[tilespmem:s0+$0xFFFFFFF0] =	vst v7;
	v5 =	vnsel vm13, $0x0, v5;
	vm14 =	vge.f32 v4, v2  }
0x1ac: {  	[tilespmem:s0+$0x0] =	vst v5;
	v4 =	vnsel vm14, $0x0, v4;
	vm15 =	vge.f32 v3, v2  }
0x1ad: {  	vm1 =	vge.f32 v6, v2;
	[tilespmem:s0+$0x10] =	vst v4;
	v2 =	vnsel vm15, $0x0, v3  }
0x1ae: {  	v3 =	vnsel vm1, $0x0, v6;
	[tilespmem:s0+$0x20] =	vst v2  }
0x1af: {  	[tilespmem:s0+$0xFFFFFFC0] =	vst v3  }
.LBB2_49:
0x1b0: {  	s21 =	simm.s32 $0x0;
	s0 =	rddreg [dreg:$0x4]  }
0x1b1: {  	[hbm4b:s0+s12] =	stream.strided.scatter [tilespmem:s21], [sflag:$0x3], $0x8000, s13, s12, $0x38;
	[tilespmem:$0x19080] =	vst v63  }
0x1b2: {  	_ =	swait.ge [sflag:s17], $0x8000  }
0x1b3: {  	[sflag:s17] =	ssyncset.done $0x0  }
0x1b4: {  	s31 =	simm.s32 $0x8040;
	[sflag:s17] =	ssyncadd.s32 $0xFFFF8000  }
0x1b5: {  	v3 =	vld [tilespmem:s31+$0xFFFFFFC0]  }
0x1b6: {  	v4 =	vld [tilespmem:s31+$0xFFFFFFD0]  }
0x1b7: {  	v5 =	vld [tilespmem:s31+$0xFFFFFFE0]  }
0x1b8: {  	v6 =	vld [tilespmem:s31+$0xFFFFFFF0]  }
0x1b9: {  	v12 =	vld [tilespmem:s31+$0x0];
	_ =	sdelay $0x1  }
0x1ba: {  	v7 =	vimm.f32 $-Inf;
	v11 =	vld [tilespmem:s31+$0x10]  }
0x1bb: {  	v10 =	vld [tilespmem:s31+$0x20];
	v2 =	vmax.f32 v7, v3;
	v8 =	vmax.f32 v3, v4  }
0x1bc: {  	s0 =	simm.s32 $0x80C0;
	v9 =	vld [tilespmem:s31+$0x30];
	v3 =	vmax.f32 v7, v4;
	v4 =	vmax.f32 v7, v5;
	v13 =	vmax.f32 v8, v5  }
0x1bd: {  	v8 =	vld [tilespmem:s0+$0xFFFFFFC0];
	v5 =	vmax.f32 v7, v6;
	v14 =	vmax.f32 v13, v6;
	v6 =	vmax.f32 v7, v12  }
0x1be: {  	s22 =	simm.s32 $0x40;
	s23 =	simm.s32 $0x80;
	v13 =	vld [tilespmem:s0+$0xFFFFFFD0];
	v15 =	vmax.f32 v14, v12;
	v14 =	vimm.f32 $-Inf;
	v12 =	vimm.f32 $-Inf  }
.LBB2_50:
0x1bf: {  	p0 =	sne.s32 s23, $0x3FC0;
	v16 =	vld [tilespmem:s0+$0xFFFFFFE0];
	v7 =	vmax.f32 v7, v11;
	v11 =	vmax.f32 v15, v11  }
0x1c0: {  	v15 =	vld [tilespmem:s0+$0xFFFFFFF0];
	v14 =	vmax.f32 v14, v10;
	v10 =	vmax.f32 v11, v10  }
0x1c1: {  	s1 =	sshra.s32 s21, $0x2;
	s21 =	smov.u32 s22;
	s22 =	smov.u32 s23;
	v17 =	vld [tilespmem:s0+$0x0];
	v12 =	vmax.f32 v12, v9;
	v9 =	vmax.f32 v10, v9  }
.Ltmp29:
0x1c2: {  	v11 =	vld [tilespmem:s0+$0x10];
	v2 =	vmax.f32 v2, v8;
	[tilespmem:s1+$0x18080] =	vst v9;
	(pc) =	sbr.rel @p0 .LBB2_50-.Ltmp29, $4  }
0x1c3: {  	v10 =	vld [tilespmem:s0+$0x20];
	v3 =	vmax.f32 v3, v13;
	v8 =	vmax.f32 v8, v13  }
0x1c4: {  	v9 =	vld [tilespmem:s0+$0x30];
	v4 =	vmax.f32 v4, v16;
	v13 =	vmax.f32 v8, v16;
	s0 =	sadd.s32 $0x80, s0  }
0x1c5: {  	v8 =	vld [tilespmem:s0+$0xFFFFFFC0];
	v5 =	vmax.f32 v5, v15;
	v15 =	vmax.f32 v13, v15  }
0x1c6: {  	s23 =	sadd.s32 $0x40, s23;
	v13 =	vld [tilespmem:s0+$0xFFFFFFD0];
	v6 =	vmax.f32 v6, v17;
	v15 =	vmax.f32 v15, v17  }
0x1c7: {  	v16 =	vld [tilespmem:s0+$0xFFFFFFE0]  }
0x1c8: {  	v17 =	vld [tilespmem:s0+$0xFFFFFFF0]  }
0x1c9: {  	v18 =	vld [tilespmem:s0+$0x0]  }
0x1ca: {  	v19 =	vld [tilespmem:s0+$0x10]  }
0x1cb: {  	v7 =	vmax.f32 v7, v11;
	v11 =	vmax.f32 v15, v11;
	v53 =	vld [tilespmem:s0+$0x20]  }
0x1cc: {  	v54 =	vld [tilespmem:s0+$0x30];
	v14 =	vmax.f32 v14, v10;
	v10 =	vmax.f32 v11, v10  }
0x1cd: {  	v11 =	vmax.f32 v12, v9;
	v9 =	vmax.f32 v10, v9;
	v2 =	vmax.f32 v2, v8  }
0x1ce: {  	v20 =	vmax.f32 v8, v13;
	v3 =	vmax.f32 v3, v13;
	v55 =	vxor.u32 $0xFFFFFFFF, v2  }
0x1cf: {  	vm0 =	vlt.s32 v2, $0x0;
	v20 =	vmax.f32 v20, v16;
	v4 =	vmax.f32 v4, v16  }
0x1d0: {  	v5 =	vmax.f32 v5, v17;
	v6 =	vmax.f32 v6, v18;
	v7 =	vmax.f32 v7, v19  }
0x1d1: {  	v10 =	vmax.f32 v14, v53;
	v11 =	vmax.f32 v11, v54;
	v56 =	vand.u32 $0x7FFFFFFF, v3  }
0x1d2: {  	vm11 =	vlt.s32 v3, $0x0;
	v8 =	vmax.f32 v20, v17;
	v13 =	vxor.u32 $0x80000000, v56  }
0x1d3: {  	v57 =	vxor.u32 $0xFFFFFFFF, v4;
	vm1 =	vlt.s32 v4, $0x0;
	v8 =	vmax.f32 v8, v18  }
0x1d4: {  	v58 =	vxor.u32 $0xFFFFFFFF, v5;
	vm12 =	vlt.s32 v5, $0x0;
	v8 =	vmax.f32 v8, v19  }
0x1d5: {  	v59 =	vand.u32 $0x7FFFFFFF, v6;
	vm13 =	vlt.s32 v6, $0x0;
	v8 =	vmax.f32 v8, v53  }
0x1d6: {  	v60 =	vand.u32 $0x7FFFFFFF, v7;
	v12 =	vmax.f32 v8, v54;
	v8 =	vand.u32 $0x7FFFFFFF, v2  }
0x1d7: {  	vm14 =	vlt.s32 v7, $0x0;
	v62 =	vand.u32 $0x7FFFFFFF, v10;
	v8 =	vxor.u32 $0x80000000, v8  }
0x1d8: {  	vm15 =	vlt.s32 v10, $0x0;
	v2 =	vsel vm0, v55, v8;
	v8 =	vxor.u32 $0xFFFFFFFF, v3  }
0x1d9: {  	v3 =	vand.u32 $0x7FFFFFFF, v4;
	v4 =	vsel vm11, v8, v13;
	v8 =	vand.u32 $0x7FFFFFFF, v5  }
0x1da: {  	v63 =	vxor.u32 $0xFFFFFFFF, v11;
	vm2 =	vlt.s32 v11, $0x0;
	v8 =	vxor.u32 $0x80000000, v8  }
0x1db: {  	v13 =	vxor.u32 $0x80000000, v59;
	v5 =	vsel vm12, v58, v8;
	v8 =	vxor.u32 $0xFFFFFFFF, v6  }
0x1dc: {  	v61 =	vxor.u32 $0x80000000, v60;
	v3 =	vxor.u32 $0x80000000, v3;
	v6 =	vsel vm13, v8, v13  }
0x1dd: {  	s30 =	sshra.s32 s21, $0x2;
	v8 =	vxor.u32 $0xFFFFFFFF, v7;
	v7 =	vxor.u32 $0xFFFFFFFF, v10;
	v10 =	vand.u32 $0x7FFFFFFF, v11  }
0x1de: {  	s31 =	sshra.s32 s22, $0x2;
	s21 =	simm.s32 $0x0;
	s1 =	simm.s32 $0x80000000;
	[tilespmem:s30+$0x18080] =	vst v9;
	v14 =	vxor.u32 $0x80000000, v62;
	v3 =	vsel vm1, v57, v3;
	v10 =	vxor.u32 $0x80000000, v10  }
0x1df: {  	s0 =	simm.s32 $0x1;
	s22 =	sor.u32 s1, s21;
	[tilespmem:s31+$0x18080] =	vst v12;
	v9 =	vsel vm14, v8, v61;
	v8 =	vsel vm15, v7, v14;
	v7 =	vsel vm2, v63, v10  }
.LBB2_52:
0x1e0: {  	p0 =	sne.s32 s0, $0xF;
	vm0 =	vge.u32 v2, s22  }
0x1e1: {  	v10 =	vmpcnt.ones.xlane vm0;
	vm0 =	vge.u32 v4, s22  }
0x1e2: {  	v11 =	vmpcnt.ones.xlane vm0;
	vm0 =	vge.u32 v3, s22  }
0x1e3: {  	v12 =	vmpcnt.ones.xlane vm0;
	vm0 =	vge.u32 v5, s22;
	(v2sf) =	vpush v10, $0x0  }
0x1e4: {  	v10 =	vmpcnt.ones.xlane vm0;
	vm0 =	vge.u32 v6, s22;
	(v2sf) =	vpush v11, $0x0  }
0x1e5: {  	v11 =	vmpcnt.ones.xlane vm0;
	vm0 =	vge.u32 v9, s22;
	(v2sf) =	vpush v12, $0x0  }
0x1e6: {  	v12 =	vmpcnt.ones.xlane vm0;
	vm0 =	vge.u32 v8, s22;
	(v2sf) =	vpush v10, $0x0  }
0x1e7: {  	v10 =	vmpcnt.ones.xlane vm0;
	vm0 =	vge.u32 v7, s22;
	(v2sf) =	vpush v11, $0x0  }
0x1e8: {  	v11 =	vmpcnt.ones.xlane vm0;
	(v2sf) =	vpush v12, $0x0  }
0x1e9: {  	(v2sf) =	vpush v10, $0x0  }
0x1ea: {  	(v2sf) =	vpush v11, $0x0;
	_ =	sdelay $0x7  }
0x1eb: {  	s1 =	spop (v2sf)  }
0x1ec: {  	s7 =	spop (v2sf)  }
0x1ed: {  	s1 =	sadd.s32 s1, s7;
	s7 =	spop (v2sf)  }
0x1ee: {  	s1 =	sadd.s32 s7, s1;
	s7 =	spop (v2sf)  }
0x1ef: {  	s1 =	sadd.s32 s7, s1;
	s7 =	spop (v2sf)  }
0x1f0: {  	s1 =	sadd.s32 s7, s1;
	s7 =	spop (v2sf)  }
0x1f1: {  	s1 =	sadd.s32 s7, s1;
	s7 =	spop (v2sf)  }
.Ltmp30:
0x1f2: {  	s1 =	sadd.s32 s7, s1;
	s7 =	spop (v2sf);
	(pc) =	sbr.rel @p0 .LBB2_52-.Ltmp30, $4  }
0x1f3: {  	s1 =	sadd.s32 s7, s1  }
0x1f4: {  	p1 =	sgt.s32 s1, $0x1F  }
0x1f5: {  	s1 =	sshrl.u32 s16, s0;
	s21 =	smov.u32 @p1 s22  }
0x1f6: {  	s0 =	sadd.s32 $0x1, s0;
	s22 =	sor.u32 s1, s21  }
0x1f7: {  	vm0 =	vge.u32 v2, s22  }
0x1f8: {  	v2 =	vmpcnt.ones.xlane vm0;
	vm0 =	vge.u32 v4, s22  }
0x1f9: {  	v4 =	vmpcnt.ones.xlane vm0;
	vm0 =	vge.u32 v3, s22  }
0x1fa: {  	v3 =	vmpcnt.ones.xlane vm0;
	vm0 =	vge.u32 v5, s22;
	(v2sf) =	vpush v2, $0x0  }
0x1fb: {  	v2 =	vmpcnt.ones.xlane vm0;
	vm0 =	vge.u32 v6, s22;
	(v2sf) =	vpush v4, $0x0  }
0x1fc: {  	v60 =	vmpcnt.ones.xlane vm0;
	vm0 =	vge.u32 v9, s22;
	(v2sf) =	vpush v3, $0x0  }
0x1fd: {  	v3 =	vmpcnt.ones.xlane vm0;
	vm0 =	vge.u32 v8, s22;
	(v2sf) =	vpush v2, $0x0  }
0x1fe: {  	v2 =	vmpcnt.ones.xlane vm0;
	vm0 =	vge.u32 v7, s22;
	(v2sf) =	vpush v60, $0x0  }
0x1ff: {  	v61 =	vmpcnt.ones.xlane vm0;
	(v2sf) =	vpush v3, $0x0  }
0x200: {  	(v2sf) =	vpush v2, $0x0  }
0x201: {  	(v2sf) =	vpush v61, $0x0;
	_ =	sdelay $0x7  }
0x202: {  	s0 =	spop (v2sf)  }
0x203: {  	s1 =	spop (v2sf)  }
0x204: {  	s0 =	sadd.s32 s0, s1;
	s8 =	spop (v2sf)  }
0x205: {  	s0 =	sadd.s32 s8, s0;
	s9 =	spop (v2sf)  }
0x206: {  	s0 =	sadd.s32 s9, s0;
	s23 =	spop (v2sf)  }
0x207: {  	s0 =	sadd.s32 s23, s0;
	s24 =	spop (v2sf)  }
0x208: {  	s0 =	sadd.s32 s24, s0;
	s25 =	spop (v2sf)  }
0x209: {  	s0 =	sadd.s32 s25, s0;
	s26 =	spop (v2sf)  }
0x20a: {  	s0 =	sadd.s32 s26, s0  }
0x20b: {  	p0 =	sgt.s32 s0, $0x1F  }
0x20c: {  	s21 =	smov.u32 @p0 s22  }
0x20d: {  	s28 =	simm.s32 $0x18080;
	s0 =	simm.s32 $0xFFFFFFFF;
	p0 =	sgt.s32 s21, $0xFFFFFFFF  }
0x20e: {  	v3 =	vld [tilespmem:s28+$0x0];
	s0 =	simm.s32 @!p0 $0x80000000  }
0x20f: {  	s0 =	sxor.u32 s21, s0  }
0x210: {  	v2 =	vmov s0  }
0x211: {  	v2 =	vbroadcast v2, $0x0;
	_ =	sdelay $0x1  }
0x212: {  	vm0 =	vge.f32 v3, v2  }
0x213: {  	v3 =	vmpcnt.ones.xlane vm0  }
0x214: {  	s29 =	simm.s32 $0x18090  }
0x215: {  	s30 =	simm.s32 $0x180A0;
	(v2sf) =	vpush v3, $0x0;
	v3 =	vld [tilespmem:s29+$0x0]  }
0x216: {  	v62 =	vld [tilespmem:s30+$0x0];
	_ =	sdelay $0x3  }
0x217: {  	vm0 =	vge.f32 v3, v2  }
0x218: {  	v3 =	vmpcnt.ones.xlane vm0;
	vm0 =	vge.f32 v62, v2  }
0x219: {  	v4 =	vmpcnt.ones.xlane vm0  }
0x21a: {  	(v2sf) =	vpush v3, $0x0  }
0x21b: {  	(v2sf) =	vpush v4, $0x0  }
0x21c: {  	s31 =	simm.s32 $0x180B0  }
0x21d: {  	v63 =	vld [tilespmem:s31+$0x0];
	_ =	sdelay $0x2  }
0x21e: {  	s7 =	simm.s32 $0x180C0;
	s1 =	simm.s32 $0x4  }
0x21f: {  	s23 =	simm.s32 $0x1;
	s22 =	simm.s32 $0x2;
	s0 =	simm.s32 $0x0  }
0x220: {  	s21 =	simm.s32 $0x3;
	[smem:s0] =	sst s0;
	vm0 =	vge.f32 v63, v2;
	s8 =	spop (v2sf)  }
.LBB2_54:
0x221: {  	p0 =	seq.s32 s1, $0xFF;
	p1 =	sgt.s32 s8, $0x0  }
0x222: {  	v3 =	vld [tilespmem:s7+$0x0];
	v4 =	vmpcnt.ones.xlane vm0;
	s8 =	smov.u32 s1;
	s1 =	sadd.s32 $0x1, s1;
	s9 =	simm.s32 $0x1  }
.Ltmp31:
0x223: {  	s9 =	simm.s32 @!p1 $0x0;
	(pc) =	sbr.rel @!p0 .LBB2_54-.Ltmp31, $4  }
0x224: {  	(v2sf) =	vpush v4, $0x0;
	s0 =	sadd.s32 s9, s0  }
0x225: {  	[smem:s0] =	sst s23;
	s23 =	smov.u32 s22;
	s22 =	smov.u32 s21  }
0x226: {  	s21 =	smov.u32 s8;
	_ =	sdelay $0x1  }
0x227: {  	s7 =	sadd.s32 $0x10, s7;
	vm0 =	vge.f32 v3, v2;
	s8 =	spop (v2sf)  }
0x228: {  	v3 =	vmpcnt.ones.xlane vm0;
	_ =	sdelay $0x1  }
0x229: {  	(v2sf) =	vpush v3, $0x0;
	_ =	sdelay $0xa  }
0x22a: {  	p0 =	sgt.s32 s8, $0x0;
	s1 =	simm.s32 $0x1;
	s7 =	spop (v2sf)  }
0x22b: {  	s1 =	simm.s32 @!p0 $0x0;
	p0 =	sgt.s32 s7, $0x0;
	s7 =	simm.s32 $0x1  }
0x22c: {  	s0 =	sadd.s32 s1, s0;
	s7 =	simm.s32 @!p0 $0x0  }
0x22d: {  	[smem:s0] =	sst s23;
	s1 =	sadd.s32 s7, s0;
	s30 =	spop (v2sf)  }
0x22e: {  	s7 =	simm.s32 $0x1;
	p0 =	sgt.s32 s30, $0x0;
	s31 =	spop (v2sf)  }
0x22f: {  	s0 =	simm.s32 $0x1;
	s7 =	simm.s32 @!p0 $0x0;
	p0 =	sgt.s32 s31, $0x0  }
0x230: {  	[smem:s1] =	sst s22;
	s1 =	sadd.s32 s7, s1;
	s0 =	simm.s32 @!p0 $0x0  }
0x231: {  	s7 =	sadd.s32 s0, s1  }
0x232: {  	p0 =	slt.s32 s7, $0x1  }
.Ltmp32:
0x233: {  	_ = 	snop;
	(pc) =	sbr.rel @p0 .LBB2_58-.Ltmp32, $2  }
0x234: {  	_ =	sdelay $0x2  }
0x235: {  	[smem:s1] =	sst s21  }
0x236: {  	s0 =	sadd.s32 s0, s1  }
0x237: {  	s31 =	sld [smem:$0x0];
	p1 =	sne.s32 s0, $0x1  }
.Ltmp33:
0x238: {  	_ = 	snop;
	(pc) =	sbr.rel @!p1 .LBB2_57-.Ltmp33, $4  }
0x239: {  	_ = 	snop  }
0x23a: {  	s1 =	sshll.u32 s31, $0x9  }
0x23b: {  	s22 =	sshra.s32 s1, $0x2  }
0x23c: {  	s21 =	simm.s32 $0x0;
	p0 =	por $0x0, $0x0;
	s0 =	sadd.s32 $0xFFFFFFFF, s0;
	v3 =	vld [tilespmem:s22+$0x8000]  }
0x23d: {  	_ =	sdelay $0x3  }
0x23e: {  	vm0 =	vge.f32 v3, v2  }
0x23f: {  	[tilespmem:s21+$0x10000] =	vst.msk vm0, v3;
	v3 =	vmpcnt.ones.xlane vm0  }
0x240: {  	v4 =	vld [tilespmem:s22+$0x8010]  }
0x241: {  	(v2sf) =	vpush v3, $0x0;
	_ =	sdelay $0x3  }
0x242: {  	vm9 =	vge.f32 v4, v2  }
0x243: {  	v3 =	vmpcnt.ones.xlane vm9;
	_ =	sdelay $0x1  }
0x244: {  	(v2sf) =	vpush v3, $0x0;
	_ =	sdelay $0x7  }
0x245: {  	s1 =	spop (v2sf)  }
0x246: {  	s1 =	sadd.s32 $0x0, s1  }
0x247: {  	[tilespmem:s1+$0x10000] =	vst.msk vm9, v4  }
0x248: {  	v3 =	vld [tilespmem:s22+$0x8020];
	_ =	sdelay $0x3  }
0x249: {  	s7 =	spop (v2sf)  }
0x24a: {  	s1 =	sadd.s32 s1, s7;
	vm10 =	vge.f32 v3, v2  }
0x24b: {  	[tilespmem:s1+$0x10000] =	vst.msk vm10, v3;
	v3 =	vmpcnt.ones.xlane vm10  }
0x24c: {  	v4 =	vld [tilespmem:s22+$0x8030]  }
0x24d: {  	(v2sf) =	vpush v3, $0x0;
	_ =	sdelay $0x3  }
0x24e: {  	vm11 =	vge.f32 v4, v2  }
0x24f: {  	v3 =	vmpcnt.ones.xlane vm11;
	_ =	sdelay $0x1  }
0x250: {  	(v2sf) =	vpush v3, $0x0;
	_ =	sdelay $0x7  }
0x251: {  	s26 =	spop (v2sf)  }
0x252: {  	s1 =	sadd.s32 s1, s26  }
0x253: {  	[tilespmem:s1+$0x10000] =	vst.msk vm11, v4  }
0x254: {  	v3 =	vld [tilespmem:s22+$0x8040];
	_ =	sdelay $0x3  }
0x255: {  	s28 =	spop (v2sf)  }
0x256: {  	s1 =	sadd.s32 s1, s28;
	vm12 =	vge.f32 v3, v2  }
0x257: {  	[tilespmem:s1+$0x10000] =	vst.msk vm12, v3;
	v3 =	vmpcnt.ones.xlane vm12  }
0x258: {  	v4 =	vld [tilespmem:s22+$0x8050]  }
0x259: {  	(v2sf) =	vpush v3, $0x0;
	_ =	sdelay $0x3  }
0x25a: {  	vm13 =	vge.f32 v4, v2  }
0x25b: {  	v3 =	vmpcnt.ones.xlane vm13;
	_ =	sdelay $0x1  }
0x25c: {  	(v2sf) =	vpush v3, $0x0;
	_ =	sdelay $0x7  }
0x25d: {  	s29 =	spop (v2sf)  }
0x25e: {  	s1 =	sadd.s32 s1, s29  }
0x25f: {  	[tilespmem:s1+$0x10000] =	vst.msk vm13, v4  }
0x260: {  	v3 =	vld [tilespmem:s22+$0x8060];
	_ =	sdelay $0x3  }
0x261: {  	s30 =	spop (v2sf)  }
0x262: {  	s1 =	sadd.s32 s1, s30;
	vm14 =	vge.f32 v3, v2  }
0x263: {  	[tilespmem:s1+$0x10000] =	vst.msk vm14, v3;
	v4 =	vmpcnt.ones.xlane vm14  }
0x264: {  	v3 =	vld [tilespmem:s22+$0x8070]  }
0x265: {  	(v2sf) =	vpush v4, $0x0;
	_ =	sdelay $0x3  }
0x266: {  	vm15 =	vge.f32 v3, v2  }
0x267: {  	v4 =	vmpcnt.ones.xlane vm15;
	_ =	sdelay $0x1  }
0x268: {  	(v2sf) =	vpush v4, $0x0;
	_ =	sdelay $0x5  }
0x269: {  	s31 =	sld [smem:$0x1];
	_ =	sdelay $0x1  }
0x26a: {  	s8 =	spop (v2sf)  }
0x26b: {  	s7 =	sshll.u32 s31, $0x9;
	s1 =	sadd.s32 s1, s8  }
0x26c: {  	p1 =	sne.s32 s0, $0x1;
	s22 =	sshra.s32 s7, $0x2;
	[tilespmem:s1+$0x10000] =	vst.msk vm15, v3  }
.Ltmp34:
0x26d: {  	v3 =	vld [tilespmem:s22+$0x8000];
	(pc) =	sbr.rel @!p1 .LBB2_61-.Ltmp34, $3  }
0x26e: {  	_ =	sdelay $0x1  }
0x26f: {  	s23 =	sadd.s32 $0xFFFFFFFF, s0  }
0x270: {  	s24 =	simm.s32 $0x1;
	p0 =	por $0x1, $0x1;
	s0 =	spop (v2sf)  }
.LBB2_60:
0x271: {  	p1 =	sne.s32 s23, $0x1;
	s23 =	sadd.s32 $0xFFFFFFFF, s23;
	vm0 =	vge.f32 v3, v2;
	s0 =	sadd.s32 s1, s0  }
0x272: {  	[tilespmem:s0+$0x10000] =	vst.msk vm0, v3;
	v3 =	vmpcnt.ones.xlane vm0  }
0x273: {  	v4 =	vld [tilespmem:s22+$0x8010]  }
0x274: {  	(v2sf) =	vpush v3, $0x0;
	_ =	sdelay $0x3  }
0x275: {  	vm0 =	vge.f32 v4, v2  }
0x276: {  	v3 =	vmpcnt.ones.xlane vm0;
	_ =	sdelay $0x1  }
0x277: {  	(v2sf) =	vpush v3, $0x0;
	_ =	sdelay $0x7  }
0x278: {  	s1 =	spop (v2sf)  }
0x279: {  	s0 =	sadd.s32 s0, s1  }
0x27a: {  	[tilespmem:s0+$0x10000] =	vst.msk vm0, v4  }
0x27b: {  	v3 =	vld [tilespmem:s22+$0x8020];
	_ =	sdelay $0x3  }
0x27c: {  	s1 =	spop (v2sf)  }
0x27d: {  	s0 =	sadd.s32 s0, s1;
	vm0 =	vge.f32 v3, v2  }
0x27e: {  	[tilespmem:s0+$0x10000] =	vst.msk vm0, v3;
	v3 =	vmpcnt.ones.xlane vm0  }
0x27f: {  	v4 =	vld [tilespmem:s22+$0x8030]  }
0x280: {  	(v2sf) =	vpush v3, $0x0;
	_ =	sdelay $0x3  }
0x281: {  	vm0 =	vge.f32 v4, v2  }
0x282: {  	v3 =	vmpcnt.ones.xlane vm0;
	_ =	sdelay $0x1  }
0x283: {  	(v2sf) =	vpush v3, $0x0;
	_ =	sdelay $0x7  }
0x284: {  	s1 =	spop (v2sf)  }
0x285: {  	s0 =	sadd.s32 s0, s1  }
0x286: {  	[tilespmem:s0+$0x10000] =	vst.msk vm0, v4  }
0x287: {  	v3 =	vld [tilespmem:s22+$0x8040];
	_ =	sdelay $0x3  }
0x288: {  	s1 =	spop (v2sf)  }
0x289: {  	s0 =	sadd.s32 s0, s1;
	vm0 =	vge.f32 v3, v2  }
0x28a: {  	[tilespmem:s0+$0x10000] =	vst.msk vm0, v3;
	v3 =	vmpcnt.ones.xlane vm0  }
0x28b: {  	v4 =	vld [tilespmem:s22+$0x8050]  }
0x28c: {  	(v2sf) =	vpush v3, $0x0;
	_ =	sdelay $0x3  }
0x28d: {  	vm0 =	vge.f32 v4, v2  }
0x28e: {  	v3 =	vmpcnt.ones.xlane vm0;
	_ =	sdelay $0x1  }
0x28f: {  	(v2sf) =	vpush v3, $0x0;
	_ =	sdelay $0x7  }
0x290: {  	s1 =	spop (v2sf)  }
0x291: {  	s0 =	sadd.s32 s0, s1  }
0x292: {  	[tilespmem:s0+$0x10000] =	vst.msk vm0, v4  }
0x293: {  	v3 =	vld [tilespmem:s22+$0x8060];
	_ =	sdelay $0x3  }
0x294: {  	s1 =	spop (v2sf)  }
0x295: {  	s0 =	sadd.s32 s0, s1;
	vm0 =	vge.f32 v3, v2  }
0x296: {  	[tilespmem:s0+$0x10000] =	vst.msk vm0, v3;
	v3 =	vmpcnt.ones.xlane vm0  }
0x297: {  	v4 =	vld [tilespmem:s22+$0x8070]  }
0x298: {  	(v2sf) =	vpush v3, $0x0;
	_ =	sdelay $0x3  }
0x299: {  	vm0 =	vge.f32 v4, v2  }
0x29a: {  	v3 =	vmpcnt.ones.xlane vm0;
	_ =	sdelay $0x1  }
0x29b: {  	(v2sf) =	vpush v3, $0x0;
	_ =	sdelay $0x4  }
0x29c: {  	s24 =	sadd.s32 $0x1, s24  }
0x29d: {  	s1 =	sld [smem:s24+$0x0];
	_ =	sdelay $0x1  }
0x29e: {  	s7 =	spop (v2sf)  }
0x29f: {  	s8 =	sshll.u32 s1, $0x9;
	s1 =	sadd.s32 s0, s7  }
0x2a0: {  	s22 =	sshra.s32 s8, $0x2;
	[tilespmem:s1+$0x10000] =	vst.msk vm0, v4  }
.Ltmp35:
0x2a1: {  	v3 =	vld [tilespmem:s22+$0x8000];
	(pc) =	sbr.rel @p1 .LBB2_60-.Ltmp35, $2  }
0x2a2: {  	_ =	sdelay $0x2  }
0x2a3: {  	s0 =	spop (v2sf)  }
.LBB2_61:
0x2a4: {  	s0 =	sadd.s32 @p0 s1, s0  }
0x2a5: {  	vm0 =	vge.f32 v3, v2;
	s21 =	smov.u32 @p0 s0  }
0x2a6: {  	[tilespmem:s21+$0x10000] =	vst.msk vm0, v3;
	v3 =	vmpcnt.ones.xlane vm0  }
0x2a7: {  	v4 =	vld [tilespmem:s22+$0x8010]  }
0x2a8: {  	(v2sf) =	vpush v3, $0x0;
	_ =	sdelay $0x3  }
0x2a9: {  	vm9 =	vge.f32 v4, v2  }
0x2aa: {  	v3 =	vmpcnt.ones.xlane vm9;
	_ =	sdelay $0x1  }
0x2ab: {  	(v2sf) =	vpush v3, $0x0;
	_ =	sdelay $0x7  }
0x2ac: {  	s23 =	spop (v2sf)  }
0x2ad: {  	s0 =	sadd.s32 s21, s23  }
0x2ae: {  	[tilespmem:s0+$0x10000] =	vst.msk vm9, v4  }
0x2af: {  	v3 =	vld [tilespmem:s22+$0x8020];
	_ =	sdelay $0x3  }
0x2b0: {  	s24 =	spop (v2sf)  }
0x2b1: {  	s0 =	sadd.s32 s0, s24;
	vm10 =	vge.f32 v3, v2  }
0x2b2: {  	[tilespmem:s0+$0x10000] =	vst.msk vm10, v3;
	v3 =	vmpcnt.ones.xlane vm10  }
0x2b3: {  	v4 =	vld [tilespmem:s22+$0x8030]  }
0x2b4: {  	(v2sf) =	vpush v3, $0x0;
	_ =	sdelay $0x3  }
0x2b5: {  	vm11 =	vge.f32 v4, v2  }
0x2b6: {  	v3 =	vmpcnt.ones.xlane vm11;
	_ =	sdelay $0x1  }
0x2b7: {  	(v2sf) =	vpush v3, $0x0;
	_ =	sdelay $0x7  }
0x2b8: {  	s25 =	spop (v2sf)  }
0x2b9: {  	s0 =	sadd.s32 s0, s25  }
0x2ba: {  	[tilespmem:s0+$0x10000] =	vst.msk vm11, v4  }
0x2bb: {  	v3 =	vld [tilespmem:s22+$0x8040];
	_ =	sdelay $0x3  }
0x2bc: {  	s26 =	spop (v2sf)  }
0x2bd: {  	s0 =	sadd.s32 s0, s26;
	vm12 =	vge.f32 v3, v2  }
0x2be: {  	[tilespmem:s0+$0x10000] =	vst.msk vm12, v3;
	v3 =	vmpcnt.ones.xlane vm12  }
0x2bf: {  	v4 =	vld [tilespmem:s22+$0x8050]  }
0x2c0: {  	(v2sf) =	vpush v3, $0x0;
	_ =	sdelay $0x3  }
0x2c1: {  	vm13 =	vge.f32 v4, v2  }
0x2c2: {  	v3 =	vmpcnt.ones.xlane vm13;
	_ =	sdelay $0x1  }
0x2c3: {  	(v2sf) =	vpush v3, $0x0;
	_ =	sdelay $0x7  }
0x2c4: {  	s28 =	spop (v2sf)  }
0x2c5: {  	s0 =	sadd.s32 s0, s28  }
0x2c6: {  	[tilespmem:s0+$0x10000] =	vst.msk vm13, v4  }
0x2c7: {  	v3 =	vld [tilespmem:s22+$0x8060];
	_ =	sdelay $0x3  }
0x2c8: {  	s29 =	spop (v2sf)  }
0x2c9: {  	s0 =	sadd.s32 s0, s29;
	vm14 =	vge.f32 v3, v2  }
0x2ca: {  	[tilespmem:s0+$0x10000] =	vst.msk vm14, v3  }
0x2cb: {  	v3 =	vld [tilespmem:s22+$0x8070];
	_ =	sdelay $0x4  }
0x2cc: {  	v63 =	vmpcnt.ones.xlane vm14;
	vm15 =	vge.f32 v3, v2  }
0x2cd: {  	v2 =	vmpcnt.ones.xlane vm15  }
0x2ce: {  	(v2sf) =	vpush v63, $0x0  }
0x2cf: {  	(v2sf) =	vpush v2, $0x0;
	_ =	sdelay $0xd  }
0x2d0: {  	s30 =	spop (v2sf)  }
0x2d1: {  	s0 =	sadd.s32 s0, s30;
	s31 =	spop (v2sf)  }
0x2d2: {  	s1 =	sadd.s32 s0, s31  }
0x2d3: {  	s7 =	sadd.s32 $0xF, s1  }
0x2d4: {  	s22 =	sshra.s32 s7, $0x4  }
0x2d5: {  	p0 =	sgt.s32 s22, $0x0  }
.Ltmp36:
0x2d6: {  	_ = 	snop;
	(pc) =	sbr.rel @!p0 .LBB2_62-.Ltmp36, $3  }
0x2d7: {  	_ =	sdelay $0x1  }
0x2d8: {  	[tilespmem:s0+$0x10000] =	vst.msk vm15, v3  }
0x2d9: {  	s0 =	simm.s32 $0x10000;
	[tilespmem:s1+$0x10000] =	vst v0  }
0x2da: {  	p0 =	seq.s32 s22, $0x1  }
.Ltmp37:
0x2db: {  	_ = 	snop;
	(pc) =	sbr.rel @p0 .LBB2_66-.Ltmp37, $2  }
0x2dc: {  	_ =	sdelay $0x2  }
0x2dd: {  	v2 =	vld [tilespmem:s0+$0x0];
	s1 =	sadd.s32 $0xFFFFFFFF, s22  }
.LBB2_65:
0x2de: {  	p0 =	seq.s32 s1, $0x1;
	_ =	sdelay $0x2  }
.Ltmp38:
0x2df: {  	(pc) =	sbr.rel @!p0 .LBB2_65-.Ltmp38, $4  }
0x2e0: {  	v3 =	vxor.u32 $0xFFFFFFFF, v2;
	v4 =	vor.u32 $0x80000000, v2;
	vm0 =	vlt.s32 v2, $0x0  }
0x2e1: {  	v2 =	vsel vm0, v3, v4  }
0x2e2: {  	[tilespmem:s0+$0x0] =	vst v2;
	s0 =	sadd.s32 $0x10, s0  }
0x2e3: {  	s1 =	sadd.s32 $0xFFFFFFFF, s1;
	v2 =	vld [tilespmem:s0+$0x0]  }
.LBB2_66:
0x2e4: {  	_ =	sdelay $0x1  }
.Ltmp39:
0x2e5: {  	_ = 	snop;
	(pc) =	sbr.rel .LBB2_63-.Ltmp39, $4  }
0x2e6: {  	_ = 	snop  }
0x2e7: {  	v3 =	vxor.u32 $0xFFFFFFFF, v2;
	v4 =	vor.u32 $0x80000000, v2;
	vm0 =	vlt.s32 v2, $0x0  }
0x2e8: {  	v2 =	vsel vm0, v3, v4  }
0x2e9: {  	p0 =	por $0x1, $0x1;
	[tilespmem:s0+$0x0] =	vst v2  }
.LBB2_58:
.Ltmp40:
0x2ea: {  	(pc) =	sbr.rel .LBB2_63-.Ltmp40, $2  }
0x2eb: {  	_ =	sdelay $0x2  }
0x2ec: {  	[tilespmem:$0x10000] =	vst v0;
	s22 =	simm.s32 $0x0;
	p0 =	por $0x0, $0x0  }
.LBB2_62:
0x2ed: {  	p0 =	por $0x0, $0x0  }
.LBB2_63:
0x2ee: {  	s23 =	simm.s32 $0x0;
	s21 =	simm.s32 $0x0  }
.LBB2_68:
.Ltmp41:
0x2ef: {  	(pc) =	sbr.rel @p0 .LBB2_69-.Ltmp41, $1  }
0x2f0: {  	_ =	sdelay $0x3  }
0x2f1: {  	s23 =	sadd.s32 $0x1, s23  }
0x2f2: {  	p1 =	seq.s32 s23, $0x20  }
.Ltmp42:
0x2f3: {  	_ = 	snop;
	(pc) =	sbr.rel @!p1 .LBB2_68-.Ltmp42, $4  }
.Ltmp43:
0x2f4: {  	_ = 	snop;
	(pc) =	sbr.rel @p1 .LBB2_198-.Ltmp43, $4  }
0x2f5: {  	_ = 	snop  }
0x2f6: {  	_ = 	snop  }
0x2f7: {  	_ = 	snop  }
0x2f8: {  	_ = 	snop  }
.LBB2_69:
0x2f9: {  	s0 =	simm.s32 $0x10000  }
0x2fa: {  	p4 =	sne.s32 s22, $0x1;
	v3 =	vld [tilespmem:s0+$0x0]  }
.Ltmp44:
0x2fb: {  	_ = 	snop;
	(pc) =	sbr.rel @!p4 .LBB2_70-.Ltmp44, $4  }
0x2fc: {  	s31 =	sshrl.u32 s16, s23  }
0x2fd: {  	s25 =	sor.u32 s31, s21  }
0x2fe: {  	s26 =	simm.s32 $0x0;
	s24 =	sadd.s32 $0xFFFFFFFF, s22;
	p1 =	por $0x0, $0x0;
	v2 =	vmov s25  }
0x2ff: {  	p2 =	por $0x0, $0x0;
	p3 =	por $0x0, $0x0;
	s0 =	simm.s32 $0x10010;
	vm0 =	vge.u32 v3, v2  }
0x300: {  	v3 =	vld [tilespmem:s0+$0x0];
	p4 =	sne.s32 s24, $0x1  }
.Ltmp45:
0x301: {  	_ = 	snop;
	(pc) =	sbr.rel @!p4 .LBB2_72-.Ltmp45, $3  }
0x302: {  	_ = 	snop  }
0x303: {  	v4 =	vmpcnt.ones.xlane vm0;
	_ =	sdelay $0x1  }
0x304: {  	s0 =	sadd.s32 $0xFFFFFFFF, s24;
	s1 =	simm.s32 $0x10020;
	p1 =	por $0x1, $0x1;
	(v2sf) =	vpush v4, $0x0;
	vm0 =	vge.u32 v3, v2  }
0x305: {  	v4 =	vmpcnt.ones.xlane vm0;
	_ =	sdelay $0x1  }
0x306: {  	(v2sf) =	vpush v4, $0x0;
	_ =	sdelay $0x3  }
0x307: {  	v3 =	vld [tilespmem:s1+$0x0];
	p4 =	sne.s32 s0, $0x1  }
.Ltmp46:
0x308: {  	_ = 	snop;
	(pc) =	sbr.rel @!p4 .LBB2_74-.Ltmp46, $2  }
0x309: {  	_ =	sdelay $0x2  }
0x30a: {  	s0 =	sadd.s32 $0xFFFFFFFF, s0;
	s1 =	simm.s32 $0x10030;
	p2 =	por $0x1, $0x1;
	vm0 =	vge.u32 v3, v2  }
0x30b: {  	v4 =	vmpcnt.ones.xlane vm0;
	_ =	sdelay $0x1  }
0x30c: {  	(v2sf) =	vpush v4, $0x0;
	_ =	sdelay $0x2  }
0x30d: {  	v3 =	vld [tilespmem:s1+$0x0];
	p4 =	sne.s32 s0, $0x1  }
.Ltmp47:
0x30e: {  	_ = 	snop;
	(pc) =	sbr.rel @!p4 .LBB2_76-.Ltmp47, $3  }
0x30f: {  	_ =	sdelay $0x1  }
0x310: {  	s7 =	sadd.s32 $0xFFFFFFFF, s0;
	s8 =	simm.s32 $0x10040  }
0x311: {  	p3 =	por $0x1, $0x1;
	s0 =	simm.s32 $0x0;
	s1 =	spop (v2sf);
	vm0 =	vge.u32 v3, v2  }
.LBB2_77:
0x312: {  	v3 =	vld [tilespmem:s8+$0x0];
	p4 =	sne.s32 s7, $0x1;
	s7 =	sadd.s32 $0xFFFFFFFF, s7;
	v4 =	vmpcnt.ones.xlane vm0;
	s0 =	sadd.s32 s0, s1  }
.Ltmp48:
0x313: {  	(pc) =	sbr.rel @p4 .LBB2_77-.Ltmp48, $2  }
0x314: {  	(v2sf) =	vpush v4, $0x0;
	_ =	sdelay $0x3  }
0x315: {  	s8 =	sadd.s32 $0x10, s8;
	vm0 =	vge.u32 v3, v2;
	s1 =	spop (v2sf)  }
0x316: {  	_ = 	snop  }
.LBB2_79:
0x317: {  	v2 =	vmpcnt.ones.xlane vm0;
	_ =	sdelay $0x1  }
0x318: {  	(v2sf) =	vpush v2, $0x0;
	_ =	sdelay $0x9  }
0x319: {  	s0 =	sadd.s32 @p3 s0, s1;
	s1 =	spop @p2 (v2sf);
	s7 =	simm.s32 $0x0  }
0x31a: {  	s1 =	smov.u32 @p2 s1;
	s7 =	smov.u32 @p3 s0  }
0x31b: {  	s0 =	sadd.s32 @p2 s7, s1;
	s7 =	simm.s32 $0x0;
	s1 =	spop @p1 (v2sf)  }
0x31c: {  	s7 =	smov.u32 @p2 s0;
	p2 =	seq.s32 s23, $0x1F;
	s1 =	smov.u32 @p1 s1  }
.Ltmp49:
0x31d: {  	s0 =	sadd.s32 @p1 s7, s1;
	(pc) =	sbr.rel @!p2 .LBB2_68-.Ltmp49, $4  }
.Ltmp50:
0x31e: {  	s26 =	smov.u32 @p1 s0;
	s31 =	spop (v2sf);
	(pc) =	sbr.rel @p2 .LBB2_80-.Ltmp50, $4  }
0x31f: {  	s0 =	sadd.s32 s26, s31  }
0x320: {  	p1 =	sgt.s32 s0, $0x1F  }
0x321: {  	s23 =	sadd.s32 $0x1, s23;
	s21 =	smov.u32 @p1 s25  }
0x322: {  	_ = 	snop  }
.LBB2_70:
.Ltmp51:
0x323: {  	(pc) =	sbr.rel .LBB2_79-.Ltmp51, $2  }
0x324: {  	_ =	sdelay $0x2  }
0x325: {  	s0 =	simm.s32 $0x0  }
.LBB2_72:
.Ltmp52:
0x326: {  	(pc) =	sbr.rel .LBB2_79-.Ltmp52, $2  }
0x327: {  	_ =	sdelay $0x2  }
0x328: {  	s0 =	simm.s32 $0x0  }
.LBB2_74:
.Ltmp53:
0x329: {  	(pc) =	sbr.rel .LBB2_79-.Ltmp53, $2  }
0x32a: {  	_ =	sdelay $0x2  }
0x32b: {  	s0 =	simm.s32 $0x0  }
.LBB2_76:
.Ltmp54:
0x32c: {  	(pc) =	sbr.rel .LBB2_79-.Ltmp54, $2  }
0x32d: {  	_ =	sdelay $0x2  }
0x32e: {  	s0 =	simm.s32 $0x0  }
.LBB2_198:
0x32f: {  	p0 =	sgt.s32 s21, $0xFFFFFFFF;
	s0 =	simm.s32 $0xFFFFFFFF  }
0x330: {  	s0 =	simm.s32 @!p0 $0x80000000  }
0x331: {  	s0 =	sxor.u32 s21, s0  }
0x332: {  	v2 =	vmov s0  }
0x333: {  	v2 =	vbroadcast v2, $0x0  }
.LBB2_91:
0x334: {  	s0 =	simm.s32 $0x8040  }
0x335: {  	v6 =	vld [tilespmem:s0+$0x30]  }
0x336: {  	v9 =	vld [tilespmem:s0+$0xFFFFFFD0]  }
0x337: {  	v8 =	vld [tilespmem:s0+$0xFFFFFFE0]  }
0x338: {  	v7 =	vld [tilespmem:s0+$0xFFFFFFF0]  }
0x339: {  	v5 =	vld [tilespmem:s0+$0x0]  }
0x33a: {  	v4 =	vld [tilespmem:s0+$0x10];
	vm0 =	vge.f32 v6, v2  }
0x33b: {  	v3 =	vld [tilespmem:s0+$0x20];
	vm1 =	vge.f32 v9, v2;
	v10 =	vnsel vm0, $0x0, v6  }
0x33c: {  	s21 =	simm.s32 $0x0;
	s22 =	simm.s32 $0x80C0;
	v6 =	vld [tilespmem:s0+$0xFFFFFFC0];
	v9 =	vnsel vm1, $0x0, v9;
	vm0 =	vge.f32 v8, v2;
	[tilespmem:s0+$0x30] =	vst v10  }
.LBB2_92:
0x33d: {  	v10 =	vld [tilespmem:s22+$0x30];
	s21 =	sadd.s32 $0x8, s21;
	[tilespmem:s0+$0xFFFFFFD0] =	vst v9;
	v8 =	vnsel vm0, $0x0, v8;
	vm0 =	vge.f32 v7, v2  }
0x33e: {  	v9 =	vld [tilespmem:s22+$0xFFFFFFD0];
	p0 =	slt.u32 s21, $0x7F8;
	[tilespmem:s0+$0xFFFFFFE0] =	vst v8;
	v7 =	vnsel vm0, $0x0, v7;
	vm0 =	vge.f32 v5, v2  }
0x33f: {  	v8 =	vld [tilespmem:s22+$0xFFFFFFE0];
	[tilespmem:s0+$0xFFFFFFF0] =	vst v7;
	v5 =	vnsel vm0, $0x0, v5;
	vm0 =	vge.f32 v4, v2  }
.Ltmp55:
0x340: {  	v7 =	vld [tilespmem:s22+$0xFFFFFFF0];
	[tilespmem:s0+$0x0] =	vst v5;
	v4 =	vnsel vm0, $0x0, v4;
	vm0 =	vge.f32 v3, v2;
	(pc) =	sbr.rel @p0 .LBB2_92-.Ltmp55, $4  }
0x341: {  	v5 =	vld [tilespmem:s22+$0x0];
	vm1 =	vge.f32 v6, v2;
	[tilespmem:s0+$0x10] =	vst v4;
	v3 =	vnsel vm0, $0x0, v3  }
0x342: {  	v4 =	vld [tilespmem:s22+$0x10];
	vm0 =	vge.f32 v10, v2;
	v6 =	vnsel vm1, $0x0, v6;
	[tilespmem:s0+$0x20] =	vst v3  }
0x343: {  	vm1 =	vge.f32 v9, v2;
	v3 =	vld [tilespmem:s22+$0x20];
	v10 =	vnsel vm0, $0x0, v10;
	[tilespmem:s0+$0xFFFFFFC0] =	vst v6;
	s0 =	smov.u32 s22  }
0x344: {  	s22 =	sadd.s32 $0x80, s22;
	v6 =	vld [tilespmem:s0+$0xFFFFFFC0];
	v9 =	vnsel vm1, $0x0, v9;
	vm0 =	vge.f32 v8, v2;
	[tilespmem:s0+$0x30] =	vst v10  }
0x345: {  	[tilespmem:s0+$0xFFFFFFD0] =	vst v9;
	v8 =	vnsel vm0, $0x0, v8;
	vm12 =	vge.f32 v7, v2  }
0x346: {  	[tilespmem:s0+$0xFFFFFFE0] =	vst v8;
	v7 =	vnsel vm12, $0x0, v7;
	vm13 =	vge.f32 v5, v2  }
0x347: {  	[tilespmem:s0+$0xFFFFFFF0] =	vst v7;
	v5 =	vnsel vm13, $0x0, v5;
	vm14 =	vge.f32 v4, v2  }
0x348: {  	[tilespmem:s0+$0x0] =	vst v5;
	v4 =	vnsel vm14, $0x0, v4;
	vm15 =	vge.f32 v3, v2  }
0x349: {  	vm1 =	vge.f32 v6, v2;
	[tilespmem:s0+$0x10] =	vst v4;
	v2 =	vnsel vm15, $0x0, v3  }
0x34a: {  	v3 =	vnsel vm1, $0x0, v6;
	[tilespmem:s0+$0x20] =	vst v2  }
0x34b: {  	[tilespmem:s0+$0xFFFFFFC0] =	vst v3  }
.LBB2_97:
0x34c: {  	s0 =	rddreg [dreg:$0x5]  }
0x34d: {  	[hbm4b:s0+s12] =	stream.strided.scatter [tilespmem:s14], [sflag:$0x4], $0x8000, s13, s12, $0x38;
	[tilespmem:$0x19080] =	vst v63  }
0x34e: {  	_ =	swait.ge [sflag:s18], $0x8000  }
0x34f: {  	[sflag:s18] =	ssyncset.done $0x0  }
0x350: {  	s21 =	simm.s32 $0x1;
	[sflag:s18] =	ssyncadd.s32 $0xFFFF8000  }
0x351: {  	[tilespmem:s4], [sflag:$0x1] =	stream.strided.gather [hbm4b:s10+s12], $0x8000, s13, s12, $0x38;
	[tilespmem:$0x19080] =	vst v63  }
.LBB2_98:
0x352: {  	s0 =	sshll.u32 s21, $0x1  }
0x353: {  	s22 =	sadd.s32 s5, s0  }
0x354: {  	s1 =	sshll.u32 s21, $0x5;
	s0 =	sshll.u32 s22, $0xC  }
0x355: {  	s25 =	sand.u32 $0x60, s1;
	s24 =	sand.u32 $0x3F8000, s0  }
0x356: {  	_ =	swait.ge [sflag:s19], $0x8000;
	s0 =	sor.u32 s25, s24  }
0x357: {  	[sflag:s19] =	ssyncset.done $0x0;
	s23 =	sor.u32 $0x10, s0  }
0x358: {  	[sflag:s19] =	ssyncadd.s32 $0xFFFF8000;
	s0 =	sadd.s32 s2, s23  }
0x359: {  	[tilespmem:s14], [sflag:$0x2] =	stream.strided.gather [hbm4b:s0+s12], $0x8000, s13, s12, $0x38;
	[tilespmem:$0x19080] =	vst v63  }
0x35a: {  	_ =	swait.ge [sflag:s15], $0x8000  }
0x35b: {  	[sflag:s15] =	ssyncset.done $0x0  }
0x35c: {  	s31 =	simm.s32 $0x40;
	[sflag:s15] =	ssyncadd.s32 $0xFFFF8000  }
0x35d: {  	v3 =	vld [tilespmem:s31+$0xFFFFFFC0]  }
0x35e: {  	v4 =	vld [tilespmem:s31+$0xFFFFFFD0]  }
0x35f: {  	v5 =	vld [tilespmem:s31+$0xFFFFFFE0]  }
0x360: {  	v6 =	vld [tilespmem:s31+$0xFFFFFFF0]  }
0x361: {  	v12 =	vld [tilespmem:s31+$0x0];
	_ =	sdelay $0x1  }
0x362: {  	v7 =	vimm.f32 $-Inf;
	v11 =	vld [tilespmem:s31+$0x10]  }
0x363: {  	v10 =	vld [tilespmem:s31+$0x20];
	v2 =	vmax.f32 v7, v3;
	v8 =	vmax.f32 v3, v4  }
0x364: {  	s0 =	simm.s32 $0xC0;
	v9 =	vld [tilespmem:s31+$0x30];
	v3 =	vmax.f32 v7, v4;
	v4 =	vmax.f32 v7, v5;
	v13 =	vmax.f32 v8, v5  }
0x365: {  	v8 =	vld [tilespmem:s0+$0xFFFFFFC0];
	v5 =	vmax.f32 v7, v6;
	v14 =	vmax.f32 v13, v6;
	v6 =	vmax.f32 v7, v12  }
0x366: {  	s28 =	simm.s32 $0x0;
	s26 =	simm.s32 $0x40;
	s29 =	simm.s32 $0x80;
	v13 =	vld [tilespmem:s0+$0xFFFFFFD0];
	v15 =	vmax.f32 v14, v12;
	v14 =	vimm.f32 $-Inf;
	v12 =	vimm.f32 $-Inf  }
.LBB2_99:
0x367: {  	p0 =	sne.s32 s29, $0x3FC0;
	v16 =	vld [tilespmem:s0+$0xFFFFFFE0];
	v7 =	vmax.f32 v7, v11;
	v11 =	vmax.f32 v15, v11  }
0x368: {  	v15 =	vld [tilespmem:s0+$0xFFFFFFF0];
	v14 =	vmax.f32 v14, v10;
	v10 =	vmax.f32 v11, v10  }
0x369: {  	s1 =	sshra.s32 s28, $0x2;
	s28 =	smov.u32 s26;
	s26 =	smov.u32 s29;
	v17 =	vld [tilespmem:s0+$0x0];
	v12 =	vmax.f32 v12, v9;
	v9 =	vmax.f32 v10, v9  }
.Ltmp56:
0x36a: {  	v11 =	vld [tilespmem:s0+$0x10];
	v2 =	vmax.f32 v2, v8;
	[tilespmem:s1+$0x18080] =	vst v9;
	(pc) =	sbr.rel @p0 .LBB2_99-.Ltmp56, $4  }
0x36b: {  	v10 =	vld [tilespmem:s0+$0x20];
	v3 =	vmax.f32 v3, v13;
	v8 =	vmax.f32 v8, v13  }
0x36c: {  	v9 =	vld [tilespmem:s0+$0x30];
	v4 =	vmax.f32 v4, v16;
	v13 =	vmax.f32 v8, v16;
	s0 =	sadd.s32 $0x80, s0  }
0x36d: {  	v8 =	vld [tilespmem:s0+$0xFFFFFFC0];
	v5 =	vmax.f32 v5, v15;
	v15 =	vmax.f32 v13, v15  }
0x36e: {  	s29 =	sadd.s32 $0x40, s29;
	v13 =	vld [tilespmem:s0+$0xFFFFFFD0];
	v6 =	vmax.f32 v6, v17;
	v15 =	vmax.f32 v15, v17  }
0x36f: {  	v16 =	vld [tilespmem:s0+$0xFFFFFFE0]  }
0x370: {  	v17 =	vld [tilespmem:s0+$0xFFFFFFF0]  }
0x371: {  	v18 =	vld [tilespmem:s0+$0x0]  }
0x372: {  	v19 =	vld [tilespmem:s0+$0x10]  }
0x373: {  	v7 =	vmax.f32 v7, v11;
	v11 =	vmax.f32 v15, v11;
	v53 =	vld [tilespmem:s0+$0x20]  }
0x374: {  	v54 =	vld [tilespmem:s0+$0x30];
	v14 =	vmax.f32 v14, v10;
	v10 =	vmax.f32 v11, v10  }
0x375: {  	v11 =	vmax.f32 v12, v9;
	v9 =	vmax.f32 v10, v9;
	v2 =	vmax.f32 v2, v8  }
0x376: {  	v20 =	vmax.f32 v8, v13;
	v3 =	vmax.f32 v3, v13;
	v55 =	vxor.u32 $0xFFFFFFFF, v2  }
0x377: {  	vm0 =	vlt.s32 v2, $0x0;
	v20 =	vmax.f32 v20, v16;
	v4 =	vmax.f32 v4, v16  }
0x378: {  	v5 =	vmax.f32 v5, v17;
	v6 =	vmax.f32 v6, v18;
	v7 =	vmax.f32 v7, v19  }
0x379: {  	v10 =	vmax.f32 v14, v53;
	v11 =	vmax.f32 v11, v54;
	v56 =	vand.u32 $0x7FFFFFFF, v3  }
0x37a: {  	vm11 =	vlt.s32 v3, $0x0;
	v8 =	vmax.f32 v20, v17;
	v13 =	vxor.u32 $0x80000000, v56  }
0x37b: {  	v57 =	vxor.u32 $0xFFFFFFFF, v4;
	vm1 =	vlt.s32 v4, $0x0;
	v8 =	vmax.f32 v8, v18  }
0x37c: {  	v58 =	vxor.u32 $0xFFFFFFFF, v5;
	vm12 =	vlt.s32 v5, $0x0;
	v8 =	vmax.f32 v8, v19  }
0x37d: {  	v59 =	vand.u32 $0x7FFFFFFF, v6;
	vm13 =	vlt.s32 v6, $0x0;
	v8 =	vmax.f32 v8, v53  }
0x37e: {  	v60 =	vand.u32 $0x7FFFFFFF, v7;
	v12 =	vmax.f32 v8, v54;
	v8 =	vand.u32 $0x7FFFFFFF, v2  }
0x37f: {  	vm14 =	vlt.s32 v7, $0x0;
	v62 =	vand.u32 $0x7FFFFFFF, v10;
	v8 =	vxor.u32 $0x80000000, v8  }
0x380: {  	vm15 =	vlt.s32 v10, $0x0;
	v2 =	vsel vm0, v55, v8;
	v8 =	vxor.u32 $0xFFFFFFFF, v3  }
0x381: {  	v3 =	vand.u32 $0x7FFFFFFF, v4;
	v4 =	vsel vm11, v8, v13;
	v8 =	vand.u32 $0x7FFFFFFF, v5  }
0x382: {  	v63 =	vxor.u32 $0xFFFFFFFF, v11;
	vm2 =	vlt.s32 v11, $0x0;
	v8 =	vxor.u32 $0x80000000, v8  }
0x383: {  	v13 =	vxor.u32 $0x80000000, v59;
	v5 =	vsel vm12, v58, v8;
	v8 =	vxor.u32 $0xFFFFFFFF, v6  }
0x384: {  	v61 =	vxor.u32 $0x80000000, v60;
	v3 =	vxor.u32 $0x80000000, v3;
	v6 =	vsel vm13, v8, v13  }
0x385: {  	s30 =	sshra.s32 s28, $0x2;
	v8 =	vxor.u32 $0xFFFFFFFF, v7;
	v7 =	vxor.u32 $0xFFFFFFFF, v10;
	v10 =	vand.u32 $0x7FFFFFFF, v11  }
0x386: {  	s31 =	sshra.s32 s26, $0x2;
	s26 =	simm.s32 $0x0;
	s1 =	simm.s32 $0x80000000;
	[tilespmem:s30+$0x18080] =	vst v9;
	v14 =	vxor.u32 $0x80000000, v62;
	v3 =	vsel vm1, v57, v3;
	v10 =	vxor.u32 $0x80000000, v10  }
0x387: {  	s0 =	simm.s32 $0x1;
	s28 =	sor.u32 s1, s26;
	[tilespmem:s31+$0x18080] =	vst v12;
	v9 =	vsel vm14, v8, v61;
	v8 =	vsel vm15, v7, v14;
	v7 =	vsel vm2, v63, v10  }
.LBB2_101:
0x388: {  	p0 =	sne.s32 s0, $0xF;
	vm0 =	vge.u32 v2, s28  }
0x389: {  	v10 =	vmpcnt.ones.xlane vm0;
	vm0 =	vge.u32 v4, s28  }
0x38a: {  	v11 =	vmpcnt.ones.xlane vm0;
	vm0 =	vge.u32 v3, s28  }
0x38b: {  	v12 =	vmpcnt.ones.xlane vm0;
	vm0 =	vge.u32 v5, s28;
	(v2sf) =	vpush v10, $0x0  }
0x38c: {  	v10 =	vmpcnt.ones.xlane vm0;
	vm0 =	vge.u32 v6, s28;
	(v2sf) =	vpush v11, $0x0  }
0x38d: {  	v11 =	vmpcnt.ones.xlane vm0;
	vm0 =	vge.u32 v9, s28;
	(v2sf) =	vpush v12, $0x0  }
0x38e: {  	v12 =	vmpcnt.ones.xlane vm0;
	vm0 =	vge.u32 v8, s28;
	(v2sf) =	vpush v10, $0x0  }
0x38f: {  	v10 =	vmpcnt.ones.xlane vm0;
	vm0 =	vge.u32 v7, s28;
	(v2sf) =	vpush v11, $0x0  }
0x390: {  	v11 =	vmpcnt.ones.xlane vm0;
	(v2sf) =	vpush v12, $0x0  }
0x391: {  	(v2sf) =	vpush v10, $0x0  }
0x392: {  	(v2sf) =	vpush v11, $0x0;
	_ =	sdelay $0x7  }
0x393: {  	s1 =	spop (v2sf)  }
0x394: {  	s7 =	spop (v2sf)  }
0x395: {  	s1 =	sadd.s32 s1, s7;
	s7 =	spop (v2sf)  }
0x396: {  	s1 =	sadd.s32 s7, s1;
	s7 =	spop (v2sf)  }
0x397: {  	s1 =	sadd.s32 s7, s1;
	s7 =	spop (v2sf)  }
0x398: {  	s1 =	sadd.s32 s7, s1;
	s7 =	spop (v2sf)  }
0x399: {  	s1 =	sadd.s32 s7, s1;
	s7 =	spop (v2sf)  }
.Ltmp57:
0x39a: {  	s1 =	sadd.s32 s7, s1;
	s7 =	spop (v2sf);
	(pc) =	sbr.rel @p0 .LBB2_101-.Ltmp57, $4  }
0x39b: {  	s1 =	sadd.s32 s7, s1  }
0x39c: {  	p1 =	sgt.s32 s1, $0x1F  }
0x39d: {  	s1 =	sshrl.u32 s16, s0;
	s26 =	smov.u32 @p1 s28  }
0x39e: {  	s0 =	sadd.s32 $0x1, s0;
	s28 =	sor.u32 s1, s26  }
0x39f: {  	vm0 =	vge.u32 v2, s28  }
0x3a0: {  	v2 =	vmpcnt.ones.xlane vm0;
	vm0 =	vge.u32 v4, s28  }
0x3a1: {  	v4 =	vmpcnt.ones.xlane vm0;
	vm0 =	vge.u32 v3, s28  }
0x3a2: {  	v3 =	vmpcnt.ones.xlane vm0;
	vm0 =	vge.u32 v5, s28;
	(v2sf) =	vpush v2, $0x0  }
0x3a3: {  	v2 =	vmpcnt.ones.xlane vm0;
	vm0 =	vge.u32 v6, s28;
	(v2sf) =	vpush v4, $0x0  }
0x3a4: {  	v60 =	vmpcnt.ones.xlane vm0;
	vm0 =	vge.u32 v9, s28;
	(v2sf) =	vpush v3, $0x0  }
0x3a5: {  	v3 =	vmpcnt.ones.xlane vm0;
	vm0 =	vge.u32 v8, s28;
	(v2sf) =	vpush v2, $0x0  }
0x3a6: {  	v2 =	vmpcnt.ones.xlane vm0;
	vm0 =	vge.u32 v7, s28;
	(v2sf) =	vpush v60, $0x0  }
0x3a7: {  	v61 =	vmpcnt.ones.xlane vm0;
	(v2sf) =	vpush v3, $0x0  }
0x3a8: {  	(v2sf) =	vpush v2, $0x0  }
0x3a9: {  	(v2sf) =	vpush v61, $0x0;
	_ =	sdelay $0x7  }
0x3aa: {  	s0 =	spop (v2sf)  }
0x3ab: {  	s1 =	spop (v2sf)  }
0x3ac: {  	s0 =	sadd.s32 s0, s1;
	s8 =	spop (v2sf)  }
0x3ad: {  	s0 =	sadd.s32 s8, s0;
	s9 =	spop (v2sf)  }
0x3ae: {  	s0 =	sadd.s32 s9, s0;
	s30 =	spop (v2sf)  }
0x3af: {  	s0 =	sadd.s32 s30, s0;
	s31 =	spop (v2sf)  }
0x3b0: {  	s0 =	sadd.s32 s31, s0;
	s7 =	spop (v2sf)  }
0x3b1: {  	s0 =	sadd.s32 s7, s0;
	s8 =	spop (v2sf)  }
0x3b2: {  	s0 =	sadd.s32 s8, s0  }
0x3b3: {  	p0 =	sgt.s32 s0, $0x1F  }
0x3b4: {  	s26 =	smov.u32 @p0 s28  }
0x3b5: {  	s9 =	simm.s32 $0x18080;
	s0 =	simm.s32 $0xFFFFFFFF;
	p0 =	sgt.s32 s26, $0xFFFFFFFF  }
0x3b6: {  	v3 =	vld [tilespmem:s9+$0x0];
	s0 =	simm.s32 @!p0 $0x80000000  }
0x3b7: {  	s0 =	sxor.u32 s26, s0  }
0x3b8: {  	v2 =	vmov s0  }
0x3b9: {  	v2 =	vbroadcast v2, $0x0;
	_ =	sdelay $0x1  }
0x3ba: {  	vm0 =	vge.f32 v3, v2  }
0x3bb: {  	v3 =	vmpcnt.ones.xlane vm0  }
0x3bc: {  	s26 =	simm.s32 $0x18090  }
0x3bd: {  	s30 =	simm.s32 $0x180A0;
	(v2sf) =	vpush v3, $0x0;
	v3 =	vld [tilespmem:s26+$0x0]  }
0x3be: {  	v62 =	vld [tilespmem:s30+$0x0];
	_ =	sdelay $0x3  }
0x3bf: {  	vm0 =	vge.f32 v3, v2  }
0x3c0: {  	v3 =	vmpcnt.ones.xlane vm0;
	vm0 =	vge.f32 v62, v2  }
0x3c1: {  	v4 =	vmpcnt.ones.xlane vm0  }
0x3c2: {  	(v2sf) =	vpush v3, $0x0  }
0x3c3: {  	(v2sf) =	vpush v4, $0x0  }
0x3c4: {  	s31 =	simm.s32 $0x180B0  }
0x3c5: {  	v63 =	vld [tilespmem:s31+$0x0];
	_ =	sdelay $0x2  }
0x3c6: {  	s29 =	simm.s32 $0x1;
	s1 =	simm.s32 $0x4  }
0x3c7: {  	s7 =	simm.s32 $0x180C0;
	s28 =	simm.s32 $0x2;
	s0 =	simm.s32 $0x0  }
0x3c8: {  	[smem:s0] =	sst s0;
	s26 =	simm.s32 $0x3;
	vm0 =	vge.f32 v63, v2;
	s8 =	spop (v2sf)  }
.LBB2_103:
0x3c9: {  	p0 =	seq.s32 s1, $0xFF;
	p1 =	sgt.s32 s8, $0x0  }
0x3ca: {  	v3 =	vld [tilespmem:s7+$0x0];
	v4 =	vmpcnt.ones.xlane vm0;
	s8 =	smov.u32 s1;
	s1 =	sadd.s32 $0x1, s1;
	s9 =	simm.s32 $0x1  }
.Ltmp58:
0x3cb: {  	s9 =	simm.s32 @!p1 $0x0;
	(pc) =	sbr.rel @!p0 .LBB2_103-.Ltmp58, $4  }
0x3cc: {  	(v2sf) =	vpush v4, $0x0;
	s0 =	sadd.s32 s9, s0  }
0x3cd: {  	[smem:s0] =	sst s29;
	s29 =	smov.u32 s28;
	s28 =	smov.u32 s26  }
0x3ce: {  	s26 =	smov.u32 s8;
	_ =	sdelay $0x1  }
0x3cf: {  	s7 =	sadd.s32 $0x10, s7;
	vm0 =	vge.f32 v3, v2;
	s8 =	spop (v2sf)  }
0x3d0: {  	v3 =	vmpcnt.ones.xlane vm0;
	_ =	sdelay $0x1  }
0x3d1: {  	(v2sf) =	vpush v3, $0x0;
	_ =	sdelay $0xa  }
0x3d2: {  	p0 =	sgt.s32 s8, $0x0;
	s1 =	simm.s32 $0x1;
	s7 =	spop (v2sf)  }
0x3d3: {  	s1 =	simm.s32 @!p0 $0x0;
	p0 =	sgt.s32 s7, $0x0;
	s7 =	simm.s32 $0x1  }
0x3d4: {  	s0 =	sadd.s32 s1, s0;
	s7 =	simm.s32 @!p0 $0x0  }
0x3d5: {  	[smem:s0] =	sst s29;
	s1 =	sadd.s32 s7, s0;
	s30 =	spop (v2sf)  }
0x3d6: {  	s7 =	simm.s32 $0x1;
	p0 =	sgt.s32 s30, $0x0;
	s31 =	spop (v2sf)  }
0x3d7: {  	s0 =	simm.s32 $0x1;
	s7 =	simm.s32 @!p0 $0x0;
	p0 =	sgt.s32 s31, $0x0  }
0x3d8: {  	[smem:s1] =	sst s28;
	s1 =	sadd.s32 s7, s1;
	s0 =	simm.s32 @!p0 $0x0  }
0x3d9: {  	s7 =	sadd.s32 s0, s1  }
0x3da: {  	p0 =	slt.s32 s7, $0x1  }
.Ltmp59:
0x3db: {  	_ = 	snop;
	(pc) =	sbr.rel @p0 .LBB2_107-.Ltmp59, $2  }
0x3dc: {  	_ =	sdelay $0x2  }
0x3dd: {  	[smem:s1] =	sst s26  }
0x3de: {  	s0 =	sadd.s32 s0, s1  }
0x3df: {  	s31 =	sld [smem:$0x0];
	p1 =	sne.s32 s0, $0x1  }
.Ltmp60:
0x3e0: {  	_ = 	snop;
	(pc) =	sbr.rel @!p1 .LBB2_106-.Ltmp60, $4  }
0x3e1: {  	_ = 	snop  }
0x3e2: {  	s1 =	sshll.u32 s31, $0x9  }
0x3e3: {  	s28 =	sshra.s32 s1, $0x2  }
0x3e4: {  	s26 =	simm.s32 $0x0;
	p0 =	por $0x0, $0x0;
	s0 =	sadd.s32 $0xFFFFFFFF, s0;
	v3 =	vld [tilespmem:s28+$0x0]  }
0x3e5: {  	_ =	sdelay $0x3  }
0x3e6: {  	vm0 =	vge.f32 v3, v2  }
0x3e7: {  	[tilespmem:s26+$0x10000] =	vst.msk vm0, v3;
	v3 =	vmpcnt.ones.xlane vm0  }
0x3e8: {  	v4 =	vld [tilespmem:s28+$0x10]  }
0x3e9: {  	(v2sf) =	vpush v3, $0x0;
	_ =	sdelay $0x3  }
0x3ea: {  	vm9 =	vge.f32 v4, v2  }
0x3eb: {  	v3 =	vmpcnt.ones.xlane vm9;
	_ =	sdelay $0x1  }
0x3ec: {  	(v2sf) =	vpush v3, $0x0;
	_ =	sdelay $0x7  }
0x3ed: {  	s1 =	spop (v2sf)  }
0x3ee: {  	s1 =	sadd.s32 $0x0, s1  }
0x3ef: {  	[tilespmem:s1+$0x10000] =	vst.msk vm9, v4  }
0x3f0: {  	v3 =	vld [tilespmem:s28+$0x20];
	_ =	sdelay $0x3  }
0x3f1: {  	s7 =	spop (v2sf)  }
0x3f2: {  	s1 =	sadd.s32 s1, s7;
	vm10 =	vge.f32 v3, v2  }
0x3f3: {  	[tilespmem:s1+$0x10000] =	vst.msk vm10, v3;
	v3 =	vmpcnt.ones.xlane vm10  }
0x3f4: {  	v4 =	vld [tilespmem:s28+$0x30]  }
0x3f5: {  	(v2sf) =	vpush v3, $0x0;
	_ =	sdelay $0x3  }
0x3f6: {  	vm11 =	vge.f32 v4, v2  }
0x3f7: {  	v3 =	vmpcnt.ones.xlane vm11;
	_ =	sdelay $0x1  }
0x3f8: {  	(v2sf) =	vpush v3, $0x0;
	_ =	sdelay $0x7  }
0x3f9: {  	s9 =	spop (v2sf)  }
0x3fa: {  	s1 =	sadd.s32 s1, s9  }
0x3fb: {  	[tilespmem:s1+$0x10000] =	vst.msk vm11, v4  }
0x3fc: {  	v3 =	vld [tilespmem:s28+$0x40];
	_ =	sdelay $0x3  }
0x3fd: {  	s31 =	spop (v2sf)  }
0x3fe: {  	s1 =	sadd.s32 s1, s31;
	vm12 =	vge.f32 v3, v2  }
0x3ff: {  	[tilespmem:s1+$0x10000] =	vst.msk vm12, v3;
	v3 =	vmpcnt.ones.xlane vm12  }
0x400: {  	v4 =	vld [tilespmem:s28+$0x50]  }
0x401: {  	(v2sf) =	vpush v3, $0x0;
	_ =	sdelay $0x3  }
0x402: {  	vm13 =	vge.f32 v4, v2  }
0x403: {  	v3 =	vmpcnt.ones.xlane vm13;
	_ =	sdelay $0x1  }
0x404: {  	(v2sf) =	vpush v3, $0x0;
	_ =	sdelay $0x7  }
0x405: {  	s8 =	spop (v2sf)  }
0x406: {  	s1 =	sadd.s32 s1, s8  }
0x407: {  	[tilespmem:s1+$0x10000] =	vst.msk vm13, v4  }
0x408: {  	v3 =	vld [tilespmem:s28+$0x60];
	_ =	sdelay $0x3  }
0x409: {  	s9 =	spop (v2sf)  }
0x40a: {  	s1 =	sadd.s32 s1, s9;
	vm14 =	vge.f32 v3, v2  }
0x40b: {  	[tilespmem:s1+$0x10000] =	vst.msk vm14, v3;
	v4 =	vmpcnt.ones.xlane vm14  }
0x40c: {  	v3 =	vld [tilespmem:s28+$0x70]  }
0x40d: {  	(v2sf) =	vpush v4, $0x0;
	_ =	sdelay $0x3  }
0x40e: {  	vm15 =	vge.f32 v3, v2  }
0x40f: {  	v4 =	vmpcnt.ones.xlane vm15;
	_ =	sdelay $0x1  }
0x410: {  	(v2sf) =	vpush v4, $0x0;
	_ =	sdelay $0x5  }
0x411: {  	s31 =	sld [smem:$0x1];
	_ =	sdelay $0x1  }
0x412: {  	s8 =	spop (v2sf)  }
0x413: {  	s7 =	sshll.u32 s31, $0x9;
	s1 =	sadd.s32 s1, s8  }
0x414: {  	p1 =	sne.s32 s0, $0x1;
	s28 =	sshra.s32 s7, $0x2;
	[tilespmem:s1+$0x10000] =	vst.msk vm15, v3  }
.Ltmp61:
0x415: {  	v3 =	vld [tilespmem:s28+$0x0];
	(pc) =	sbr.rel @!p1 .LBB2_110-.Ltmp61, $3  }
0x416: {  	_ =	sdelay $0x1  }
0x417: {  	s29 =	sadd.s32 $0xFFFFFFFF, s0  }
0x418: {  	s30 =	simm.s32 $0x1;
	p0 =	por $0x1, $0x1;
	s0 =	spop (v2sf)  }
.LBB2_109:
0x419: {  	p1 =	sne.s32 s29, $0x1;
	s29 =	sadd.s32 $0xFFFFFFFF, s29;
	vm0 =	vge.f32 v3, v2;
	s0 =	sadd.s32 s1, s0  }
0x41a: {  	[tilespmem:s0+$0x10000] =	vst.msk vm0, v3;
	v3 =	vmpcnt.ones.xlane vm0  }
0x41b: {  	v4 =	vld [tilespmem:s28+$0x10]  }
0x41c: {  	(v2sf) =	vpush v3, $0x0;
	_ =	sdelay $0x3  }
0x41d: {  	vm0 =	vge.f32 v4, v2  }
0x41e: {  	v3 =	vmpcnt.ones.xlane vm0;
	_ =	sdelay $0x1  }
0x41f: {  	(v2sf) =	vpush v3, $0x0;
	_ =	sdelay $0x7  }
0x420: {  	s1 =	spop (v2sf)  }
0x421: {  	s0 =	sadd.s32 s0, s1  }
0x422: {  	[tilespmem:s0+$0x10000] =	vst.msk vm0, v4  }
0x423: {  	v3 =	vld [tilespmem:s28+$0x20];
	_ =	sdelay $0x3  }
0x424: {  	s1 =	spop (v2sf)  }
0x425: {  	s0 =	sadd.s32 s0, s1;
	vm0 =	vge.f32 v3, v2  }
0x426: {  	[tilespmem:s0+$0x10000] =	vst.msk vm0, v3;
	v3 =	vmpcnt.ones.xlane vm0  }
0x427: {  	v4 =	vld [tilespmem:s28+$0x30]  }
0x428: {  	(v2sf) =	vpush v3, $0x0;
	_ =	sdelay $0x3  }
0x429: {  	vm0 =	vge.f32 v4, v2  }
0x42a: {  	v3 =	vmpcnt.ones.xlane vm0;
	_ =	sdelay $0x1  }
0x42b: {  	(v2sf) =	vpush v3, $0x0;
	_ =	sdelay $0x7  }
0x42c: {  	s1 =	spop (v2sf)  }
0x42d: {  	s0 =	sadd.s32 s0, s1  }
0x42e: {  	[tilespmem:s0+$0x10000] =	vst.msk vm0, v4  }
0x42f: {  	v3 =	vld [tilespmem:s28+$0x40];
	_ =	sdelay $0x3  }
0x430: {  	s1 =	spop (v2sf)  }
0x431: {  	s0 =	sadd.s32 s0, s1;
	vm0 =	vge.f32 v3, v2  }
0x432: {  	[tilespmem:s0+$0x10000] =	vst.msk vm0, v3;
	v3 =	vmpcnt.ones.xlane vm0  }
0x433: {  	v4 =	vld [tilespmem:s28+$0x50]  }
0x434: {  	(v2sf) =	vpush v3, $0x0;
	_ =	sdelay $0x3  }
0x435: {  	vm0 =	vge.f32 v4, v2  }
0x436: {  	v3 =	vmpcnt.ones.xlane vm0;
	_ =	sdelay $0x1  }
0x437: {  	(v2sf) =	vpush v3, $0x0;
	_ =	sdelay $0x7  }
0x438: {  	s1 =	spop (v2sf)  }
0x439: {  	s0 =	sadd.s32 s0, s1  }
0x43a: {  	[tilespmem:s0+$0x10000] =	vst.msk vm0, v4  }
0x43b: {  	v3 =	vld [tilespmem:s28+$0x60];
	_ =	sdelay $0x3  }
0x43c: {  	s1 =	spop (v2sf)  }
0x43d: {  	s0 =	sadd.s32 s0, s1;
	vm0 =	vge.f32 v3, v2  }
0x43e: {  	[tilespmem:s0+$0x10000] =	vst.msk vm0, v3;
	v3 =	vmpcnt.ones.xlane vm0  }
0x43f: {  	v4 =	vld [tilespmem:s28+$0x70]  }
0x440: {  	(v2sf) =	vpush v3, $0x0;
	_ =	sdelay $0x3  }
0x441: {  	vm0 =	vge.f32 v4, v2  }
0x442: {  	v3 =	vmpcnt.ones.xlane vm0;
	_ =	sdelay $0x1  }
0x443: {  	(v2sf) =	vpush v3, $0x0;
	_ =	sdelay $0x4  }
0x444: {  	s30 =	sadd.s32 $0x1, s30  }
0x445: {  	s1 =	sld [smem:s30+$0x0];
	_ =	sdelay $0x1  }
0x446: {  	s7 =	spop (v2sf)  }
0x447: {  	s8 =	sshll.u32 s1, $0x9;
	s1 =	sadd.s32 s0, s7  }
0x448: {  	s28 =	sshra.s32 s8, $0x2;
	[tilespmem:s1+$0x10000] =	vst.msk vm0, v4  }
.Ltmp62:
0x449: {  	v3 =	vld [tilespmem:s28+$0x0];
	(pc) =	sbr.rel @p1 .LBB2_109-.Ltmp62, $2  }
0x44a: {  	_ =	sdelay $0x2  }
0x44b: {  	s0 =	spop (v2sf)  }
.LBB2_110:
0x44c: {  	s0 =	sadd.s32 @p0 s1, s0  }
0x44d: {  	vm0 =	vge.f32 v3, v2;
	s26 =	smov.u32 @p0 s0  }
0x44e: {  	[tilespmem:s26+$0x10000] =	vst.msk vm0, v3;
	v3 =	vmpcnt.ones.xlane vm0  }
0x44f: {  	v4 =	vld [tilespmem:s28+$0x10]  }
0x450: {  	(v2sf) =	vpush v3, $0x0;
	_ =	sdelay $0x3  }
0x451: {  	vm9 =	vge.f32 v4, v2  }
0x452: {  	v3 =	vmpcnt.ones.xlane vm9;
	_ =	sdelay $0x1  }
0x453: {  	(v2sf) =	vpush v3, $0x0;
	_ =	sdelay $0x7  }
0x454: {  	s1 =	spop (v2sf)  }
0x455: {  	s0 =	sadd.s32 s26, s1  }
0x456: {  	[tilespmem:s0+$0x10000] =	vst.msk vm9, v4  }
0x457: {  	v3 =	vld [tilespmem:s28+$0x20];
	_ =	sdelay $0x3  }
0x458: {  	s7 =	spop (v2sf)  }
0x459: {  	s0 =	sadd.s32 s0, s7;
	vm10 =	vge.f32 v3, v2  }
0x45a: {  	[tilespmem:s0+$0x10000] =	vst.msk vm10, v3;
	v3 =	vmpcnt.ones.xlane vm10  }
0x45b: {  	v4 =	vld [tilespmem:s28+$0x30]  }
0x45c: {  	(v2sf) =	vpush v3, $0x0;
	_ =	sdelay $0x3  }
0x45d: {  	vm11 =	vge.f32 v4, v2  }
0x45e: {  	v3 =	vmpcnt.ones.xlane vm11;
	_ =	sdelay $0x1  }
0x45f: {  	(v2sf) =	vpush v3, $0x0;
	_ =	sdelay $0x7  }
0x460: {  	s8 =	spop (v2sf)  }
0x461: {  	s0 =	sadd.s32 s0, s8  }
0x462: {  	[tilespmem:s0+$0x10000] =	vst.msk vm11, v4  }
0x463: {  	v3 =	vld [tilespmem:s28+$0x40];
	_ =	sdelay $0x3  }
0x464: {  	s9 =	spop (v2sf)  }
0x465: {  	s0 =	sadd.s32 s0, s9;
	vm12 =	vge.f32 v3, v2  }
0x466: {  	[tilespmem:s0+$0x10000] =	vst.msk vm12, v3;
	v3 =	vmpcnt.ones.xlane vm12  }
0x467: {  	v4 =	vld [tilespmem:s28+$0x50]  }
0x468: {  	(v2sf) =	vpush v3, $0x0;
	_ =	sdelay $0x3  }
0x469: {  	vm13 =	vge.f32 v4, v2  }
0x46a: {  	v3 =	vmpcnt.ones.xlane vm13;
	_ =	sdelay $0x1  }
0x46b: {  	(v2sf) =	vpush v3, $0x0;
	_ =	sdelay $0x7  }
0x46c: {  	s26 =	spop (v2sf)  }
0x46d: {  	s0 =	sadd.s32 s0, s26  }
0x46e: {  	[tilespmem:s0+$0x10000] =	vst.msk vm13, v4  }
0x46f: {  	v3 =	vld [tilespmem:s28+$0x60];
	_ =	sdelay $0x3  }
0x470: {  	s29 =	spop (v2sf)  }
0x471: {  	s0 =	sadd.s32 s0, s29;
	vm14 =	vge.f32 v3, v2  }
0x472: {  	[tilespmem:s0+$0x10000] =	vst.msk vm14, v3  }
0x473: {  	v3 =	vld [tilespmem:s28+$0x70];
	_ =	sdelay $0x4  }
0x474: {  	v63 =	vmpcnt.ones.xlane vm14;
	vm15 =	vge.f32 v3, v2  }
0x475: {  	v2 =	vmpcnt.ones.xlane vm15  }
0x476: {  	(v2sf) =	vpush v63, $0x0  }
0x477: {  	(v2sf) =	vpush v2, $0x0;
	_ =	sdelay $0xd  }
0x478: {  	s30 =	spop (v2sf)  }
0x479: {  	s0 =	sadd.s32 s0, s30;
	s31 =	spop (v2sf)  }
0x47a: {  	s1 =	sadd.s32 s0, s31  }
0x47b: {  	s7 =	sadd.s32 $0xF, s1  }
0x47c: {  	s28 =	sshra.s32 s7, $0x4  }
0x47d: {  	p0 =	sgt.s32 s28, $0x0  }
.Ltmp63:
0x47e: {  	_ = 	snop;
	(pc) =	sbr.rel @!p0 .LBB2_111-.Ltmp63, $3  }
0x47f: {  	_ =	sdelay $0x1  }
0x480: {  	[tilespmem:s0+$0x10000] =	vst.msk vm15, v3  }
0x481: {  	s0 =	simm.s32 $0x10000;
	[tilespmem:s1+$0x10000] =	vst v0  }
0x482: {  	p0 =	seq.s32 s28, $0x1  }
.Ltmp64:
0x483: {  	_ = 	snop;
	(pc) =	sbr.rel @p0 .LBB2_115-.Ltmp64, $2  }
0x484: {  	_ =	sdelay $0x2  }
0x485: {  	v2 =	vld [tilespmem:s0+$0x0];
	s1 =	sadd.s32 $0xFFFFFFFF, s28  }
.LBB2_114:
0x486: {  	p0 =	seq.s32 s1, $0x1;
	_ =	sdelay $0x2  }
.Ltmp65:
0x487: {  	(pc) =	sbr.rel @!p0 .LBB2_114-.Ltmp65, $4  }
0x488: {  	v3 =	vxor.u32 $0xFFFFFFFF, v2;
	v4 =	vor.u32 $0x80000000, v2;
	vm0 =	vlt.s32 v2, $0x0  }
0x489: {  	v2 =	vsel vm0, v3, v4  }
0x48a: {  	[tilespmem:s0+$0x0] =	vst v2;
	s0 =	sadd.s32 $0x10, s0  }
0x48b: {  	s1 =	sadd.s32 $0xFFFFFFFF, s1;
	v2 =	vld [tilespmem:s0+$0x0]  }
.LBB2_115:
0x48c: {  	_ =	sdelay $0x1  }
.Ltmp66:
0x48d: {  	_ = 	snop;
	(pc) =	sbr.rel .LBB2_112-.Ltmp66, $4  }
0x48e: {  	_ = 	snop  }
0x48f: {  	v3 =	vxor.u32 $0xFFFFFFFF, v2;
	v4 =	vor.u32 $0x80000000, v2;
	vm0 =	vlt.s32 v2, $0x0  }
0x490: {  	v2 =	vsel vm0, v3, v4  }
0x491: {  	p0 =	por $0x1, $0x1;
	[tilespmem:s0+$0x0] =	vst v2  }
.LBB2_107:
.Ltmp67:
0x492: {  	(pc) =	sbr.rel .LBB2_112-.Ltmp67, $2  }
0x493: {  	_ =	sdelay $0x2  }
0x494: {  	[tilespmem:$0x10000] =	vst v0;
	s28 =	simm.s32 $0x0;
	p0 =	por $0x0, $0x0  }
.LBB2_111:
0x495: {  	p0 =	por $0x0, $0x0  }
.LBB2_112:
0x496: {  	s29 =	simm.s32 $0x0;
	s26 =	simm.s32 $0x0  }
.LBB2_117:
.Ltmp68:
0x497: {  	(pc) =	sbr.rel @p0 .LBB2_118-.Ltmp68, $1  }
0x498: {  	_ =	sdelay $0x3  }
0x499: {  	s29 =	sadd.s32 $0x1, s29  }
0x49a: {  	p1 =	seq.s32 s29, $0x20  }
.Ltmp69:
0x49b: {  	_ = 	snop;
	(pc) =	sbr.rel @!p1 .LBB2_117-.Ltmp69, $4  }
.Ltmp70:
0x49c: {  	_ = 	snop;
	(pc) =	sbr.rel @p1 .LBB2_199-.Ltmp70, $4  }
0x49d: {  	_ = 	snop  }
0x49e: {  	_ = 	snop  }
0x49f: {  	_ = 	snop  }
0x4a0: {  	_ = 	snop  }
.LBB2_118:
0x4a1: {  	s0 =	simm.s32 $0x10000  }
0x4a2: {  	p4 =	sne.s32 s28, $0x1;
	v3 =	vld [tilespmem:s0+$0x0]  }
.Ltmp71:
0x4a3: {  	_ = 	snop;
	(pc) =	sbr.rel @!p4 .LBB2_119-.Ltmp71, $4  }
0x4a4: {  	s9 =	sshrl.u32 s16, s29  }
0x4a5: {  	s31 =	sor.u32 s9, s26  }
0x4a6: {  	s30 =	sadd.s32 $0xFFFFFFFF, s28;
	s1 =	simm.s32 $0x10010;
	p1 =	por $0x0, $0x0;
	v2 =	vmov s31  }
0x4a7: {  	p2 =	por $0x0, $0x0;
	p3 =	por $0x0, $0x0;
	s0 =	simm.s32 $0x0;
	vm0 =	vge.u32 v3, v2  }
0x4a8: {  	v3 =	vld [tilespmem:s1+$0x0];
	p4 =	sne.s32 s30, $0x1  }
.Ltmp72:
0x4a9: {  	_ = 	snop;
	(pc) =	sbr.rel @!p4 .LBB2_121-.Ltmp72, $3  }
0x4aa: {  	_ = 	snop  }
0x4ab: {  	v4 =	vmpcnt.ones.xlane vm0;
	_ =	sdelay $0x1  }
0x4ac: {  	s1 =	sadd.s32 $0xFFFFFFFF, s30;
	s7 =	simm.s32 $0x10020;
	p1 =	por $0x1, $0x1;
	(v2sf) =	vpush v4, $0x0;
	vm0 =	vge.u32 v3, v2  }
0x4ad: {  	v4 =	vmpcnt.ones.xlane vm0;
	_ =	sdelay $0x1  }
0x4ae: {  	(v2sf) =	vpush v4, $0x0;
	_ =	sdelay $0x3  }
0x4af: {  	v3 =	vld [tilespmem:s7+$0x0];
	p4 =	sne.s32 s1, $0x1  }
.Ltmp73:
0x4b0: {  	_ = 	snop;
	(pc) =	sbr.rel @!p4 .LBB2_123-.Ltmp73, $2  }
0x4b1: {  	_ =	sdelay $0x2  }
0x4b2: {  	s1 =	sadd.s32 $0xFFFFFFFF, s1;
	s7 =	simm.s32 $0x10030;
	p2 =	por $0x1, $0x1;
	vm0 =	vge.u32 v3, v2  }
0x4b3: {  	v4 =	vmpcnt.ones.xlane vm0;
	_ =	sdelay $0x1  }
0x4b4: {  	(v2sf) =	vpush v4, $0x0;
	_ =	sdelay $0x2  }
0x4b5: {  	v3 =	vld [tilespmem:s7+$0x0];
	p4 =	sne.s32 s1, $0x1  }
.Ltmp74:
0x4b6: {  	_ = 	snop;
	(pc) =	sbr.rel @!p4 .LBB2_125-.Ltmp74, $3  }
0x4b7: {  	_ =	sdelay $0x1  }
0x4b8: {  	s8 =	sadd.s32 $0xFFFFFFFF, s1;
	s9 =	simm.s32 $0x10040  }
0x4b9: {  	p3 =	por $0x1, $0x1;
	s1 =	simm.s32 $0x0;
	s7 =	spop (v2sf);
	vm0 =	vge.u32 v3, v2  }
.LBB2_126:
0x4ba: {  	v3 =	vld [tilespmem:s9+$0x0];
	p4 =	sne.s32 s8, $0x1;
	s8 =	sadd.s32 $0xFFFFFFFF, s8;
	v4 =	vmpcnt.ones.xlane vm0;
	s1 =	sadd.s32 s1, s7  }
.Ltmp75:
0x4bb: {  	(pc) =	sbr.rel @p4 .LBB2_126-.Ltmp75, $2  }
0x4bc: {  	(v2sf) =	vpush v4, $0x0;
	_ =	sdelay $0x3  }
0x4bd: {  	s9 =	sadd.s32 $0x10, s9;
	vm0 =	vge.u32 v3, v2;
	s7 =	spop (v2sf)  }
0x4be: {  	_ = 	snop  }
.LBB2_128:
0x4bf: {  	v2 =	vmpcnt.ones.xlane vm0;
	_ =	sdelay $0x1  }
0x4c0: {  	(v2sf) =	vpush v2, $0x0;
	_ =	sdelay $0x9  }
0x4c1: {  	s1 =	sadd.s32 @p3 s1, s7;
	s7 =	spop @p2 (v2sf);
	s8 =	simm.s32 $0x0  }
0x4c2: {  	s7 =	smov.u32 @p2 s7;
	s8 =	smov.u32 @p3 s1  }
0x4c3: {  	s1 =	sadd.s32 @p2 s8, s7;
	s8 =	simm.s32 $0x0;
	s7 =	spop @p1 (v2sf)  }
0x4c4: {  	s8 =	smov.u32 @p2 s1;
	p2 =	seq.s32 s29, $0x1F;
	s7 =	smov.u32 @p1 s7  }
.Ltmp76:
0x4c5: {  	s1 =	sadd.s32 @p1 s8, s7;
	(pc) =	sbr.rel @!p2 .LBB2_117-.Ltmp76, $4  }
.Ltmp77:
0x4c6: {  	s0 =	smov.u32 @p1 s1;
	s9 =	spop (v2sf);
	(pc) =	sbr.rel @p2 .LBB2_129-.Ltmp77, $4  }
0x4c7: {  	s0 =	sadd.s32 s0, s9  }
0x4c8: {  	p1 =	sgt.s32 s0, $0x1F  }
0x4c9: {  	s29 =	sadd.s32 $0x1, s29;
	s26 =	smov.u32 @p1 s31  }
0x4ca: {  	_ = 	snop  }
.LBB2_119:
.Ltmp78:
0x4cb: {  	(pc) =	sbr.rel .LBB2_128-.Ltmp78, $2  }
0x4cc: {  	_ =	sdelay $0x2  }
0x4cd: {  	s1 =	simm.s32 $0x0  }
.LBB2_121:
.Ltmp79:
0x4ce: {  	(pc) =	sbr.rel .LBB2_128-.Ltmp79, $2  }
0x4cf: {  	_ =	sdelay $0x2  }
0x4d0: {  	s1 =	simm.s32 $0x0  }
.LBB2_123:
.Ltmp80:
0x4d1: {  	(pc) =	sbr.rel .LBB2_128-.Ltmp80, $2  }
0x4d2: {  	_ =	sdelay $0x2  }
0x4d3: {  	s1 =	simm.s32 $0x0  }
.LBB2_125:
.Ltmp81:
0x4d4: {  	(pc) =	sbr.rel .LBB2_128-.Ltmp81, $2  }
0x4d5: {  	_ =	sdelay $0x2  }
0x4d6: {  	s1 =	simm.s32 $0x0  }
.LBB2_199:
0x4d7: {  	p0 =	sgt.s32 s26, $0xFFFFFFFF;
	s0 =	simm.s32 $0xFFFFFFFF  }
0x4d8: {  	s0 =	simm.s32 @!p0 $0x80000000  }
0x4d9: {  	s0 =	sxor.u32 s26, s0  }
0x4da: {  	v2 =	vmov s0  }
0x4db: {  	v2 =	vbroadcast v2, $0x0  }
.LBB2_140:
0x4dc: {  	s0 =	simm.s32 $0x40  }
0x4dd: {  	v6 =	vld [tilespmem:s0+$0x30]  }
0x4de: {  	v9 =	vld [tilespmem:s0+$0xFFFFFFD0]  }
0x4df: {  	v8 =	vld [tilespmem:s0+$0xFFFFFFE0]  }
0x4e0: {  	v7 =	vld [tilespmem:s0+$0xFFFFFFF0]  }
0x4e1: {  	v5 =	vld [tilespmem:s0+$0x0]  }
0x4e2: {  	v4 =	vld [tilespmem:s0+$0x10];
	vm0 =	vge.f32 v6, v2  }
0x4e3: {  	v3 =	vld [tilespmem:s0+$0x20];
	vm1 =	vge.f32 v9, v2;
	v10 =	vnsel vm0, $0x0, v6  }
0x4e4: {  	s26 =	simm.s32 $0x0;
	s28 =	simm.s32 $0xC0;
	v6 =	vld [tilespmem:s0+$0xFFFFFFC0];
	v9 =	vnsel vm1, $0x0, v9;
	vm0 =	vge.f32 v8, v2;
	[tilespmem:s0+$0x30] =	vst v10  }
.LBB2_141:
0x4e5: {  	v10 =	vld [tilespmem:s28+$0x30];
	s26 =	sadd.s32 $0x8, s26;
	[tilespmem:s0+$0xFFFFFFD0] =	vst v9;
	v8 =	vnsel vm0, $0x0, v8;
	vm0 =	vge.f32 v7, v2  }
0x4e6: {  	v9 =	vld [tilespmem:s28+$0xFFFFFFD0];
	p0 =	slt.u32 s26, $0x7F8;
	[tilespmem:s0+$0xFFFFFFE0] =	vst v8;
	v7 =	vnsel vm0, $0x0, v7;
	vm0 =	vge.f32 v5, v2  }
0x4e7: {  	v8 =	vld [tilespmem:s28+$0xFFFFFFE0];
	[tilespmem:s0+$0xFFFFFFF0] =	vst v7;
	v5 =	vnsel vm0, $0x0, v5;
	vm0 =	vge.f32 v4, v2  }
.Ltmp82:
0x4e8: {  	v7 =	vld [tilespmem:s28+$0xFFFFFFF0];
	[tilespmem:s0+$0x0] =	vst v5;
	v4 =	vnsel vm0, $0x0, v4;
	vm0 =	vge.f32 v3, v2;
	(pc) =	sbr.rel @p0 .LBB2_141-.Ltmp82, $4  }
0x4e9: {  	v5 =	vld [tilespmem:s28+$0x0];
	vm1 =	vge.f32 v6, v2;
	[tilespmem:s0+$0x10] =	vst v4;
	v3 =	vnsel vm0, $0x0, v3  }
0x4ea: {  	v4 =	vld [tilespmem:s28+$0x10];
	vm0 =	vge.f32 v10, v2;
	v6 =	vnsel vm1, $0x0, v6;
	[tilespmem:s0+$0x20] =	vst v3  }
0x4eb: {  	vm1 =	vge.f32 v9, v2;
	v3 =	vld [tilespmem:s28+$0x20];
	v10 =	vnsel vm0, $0x0, v10;
	[tilespmem:s0+$0xFFFFFFC0] =	vst v6;
	s0 =	smov.u32 s28  }
0x4ec: {  	s28 =	sadd.s32 $0x80, s28;
	v6 =	vld [tilespmem:s0+$0xFFFFFFC0];
	v9 =	vnsel vm1, $0x0, v9;
	vm0 =	vge.f32 v8, v2;
	[tilespmem:s0+$0x30] =	vst v10  }
0x4ed: {  	[tilespmem:s0+$0xFFFFFFD0] =	vst v9;
	v8 =	vnsel vm0, $0x0, v8;
	vm12 =	vge.f32 v7, v2  }
0x4ee: {  	[tilespmem:s0+$0xFFFFFFE0] =	vst v8;
	v7 =	vnsel vm12, $0x0, v7;
	vm13 =	vge.f32 v5, v2  }
0x4ef: {  	[tilespmem:s0+$0xFFFFFFF0] =	vst v7;
	v5 =	vnsel vm13, $0x0, v5;
	vm14 =	vge.f32 v4, v2  }
0x4f0: {  	[tilespmem:s0+$0x0] =	vst v5;
	v4 =	vnsel vm14, $0x0, v4;
	vm15 =	vge.f32 v3, v2  }
0x4f1: {  	vm1 =	vge.f32 v6, v2;
	[tilespmem:s0+$0x10] =	vst v4;
	v2 =	vnsel vm15, $0x0, v3  }
0x4f2: {  	v3 =	vnsel vm1, $0x0, v6;
	[tilespmem:s0+$0x20] =	vst v2  }
0x4f3: {  	[tilespmem:s0+$0xFFFFFFC0] =	vst v3  }
.LBB2_146:
0x4f4: {  	s0 =	sadd.s32 s3, s25  }
0x4f5: {  	s0 =	sadd.s32 s24, s0;
	s24 =	simm.s32 $0x0  }
0x4f6: {  	[hbm4b:s0+s12] =	stream.strided.scatter [tilespmem:s24], [sflag:$0x3], $0x8000, s13, s12, $0x38;
	[tilespmem:$0x19080] =	vst v63  }
0x4f7: {  	_ =	swait.ge [sflag:s17], $0x8000  }
0x4f8: {  	[sflag:s17] =	ssyncset.done $0x0  }
0x4f9: {  	s31 =	simm.s32 $0x8040;
	[sflag:s17] =	ssyncadd.s32 $0xFFFF8000  }
0x4fa: {  	v3 =	vld [tilespmem:s31+$0xFFFFFFC0]  }
0x4fb: {  	v4 =	vld [tilespmem:s31+$0xFFFFFFD0]  }
0x4fc: {  	v5 =	vld [tilespmem:s31+$0xFFFFFFE0]  }
0x4fd: {  	v6 =	vld [tilespmem:s31+$0xFFFFFFF0]  }
0x4fe: {  	v12 =	vld [tilespmem:s31+$0x0];
	_ =	sdelay $0x1  }
0x4ff: {  	v7 =	vimm.f32 $-Inf;
	v11 =	vld [tilespmem:s31+$0x10]  }
0x500: {  	v10 =	vld [tilespmem:s31+$0x20];
	v2 =	vmax.f32 v7, v3;
	v8 =	vmax.f32 v3, v4  }
0x501: {  	s0 =	simm.s32 $0x80C0;
	v9 =	vld [tilespmem:s31+$0x30];
	v3 =	vmax.f32 v7, v4;
	v4 =	vmax.f32 v7, v5;
	v13 =	vmax.f32 v8, v5  }
0x502: {  	v8 =	vld [tilespmem:s0+$0xFFFFFFC0];
	v5 =	vmax.f32 v7, v6;
	v14 =	vmax.f32 v13, v6;
	v6 =	vmax.f32 v7, v12  }
0x503: {  	s25 =	simm.s32 $0x40;
	s26 =	simm.s32 $0x80;
	v13 =	vld [tilespmem:s0+$0xFFFFFFD0];
	v15 =	vmax.f32 v14, v12;
	v14 =	vimm.f32 $-Inf;
	v12 =	vimm.f32 $-Inf  }
.LBB2_147:
0x504: {  	p0 =	sne.s32 s26, $0x3FC0;
	v16 =	vld [tilespmem:s0+$0xFFFFFFE0];
	v7 =	vmax.f32 v7, v11;
	v11 =	vmax.f32 v15, v11  }
0x505: {  	v15 =	vld [tilespmem:s0+$0xFFFFFFF0];
	v14 =	vmax.f32 v14, v10;
	v10 =	vmax.f32 v11, v10  }
0x506: {  	s1 =	sshra.s32 s24, $0x2;
	s24 =	smov.u32 s25;
	s25 =	smov.u32 s26;
	v17 =	vld [tilespmem:s0+$0x0];
	v12 =	vmax.f32 v12, v9;
	v9 =	vmax.f32 v10, v9  }
.Ltmp83:
0x507: {  	v11 =	vld [tilespmem:s0+$0x10];
	v2 =	vmax.f32 v2, v8;
	[tilespmem:s1+$0x18080] =	vst v9;
	(pc) =	sbr.rel @p0 .LBB2_147-.Ltmp83, $4  }
0x508: {  	v10 =	vld [tilespmem:s0+$0x20];
	v3 =	vmax.f32 v3, v13;
	v8 =	vmax.f32 v8, v13  }
0x509: {  	v9 =	vld [tilespmem:s0+$0x30];
	v4 =	vmax.f32 v4, v16;
	v13 =	vmax.f32 v8, v16;
	s0 =	sadd.s32 $0x80, s0  }
0x50a: {  	v8 =	vld [tilespmem:s0+$0xFFFFFFC0];
	v5 =	vmax.f32 v5, v15;
	v15 =	vmax.f32 v13, v15  }
0x50b: {  	s26 =	sadd.s32 $0x40, s26;
	v13 =	vld [tilespmem:s0+$0xFFFFFFD0];
	v6 =	vmax.f32 v6, v17;
	v15 =	vmax.f32 v15, v17  }
0x50c: {  	v16 =	vld [tilespmem:s0+$0xFFFFFFE0]  }
0x50d: {  	v17 =	vld [tilespmem:s0+$0xFFFFFFF0]  }
0x50e: {  	v18 =	vld [tilespmem:s0+$0x0]  }
0x50f: {  	v19 =	vld [tilespmem:s0+$0x10]  }
0x510: {  	v7 =	vmax.f32 v7, v11;
	v11 =	vmax.f32 v15, v11;
	v53 =	vld [tilespmem:s0+$0x20]  }
0x511: {  	v54 =	vld [tilespmem:s0+$0x30];
	v14 =	vmax.f32 v14, v10;
	v10 =	vmax.f32 v11, v10  }
0x512: {  	v11 =	vmax.f32 v12, v9;
	v9 =	vmax.f32 v10, v9;
	v2 =	vmax.f32 v2, v8  }
0x513: {  	v20 =	vmax.f32 v8, v13;
	v3 =	vmax.f32 v3, v13;
	v55 =	vxor.u32 $0xFFFFFFFF, v2  }
0x514: {  	vm0 =	vlt.s32 v2, $0x0;
	v20 =	vmax.f32 v20, v16;
	v4 =	vmax.f32 v4, v16  }
0x515: {  	v5 =	vmax.f32 v5, v17;
	v6 =	vmax.f32 v6, v18;
	v7 =	vmax.f32 v7, v19  }
0x516: {  	v10 =	vmax.f32 v14, v53;
	v11 =	vmax.f32 v11, v54;
	v56 =	vand.u32 $0x7FFFFFFF, v3  }
0x517: {  	vm11 =	vlt.s32 v3, $0x0;
	v8 =	vmax.f32 v20, v17;
	v13 =	vxor.u32 $0x80000000, v56  }
0x518: {  	v57 =	vxor.u32 $0xFFFFFFFF, v4;
	vm1 =	vlt.s32 v4, $0x0;
	v8 =	vmax.f32 v8, v18  }
0x519: {  	v58 =	vxor.u32 $0xFFFFFFFF, v5;
	vm12 =	vlt.s32 v5, $0x0;
	v8 =	vmax.f32 v8, v19  }
0x51a: {  	v59 =	vand.u32 $0x7FFFFFFF, v6;
	vm13 =	vlt.s32 v6, $0x0;
	v8 =	vmax.f32 v8, v53  }
0x51b: {  	v60 =	vand.u32 $0x7FFFFFFF, v7;
	v12 =	vmax.f32 v8, v54;
	v8 =	vand.u32 $0x7FFFFFFF, v2  }
0x51c: {  	vm14 =	vlt.s32 v7, $0x0;
	v62 =	vand.u32 $0x7FFFFFFF, v10;
	v8 =	vxor.u32 $0x80000000, v8  }
0x51d: {  	vm15 =	vlt.s32 v10, $0x0;
	v2 =	vsel vm0, v55, v8;
	v8 =	vxor.u32 $0xFFFFFFFF, v3  }
0x51e: {  	v3 =	vand.u32 $0x7FFFFFFF, v4;
	v4 =	vsel vm11, v8, v13;
	v8 =	vand.u32 $0x7FFFFFFF, v5  }
0x51f: {  	v63 =	vxor.u32 $0xFFFFFFFF, v11;
	vm2 =	vlt.s32 v11, $0x0;
	v8 =	vxor.u32 $0x80000000, v8  }
0x520: {  	v13 =	vxor.u32 $0x80000000, v59;
	v5 =	vsel vm12, v58, v8;
	v8 =	vxor.u32 $0xFFFFFFFF, v6  }
0x521: {  	v61 =	vxor.u32 $0x80000000, v60;
	v3 =	vxor.u32 $0x80000000, v3;
	v6 =	vsel vm13, v8, v13  }
0x522: {  	s30 =	sshra.s32 s24, $0x2;
	v8 =	vxor.u32 $0xFFFFFFFF, v7;
	v7 =	vxor.u32 $0xFFFFFFFF, v10;
	v10 =	vand.u32 $0x7FFFFFFF, v11  }
0x523: {  	s31 =	sshra.s32 s25, $0x2;
	s24 =	simm.s32 $0x0;
	s1 =	simm.s32 $0x80000000;
	[tilespmem:s30+$0x18080] =	vst v9;
	v14 =	vxor.u32 $0x80000000, v62;
	v3 =	vsel vm1, v57, v3;
	v10 =	vxor.u32 $0x80000000, v10  }
0x524: {  	s0 =	simm.s32 $0x1;
	s25 =	sor.u32 s1, s24;
	[tilespmem:s31+$0x18080] =	vst v12;
	v9 =	vsel vm14, v8, v61;
	v8 =	vsel vm15, v7, v14;
	v7 =	vsel vm2, v63, v10  }
.LBB2_149:
0x525: {  	p0 =	sne.s32 s0, $0xF;
	vm0 =	vge.u32 v2, s25  }
0x526: {  	v10 =	vmpcnt.ones.xlane vm0;
	vm0 =	vge.u32 v4, s25  }
0x527: {  	v11 =	vmpcnt.ones.xlane vm0;
	vm0 =	vge.u32 v3, s25  }
0x528: {  	v12 =	vmpcnt.ones.xlane vm0;
	vm0 =	vge.u32 v5, s25;
	(v2sf) =	vpush v10, $0x0  }
0x529: {  	v10 =	vmpcnt.ones.xlane vm0;
	vm0 =	vge.u32 v6, s25;
	(v2sf) =	vpush v11, $0x0  }
0x52a: {  	v11 =	vmpcnt.ones.xlane vm0;
	vm0 =	vge.u32 v9, s25;
	(v2sf) =	vpush v12, $0x0  }
0x52b: {  	v12 =	vmpcnt.ones.xlane vm0;
	vm0 =	vge.u32 v8, s25;
	(v2sf) =	vpush v10, $0x0  }
0x52c: {  	v10 =	vmpcnt.ones.xlane vm0;
	vm0 =	vge.u32 v7, s25;
	(v2sf) =	vpush v11, $0x0  }
0x52d: {  	v11 =	vmpcnt.ones.xlane vm0;
	(v2sf) =	vpush v12, $0x0  }
0x52e: {  	(v2sf) =	vpush v10, $0x0  }
0x52f: {  	(v2sf) =	vpush v11, $0x0;
	_ =	sdelay $0x7  }
0x530: {  	s1 =	spop (v2sf)  }
0x531: {  	s7 =	spop (v2sf)  }
0x532: {  	s1 =	sadd.s32 s1, s7;
	s7 =	spop (v2sf)  }
0x533: {  	s1 =	sadd.s32 s7, s1;
	s7 =	spop (v2sf)  }
0x534: {  	s1 =	sadd.s32 s7, s1;
	s7 =	spop (v2sf)  }
0x535: {  	s1 =	sadd.s32 s7, s1;
	s7 =	spop (v2sf)  }
0x536: {  	s1 =	sadd.s32 s7, s1;
	s7 =	spop (v2sf)  }
.Ltmp84:
0x537: {  	s1 =	sadd.s32 s7, s1;
	s7 =	spop (v2sf);
	(pc) =	sbr.rel @p0 .LBB2_149-.Ltmp84, $4  }
0x538: {  	s1 =	sadd.s32 s7, s1  }
0x539: {  	p1 =	sgt.s32 s1, $0x1F  }
0x53a: {  	s1 =	sshrl.u32 s16, s0;
	s24 =	smov.u32 @p1 s25  }
0x53b: {  	s0 =	sadd.s32 $0x1, s0;
	s25 =	sor.u32 s1, s24  }
0x53c: {  	vm0 =	vge.u32 v2, s25  }
0x53d: {  	v2 =	vmpcnt.ones.xlane vm0;
	vm0 =	vge.u32 v4, s25  }
0x53e: {  	v4 =	vmpcnt.ones.xlane vm0;
	vm0 =	vge.u32 v3, s25  }
0x53f: {  	v3 =	vmpcnt.ones.xlane vm0;
	vm0 =	vge.u32 v5, s25;
	(v2sf) =	vpush v2, $0x0  }
0x540: {  	v2 =	vmpcnt.ones.xlane vm0;
	vm0 =	vge.u32 v6, s25;
	(v2sf) =	vpush v4, $0x0  }
0x541: {  	v60 =	vmpcnt.ones.xlane vm0;
	vm0 =	vge.u32 v9, s25;
	(v2sf) =	vpush v3, $0x0  }
0x542: {  	v3 =	vmpcnt.ones.xlane vm0;
	vm0 =	vge.u32 v8, s25;
	(v2sf) =	vpush v2, $0x0  }
0x543: {  	v2 =	vmpcnt.ones.xlane vm0;
	vm0 =	vge.u32 v7, s25;
	(v2sf) =	vpush v60, $0x0  }
0x544: {  	v61 =	vmpcnt.ones.xlane vm0;
	(v2sf) =	vpush v3, $0x0  }
0x545: {  	(v2sf) =	vpush v2, $0x0  }
0x546: {  	(v2sf) =	vpush v61, $0x0;
	_ =	sdelay $0x7  }
0x547: {  	s0 =	spop (v2sf)  }
0x548: {  	s1 =	spop (v2sf)  }
0x549: {  	s0 =	sadd.s32 s0, s1;
	s30 =	spop (v2sf)  }
0x54a: {  	s0 =	sadd.s32 s30, s0;
	s31 =	spop (v2sf)  }
0x54b: {  	s0 =	sadd.s32 s31, s0;
	s7 =	spop (v2sf)  }
0x54c: {  	s0 =	sadd.s32 s7, s0;
	s8 =	spop (v2sf)  }
0x54d: {  	s0 =	sadd.s32 s8, s0;
	s9 =	spop (v2sf)  }
0x54e: {  	s0 =	sadd.s32 s9, s0;
	s26 =	spop (v2sf)  }
0x54f: {  	s0 =	sadd.s32 s26, s0  }
0x550: {  	p0 =	sgt.s32 s0, $0x1F  }
0x551: {  	s24 =	smov.u32 @p0 s25  }
0x552: {  	s28 =	simm.s32 $0x18080;
	s0 =	simm.s32 $0xFFFFFFFF;
	p0 =	sgt.s32 s24, $0xFFFFFFFF  }
0x553: {  	v3 =	vld [tilespmem:s28+$0x0];
	s0 =	simm.s32 @!p0 $0x80000000  }
0x554: {  	s0 =	sxor.u32 s24, s0  }
0x555: {  	v2 =	vmov s0  }
0x556: {  	v2 =	vbroadcast v2, $0x0;
	_ =	sdelay $0x1  }
0x557: {  	vm0 =	vge.f32 v3, v2  }
0x558: {  	v3 =	vmpcnt.ones.xlane vm0  }
0x559: {  	s29 =	simm.s32 $0x18090  }
0x55a: {  	s30 =	simm.s32 $0x180A0;
	(v2sf) =	vpush v3, $0x0;
	v3 =	vld [tilespmem:s29+$0x0]  }
0x55b: {  	v62 =	vld [tilespmem:s30+$0x0];
	_ =	sdelay $0x3  }
0x55c: {  	vm0 =	vge.f32 v3, v2  }
0x55d: {  	v3 =	vmpcnt.ones.xlane vm0;
	vm0 =	vge.f32 v62, v2  }
0x55e: {  	v4 =	vmpcnt.ones.xlane vm0  }
0x55f: {  	(v2sf) =	vpush v3, $0x0  }
0x560: {  	(v2sf) =	vpush v4, $0x0  }
0x561: {  	s31 =	simm.s32 $0x180B0  }
0x562: {  	v63 =	vld [tilespmem:s31+$0x0];
	_ =	sdelay $0x2  }
0x563: {  	s1 =	simm.s32 $0x4;
	s7 =	simm.s32 $0x180C0  }
0x564: {  	s26 =	simm.s32 $0x1;
	s25 =	simm.s32 $0x2;
	s0 =	simm.s32 $0x0  }
0x565: {  	s24 =	simm.s32 $0x3;
	[smem:s0] =	sst s0;
	vm0 =	vge.f32 v63, v2;
	s8 =	spop (v2sf)  }
.LBB2_151:
0x566: {  	p0 =	seq.s32 s1, $0xFF;
	p1 =	sgt.s32 s8, $0x0  }
0x567: {  	v3 =	vld [tilespmem:s7+$0x0];
	v4 =	vmpcnt.ones.xlane vm0;
	s8 =	smov.u32 s1;
	s1 =	sadd.s32 $0x1, s1;
	s9 =	simm.s32 $0x1  }
.Ltmp85:
0x568: {  	s9 =	simm.s32 @!p1 $0x0;
	(pc) =	sbr.rel @!p0 .LBB2_151-.Ltmp85, $4  }
0x569: {  	(v2sf) =	vpush v4, $0x0;
	s0 =	sadd.s32 s9, s0  }
0x56a: {  	[smem:s0] =	sst s26;
	s26 =	smov.u32 s25;
	s25 =	smov.u32 s24  }
0x56b: {  	s24 =	smov.u32 s8;
	_ =	sdelay $0x1  }
0x56c: {  	s7 =	sadd.s32 $0x10, s7;
	vm0 =	vge.f32 v3, v2;
	s8 =	spop (v2sf)  }
0x56d: {  	v3 =	vmpcnt.ones.xlane vm0;
	_ =	sdelay $0x1  }
0x56e: {  	(v2sf) =	vpush v3, $0x0;
	_ =	sdelay $0xa  }
0x56f: {  	p0 =	sgt.s32 s8, $0x0;
	s1 =	simm.s32 $0x1;
	s7 =	spop (v2sf)  }
0x570: {  	s1 =	simm.s32 @!p0 $0x0;
	p0 =	sgt.s32 s7, $0x0;
	s7 =	simm.s32 $0x1  }
0x571: {  	s0 =	sadd.s32 s1, s0;
	s7 =	simm.s32 @!p0 $0x0  }
0x572: {  	[smem:s0] =	sst s26;
	s1 =	sadd.s32 s7, s0;
	s30 =	spop (v2sf)  }
0x573: {  	s7 =	simm.s32 $0x1;
	p0 =	sgt.s32 s30, $0x0;
	s31 =	spop (v2sf)  }
0x574: {  	s0 =	simm.s32 $0x1;
	s7 =	simm.s32 @!p0 $0x0;
	p0 =	sgt.s32 s31, $0x0  }
0x575: {  	[smem:s1] =	sst s25;
	s1 =	sadd.s32 s7, s1;
	s0 =	simm.s32 @!p0 $0x0  }
0x576: {  	s7 =	sadd.s32 s0, s1  }
0x577: {  	p0 =	slt.s32 s7, $0x1  }
.Ltmp86:
0x578: {  	_ = 	snop;
	(pc) =	sbr.rel @p0 .LBB2_155-.Ltmp86, $2  }
0x579: {  	_ =	sdelay $0x2  }
0x57a: {  	[smem:s1] =	sst s24  }
0x57b: {  	s0 =	sadd.s32 s0, s1  }
0x57c: {  	s31 =	sld [smem:$0x0];
	p1 =	sne.s32 s0, $0x1  }
.Ltmp87:
0x57d: {  	_ = 	snop;
	(pc) =	sbr.rel @!p1 .LBB2_154-.Ltmp87, $4  }
0x57e: {  	_ = 	snop  }
0x57f: {  	s1 =	sshll.u32 s31, $0x9  }
0x580: {  	s25 =	sshra.s32 s1, $0x2  }
0x581: {  	s24 =	simm.s32 $0x0;
	p0 =	por $0x0, $0x0;
	s0 =	sadd.s32 $0xFFFFFFFF, s0;
	v3 =	vld [tilespmem:s25+$0x8000]  }
0x582: {  	_ =	sdelay $0x3  }
0x583: {  	vm0 =	vge.f32 v3, v2  }
0x584: {  	[tilespmem:s24+$0x10000] =	vst.msk vm0, v3;
	v3 =	vmpcnt.ones.xlane vm0  }
0x585: {  	v4 =	vld [tilespmem:s25+$0x8010]  }
0x586: {  	(v2sf) =	vpush v3, $0x0;
	_ =	sdelay $0x3  }
0x587: {  	vm9 =	vge.f32 v4, v2  }
0x588: {  	v3 =	vmpcnt.ones.xlane vm9;
	_ =	sdelay $0x1  }
0x589: {  	(v2sf) =	vpush v3, $0x0;
	_ =	sdelay $0x7  }
0x58a: {  	s1 =	spop (v2sf)  }
0x58b: {  	s1 =	sadd.s32 $0x0, s1  }
0x58c: {  	[tilespmem:s1+$0x10000] =	vst.msk vm9, v4  }
0x58d: {  	v3 =	vld [tilespmem:s25+$0x8020];
	_ =	sdelay $0x3  }
0x58e: {  	s7 =	spop (v2sf)  }
0x58f: {  	s1 =	sadd.s32 s1, s7;
	vm10 =	vge.f32 v3, v2  }
0x590: {  	[tilespmem:s1+$0x10000] =	vst.msk vm10, v3;
	v3 =	vmpcnt.ones.xlane vm10  }
0x591: {  	v4 =	vld [tilespmem:s25+$0x8030]  }
0x592: {  	(v2sf) =	vpush v3, $0x0;
	_ =	sdelay $0x3  }
0x593: {  	vm11 =	vge.f32 v4, v2  }
0x594: {  	v3 =	vmpcnt.ones.xlane vm11;
	_ =	sdelay $0x1  }
0x595: {  	(v2sf) =	vpush v3, $0x0;
	_ =	sdelay $0x7  }
0x596: {  	s9 =	spop (v2sf)  }
0x597: {  	s1 =	sadd.s32 s1, s9  }
0x598: {  	[tilespmem:s1+$0x10000] =	vst.msk vm11, v4  }
0x599: {  	v3 =	vld [tilespmem:s25+$0x8040];
	_ =	sdelay $0x3  }
0x59a: {  	s26 =	spop (v2sf)  }
0x59b: {  	s1 =	sadd.s32 s1, s26;
	vm12 =	vge.f32 v3, v2  }
0x59c: {  	[tilespmem:s1+$0x10000] =	vst.msk vm12, v3;
	v3 =	vmpcnt.ones.xlane vm12  }
0x59d: {  	v4 =	vld [tilespmem:s25+$0x8050]  }
0x59e: {  	(v2sf) =	vpush v3, $0x0;
	_ =	sdelay $0x3  }
0x59f: {  	vm13 =	vge.f32 v4, v2  }
0x5a0: {  	v3 =	vmpcnt.ones.xlane vm13;
	_ =	sdelay $0x1  }
0x5a1: {  	(v2sf) =	vpush v3, $0x0;
	_ =	sdelay $0x7  }
0x5a2: {  	s29 =	spop (v2sf)  }
0x5a3: {  	s1 =	sadd.s32 s1, s29  }
0x5a4: {  	[tilespmem:s1+$0x10000] =	vst.msk vm13, v4  }
0x5a5: {  	v3 =	vld [tilespmem:s25+$0x8060];
	_ =	sdelay $0x3  }
0x5a6: {  	s30 =	spop (v2sf)  }
0x5a7: {  	s1 =	sadd.s32 s1, s30;
	vm14 =	vge.f32 v3, v2  }
0x5a8: {  	[tilespmem:s1+$0x10000] =	vst.msk vm14, v3;
	v4 =	vmpcnt.ones.xlane vm14  }
0x5a9: {  	v3 =	vld [tilespmem:s25+$0x8070]  }
0x5aa: {  	(v2sf) =	vpush v4, $0x0;
	_ =	sdelay $0x3  }
0x5ab: {  	vm15 =	vge.f32 v3, v2  }
0x5ac: {  	v4 =	vmpcnt.ones.xlane vm15;
	_ =	sdelay $0x1  }
0x5ad: {  	(v2sf) =	vpush v4, $0x0;
	_ =	sdelay $0x5  }
0x5ae: {  	s31 =	sld [smem:$0x1];
	_ =	sdelay $0x1  }
0x5af: {  	s8 =	spop (v2sf)  }
0x5b0: {  	s7 =	sshll.u32 s31, $0x9;
	s1 =	sadd.s32 s1, s8  }
0x5b1: {  	p1 =	sne.s32 s0, $0x1;
	s25 =	sshra.s32 s7, $0x2;
	[tilespmem:s1+$0x10000] =	vst.msk vm15, v3  }
.Ltmp88:
0x5b2: {  	v3 =	vld [tilespmem:s25+$0x8000];
	(pc) =	sbr.rel @!p1 .LBB2_158-.Ltmp88, $3  }
0x5b3: {  	_ =	sdelay $0x1  }
0x5b4: {  	s28 =	simm.s32 $0x1  }
0x5b5: {  	p0 =	por $0x1, $0x1;
	s26 =	sadd.s32 $0xFFFFFFFF, s0;
	s0 =	spop (v2sf)  }
.LBB2_157:
0x5b6: {  	p1 =	sne.s32 s26, $0x1;
	s26 =	sadd.s32 $0xFFFFFFFF, s26;
	vm0 =	vge.f32 v3, v2;
	s0 =	sadd.s32 s1, s0  }
0x5b7: {  	[tilespmem:s0+$0x10000] =	vst.msk vm0, v3;
	v3 =	vmpcnt.ones.xlane vm0  }
0x5b8: {  	v4 =	vld [tilespmem:s25+$0x8010]  }
0x5b9: {  	(v2sf) =	vpush v3, $0x0;
	_ =	sdelay $0x3  }
0x5ba: {  	vm0 =	vge.f32 v4, v2  }
0x5bb: {  	v3 =	vmpcnt.ones.xlane vm0;
	_ =	sdelay $0x1  }
0x5bc: {  	(v2sf) =	vpush v3, $0x0;
	_ =	sdelay $0x7  }
0x5bd: {  	s1 =	spop (v2sf)  }
0x5be: {  	s0 =	sadd.s32 s0, s1  }
0x5bf: {  	[tilespmem:s0+$0x10000] =	vst.msk vm0, v4  }
0x5c0: {  	v3 =	vld [tilespmem:s25+$0x8020];
	_ =	sdelay $0x3  }
0x5c1: {  	s1 =	spop (v2sf)  }
0x5c2: {  	s0 =	sadd.s32 s0, s1;
	vm0 =	vge.f32 v3, v2  }
0x5c3: {  	[tilespmem:s0+$0x10000] =	vst.msk vm0, v3;
	v3 =	vmpcnt.ones.xlane vm0  }
0x5c4: {  	v4 =	vld [tilespmem:s25+$0x8030]  }
0x5c5: {  	(v2sf) =	vpush v3, $0x0;
	_ =	sdelay $0x3  }
0x5c6: {  	vm0 =	vge.f32 v4, v2  }
0x5c7: {  	v3 =	vmpcnt.ones.xlane vm0;
	_ =	sdelay $0x1  }
0x5c8: {  	(v2sf) =	vpush v3, $0x0;
	_ =	sdelay $0x7  }
0x5c9: {  	s1 =	spop (v2sf)  }
0x5ca: {  	s0 =	sadd.s32 s0, s1  }
0x5cb: {  	[tilespmem:s0+$0x10000] =	vst.msk vm0, v4  }
0x5cc: {  	v3 =	vld [tilespmem:s25+$0x8040];
	_ =	sdelay $0x3  }
0x5cd: {  	s1 =	spop (v2sf)  }
0x5ce: {  	s0 =	sadd.s32 s0, s1;
	vm0 =	vge.f32 v3, v2  }
0x5cf: {  	[tilespmem:s0+$0x10000] =	vst.msk vm0, v3;
	v3 =	vmpcnt.ones.xlane vm0  }
0x5d0: {  	v4 =	vld [tilespmem:s25+$0x8050]  }
0x5d1: {  	(v2sf) =	vpush v3, $0x0;
	_ =	sdelay $0x3  }
0x5d2: {  	vm0 =	vge.f32 v4, v2  }
0x5d3: {  	v3 =	vmpcnt.ones.xlane vm0;
	_ =	sdelay $0x1  }
0x5d4: {  	(v2sf) =	vpush v3, $0x0;
	_ =	sdelay $0x7  }
0x5d5: {  	s1 =	spop (v2sf)  }
0x5d6: {  	s0 =	sadd.s32 s0, s1  }
0x5d7: {  	[tilespmem:s0+$0x10000] =	vst.msk vm0, v4  }
0x5d8: {  	v3 =	vld [tilespmem:s25+$0x8060];
	_ =	sdelay $0x3  }
0x5d9: {  	s1 =	spop (v2sf)  }
0x5da: {  	s0 =	sadd.s32 s0, s1;
	vm0 =	vge.f32 v3, v2  }
0x5db: {  	[tilespmem:s0+$0x10000] =	vst.msk vm0, v3;
	v3 =	vmpcnt.ones.xlane vm0  }
0x5dc: {  	v4 =	vld [tilespmem:s25+$0x8070]  }
0x5dd: {  	(v2sf) =	vpush v3, $0x0;
	_ =	sdelay $0x3  }
0x5de: {  	vm0 =	vge.f32 v4, v2  }
0x5df: {  	v3 =	vmpcnt.ones.xlane vm0;
	_ =	sdelay $0x1  }
0x5e0: {  	(v2sf) =	vpush v3, $0x0;
	_ =	sdelay $0x4  }
0x5e1: {  	s28 =	sadd.s32 $0x1, s28  }
0x5e2: {  	s1 =	sld [smem:s28+$0x0];
	_ =	sdelay $0x1  }
0x5e3: {  	s7 =	spop (v2sf)  }
0x5e4: {  	s8 =	sshll.u32 s1, $0x9;
	s1 =	sadd.s32 s0, s7  }
0x5e5: {  	s25 =	sshra.s32 s8, $0x2;
	[tilespmem:s1+$0x10000] =	vst.msk vm0, v4  }
.Ltmp89:
0x5e6: {  	v3 =	vld [tilespmem:s25+$0x8000];
	(pc) =	sbr.rel @p1 .LBB2_157-.Ltmp89, $2  }
0x5e7: {  	_ =	sdelay $0x2  }
0x5e8: {  	s0 =	spop (v2sf)  }
.LBB2_158:
0x5e9: {  	s0 =	sadd.s32 @p0 s1, s0  }
0x5ea: {  	vm0 =	vge.f32 v3, v2;
	s24 =	smov.u32 @p0 s0  }
0x5eb: {  	[tilespmem:s24+$0x10000] =	vst.msk vm0, v3;
	v3 =	vmpcnt.ones.xlane vm0  }
0x5ec: {  	v4 =	vld [tilespmem:s25+$0x8010]  }
0x5ed: {  	(v2sf) =	vpush v3, $0x0;
	_ =	sdelay $0x3  }
0x5ee: {  	vm9 =	vge.f32 v4, v2  }
0x5ef: {  	v3 =	vmpcnt.ones.xlane vm9;
	_ =	sdelay $0x1  }
0x5f0: {  	(v2sf) =	vpush v3, $0x0;
	_ =	sdelay $0x7  }
0x5f1: {  	s8 =	spop (v2sf)  }
0x5f2: {  	s0 =	sadd.s32 s24, s8  }
0x5f3: {  	[tilespmem:s0+$0x10000] =	vst.msk vm9, v4  }
0x5f4: {  	v3 =	vld [tilespmem:s25+$0x8020];
	_ =	sdelay $0x3  }
0x5f5: {  	s9 =	spop (v2sf)  }
0x5f6: {  	s0 =	sadd.s32 s0, s9;
	vm10 =	vge.f32 v3, v2  }
0x5f7: {  	[tilespmem:s0+$0x10000] =	vst.msk vm10, v3;
	v3 =	vmpcnt.ones.xlane vm10  }
0x5f8: {  	v4 =	vld [tilespmem:s25+$0x8030]  }
0x5f9: {  	(v2sf) =	vpush v3, $0x0;
	_ =	sdelay $0x3  }
0x5fa: {  	vm11 =	vge.f32 v4, v2  }
0x5fb: {  	v3 =	vmpcnt.ones.xlane vm11;
	_ =	sdelay $0x1  }
0x5fc: {  	(v2sf) =	vpush v3, $0x0;
	_ =	sdelay $0x7  }
0x5fd: {  	s24 =	spop (v2sf)  }
0x5fe: {  	s0 =	sadd.s32 s0, s24  }
0x5ff: {  	[tilespmem:s0+$0x10000] =	vst.msk vm11, v4  }
0x600: {  	v3 =	vld [tilespmem:s25+$0x8040];
	_ =	sdelay $0x3  }
0x601: {  	s26 =	spop (v2sf)  }
0x602: {  	s0 =	sadd.s32 s0, s26;
	vm12 =	vge.f32 v3, v2  }
0x603: {  	[tilespmem:s0+$0x10000] =	vst.msk vm12, v3;
	v3 =	vmpcnt.ones.xlane vm12  }
0x604: {  	v4 =	vld [tilespmem:s25+$0x8050]  }
0x605: {  	(v2sf) =	vpush v3, $0x0;
	_ =	sdelay $0x3  }
0x606: {  	vm13 =	vge.f32 v4, v2  }
0x607: {  	v3 =	vmpcnt.ones.xlane vm13;
	_ =	sdelay $0x1  }
0x608: {  	(v2sf) =	vpush v3, $0x0;
	_ =	sdelay $0x7  }
0x609: {  	s28 =	spop (v2sf)  }
0x60a: {  	s0 =	sadd.s32 s0, s28  }
0x60b: {  	[tilespmem:s0+$0x10000] =	vst.msk vm13, v4  }
0x60c: {  	v3 =	vld [tilespmem:s25+$0x8060];
	_ =	sdelay $0x3  }
0x60d: {  	s29 =	spop (v2sf)  }
0x60e: {  	s0 =	sadd.s32 s0, s29;
	vm14 =	vge.f32 v3, v2  }
0x60f: {  	[tilespmem:s0+$0x10000] =	vst.msk vm14, v3  }
0x610: {  	v3 =	vld [tilespmem:s25+$0x8070];
	_ =	sdelay $0x4  }
0x611: {  	v63 =	vmpcnt.ones.xlane vm14;
	vm15 =	vge.f32 v3, v2  }
0x612: {  	v2 =	vmpcnt.ones.xlane vm15  }
0x613: {  	(v2sf) =	vpush v63, $0x0  }
0x614: {  	(v2sf) =	vpush v2, $0x0;
	_ =	sdelay $0xd  }
0x615: {  	s30 =	spop (v2sf)  }
0x616: {  	s0 =	sadd.s32 s0, s30;
	s31 =	spop (v2sf)  }
0x617: {  	s1 =	sadd.s32 s0, s31  }
0x618: {  	s7 =	sadd.s32 $0xF, s1  }
0x619: {  	s25 =	sshra.s32 s7, $0x4  }
0x61a: {  	p0 =	sgt.s32 s25, $0x0  }
.Ltmp90:
0x61b: {  	_ = 	snop;
	(pc) =	sbr.rel @!p0 .LBB2_159-.Ltmp90, $3  }
0x61c: {  	_ =	sdelay $0x1  }
0x61d: {  	[tilespmem:s0+$0x10000] =	vst.msk vm15, v3  }
0x61e: {  	s0 =	simm.s32 $0x10000;
	[tilespmem:s1+$0x10000] =	vst v0  }
0x61f: {  	p0 =	seq.s32 s25, $0x1  }
.Ltmp91:
0x620: {  	_ = 	snop;
	(pc) =	sbr.rel @p0 .LBB2_163-.Ltmp91, $2  }
0x621: {  	_ =	sdelay $0x2  }
0x622: {  	v2 =	vld [tilespmem:s0+$0x0];
	s1 =	sadd.s32 $0xFFFFFFFF, s25  }
.LBB2_162:
0x623: {  	p0 =	seq.s32 s1, $0x1;
	_ =	sdelay $0x2  }
.Ltmp92:
0x624: {  	(pc) =	sbr.rel @!p0 .LBB2_162-.Ltmp92, $4  }
0x625: {  	v3 =	vxor.u32 $0xFFFFFFFF, v2;
	v4 =	vor.u32 $0x80000000, v2;
	vm0 =	vlt.s32 v2, $0x0  }
0x626: {  	v2 =	vsel vm0, v3, v4  }
0x627: {  	[tilespmem:s0+$0x0] =	vst v2;
	s0 =	sadd.s32 $0x10, s0  }
0x628: {  	s1 =	sadd.s32 $0xFFFFFFFF, s1;
	v2 =	vld [tilespmem:s0+$0x0]  }
.LBB2_163:
0x629: {  	_ =	sdelay $0x1  }
.Ltmp93:
0x62a: {  	_ = 	snop;
	(pc) =	sbr.rel .LBB2_160-.Ltmp93, $4  }
0x62b: {  	_ = 	snop  }
0x62c: {  	v3 =	vxor.u32 $0xFFFFFFFF, v2;
	v4 =	vor.u32 $0x80000000, v2;
	vm0 =	vlt.s32 v2, $0x0  }
0x62d: {  	v2 =	vsel vm0, v3, v4  }
0x62e: {  	p0 =	por $0x1, $0x1;
	[tilespmem:s0+$0x0] =	vst v2  }
.LBB2_155:
.Ltmp94:
0x62f: {  	(pc) =	sbr.rel .LBB2_160-.Ltmp94, $2  }
0x630: {  	_ =	sdelay $0x2  }
0x631: {  	[tilespmem:$0x10000] =	vst v0;
	s25 =	simm.s32 $0x0;
	p0 =	por $0x0, $0x0  }
.LBB2_159:
0x632: {  	p0 =	por $0x0, $0x0  }
.LBB2_160:
0x633: {  	s26 =	simm.s32 $0x0;
	s24 =	simm.s32 $0x0  }
.LBB2_165:
.Ltmp95:
0x634: {  	(pc) =	sbr.rel @p0 .LBB2_166-.Ltmp95, $1  }
0x635: {  	_ =	sdelay $0x3  }
0x636: {  	s26 =	sadd.s32 $0x1, s26  }
0x637: {  	p1 =	seq.s32 s26, $0x20  }
.Ltmp96:
0x638: {  	_ = 	snop;
	(pc) =	sbr.rel @!p1 .LBB2_165-.Ltmp96, $4  }
.Ltmp97:
0x639: {  	_ = 	snop;
	(pc) =	sbr.rel @p1 .LBB2_200-.Ltmp97, $4  }
0x63a: {  	_ = 	snop  }
0x63b: {  	_ = 	snop  }
0x63c: {  	_ = 	snop  }
0x63d: {  	_ = 	snop  }
.LBB2_166:
0x63e: {  	s0 =	simm.s32 $0x10000  }
0x63f: {  	p4 =	sne.s32 s25, $0x1;
	v3 =	vld [tilespmem:s0+$0x0]  }
.Ltmp98:
0x640: {  	_ = 	snop;
	(pc) =	sbr.rel @!p4 .LBB2_167-.Ltmp98, $4  }
0x641: {  	s31 =	sshrl.u32 s16, s26  }
0x642: {  	s29 =	sor.u32 s31, s24  }
0x643: {  	s28 =	sadd.s32 $0xFFFFFFFF, s25;
	s1 =	simm.s32 $0x10010;
	p1 =	por $0x0, $0x0;
	v2 =	vmov s29  }
0x644: {  	p2 =	por $0x0, $0x0;
	p3 =	por $0x0, $0x0;
	s0 =	simm.s32 $0x0;
	vm0 =	vge.u32 v3, v2  }
0x645: {  	v3 =	vld [tilespmem:s1+$0x0];
	p4 =	sne.s32 s28, $0x1  }
.Ltmp99:
0x646: {  	_ = 	snop;
	(pc) =	sbr.rel @!p4 .LBB2_169-.Ltmp99, $3  }
0x647: {  	_ = 	snop  }
0x648: {  	v4 =	vmpcnt.ones.xlane vm0;
	_ =	sdelay $0x1  }
0x649: {  	s1 =	sadd.s32 $0xFFFFFFFF, s28;
	s7 =	simm.s32 $0x10020;
	p1 =	por $0x1, $0x1;
	(v2sf) =	vpush v4, $0x0;
	vm0 =	vge.u32 v3, v2  }
0x64a: {  	v4 =	vmpcnt.ones.xlane vm0;
	_ =	sdelay $0x1  }
0x64b: {  	(v2sf) =	vpush v4, $0x0;
	_ =	sdelay $0x3  }
0x64c: {  	v3 =	vld [tilespmem:s7+$0x0];
	p4 =	sne.s32 s1, $0x1  }
.Ltmp100:
0x64d: {  	_ = 	snop;
	(pc) =	sbr.rel @!p4 .LBB2_171-.Ltmp100, $2  }
0x64e: {  	_ =	sdelay $0x2  }
0x64f: {  	s1 =	sadd.s32 $0xFFFFFFFF, s1;
	s7 =	simm.s32 $0x10030;
	p2 =	por $0x1, $0x1;
	vm0 =	vge.u32 v3, v2  }
0x650: {  	v4 =	vmpcnt.ones.xlane vm0;
	_ =	sdelay $0x1  }
0x651: {  	(v2sf) =	vpush v4, $0x0;
	_ =	sdelay $0x2  }
0x652: {  	v3 =	vld [tilespmem:s7+$0x0];
	p4 =	sne.s32 s1, $0x1  }
.Ltmp101:
0x653: {  	_ = 	snop;
	(pc) =	sbr.rel @!p4 .LBB2_173-.Ltmp101, $3  }
0x654: {  	_ =	sdelay $0x1  }
0x655: {  	s8 =	sadd.s32 $0xFFFFFFFF, s1;
	s9 =	simm.s32 $0x10040  }
0x656: {  	p3 =	por $0x1, $0x1;
	s1 =	simm.s32 $0x0;
	s7 =	spop (v2sf);
	vm0 =	vge.u32 v3, v2  }
.LBB2_174:
0x657: {  	v3 =	vld [tilespmem:s9+$0x0];
	p4 =	sne.s32 s8, $0x1;
	s8 =	sadd.s32 $0xFFFFFFFF, s8;
	v4 =	vmpcnt.ones.xlane vm0;
	s1 =	sadd.s32 s1, s7  }
.Ltmp102:
0x658: {  	(pc) =	sbr.rel @p4 .LBB2_174-.Ltmp102, $2  }
0x659: {  	(v2sf) =	vpush v4, $0x0;
	_ =	sdelay $0x3  }
0x65a: {  	s9 =	sadd.s32 $0x10, s9;
	vm0 =	vge.u32 v3, v2;
	s7 =	spop (v2sf)  }
0x65b: {  	_ = 	snop  }
.LBB2_176:
0x65c: {  	v2 =	vmpcnt.ones.xlane vm0;
	_ =	sdelay $0x1  }
0x65d: {  	(v2sf) =	vpush v2, $0x0;
	_ =	sdelay $0x9  }
0x65e: {  	s1 =	sadd.s32 @p3 s1, s7;
	s7 =	spop @p2 (v2sf);
	s8 =	simm.s32 $0x0  }
0x65f: {  	s7 =	smov.u32 @p2 s7;
	s8 =	smov.u32 @p3 s1  }
0x660: {  	s1 =	sadd.s32 @p2 s8, s7;
	s8 =	simm.s32 $0x0;
	s7 =	spop @p1 (v2sf)  }
0x661: {  	s8 =	smov.u32 @p2 s1;
	p2 =	seq.s32 s26, $0x1F;
	s7 =	smov.u32 @p1 s7  }
.Ltmp103:
0x662: {  	s1 =	sadd.s32 @p1 s8, s7;
	(pc) =	sbr.rel @!p2 .LBB2_165-.Ltmp103, $4  }
.Ltmp104:
0x663: {  	s0 =	smov.u32 @p1 s1;
	s31 =	spop (v2sf);
	(pc) =	sbr.rel @p2 .LBB2_177-.Ltmp104, $4  }
0x664: {  	s0 =	sadd.s32 s0, s31  }
0x665: {  	p1 =	sgt.s32 s0, $0x1F  }
0x666: {  	s26 =	sadd.s32 $0x1, s26;
	s24 =	smov.u32 @p1 s29  }
0x667: {  	_ = 	snop  }
.LBB2_167:
.Ltmp105:
0x668: {  	(pc) =	sbr.rel .LBB2_176-.Ltmp105, $2  }
0x669: {  	_ =	sdelay $0x2  }
0x66a: {  	s1 =	simm.s32 $0x0  }
.LBB2_169:
.Ltmp106:
0x66b: {  	(pc) =	sbr.rel .LBB2_176-.Ltmp106, $2  }
0x66c: {  	_ =	sdelay $0x2  }
0x66d: {  	s1 =	simm.s32 $0x0  }
.LBB2_171:
.Ltmp107:
0x66e: {  	(pc) =	sbr.rel .LBB2_176-.Ltmp107, $2  }
0x66f: {  	_ =	sdelay $0x2  }
0x670: {  	s1 =	simm.s32 $0x0  }
.LBB2_173:
.Ltmp108:
0x671: {  	(pc) =	sbr.rel .LBB2_176-.Ltmp108, $2  }
0x672: {  	_ =	sdelay $0x2  }
0x673: {  	s1 =	simm.s32 $0x0  }
.LBB2_200:
0x674: {  	p0 =	sgt.s32 s24, $0xFFFFFFFF;
	s0 =	simm.s32 $0xFFFFFFFF  }
0x675: {  	s0 =	simm.s32 @!p0 $0x80000000  }
0x676: {  	s0 =	sxor.u32 s24, s0  }
0x677: {  	v2 =	vmov s0  }
0x678: {  	v2 =	vbroadcast v2, $0x0  }
.LBB2_188:
0x679: {  	s0 =	simm.s32 $0x8040  }
0x67a: {  	v6 =	vld [tilespmem:s0+$0x30]  }
0x67b: {  	v9 =	vld [tilespmem:s0+$0xFFFFFFD0]  }
0x67c: {  	v8 =	vld [tilespmem:s0+$0xFFFFFFE0]  }
0x67d: {  	v7 =	vld [tilespmem:s0+$0xFFFFFFF0]  }
0x67e: {  	v5 =	vld [tilespmem:s0+$0x0]  }
0x67f: {  	v4 =	vld [tilespmem:s0+$0x10];
	vm0 =	vge.f32 v6, v2  }
0x680: {  	v3 =	vld [tilespmem:s0+$0x20];
	vm1 =	vge.f32 v9, v2;
	v10 =	vnsel vm0, $0x0, v6  }
0x681: {  	s24 =	simm.s32 $0x0;
	s25 =	simm.s32 $0x80C0;
	v6 =	vld [tilespmem:s0+$0xFFFFFFC0];
	v9 =	vnsel vm1, $0x0, v9;
	vm0 =	vge.f32 v8, v2;
	[tilespmem:s0+$0x30] =	vst v10  }
.LBB2_189:
0x682: {  	v10 =	vld [tilespmem:s25+$0x30];
	s24 =	sadd.s32 $0x8, s24;
	[tilespmem:s0+$0xFFFFFFD0] =	vst v9;
	v8 =	vnsel vm0, $0x0, v8;
	vm0 =	vge.f32 v7, v2  }
0x683: {  	v9 =	vld [tilespmem:s25+$0xFFFFFFD0];
	p0 =	slt.u32 s24, $0x7F8;
	[tilespmem:s0+$0xFFFFFFE0] =	vst v8;
	v7 =	vnsel vm0, $0x0, v7;
	vm0 =	vge.f32 v5, v2  }
0x684: {  	v8 =	vld [tilespmem:s25+$0xFFFFFFE0];
	[tilespmem:s0+$0xFFFFFFF0] =	vst v7;
	v5 =	vnsel vm0, $0x0, v5;
	vm0 =	vge.f32 v4, v2  }
.Ltmp109:
0x685: {  	v7 =	vld [tilespmem:s25+$0xFFFFFFF0];
	[tilespmem:s0+$0x0] =	vst v5;
	v4 =	vnsel vm0, $0x0, v4;
	vm0 =	vge.f32 v3, v2;
	(pc) =	sbr.rel @p0 .LBB2_189-.Ltmp109, $4  }
0x686: {  	v5 =	vld [tilespmem:s25+$0x0];
	vm1 =	vge.f32 v6, v2;
	[tilespmem:s0+$0x10] =	vst v4;
	v3 =	vnsel vm0, $0x0, v3  }
0x687: {  	v4 =	vld [tilespmem:s25+$0x10];
	vm0 =	vge.f32 v10, v2;
	v6 =	vnsel vm1, $0x0, v6;
	[tilespmem:s0+$0x20] =	vst v3  }
0x688: {  	vm1 =	vge.f32 v9, v2;
	v3 =	vld [tilespmem:s25+$0x20];
	v10 =	vnsel vm0, $0x0, v10;
	[tilespmem:s0+$0xFFFFFFC0] =	vst v6;
	s0 =	smov.u32 s25  }
0x689: {  	s25 =	sadd.s32 $0x80, s25;
	v6 =	vld [tilespmem:s0+$0xFFFFFFC0];
	v9 =	vnsel vm1, $0x0, v9;
	vm0 =	vge.f32 v8, v2;
	[tilespmem:s0+$0x30] =	vst v10  }
0x68a: {  	[tilespmem:s0+$0xFFFFFFD0] =	vst v9;
	v8 =	vnsel vm0, $0x0, v8;
	vm12 =	vge.f32 v7, v2  }
0x68b: {  	[tilespmem:s0+$0xFFFFFFE0] =	vst v8;
	v7 =	vnsel vm12, $0x0, v7;
	vm13 =	vge.f32 v5, v2  }
0x68c: {  	[tilespmem:s0+$0xFFFFFFF0] =	vst v7;
	v5 =	vnsel vm13, $0x0, v5;
	vm14 =	vge.f32 v4, v2  }
0x68d: {  	[tilespmem:s0+$0x0] =	vst v5;
	v4 =	vnsel vm14, $0x0, v4;
	vm15 =	vge.f32 v3, v2  }
0x68e: {  	vm1 =	vge.f32 v6, v2;
	[tilespmem:s0+$0x10] =	vst v4;
	v2 =	vnsel vm15, $0x0, v3  }
0x68f: {  	v3 =	vnsel vm1, $0x0, v6;
	[tilespmem:s0+$0x20] =	vst v2  }
0x690: {  	[tilespmem:s0+$0xFFFFFFC0] =	vst v3  }
.LBB2_194:
0x691: {  	s0 =	sadd.s32 s3, s23;
	s31 =	smin.u32 s22, $0x3FD;
	s21 =	sadd.s32 $0x1, s21  }
0x692: {  	[hbm4b:s0+s12] =	stream.strided.scatter [tilespmem:s14], [sflag:$0x4], $0x8000, s13, s12, $0x38;
	[tilespmem:$0x19080] =	vst v63  }
0x693: {  	s0 =	sadd.s32 $0x2, s31;
	p0 =	sne.s32 s21, $0x10  }
.Ltmp110:
0x694: {  	s1 =	sshll.u32 s0, $0x4;
	_ =	swait.ge [sflag:s18], $0x8000;
	(pc) =	sbr.rel @p0 .LBB2_98-.Ltmp110, $4  }
.Ltmp111:
0x695: {  	s0 =	sshll.u32 s0, $0xC;
	s1 =	sand.u32 $0x70, s1;
	(pc) =	sbr.rel @!p0 .LBB2_195-.Ltmp111, $4  }
0x696: {  	[sflag:s18] =	ssyncset.done $0x0;
	s0 =	sand.u32 $0x7F8000, s0;
	s1 =	sadd.s32 s2, s1  }
0x697: {  	[sflag:s18] =	ssyncadd.s32 $0xFFFF8000;
	s0 =	sadd.s32 s0, s1  }
0x698: {  	[tilespmem:s4], [sflag:$0x1] =	stream.strided.gather [hbm4b:s0+s12], $0x8000, s13, s12, $0x38;
	[tilespmem:$0x19080] =	vst v63  }
0x699: {  	_ = 	snop  }
.LBB2_129:
0x69a: {  	s0 =	simm.s32 $0x10000  }
0x69b: {  	p3 =	seq.s32 s28, $0x1;
	v3 =	vld [tilespmem:s0+$0x0]  }
.Ltmp112:
0x69c: {  	_ = 	snop;
	(pc) =	sbr.rel @p3 .LBB2_130-.Ltmp112, $3  }
0x69d: {  	_ =	sdelay $0x1  }
0x69e: {  	v2 =	vmov s26;
	s29 =	simm.s32 $0x0;
	p0 =	por $0x0, $0x0  }
0x69f: {  	p1 =	por $0x0, $0x0;
	p2 =	por $0x0, $0x0;
	s0 =	simm.s32 $0x10010;
	vm0 =	vge.u32 v3, v2;
	vm1 =	vgt.u32 v3, v2  }
0x6a0: {  	v4 =	vmpcnt.ones.xlane vm1  }
0x6a1: {  	v5 =	vmpcnt.ones.xlane vm0  }
0x6a2: {  	(v2sf) =	vpush v4, $0x0  }
0x6a3: {  	(v2sf) =	vpush v5, $0x0;
	_ =	sdelay $0x7  }
0x6a4: {  	v3 =	vld [tilespmem:s0+$0x0];
	p3 =	seq.s32 s30, $0x1  }
.Ltmp113:
0x6a5: {  	_ = 	snop;
	(pc) =	sbr.rel @p3 .LBB2_132-.Ltmp113, $2  }
0x6a6: {  	_ =	sdelay $0x2  }
0x6a7: {  	s0 =	sadd.s32 $0xFFFFFFFF, s30;
	s1 =	simm.s32 $0x10020;
	p0 =	por $0x1, $0x1;
	vm0 =	vge.u32 v3, v2;
	vm1 =	vgt.u32 v3, v2  }
0x6a8: {  	v4 =	vmpcnt.ones.xlane vm1  }
0x6a9: {  	v5 =	vmpcnt.ones.xlane vm0  }
0x6aa: {  	(v2sf) =	vpush v4, $0x0  }
0x6ab: {  	(v2sf) =	vpush v5, $0x0;
	_ =	sdelay $0x2  }
0x6ac: {  	v3 =	vld [tilespmem:s1+$0x0];
	p3 =	seq.s32 s0, $0x1  }
.Ltmp114:
0x6ad: {  	_ = 	snop;
	(pc) =	sbr.rel @p3 .LBB2_134-.Ltmp114, $2  }
0x6ae: {  	_ =	sdelay $0x2  }
0x6af: {  	s0 =	sadd.s32 $0xFFFFFFFF, s0;
	s1 =	simm.s32 $0x10030;
	p1 =	por $0x1, $0x1;
	vm0 =	vge.u32 v3, v2;
	vm1 =	vgt.u32 v3, v2  }
0x6b0: {  	v4 =	vmpcnt.ones.xlane vm1  }
0x6b1: {  	v5 =	vmpcnt.ones.xlane vm0  }
0x6b2: {  	(v2sf) =	vpush v4, $0x0  }
0x6b3: {  	(v2sf) =	vpush v5, $0x0;
	_ =	sdelay $0x2  }
0x6b4: {  	v3 =	vld [tilespmem:s1+$0x0];
	p3 =	seq.s32 s0, $0x1  }
.Ltmp115:
0x6b5: {  	_ = 	snop;
	(pc) =	sbr.rel @p3 .LBB2_136-.Ltmp115, $3  }
0x6b6: {  	_ =	sdelay $0x1  }
0x6b7: {  	s1 =	sadd.s32 $0xFFFFFFFF, s0;
	s31 =	simm.s32 $0x10040;
	s28 =	spop (v2sf)  }
0x6b8: {  	p2 =	por $0x1, $0x1;
	s0 =	simm.s32 $0x0;
	s30 =	simm.s32 $0x0;
	vm0 =	vge.u32 v3, v2;
	vm1 =	vgt.u32 v3, v2  }
.LBB2_137:
0x6b9: {  	v3 =	vld [tilespmem:s31+$0x0];
	p3 =	seq.s32 s1, $0x1;
	s1 =	sadd.s32 $0xFFFFFFFF, s1;
	v4 =	vmpcnt.ones.xlane vm0;
	v5 =	vmpcnt.ones.xlane vm1;
	s0 =	sadd.s32 s0, s28  }
.Ltmp116:
0x6ba: {  	s7 =	spop (v2sf);
	(pc) =	sbr.rel @!p3 .LBB2_137-.Ltmp116, $3  }
0x6bb: {  	(v2sf) =	vpush v5, $0x0;
	s30 =	sadd.s32 s30, s7;
	_ =	sdelay $0x1  }
0x6bc: {  	(v2sf) =	vpush v4, $0x0;
	_ =	sdelay $0x1  }
0x6bd: {  	s31 =	sadd.s32 $0x10, s31;
	vm0 =	vge.u32 v3, v2;
	vm1 =	vgt.u32 v3, v2;
	s28 =	spop (v2sf)  }
0x6be: {  	_ = 	snop  }
.LBB2_139:
0x6bf: {  	v2 =	vmpcnt.ones.xlane vm1  }
0x6c0: {  	v3 =	vmpcnt.ones.xlane vm0  }
0x6c1: {  	(v2sf) =	vpush v2, $0x0  }
0x6c2: {  	(v2sf) =	vpush v3, $0x0;
	_ =	sdelay $0x6  }
0x6c3: {  	s1 =	spop @p2 (v2sf);
	s0 =	sadd.s32 @p2 s0, s28  }
0x6c4: {  	s8 =	simm.s32 $0x0;
	s1 =	sadd.s32 @p2 s30, s1;
	s7 =	spop @p1 (v2sf)  }
0x6c5: {  	s8 =	smov.u32 @p2 s0;
	s0 =	simm.s32 $0x0;
	s7 =	smov.u32 @p1 s7  }
0x6c6: {  	s0 =	smov.u32 @p2 s1;
	s1 =	spop @p1 (v2sf);
	s7 =	sadd.s32 @p1 s8, s7  }
0x6c7: {  	s0 =	sadd.s32 @p1 s0, s1;
	s1 =	simm.s32 $0x0;
	s8 =	spop @p0 (v2sf)  }
0x6c8: {  	s1 =	smov.u32 @p1 s7;
	s7 =	simm.s32 $0x0;
	s8 =	smov.u32 @p0 s8  }
0x6c9: {  	s7 =	smov.u32 @p1 s0;
	s0 =	sadd.s32 @p0 s1, s8;
	s1 =	spop @p0 (v2sf)  }
0x6ca: {  	s8 =	simm.s32 $0x0;
	s1 =	sadd.s32 @p0 s7, s1;
	s30 =	spop (v2sf)  }
0x6cb: {  	s8 =	smov.u32 @p0 s0;
	s29 =	smov.u32 @p0 s1;
	s31 =	spop (v2sf)  }
0x6cc: {  	s7 =	simm.s32 $0xFFFFFFFF;
	p0 =	sgt.s32 s26, $0xFFFFFFFF;
	s0 =	sadd.s32 s29, s31  }
0x6cd: {  	s7 =	simm.s32 @!p0 $0x80000000;
	p0 =	sgt.s32 s0, $0x20  }
.Ltmp117:
0x6ce: {  	_ = 	snop;
	(pc) =	sbr.rel @!p0 .LBB2_140-.Ltmp117, $4  }
0x6cf: {  	s7 =	sxor.u32 s26, s7  }
0x6d0: {  	v2 =	vmov s7  }
0x6d1: {  	v2 =	vbroadcast v2, $0x0  }
0x6d2: {  	s1 =	sadd.s32 s8, s30  }
0x6d3: {  	s7 =	simm.s32 $0x0  }
0x6d4: {  	v4 =	vld [tilespmem:s7+$0x0];
	_ =	sdelay $0x4  }
0x6d5: {  	vm0 =	veq.f32 v4, v2  }
0x6d6: {  	v3 =	vsel vm0, $0x1, v1  }
0x6d7: {  	(xrf0) =	vadd.scan.msk.s32 $0xffff, v3;
	_ =	sdelay $0x4  }
0x6d8: {  	s0 =	simm.s32 $0x0;
	v3 =	vsel vm0, $0xFFFFFFFF, v1  }
0x6d9: {  	s1 =	ssub.s32 $0x20, s1;
	v5 =	vadd.s32 s0, v3;
	v6, _, _ =	vpop (xrf0)  }
0x6da: {  	v3 =	vmov s1;
	v5 =	vadd.s32 v6, v5;
	(v2sf) =	vpush v6, $0xF  }
0x6db: {  	vm1 =	vlt.s32 v5, v3  }
0x6dc: {  	vm2 =	vgt.f32 v4, v2;
	vm0 =	vmand vm0, vm1  }
0x6dd: {  	vm0 =	vmor vm2, vm0  }
0x6de: {  	v4 =	vnsel vm0, $0x0, v4  }
0x6df: {  	s26 =	simm.s32 $0x10;
	s28 =	simm.s32 $0x80;
	[tilespmem:s7+$0x0] =	vst v4  }
.LBB2_144:
0x6e0: {  	p0 =	seq.s32 s28, $0x1FFC0;
	v4 =	vld [tilespmem:s26+$0x0];
	_ =	sdelay $0x4  }
0x6e1: {  	vm0 =	vgt.f32 v4, v2;
	vm1 =	veq.f32 v4, v2  }
0x6e2: {  	v5 =	vsel vm1, $0xFFFFFFFF, v1;
	v6 =	vsel vm1, $0x1, v1  }
0x6e3: {  	(xrf0) =	vadd.scan.msk.s32 $0xffff, v6;
	_ =	sdelay $0x1  }
0x6e4: {  	s1 =	spop (v2sf)  }
0x6e5: {  	s0 =	sadd.s32 s0, s1  }
0x6e6: {  	v5 =	vadd.s32 s0, v5;
	_ =	sdelay $0x1  }
0x6e7: {  	v6, _, _ =	vpop (xrf0)  }
0x6e8: {  	v5 =	vadd.s32 v6, v5;
	(v2sf) =	vpush v6, $0xF  }
.Ltmp118:
0x6e9: {  	vm2 =	vlt.s32 v5, v3;
	(pc) =	sbr.rel @!p0 .LBB2_144-.Ltmp118, $4  }
0x6ea: {  	vm1 =	vmand vm1, vm2  }
0x6eb: {  	vm0 =	vmor vm0, vm1  }
0x6ec: {  	v4 =	vnsel vm0, $0x0, v4  }
0x6ed: {  	[tilespmem:s26+$0x0] =	vst v4;
	s26 =	sshra.s32 s28, $0x2;
	s28 =	sadd.s32 $0x40, s28  }
0x6ee: {  	v4 =	vld [tilespmem:s26+$0x0];
	_ =	sdelay $0x4  }
0x6ef: {  	vm0 =	veq.f32 v4, v2  }
0x6f0: {  	v5 =	vsel vm0, $0x1, v1  }
0x6f1: {  	(xrf0) =	vadd.scan.msk.s32 $0xffff, v5;
	_ =	sdelay $0x5  }
0x6f2: {  	v5, _, _ =	vpop (xrf0)  }
0x6f3: {  	(v2sf) =	vpush v5, $0xF;
	_ =	sdelay $0x6  }
0x6f4: {  	s1 =	spop (v2sf)  }
0x6f5: {  	v6 =	vsel vm0, $0xFFFFFFFF, v1;
	s0 =	sadd.s32 s0, s1  }
0x6f6: {  	v6 =	vadd.s32 s0, v6  }
0x6f7: {  	v5 =	vadd.s32 v5, v6  }
.Ltmp119:
0x6f8: {  	vm1 =	vlt.s32 v5, v3;
	(pc) =	sbr.rel .LBB2_146-.Ltmp119, $4  }
0x6f9: {  	vm2 =	vgt.f32 v4, v2;
	vm0 =	vmand vm0, vm1  }
0x6fa: {  	vm0 =	vmor vm2, vm0  }
0x6fb: {  	v2 =	vnsel vm0, $0x0, v4  }
0x6fc: {  	[tilespmem:s26+$0x0] =	vst v2;
	s31 =	spop (v2sf)  }
.LBB2_177:
0x6fd: {  	s0 =	simm.s32 $0x10000  }
0x6fe: {  	p3 =	seq.s32 s25, $0x1;
	v3 =	vld [tilespmem:s0+$0x0]  }
.Ltmp120:
0x6ff: {  	_ = 	snop;
	(pc) =	sbr.rel @p3 .LBB2_178-.Ltmp120, $3  }
0x700: {  	_ =	sdelay $0x1  }
0x701: {  	v2 =	vmov s24;
	s26 =	simm.s32 $0x0;
	p0 =	por $0x0, $0x0  }
0x702: {  	p1 =	por $0x0, $0x0;
	p2 =	por $0x0, $0x0;
	s0 =	simm.s32 $0x10010;
	vm0 =	vge.u32 v3, v2;
	vm1 =	vgt.u32 v3, v2  }
0x703: {  	v4 =	vmpcnt.ones.xlane vm1  }
0x704: {  	v5 =	vmpcnt.ones.xlane vm0  }
0x705: {  	(v2sf) =	vpush v4, $0x0  }
0x706: {  	(v2sf) =	vpush v5, $0x0;
	_ =	sdelay $0x7  }
0x707: {  	v3 =	vld [tilespmem:s0+$0x0];
	p3 =	seq.s32 s28, $0x1  }
.Ltmp121:
0x708: {  	_ = 	snop;
	(pc) =	sbr.rel @p3 .LBB2_180-.Ltmp121, $2  }
0x709: {  	_ =	sdelay $0x2  }
0x70a: {  	s0 =	sadd.s32 $0xFFFFFFFF, s28;
	s1 =	simm.s32 $0x10020;
	p0 =	por $0x1, $0x1;
	vm0 =	vge.u32 v3, v2;
	vm1 =	vgt.u32 v3, v2  }
0x70b: {  	v4 =	vmpcnt.ones.xlane vm1  }
0x70c: {  	v5 =	vmpcnt.ones.xlane vm0  }
0x70d: {  	(v2sf) =	vpush v4, $0x0  }
0x70e: {  	(v2sf) =	vpush v5, $0x0;
	_ =	sdelay $0x2  }
0x70f: {  	v3 =	vld [tilespmem:s1+$0x0];
	p3 =	seq.s32 s0, $0x1  }
.Ltmp122:
0x710: {  	_ = 	snop;
	(pc) =	sbr.rel @p3 .LBB2_182-.Ltmp122, $2  }
0x711: {  	_ =	sdelay $0x2  }
0x712: {  	s0 =	sadd.s32 $0xFFFFFFFF, s0;
	s1 =	simm.s32 $0x10030;
	p1 =	por $0x1, $0x1;
	vm0 =	vge.u32 v3, v2;
	vm1 =	vgt.u32 v3, v2  }
0x713: {  	v4 =	vmpcnt.ones.xlane vm1  }
0x714: {  	v5 =	vmpcnt.ones.xlane vm0  }
0x715: {  	(v2sf) =	vpush v4, $0x0  }
0x716: {  	(v2sf) =	vpush v5, $0x0;
	_ =	sdelay $0x2  }
0x717: {  	v3 =	vld [tilespmem:s1+$0x0];
	p3 =	seq.s32 s0, $0x1  }
.Ltmp123:
0x718: {  	_ = 	snop;
	(pc) =	sbr.rel @p3 .LBB2_184-.Ltmp123, $3  }
0x719: {  	_ =	sdelay $0x1  }
0x71a: {  	s1 =	sadd.s32 $0xFFFFFFFF, s0;
	s29 =	simm.s32 $0x10040;
	s25 =	spop (v2sf)  }
0x71b: {  	p2 =	por $0x1, $0x1;
	s0 =	simm.s32 $0x0;
	s28 =	simm.s32 $0x0;
	vm0 =	vge.u32 v3, v2;
	vm1 =	vgt.u32 v3, v2  }
.LBB2_185:
0x71c: {  	v3 =	vld [tilespmem:s29+$0x0];
	p3 =	seq.s32 s1, $0x1;
	s1 =	sadd.s32 $0xFFFFFFFF, s1;
	v4 =	vmpcnt.ones.xlane vm0;
	v5 =	vmpcnt.ones.xlane vm1;
	s0 =	sadd.s32 s0, s25  }
.Ltmp124:
0x71d: {  	s7 =	spop (v2sf);
	(pc) =	sbr.rel @!p3 .LBB2_185-.Ltmp124, $3  }
0x71e: {  	(v2sf) =	vpush v5, $0x0;
	s28 =	sadd.s32 s28, s7;
	_ =	sdelay $0x1  }
0x71f: {  	(v2sf) =	vpush v4, $0x0;
	_ =	sdelay $0x1  }
0x720: {  	s29 =	sadd.s32 $0x10, s29;
	vm0 =	vge.u32 v3, v2;
	vm1 =	vgt.u32 v3, v2;
	s25 =	spop (v2sf)  }
0x721: {  	_ = 	snop  }
.LBB2_187:
0x722: {  	v2 =	vmpcnt.ones.xlane vm1  }
0x723: {  	v3 =	vmpcnt.ones.xlane vm0  }
0x724: {  	(v2sf) =	vpush v2, $0x0  }
0x725: {  	(v2sf) =	vpush v3, $0x0;
	_ =	sdelay $0x6  }
0x726: {  	s1 =	spop @p2 (v2sf);
	s0 =	sadd.s32 @p2 s0, s25  }
0x727: {  	s8 =	simm.s32 $0x0;
	s1 =	sadd.s32 @p2 s28, s1;
	s7 =	spop @p1 (v2sf)  }
0x728: {  	s8 =	smov.u32 @p2 s0;
	s0 =	simm.s32 $0x0;
	s7 =	smov.u32 @p1 s7  }
0x729: {  	s0 =	smov.u32 @p2 s1;
	s1 =	spop @p1 (v2sf);
	s7 =	sadd.s32 @p1 s8, s7  }
0x72a: {  	s0 =	sadd.s32 @p1 s0, s1;
	s1 =	simm.s32 $0x0;
	s8 =	spop @p0 (v2sf)  }
0x72b: {  	s1 =	smov.u32 @p1 s7;
	s7 =	simm.s32 $0x0;
	s8 =	smov.u32 @p0 s8  }
0x72c: {  	s7 =	smov.u32 @p1 s0;
	s0 =	sadd.s32 @p0 s1, s8;
	s1 =	spop @p0 (v2sf)  }
0x72d: {  	s8 =	simm.s32 $0x0;
	s1 =	sadd.s32 @p0 s7, s1;
	s30 =	spop (v2sf)  }
0x72e: {  	s8 =	smov.u32 @p0 s0;
	s26 =	smov.u32 @p0 s1;
	s31 =	spop (v2sf)  }
0x72f: {  	s7 =	simm.s32 $0xFFFFFFFF;
	p0 =	sgt.s32 s24, $0xFFFFFFFF;
	s0 =	sadd.s32 s26, s31  }
0x730: {  	s7 =	simm.s32 @!p0 $0x80000000;
	p0 =	sgt.s32 s0, $0x20  }
.Ltmp125:
0x731: {  	_ = 	snop;
	(pc) =	sbr.rel @!p0 .LBB2_188-.Ltmp125, $4  }
0x732: {  	s7 =	sxor.u32 s24, s7  }
0x733: {  	v2 =	vmov s7  }
0x734: {  	v2 =	vbroadcast v2, $0x0  }
0x735: {  	s1 =	sadd.s32 s8, s30  }
0x736: {  	s7 =	simm.s32 $0x0  }
0x737: {  	v4 =	vld [tilespmem:s7+$0x8000];
	_ =	sdelay $0x4  }
0x738: {  	vm0 =	veq.f32 v4, v2  }
0x739: {  	v3 =	vsel vm0, $0x1, v1  }
0x73a: {  	(xrf0) =	vadd.scan.msk.s32 $0xffff, v3;
	_ =	sdelay $0x4  }
0x73b: {  	s0 =	simm.s32 $0x0;
	v3 =	vsel vm0, $0xFFFFFFFF, v1  }
0x73c: {  	s1 =	ssub.s32 $0x20, s1;
	v5 =	vadd.s32 s0, v3;
	v6, _, _ =	vpop (xrf0)  }
0x73d: {  	v3 =	vmov s1;
	v5 =	vadd.s32 v6, v5;
	(v2sf) =	vpush v6, $0xF  }
0x73e: {  	vm1 =	vlt.s32 v5, v3  }
0x73f: {  	vm2 =	vgt.f32 v4, v2;
	vm0 =	vmand vm0, vm1  }
0x740: {  	vm0 =	vmor vm2, vm0  }
0x741: {  	v4 =	vnsel vm0, $0x0, v4  }
0x742: {  	s24 =	simm.s32 $0x10;
	s25 =	simm.s32 $0x80;
	[tilespmem:s7+$0x8000] =	vst v4  }
.LBB2_192:
0x743: {  	p0 =	seq.s32 s25, $0x1FFC0;
	v4 =	vld [tilespmem:s24+$0x8000];
	_ =	sdelay $0x4  }
0x744: {  	vm0 =	vgt.f32 v4, v2;
	vm1 =	veq.f32 v4, v2  }
0x745: {  	v5 =	vsel vm1, $0xFFFFFFFF, v1;
	v6 =	vsel vm1, $0x1, v1  }
0x746: {  	(xrf0) =	vadd.scan.msk.s32 $0xffff, v6;
	_ =	sdelay $0x1  }
0x747: {  	s1 =	spop (v2sf)  }
0x748: {  	s0 =	sadd.s32 s0, s1  }
0x749: {  	v5 =	vadd.s32 s0, v5;
	_ =	sdelay $0x1  }
0x74a: {  	v6, _, _ =	vpop (xrf0)  }
0x74b: {  	v5 =	vadd.s32 v6, v5;
	(v2sf) =	vpush v6, $0xF  }
.Ltmp126:
0x74c: {  	vm2 =	vlt.s32 v5, v3;
	(pc) =	sbr.rel @!p0 .LBB2_192-.Ltmp126, $4  }
0x74d: {  	vm1 =	vmand vm1, vm2  }
0x74e: {  	vm0 =	vmor vm0, vm1  }
0x74f: {  	v4 =	vnsel vm0, $0x0, v4  }
0x750: {  	[tilespmem:s24+$0x8000] =	vst v4;
	s24 =	sshra.s32 s25, $0x2;
	s25 =	sadd.s32 $0x40, s25  }
0x751: {  	v4 =	vld [tilespmem:s24+$0x8000];
	_ =	sdelay $0x4  }
0x752: {  	vm0 =	veq.f32 v4, v2  }
0x753: {  	v5 =	vsel vm0, $0x1, v1  }
0x754: {  	(xrf0) =	vadd.scan.msk.s32 $0xffff, v5;
	_ =	sdelay $0x5  }
0x755: {  	v5, _, _ =	vpop (xrf0)  }
0x756: {  	(v2sf) =	vpush v5, $0xF;
	_ =	sdelay $0x6  }
0x757: {  	s1 =	spop (v2sf)  }
0x758: {  	v6 =	vsel vm0, $0xFFFFFFFF, v1;
	s0 =	sadd.s32 s0, s1  }
0x759: {  	v6 =	vadd.s32 s0, v6  }
0x75a: {  	v5 =	vadd.s32 v5, v6  }
.Ltmp127:
0x75b: {  	vm1 =	vlt.s32 v5, v3;
	(pc) =	sbr.rel .LBB2_194-.Ltmp127, $4  }
0x75c: {  	vm2 =	vgt.f32 v4, v2;
	vm0 =	vmand vm0, vm1  }
0x75d: {  	vm0 =	vmor vm2, vm0  }
0x75e: {  	v2 =	vnsel vm0, $0x0, v4  }
0x75f: {  	[tilespmem:s24+$0x8000] =	vst v2;
	s31 =	spop (v2sf)  }
.LBB2_106:
.Ltmp128:
0x760: {  	(pc) =	sbr.rel .LBB2_110-.Ltmp128, $2  }
0x761: {  	_ =	sdelay $0x2  }
0x762: {  	_ = 	snop  }
.LBB2_154:
.Ltmp129:
0x763: {  	(pc) =	sbr.rel .LBB2_158-.Ltmp129, $2  }
0x764: {  	_ =	sdelay $0x2  }
0x765: {  	_ = 	snop  }
.LBB2_130:
.Ltmp130:
0x766: {  	(pc) =	sbr.rel .LBB2_139-.Ltmp130, $2  }
0x767: {  	_ =	sdelay $0x2  }
0x768: {  	s0 =	simm.s32 $0x0;
	s30 =	simm.s32 $0x0  }
.LBB2_178:
.Ltmp131:
0x769: {  	(pc) =	sbr.rel .LBB2_187-.Ltmp131, $2  }
0x76a: {  	_ =	sdelay $0x2  }
0x76b: {  	s0 =	simm.s32 $0x0;
	s28 =	simm.s32 $0x0  }
.LBB2_132:
.Ltmp132:
0x76c: {  	(pc) =	sbr.rel .LBB2_139-.Ltmp132, $2  }
0x76d: {  	_ =	sdelay $0x2  }
0x76e: {  	s0 =	simm.s32 $0x0;
	s30 =	simm.s32 $0x0  }
.LBB2_180:
.Ltmp133:
0x76f: {  	(pc) =	sbr.rel .LBB2_187-.Ltmp133, $2  }
0x770: {  	_ =	sdelay $0x2  }
0x771: {  	s0 =	simm.s32 $0x0;
	s28 =	simm.s32 $0x0  }
.LBB2_134:
.Ltmp134:
0x772: {  	(pc) =	sbr.rel .LBB2_139-.Ltmp134, $2  }
0x773: {  	_ =	sdelay $0x3  }
0x774: {  	s0 =	simm.s32 $0x0;
	s30 =	simm.s32 $0x0  }
.LBB2_182:
.Ltmp135:
0x775: {  	(pc) =	sbr.rel .LBB2_187-.Ltmp135, $2  }
0x776: {  	_ =	sdelay $0x3  }
0x777: {  	s0 =	simm.s32 $0x0;
	s28 =	simm.s32 $0x0  }
.LBB2_136:
.Ltmp136:
0x778: {  	(pc) =	sbr.rel .LBB2_139-.Ltmp136, $2  }
0x779: {  	_ =	sdelay $0x2  }
0x77a: {  	s0 =	simm.s32 $0x0;
	s30 =	simm.s32 $0x0  }
.LBB2_184:
.Ltmp137:
0x77b: {  	(pc) =	sbr.rel .LBB2_187-.Ltmp137, $2  }
0x77c: {  	_ =	sdelay $0x2  }
0x77d: {  	s0 =	simm.s32 $0x0;
	s28 =	simm.s32 $0x0  }
.LBB2_32:
0x77e: {  	s0 =	simm.s32 $0x10000  }
0x77f: {  	p3 =	seq.s32 s22, $0x1;
	v3 =	vld [tilespmem:s0+$0x0]  }
.Ltmp138:
0x780: {  	_ = 	snop;
	(pc) =	sbr.rel @p3 .LBB2_33-.Ltmp138, $3  }
0x781: {  	_ =	sdelay $0x1  }
0x782: {  	v2 =	vmov s21;
	s23 =	simm.s32 $0x0;
	p0 =	por $0x0, $0x0  }
0x783: {  	p1 =	por $0x0, $0x0;
	p2 =	por $0x0, $0x0;
	s0 =	simm.s32 $0x10010;
	vm0 =	vge.u32 v3, v2;
	vm1 =	vgt.u32 v3, v2  }
0x784: {  	v4 =	vmpcnt.ones.xlane vm1  }
0x785: {  	v5 =	vmpcnt.ones.xlane vm0  }
0x786: {  	(v2sf) =	vpush v4, $0x0  }
0x787: {  	(v2sf) =	vpush v5, $0x0;
	_ =	sdelay $0x7  }
0x788: {  	v3 =	vld [tilespmem:s0+$0x0];
	p3 =	seq.s32 s24, $0x1  }
.Ltmp139:
0x789: {  	_ = 	snop;
	(pc) =	sbr.rel @p3 .LBB2_35-.Ltmp139, $2  }
0x78a: {  	_ =	sdelay $0x2  }
0x78b: {  	s0 =	sadd.s32 $0xFFFFFFFF, s24;
	s1 =	simm.s32 $0x10020;
	p0 =	por $0x1, $0x1;
	vm0 =	vge.u32 v3, v2;
	vm1 =	vgt.u32 v3, v2  }
0x78c: {  	v4 =	vmpcnt.ones.xlane vm1  }
0x78d: {  	v5 =	vmpcnt.ones.xlane vm0  }
0x78e: {  	(v2sf) =	vpush v4, $0x0  }
0x78f: {  	(v2sf) =	vpush v5, $0x0;
	_ =	sdelay $0x2  }
0x790: {  	v3 =	vld [tilespmem:s1+$0x0];
	p3 =	seq.s32 s0, $0x1  }
.Ltmp140:
0x791: {  	_ = 	snop;
	(pc) =	sbr.rel @p3 .LBB2_37-.Ltmp140, $2  }
0x792: {  	_ =	sdelay $0x2  }
0x793: {  	s0 =	sadd.s32 $0xFFFFFFFF, s0;
	s1 =	simm.s32 $0x10030;
	p1 =	por $0x1, $0x1;
	vm0 =	vge.u32 v3, v2;
	vm1 =	vgt.u32 v3, v2  }
0x794: {  	v4 =	vmpcnt.ones.xlane vm1  }
0x795: {  	v5 =	vmpcnt.ones.xlane vm0  }
0x796: {  	(v2sf) =	vpush v4, $0x0  }
0x797: {  	(v2sf) =	vpush v5, $0x0;
	_ =	sdelay $0x2  }
0x798: {  	v3 =	vld [tilespmem:s1+$0x0];
	p3 =	seq.s32 s0, $0x1  }
.Ltmp141:
0x799: {  	_ = 	snop;
	(pc) =	sbr.rel @p3 .LBB2_39-.Ltmp141, $3  }
0x79a: {  	_ =	sdelay $0x1  }
0x79b: {  	s1 =	sadd.s32 $0xFFFFFFFF, s0;
	s25 =	simm.s32 $0x10040;
	s22 =	spop (v2sf)  }
0x79c: {  	p2 =	por $0x1, $0x1;
	s0 =	simm.s32 $0x0;
	s24 =	simm.s32 $0x0;
	vm0 =	vge.u32 v3, v2;
	vm1 =	vgt.u32 v3, v2  }
.LBB2_40:
0x79d: {  	v3 =	vld [tilespmem:s25+$0x0];
	p3 =	seq.s32 s1, $0x1;
	s1 =	sadd.s32 $0xFFFFFFFF, s1;
	v4 =	vmpcnt.ones.xlane vm0;
	v5 =	vmpcnt.ones.xlane vm1;
	s0 =	sadd.s32 s0, s22  }
.Ltmp142:
0x79e: {  	s7 =	spop (v2sf);
	(pc) =	sbr.rel @!p3 .LBB2_40-.Ltmp142, $3  }
0x79f: {  	(v2sf) =	vpush v5, $0x0;
	s24 =	sadd.s32 s24, s7;
	_ =	sdelay $0x1  }
0x7a0: {  	(v2sf) =	vpush v4, $0x0;
	_ =	sdelay $0x1  }
0x7a1: {  	s25 =	sadd.s32 $0x10, s25;
	vm0 =	vge.u32 v3, v2;
	vm1 =	vgt.u32 v3, v2;
	s22 =	spop (v2sf)  }
0x7a2: {  	_ = 	snop  }
.LBB2_42:
0x7a3: {  	v2 =	vmpcnt.ones.xlane vm1  }
0x7a4: {  	v3 =	vmpcnt.ones.xlane vm0  }
0x7a5: {  	(v2sf) =	vpush v2, $0x0  }
0x7a6: {  	(v2sf) =	vpush v3, $0x0;
	_ =	sdelay $0x6  }
0x7a7: {  	s1 =	spop @p2 (v2sf);
	s0 =	sadd.s32 @p2 s0, s22  }
0x7a8: {  	s8 =	simm.s32 $0x0;
	s1 =	sadd.s32 @p2 s24, s1;
	s7 =	spop @p1 (v2sf)  }
0x7a9: {  	s8 =	smov.u32 @p2 s0;
	s0 =	simm.s32 $0x0;
	s7 =	smov.u32 @p1 s7  }
0x7aa: {  	s0 =	smov.u32 @p2 s1;
	s1 =	spop @p1 (v2sf);
	s7 =	sadd.s32 @p1 s8, s7  }
0x7ab: {  	s0 =	sadd.s32 @p1 s0, s1;
	s1 =	simm.s32 $0x0;
	s8 =	spop @p0 (v2sf)  }
0x7ac: {  	s1 =	smov.u32 @p1 s7;
	s7 =	simm.s32 $0x0;
	s8 =	smov.u32 @p0 s8  }
0x7ad: {  	s7 =	smov.u32 @p1 s0;
	s0 =	sadd.s32 @p0 s1, s8;
	s1 =	spop @p0 (v2sf)  }
0x7ae: {  	s8 =	simm.s32 $0x0;
	s1 =	sadd.s32 @p0 s7, s1;
	s30 =	spop (v2sf)  }
0x7af: {  	s8 =	smov.u32 @p0 s0;
	s23 =	smov.u32 @p0 s1;
	s31 =	spop (v2sf)  }
0x7b0: {  	s7 =	simm.s32 $0xFFFFFFFF;
	p0 =	sgt.s32 s21, $0xFFFFFFFF;
	s0 =	sadd.s32 s23, s31  }
0x7b1: {  	s7 =	simm.s32 @!p0 $0x80000000;
	p0 =	sgt.s32 s0, $0x20  }
.Ltmp143:
0x7b2: {  	_ = 	snop;
	(pc) =	sbr.rel @!p0 .LBB2_43-.Ltmp143, $4  }
0x7b3: {  	s7 =	sxor.u32 s21, s7  }
0x7b4: {  	v2 =	vmov s7  }
0x7b5: {  	v2 =	vbroadcast v2, $0x0  }
0x7b6: {  	s1 =	sadd.s32 s8, s30  }
0x7b7: {  	s7 =	simm.s32 $0x0  }
0x7b8: {  	v4 =	vld [tilespmem:s7+$0x0];
	_ =	sdelay $0x4  }
0x7b9: {  	vm0 =	veq.f32 v4, v2  }
0x7ba: {  	v3 =	vsel vm0, $0x1, v1  }
0x7bb: {  	(xrf0) =	vadd.scan.msk.s32 $0xffff, v3;
	_ =	sdelay $0x4  }
0x7bc: {  	s0 =	simm.s32 $0x0;
	v3 =	vsel vm0, $0xFFFFFFFF, v1  }
0x7bd: {  	s1 =	ssub.s32 $0x20, s1;
	v5 =	vadd.s32 s0, v3;
	v6, _, _ =	vpop (xrf0)  }
0x7be: {  	v3 =	vmov s1;
	v5 =	vadd.s32 v6, v5;
	(v2sf) =	vpush v6, $0xF  }
0x7bf: {  	vm1 =	vlt.s32 v5, v3  }
0x7c0: {  	vm2 =	vgt.f32 v4, v2;
	vm0 =	vmand vm0, vm1  }
0x7c1: {  	vm0 =	vmor vm2, vm0  }
0x7c2: {  	v4 =	vnsel vm0, $0x0, v4  }
0x7c3: {  	s21 =	simm.s32 $0x10;
	s22 =	simm.s32 $0x80;
	[tilespmem:s7+$0x0] =	vst v4  }
.LBB2_47:
0x7c4: {  	p0 =	seq.s32 s22, $0x1FFC0;
	v4 =	vld [tilespmem:s21+$0x0];
	_ =	sdelay $0x4  }
0x7c5: {  	vm0 =	vgt.f32 v4, v2;
	vm1 =	veq.f32 v4, v2  }
0x7c6: {  	v5 =	vsel vm1, $0xFFFFFFFF, v1;
	v6 =	vsel vm1, $0x1, v1  }
0x7c7: {  	(xrf0) =	vadd.scan.msk.s32 $0xffff, v6;
	_ =	sdelay $0x1  }
0x7c8: {  	s1 =	spop (v2sf)  }
0x7c9: {  	s0 =	sadd.s32 s0, s1  }
0x7ca: {  	v5 =	vadd.s32 s0, v5;
	_ =	sdelay $0x1  }
0x7cb: {  	v6, _, _ =	vpop (xrf0)  }
0x7cc: {  	v5 =	vadd.s32 v6, v5;
	(v2sf) =	vpush v6, $0xF  }
.Ltmp144:
0x7cd: {  	vm2 =	vlt.s32 v5, v3;
	(pc) =	sbr.rel @!p0 .LBB2_47-.Ltmp144, $4  }
0x7ce: {  	vm1 =	vmand vm1, vm2  }
0x7cf: {  	vm0 =	vmor vm0, vm1  }
0x7d0: {  	v4 =	vnsel vm0, $0x0, v4  }
0x7d1: {  	[tilespmem:s21+$0x0] =	vst v4;
	s21 =	sshra.s32 s22, $0x2;
	s22 =	sadd.s32 $0x40, s22  }
0x7d2: {  	v4 =	vld [tilespmem:s21+$0x0];
	_ =	sdelay $0x4  }
0x7d3: {  	vm0 =	veq.f32 v4, v2  }
0x7d4: {  	v5 =	vsel vm0, $0x1, v1  }
0x7d5: {  	(xrf0) =	vadd.scan.msk.s32 $0xffff, v5;
	_ =	sdelay $0x5  }
0x7d6: {  	v5, _, _ =	vpop (xrf0)  }
0x7d7: {  	(v2sf) =	vpush v5, $0xF;
	_ =	sdelay $0x6  }
0x7d8: {  	s1 =	spop (v2sf)  }
0x7d9: {  	v6 =	vsel vm0, $0xFFFFFFFF, v1;
	s0 =	sadd.s32 s0, s1  }
0x7da: {  	v6 =	vadd.s32 s0, v6  }
0x7db: {  	v5 =	vadd.s32 v5, v6  }
.Ltmp145:
0x7dc: {  	vm1 =	vlt.s32 v5, v3;
	(pc) =	sbr.rel .LBB2_49-.Ltmp145, $4  }
0x7dd: {  	vm2 =	vgt.f32 v4, v2;
	vm0 =	vmand vm0, vm1  }
0x7de: {  	vm0 =	vmor vm2, vm0  }
0x7df: {  	v2 =	vnsel vm0, $0x0, v4  }
0x7e0: {  	[tilespmem:s21+$0x0] =	vst v2;
	s31 =	spop (v2sf)  }
.LBB2_80:
0x7e1: {  	s0 =	simm.s32 $0x10000  }
0x7e2: {  	p3 =	seq.s32 s22, $0x1;
	v3 =	vld [tilespmem:s0+$0x0]  }
.Ltmp146:
0x7e3: {  	_ = 	snop;
	(pc) =	sbr.rel @p3 .LBB2_81-.Ltmp146, $3  }
0x7e4: {  	_ =	sdelay $0x1  }
0x7e5: {  	v2 =	vmov s21;
	s23 =	simm.s32 $0x0;
	p0 =	por $0x0, $0x0  }
0x7e6: {  	p1 =	por $0x0, $0x0;
	p2 =	por $0x0, $0x0;
	s0 =	simm.s32 $0x10010;
	vm0 =	vge.u32 v3, v2;
	vm1 =	vgt.u32 v3, v2  }
0x7e7: {  	v4 =	vmpcnt.ones.xlane vm1  }
0x7e8: {  	v5 =	vmpcnt.ones.xlane vm0  }
0x7e9: {  	(v2sf) =	vpush v4, $0x0  }
0x7ea: {  	(v2sf) =	vpush v5, $0x0;
	_ =	sdelay $0x7  }
0x7eb: {  	v3 =	vld [tilespmem:s0+$0x0];
	p3 =	seq.s32 s24, $0x1  }
.Ltmp147:
0x7ec: {  	_ = 	snop;
	(pc) =	sbr.rel @p3 .LBB2_83-.Ltmp147, $2  }
0x7ed: {  	_ =	sdelay $0x2  }
0x7ee: {  	s0 =	sadd.s32 $0xFFFFFFFF, s24;
	s1 =	simm.s32 $0x10020;
	p0 =	por $0x1, $0x1;
	vm0 =	vge.u32 v3, v2;
	vm1 =	vgt.u32 v3, v2  }
0x7ef: {  	v4 =	vmpcnt.ones.xlane vm1  }
0x7f0: {  	v5 =	vmpcnt.ones.xlane vm0  }
0x7f1: {  	(v2sf) =	vpush v4, $0x0  }
0x7f2: {  	(v2sf) =	vpush v5, $0x0;
	_ =	sdelay $0x2  }
0x7f3: {  	v3 =	vld [tilespmem:s1+$0x0];
	p3 =	seq.s32 s0, $0x1  }
.Ltmp148:
0x7f4: {  	_ = 	snop;
	(pc) =	sbr.rel @p3 .LBB2_85-.Ltmp148, $2  }
0x7f5: {  	_ =	sdelay $0x2  }
0x7f6: {  	s0 =	sadd.s32 $0xFFFFFFFF, s0;
	s1 =	simm.s32 $0x10030;
	p1 =	por $0x1, $0x1;
	vm0 =	vge.u32 v3, v2;
	vm1 =	vgt.u32 v3, v2  }
0x7f7: {  	v4 =	vmpcnt.ones.xlane vm1  }
0x7f8: {  	v5 =	vmpcnt.ones.xlane vm0  }
0x7f9: {  	(v2sf) =	vpush v4, $0x0  }
0x7fa: {  	(v2sf) =	vpush v5, $0x0;
	_ =	sdelay $0x2  }
0x7fb: {  	v3 =	vld [tilespmem:s1+$0x0];
	p3 =	seq.s32 s0, $0x1  }
.Ltmp149:
0x7fc: {  	_ = 	snop;
	(pc) =	sbr.rel @p3 .LBB2_87-.Ltmp149, $3  }
0x7fd: {  	_ =	sdelay $0x1  }
0x7fe: {  	s1 =	sadd.s32 $0xFFFFFFFF, s0;
	s25 =	simm.s32 $0x10040;
	s22 =	spop (v2sf)  }
0x7ff: {  	p2 =	por $0x1, $0x1;
	s0 =	simm.s32 $0x0;
	s24 =	simm.s32 $0x0;
	vm0 =	vge.u32 v3, v2;
	vm1 =	vgt.u32 v3, v2  }
.LBB2_88:
0x800: {  	v3 =	vld [tilespmem:s25+$0x0];
	p3 =	seq.s32 s1, $0x1;
	s1 =	sadd.s32 $0xFFFFFFFF, s1;
	v4 =	vmpcnt.ones.xlane vm0;
	v5 =	vmpcnt.ones.xlane vm1;
	s0 =	sadd.s32 s0, s22  }
.Ltmp150:
0x801: {  	s7 =	spop (v2sf);
	(pc) =	sbr.rel @!p3 .LBB2_88-.Ltmp150, $3  }
0x802: {  	(v2sf) =	vpush v5, $0x0;
	s24 =	sadd.s32 s24, s7;
	_ =	sdelay $0x1  }
0x803: {  	(v2sf) =	vpush v4, $0x0;
	_ =	sdelay $0x1  }
0x804: {  	s25 =	sadd.s32 $0x10, s25;
	vm0 =	vge.u32 v3, v2;
	vm1 =	vgt.u32 v3, v2;
	s22 =	spop (v2sf)  }
0x805: {  	_ = 	snop  }
.LBB2_90:
0x806: {  	v2 =	vmpcnt.ones.xlane vm1  }
0x807: {  	v3 =	vmpcnt.ones.xlane vm0  }
0x808: {  	(v2sf) =	vpush v2, $0x0  }
0x809: {  	(v2sf) =	vpush v3, $0x0;
	_ =	sdelay $0x6  }
0x80a: {  	s1 =	spop @p2 (v2sf);
	s0 =	sadd.s32 @p2 s0, s22  }
0x80b: {  	s8 =	simm.s32 $0x0;
	s1 =	sadd.s32 @p2 s24, s1;
	s7 =	spop @p1 (v2sf)  }
0x80c: {  	s8 =	smov.u32 @p2 s0;
	s0 =	simm.s32 $0x0;
	s7 =	smov.u32 @p1 s7  }
0x80d: {  	s0 =	smov.u32 @p2 s1;
	s1 =	spop @p1 (v2sf);
	s7 =	sadd.s32 @p1 s8, s7  }
0x80e: {  	s0 =	sadd.s32 @p1 s0, s1;
	s1 =	simm.s32 $0x0;
	s8 =	spop @p0 (v2sf)  }
0x80f: {  	s1 =	smov.u32 @p1 s7;
	s7 =	simm.s32 $0x0;
	s8 =	smov.u32 @p0 s8  }
0x810: {  	s7 =	smov.u32 @p1 s0;
	s0 =	sadd.s32 @p0 s1, s8;
	s1 =	spop @p0 (v2sf)  }
0x811: {  	s8 =	simm.s32 $0x0;
	s1 =	sadd.s32 @p0 s7, s1;
	s30 =	spop (v2sf)  }
0x812: {  	s8 =	smov.u32 @p0 s0;
	s23 =	smov.u32 @p0 s1;
	s31 =	spop (v2sf)  }
0x813: {  	s7 =	simm.s32 $0xFFFFFFFF;
	p0 =	sgt.s32 s21, $0xFFFFFFFF;
	s0 =	sadd.s32 s23, s31  }
0x814: {  	s7 =	simm.s32 @!p0 $0x80000000;
	p0 =	sgt.s32 s0, $0x20  }
.Ltmp151:
0x815: {  	_ = 	snop;
	(pc) =	sbr.rel @!p0 .LBB2_91-.Ltmp151, $4  }
0x816: {  	s7 =	sxor.u32 s21, s7  }
0x817: {  	v2 =	vmov s7  }
0x818: {  	v2 =	vbroadcast v2, $0x0  }
0x819: {  	s1 =	sadd.s32 s8, s30  }
0x81a: {  	s7 =	simm.s32 $0x0  }
0x81b: {  	v4 =	vld [tilespmem:s7+$0x8000];
	_ =	sdelay $0x4  }
0x81c: {  	vm0 =	veq.f32 v4, v2  }
0x81d: {  	v3 =	vsel vm0, $0x1, v1  }
0x81e: {  	(xrf0) =	vadd.scan.msk.s32 $0xffff, v3;
	_ =	sdelay $0x4  }
0x81f: {  	s0 =	simm.s32 $0x0;
	v3 =	vsel vm0, $0xFFFFFFFF, v1  }
0x820: {  	s1 =	ssub.s32 $0x20, s1;
	v5 =	vadd.s32 s0, v3;
	v6, _, _ =	vpop (xrf0)  }
0x821: {  	v3 =	vmov s1;
	v5 =	vadd.s32 v6, v5;
	(v2sf) =	vpush v6, $0xF  }
0x822: {  	vm1 =	vlt.s32 v5, v3  }
0x823: {  	vm2 =	vgt.f32 v4, v2;
	vm0 =	vmand vm0, vm1  }
0x824: {  	vm0 =	vmor vm2, vm0  }
0x825: {  	v4 =	vnsel vm0, $0x0, v4  }
0x826: {  	s21 =	simm.s32 $0x10;
	s22 =	simm.s32 $0x80;
	[tilespmem:s7+$0x8000] =	vst v4  }
.LBB2_95:
0x827: {  	p0 =	seq.s32 s22, $0x1FFC0;
	v4 =	vld [tilespmem:s21+$0x8000];
	_ =	sdelay $0x4  }
0x828: {  	vm0 =	vgt.f32 v4, v2;
	vm1 =	veq.f32 v4, v2  }
0x829: {  	v5 =	vsel vm1, $0xFFFFFFFF, v1;
	v6 =	vsel vm1, $0x1, v1  }
0x82a: {  	(xrf0) =	vadd.scan.msk.s32 $0xffff, v6;
	_ =	sdelay $0x1  }
0x82b: {  	s1 =	spop (v2sf)  }
0x82c: {  	s0 =	sadd.s32 s0, s1  }
0x82d: {  	v5 =	vadd.s32 s0, v5;
	_ =	sdelay $0x1  }
0x82e: {  	v6, _, _ =	vpop (xrf0)  }
0x82f: {  	v5 =	vadd.s32 v6, v5;
	(v2sf) =	vpush v6, $0xF  }
.Ltmp152:
0x830: {  	vm2 =	vlt.s32 v5, v3;
	(pc) =	sbr.rel @!p0 .LBB2_95-.Ltmp152, $4  }
0x831: {  	vm1 =	vmand vm1, vm2  }
0x832: {  	vm0 =	vmor vm0, vm1  }
0x833: {  	v4 =	vnsel vm0, $0x0, v4  }
0x834: {  	[tilespmem:s21+$0x8000] =	vst v4;
	s21 =	sshra.s32 s22, $0x2;
	s22 =	sadd.s32 $0x40, s22  }
0x835: {  	v4 =	vld [tilespmem:s21+$0x8000];
	_ =	sdelay $0x4  }
0x836: {  	vm0 =	veq.f32 v4, v2  }
0x837: {  	v5 =	vsel vm0, $0x1, v1  }
0x838: {  	(xrf0) =	vadd.scan.msk.s32 $0xffff, v5;
	_ =	sdelay $0x5  }
0x839: {  	v5, _, _ =	vpop (xrf0)  }
0x83a: {  	(v2sf) =	vpush v5, $0xF;
	_ =	sdelay $0x6  }
0x83b: {  	s1 =	spop (v2sf)  }
0x83c: {  	v6 =	vsel vm0, $0xFFFFFFFF, v1;
	s0 =	sadd.s32 s0, s1  }
0x83d: {  	v6 =	vadd.s32 s0, v6  }
0x83e: {  	v5 =	vadd.s32 v5, v6  }
.Ltmp153:
0x83f: {  	vm1 =	vlt.s32 v5, v3;
	(pc) =	sbr.rel .LBB2_97-.Ltmp153, $4  }
0x840: {  	vm2 =	vgt.f32 v4, v2;
	vm0 =	vmand vm0, vm1  }
0x841: {  	vm0 =	vmor vm2, vm0  }
0x842: {  	v2 =	vnsel vm0, $0x0, v4  }
0x843: {  	[tilespmem:s21+$0x8000] =	vst v2;
	s31 =	spop (v2sf)  }
.LBB2_9:
.Ltmp154:
0x844: {  	(pc) =	sbr.rel .LBB2_13-.Ltmp154, $2  }
0x845: {  	_ =	sdelay $0x2  }
0x846: {  	_ = 	snop  }
.LBB2_57:
.Ltmp155:
0x847: {  	(pc) =	sbr.rel .LBB2_61-.Ltmp155, $2  }
0x848: {  	_ =	sdelay $0x2  }
0x849: {  	_ = 	snop  }
.LBB2_33:
.Ltmp156:
0x84a: {  	(pc) =	sbr.rel .LBB2_42-.Ltmp156, $2  }
0x84b: {  	_ =	sdelay $0x2  }
0x84c: {  	s0 =	simm.s32 $0x0;
	s24 =	simm.s32 $0x0  }
.LBB2_81:
.Ltmp157:
0x84d: {  	(pc) =	sbr.rel .LBB2_90-.Ltmp157, $2  }
0x84e: {  	_ =	sdelay $0x2  }
0x84f: {  	s0 =	simm.s32 $0x0;
	s24 =	simm.s32 $0x0  }
.LBB2_35:
.Ltmp158:
0x850: {  	(pc) =	sbr.rel .LBB2_42-.Ltmp158, $2  }
0x851: {  	_ =	sdelay $0x2  }
0x852: {  	s0 =	simm.s32 $0x0;
	s24 =	simm.s32 $0x0  }
.LBB2_83:
.Ltmp159:
0x853: {  	(pc) =	sbr.rel .LBB2_90-.Ltmp159, $2  }
0x854: {  	_ =	sdelay $0x2  }
0x855: {  	s0 =	simm.s32 $0x0;
	s24 =	simm.s32 $0x0  }
.LBB2_37:
.Ltmp160:
0x856: {  	(pc) =	sbr.rel .LBB2_42-.Ltmp160, $2  }
0x857: {  	_ =	sdelay $0x3  }
0x858: {  	s0 =	simm.s32 $0x0;
	s24 =	simm.s32 $0x0  }
.LBB2_85:
.Ltmp161:
0x859: {  	(pc) =	sbr.rel .LBB2_90-.Ltmp161, $2  }
0x85a: {  	_ =	sdelay $0x3  }
0x85b: {  	s0 =	simm.s32 $0x0;
	s24 =	simm.s32 $0x0  }
.LBB2_39:
.Ltmp162:
0x85c: {  	(pc) =	sbr.rel .LBB2_42-.Ltmp162, $2  }
0x85d: {  	_ =	sdelay $0x2  }
0x85e: {  	s0 =	simm.s32 $0x0;
	s24 =	simm.s32 $0x0  }
.LBB2_87:
.Ltmp163:
0x85f: {  	(pc) =	sbr.rel .LBB2_90-.Ltmp163, $2  }
0x860: {  	_ =	sdelay $0x2  }
0x861: {  	s0 =	simm.s32 $0x0;
	s24 =	simm.s32 $0x0  }
.LBB2_196:
0x862: {  	_ =	sfence.sel $0x180000  }
0x863: {  	[bflag:$0x0] =	sbarrier.arrive $0xFFFF  }
0x864: {  	_ =	strace $0x90000047  }
0x865: {  	s0 =	stileid.u32;
	[bflag:$0x2] =	sbarrier.arrive $0xFFFF  }
0x866: {  	p0 =	sne.s32 s0, $0x0;
	s0 =	rddreg [dreg:$0x2]  }
0x867: {  	s0 =	sadd.s32 @!p0 $0x100000, s0  }
0x868: {  	[sflag:s0] =	ssyncadd.tile.s32 @!p0 $0x1;
	_ =	shalt  }
.Lfunc_end2:
_tile_overlayer_lowered:
.L_overlay_start_2:
0x869: {  	(tag) =	ssettag $0x2  }
0x86a: {  	s0 =	rddreg [dreg:$0x0];
	s2 =	stileid.u32  }
0x86b: {  	s1 =	rddreg [dreg:$0x1];
	p0 =	sne.s32 s2, $0x0  }
0x86c: {  	s3 =	rddreg [dreg:$0x2];
	[bflag:$0x3] =	sbarrier.arrive $0xFFFF;
	s2 =	simm.s32 @!p0 $0x1C05  }
0x86d: {  	[timem:s3], [sflag:s2] =	dma.local @!p0 [hbm:s0], s1  }
0x86e: {  	s0 =	simm.s32 @!p0 $0x5  }
0x86f: {  	_ =	swait.ge @!p0 [sflag:s0], s1  }
0x870: {  	s1 =	ssub.s32 @!p0 $0x0, s1;
	[sflag:s0] =	ssyncset.done @!p0 $0x0  }
0x871: {  	[sflag:s0] =	ssyncadd.s32 @!p0 s1  }
0x872: {  	[bflag:$0x3] =	sbarrier.arrive $0xFFFF  }
0x873: {  	_ =	shalt  }

</sc_bundles>
